<compile_context>
chip_gen: v7x
topology: tpu7x:2x2x1
jax: 0.10.2.dev20260603
libtpu: 0.0.44.dev20260713+nightly
codegen_flags: <defaults>
</compile_context>

<pallas_src>
import functools
import math

import jax
import jax.numpy as jnp
from jax import lax
from jax.experimental import pallas as pl
from jax.experimental.pallas import tpu as pltpu
from jax.experimental.pallas import tpu_sc as plsc

NH = 16
TH = 128
FH = 64
HEADS = 8
SEEDS1 = 75
NGRAPHS = 400

NODES = 10000
NODES_PAD = 10240
EDGES = 160000
NW = 32
CL = 128
ECHUNKS = 40
EPT = ECHUNKS * CL
EPAD = NW * EPT
DUMMY = NODES

GPB = 8
NQ = GPB * SEEDS1
SCALE = 1.0 / math.sqrt(float(TH))
NEG = -1e30


def _mesh():
    return plsc.VectorSubcoreMesh(core_axis_name="c", subcore_axis_name="s")


@functools.lru_cache(maxsize=None)
def _make_sc_gather(D):
    @functools.partial(
        pl.kernel, mesh=_mesh(),
        compiler_params=pltpu.CompilerParams(use_tc_tiling_on_sc=False),
        out_type=jax.ShapeDtypeStruct((EPAD, D), jnp.float32),
        scratch_types=[
            pltpu.VMEM((ECHUNKS, CL), jnp.int32),
            pltpu.VMEM((CL, D), jnp.float32),
            pltpu.SemaphoreType.DMA,
        ],
    )
    def gather(table, idx, out, idx_v, buf, sem):
        c = lax.axis_index("c")
        s = lax.axis_index("s")
        wid = s * 2 + c
        pltpu.sync_copy(idx.at[wid], idx_v)

        def body(j, carry):
            pltpu.async_copy(table.at[idx_v.at[j]], buf, sem).wait()
            pltpu.sync_copy(buf, out.at[pl.ds(wid * EPT + j * CL, CL)])
            return carry

        lax.fori_loop(0, ECHUNKS, body, 0)

    return gather


@functools.lru_cache(maxsize=None)
def _make_sc_scatter(D):
    @functools.partial(
        pl.kernel, mesh=_mesh(),
        compiler_params=pltpu.CompilerParams(use_tc_tiling_on_sc=False),
        out_type=jax.ShapeDtypeStruct((2, NODES_PAD, D), jnp.float32),
        scratch_types=[
            pltpu.VMEM((ECHUNKS, CL), jnp.int32),
            pltpu.VMEM((CL, D), jnp.float32),
            pltpu.VMEM_SHARED((NODES_PAD, D), jnp.float32),
        ],
    )
    def scatter(msg, idx, zero, out, idx_v, buf, shared):
        c = lax.axis_index("c")
        s = lax.axis_index("s")
        wid = s * 2 + c

        @pl.when(s == 0)
        def _():
            pltpu.sync_copy(zero, shared)

        plsc.subcore_barrier()
        pltpu.sync_copy(idx.at[wid], idx_v)

        def body(j, carry):
            pltpu.sync_copy(msg.at[pl.ds(wid * EPT + j * CL, CL)], buf)
            pltpu.sync_copy(buf, shared.at[idx_v.at[j]], add=True)
            return carry

        lax.fori_loop(0, ECHUNKS, body, 0)
        plsc.subcore_barrier()

        @pl.when(s == 0)
        def _():
            pltpu.sync_copy(shared, out.at[c])

    return scatter


@functools.lru_cache(maxsize=None)
def _make_sc_gcn(D):
    @functools.partial(
        pl.kernel, mesh=_mesh(),
        compiler_params=pltpu.CompilerParams(use_tc_tiling_on_sc=False),
        out_type=jax.ShapeDtypeStruct((2, NODES_PAD, D), jnp.float32),
        scratch_types=[
            pltpu.VMEM((ECHUNKS, CL), jnp.int32),
            pltpu.VMEM((ECHUNKS, CL), jnp.int32),
            pltpu.VMEM((CL, D), jnp.float32),
            pltpu.VMEM_SHARED((NODES_PAD, D), jnp.float32),
            pltpu.SemaphoreType.DMA,
        ],
    )
    def gcn(table, sidx, didx, zero, out, si_v, di_v, buf, shared, sem):
        c = lax.axis_index("c")
        s = lax.axis_index("s")
        wid = s * 2 + c

        @pl.when(s == 0)
        def _():
            pltpu.sync_copy(zero, shared)

        plsc.subcore_barrier()
        pltpu.sync_copy(sidx.at[wid], si_v)
        pltpu.sync_copy(didx.at[wid], di_v)

        def body(j, carry):
            pltpu.async_copy(table.at[si_v.at[j]], buf, sem).wait()
            pltpu.sync_copy(buf, shared.at[di_v.at[j]], add=True)
            return carry

        lax.fori_loop(0, ECHUNKS, body, 0)
        plsc.subcore_barrier()

        @pl.when(s == 0)
        def _():
            pltpu.sync_copy(shared, out.at[c])

    return gcn


def _sc_gather16(table, idx):
    return _make_sc_gather(NH)(table, idx)


def _sc_scatter16(msg, idx, zero):
    return _make_sc_scatter(NH)(msg, idx, zero)


def _sc_gcn128(table, sidx, didx, zero):
    return _make_sc_gcn(TH)(table, sidx, didx, zero)



def _dot(a, b):
    return jnp.dot(a, b, precision=lax.Precision.HIGHEST,
                   preferred_element_type=jnp.float32)


def _dotg(a, b, dims):
    return lax.dot_general(a, b, (dims, ((), ())),
                           precision=lax.Precision.HIGHEST,
                           preferred_element_type=jnp.float32)


def _doth(a, b):
    return jnp.dot(a, b, precision=lax.Precision.HIGHEST,
                   preferred_element_type=jnp.float32)


def _node_proj(x_pad, W, b):
    def body(x_ref, w_ref, b_ref, o_ref):
        o_ref[...] = jnp.maximum(_dot(x_ref[...], w_ref[...]) + b_ref[...], 0.0)

    return pl.pallas_call(
        body,
        grid=(NODES_PAD // 1024,),
        in_specs=[
            pl.BlockSpec((1024, 37), lambda i: (i, 0)),
            pl.BlockSpec((37, NH), lambda i: (0, 0)),
            pl.BlockSpec((1, NH), lambda i: (0, 0)),
        ],
        out_specs=pl.BlockSpec((1024, NH), lambda i: (i, 0)),
        out_shape=jax.ShapeDtypeStruct((NODES_PAD, NH), jnp.float32),
    )(x_pad, W, b)


def _edge_mlp(ea_pad, W1, b1, W2, b2):
    def body(e_ref, w1_ref, b1_ref, w2_ref, b2_ref, o_ref):
        e = jnp.maximum(_dot(e_ref[...], w1_ref[...]) + b1_ref[...], 0.0)
        o_ref[...] = _dot(e, w2_ref[...]) + b2_ref[...]

    return pl.pallas_call(
        body,
        grid=(EPAD // 2048,),
        in_specs=[
            pl.BlockSpec((2048, 8), lambda i: (i, 0)),
            pl.BlockSpec((8, 128), lambda i: (0, 0)),
            pl.BlockSpec((1, 128), lambda i: (0, 0)),
            pl.BlockSpec((128, 256), lambda i: (0, 0)),
            pl.BlockSpec((1, 256), lambda i: (0, 0)),
        ],
        out_specs=pl.BlockSpec((2048, 256), lambda i: (i, 0)),
        out_shape=jax.ShapeDtypeStruct((EPAD, 256), jnp.float32),
    )(ea_pad, W1, b1, W2, b2)


def _tc_msg(xs, theta):
    def body(xs_ref, th_ref, o_ref):
        xsv = xs_ref[...]
        th = th_ref[...]
        acc = xsv[:, 0:1] * th[:, 0:NH]
        for h in range(1, NH):
            acc = acc + xsv[:, h:h + 1] * th[:, NH * h:NH * h + NH]
        o_ref[...] = acc

    return pl.pallas_call(
        body,
        grid=(EPAD // 2048,),
        in_specs=[
            pl.BlockSpec((2048, NH), lambda i: (i, 0)),
            pl.BlockSpec((2048, 256), lambda i: (i, 0)),
        ],
        out_specs=pl.BlockSpec((2048, NH), lambda i: (i, 0)),
        out_shape=jax.ShapeDtypeStruct((EPAD, NH), jnp.float32),
    )(xs, theta)


def _tc_update(p0, p1, node, Wroot, broot, WihT, bih, WhhT, bhh):
    def body(p0_ref, p1_ref, n_ref, wr_ref, br_ref, wi_ref, bi_ref,
             wh_ref, bh_ref, o_ref):
        node_v = n_ref[...]
        agg = p0_ref[...] + p1_ref[...]
        a = jnp.maximum(agg + _dot(node_v, wr_ref[...]) + br_ref[...], 0.0)
        gi = _dot(a, wi_ref[...]) + bi_ref[...]
        gh = _dot(node_v, wh_ref[...]) + bh_ref[...]
        r = jax.nn.sigmoid(gi[:, :NH] + gh[:, :NH])
        z = jax.nn.sigmoid(gi[:, NH:2 * NH] + gh[:, NH:2 * NH])
        n = jnp.tanh(gi[:, 2 * NH:] + r * gh[:, 2 * NH:])
        o_ref[...] = (1.0 - z) * n + z * node_v

    return pl.pallas_call(
        body,
        grid=(NODES_PAD // 1024,),
        in_specs=[
            pl.BlockSpec((1024, NH), lambda i: (i, 0)),
            pl.BlockSpec((1024, NH), lambda i: (i, 0)),
            pl.BlockSpec((1024, NH), lambda i: (i, 0)),
            pl.BlockSpec((NH, NH), lambda i: (0, 0)),
            pl.BlockSpec((1, NH), lambda i: (0, 0)),
            pl.BlockSpec((NH, 3 * NH), lambda i: (0, 0)),
            pl.BlockSpec((1, 3 * NH), lambda i: (0, 0)),
            pl.BlockSpec((NH, 3 * NH), lambda i: (0, 0)),
            pl.BlockSpec((1, 3 * NH), lambda i: (0, 0)),
        ],
        out_specs=pl.BlockSpec((1024, NH), lambda i: (i, 0)),
        out_shape=jax.ShapeDtypeStruct((NODES_PAD, NH), jnp.float32),
    )(p0, p1, node, Wroot, broot, WihT, bih, WhhT, bhh)


def _tc_pre_gcn(node, d0, d1, lin1W, lin1b, Wk, Wv):
    def body(n_ref, d0_ref, d1_ref, l1_ref, b1_ref, wk_ref, wv_ref,
             hk_ref, hv_ref, di_ref):
        deg = d0_ref[:, 0:1] + d1_ref[:, 0:1] + 1.0
        dinv = lax.rsqrt(deg)
        xL = _dot(n_ref[...], l1_ref[...]) + b1_ref[...]
        hk_ref[...] = dinv * _dot(xL, wk_ref[...])
        hv_ref[...] = dinv * _dot(xL, wv_ref[...])
        di_ref[...] = dinv

    return pl.pallas_call(
        body,
        grid=(NODES_PAD // 1024,),
        in_specs=[
            pl.BlockSpec((1024, NH), lambda i: (i, 0)),
            pl.BlockSpec((1024, NH), lambda i: (i, 0)),
            pl.BlockSpec((1024, NH), lambda i: (i, 0)),
            pl.BlockSpec((NH, TH), lambda i: (0, 0)),
            pl.BlockSpec((1, TH), lambda i: (0, 0)),
            pl.BlockSpec((TH, TH), lambda i: (0, 0)),
            pl.BlockSpec((TH, TH), lambda i: (0, 0)),
        ],
        out_specs=[
            pl.BlockSpec((1024, TH), lambda i: (i, 0)),
            pl.BlockSpec((1024, TH), lambda i: (i, 0)),
            pl.BlockSpec((1024, 1), lambda i: (i, 0)),
        ],
        out_shape=[
            jax.ShapeDtypeStruct((NODES_PAD, TH), jnp.float32),
            jax.ShapeDtypeStruct((NODES_PAD, TH), jnp.float32),
            jax.ShapeDtypeStruct((NODES_PAD, 1), jnp.float32),
        ],
    )(node, d0, d1, lin1W, lin1b, Wk, Wv)


def _tc_post_gcn(pK0, pK1, hsK, pV0, pV1, hsV, dinv, bk, bv):
    def body(k0, k1, hk, v0, v1, hv, di, bk_ref, bv_ref, ko_ref, vo_ref):
        d = di[...]
        ko_ref[...] = d * (k0[...] + k1[...] + hk[...]) + bk_ref[...]
        vo_ref[...] = d * (v0[...] + v1[...] + hv[...]) + bv_ref[...]

    spec = pl.BlockSpec((1024, TH), lambda i: (i, 0))
    return pl.pallas_call(
        body,
        grid=(NODES_PAD // 1024,),
        in_specs=[spec, spec, spec, spec, spec, spec,
                  pl.BlockSpec((1024, 1), lambda i: (i, 0)),
                  pl.BlockSpec((1, TH), lambda i: (0, 0)),
                  pl.BlockSpec((1, TH), lambda i: (0, 0))],
        out_specs=[spec, spec],
        out_shape=[
            jax.ShapeDtypeStruct((NODES_PAD, TH), jnp.float32),
            jax.ShapeDtypeStruct((NODES_PAD, TH), jnp.float32),
        ],
    )(pK0, pK1, hsK, pV0, pV1, hsV, dinv, bk, bv)


def _heads(t):
    return [t[:, h * NH:(h + 1) * NH] for h in range(HEADS)]


def _attend_tail(o, Wo, bo):
    return o + jnp.maximum(_doth(o, Wo) + bo, 0.0)


def _tc_attn(starts, Kd, Vd, Qs, q3s, w):
    def body(starts_ref, kd_ref, vd_ref, qs_ref, q3_ref,
             wo1, bo1, wq, bq, wk, bk, wv, bv, wso, bso,
             wk2, bk2, wv2, bv2, wo2, bo2,
             l2w, l2b, f0w, f0b, fw, fb, o_ref):
        g = pl.program_id(0)
        base = g * GPB
        s_g = [starts_ref[base + i] for i in range(GPB + 1)]
        start0 = s_g[0]
        nch = (s_g[GPB] - start0 + CL - 1) // CL

        rg = lax.broadcasted_iota(jnp.int32, (NQ, 1), 0) // SEEDS1
        rs = jnp.zeros((NQ, 1), jnp.int32)
        re = jnp.zeros((NQ, 1), jnp.int32)
        for gg in range(GPB):
            rs = jnp.where(rg == gg, s_g[gg], rs)
            re = jnp.where(rg == gg, s_g[gg + 1], re)

        Qsv = qs_ref[...]
        Qh = _heads(Qsv)
        Qh75 = [q[0:SEEDS1, :] for q in Qh]

        def chunk(j, carry):
            off = start0 + j * CL
            kc = kd_ref[pl.ds(off, CL), :]
            vc = vd_ref[pl.ds(off, CL), :]
            pos = off + lax.broadcasted_iota(jnp.int32, (1, CL), 1)
            valid = (pos >= rs) & (pos < re)
            kch = _heads(kc)
            vch = _heads(vc)
            new = []
            for h in range(HEADS):
                m, l, acc = carry[h]
                sc = _dotg(Qh75[h], kch[h], ((1,), (1,))) * SCALE
                sc = jnp.concatenate([sc] * GPB, axis=0)
                sc = jnp.where(valid, sc, NEG)
                mnew = jnp.maximum(m, jnp.max(sc, axis=1, keepdims=True))
                alpha = jnp.exp(m - mnew)
                p = jnp.where(valid, jnp.exp(sc - mnew), 0.0)
                lnew = l * alpha + jnp.sum(p, axis=1, keepdims=True)
                accnew = acc * alpha + _dotg(p, vch[h], ((1,), (0,)))
                new.append((mnew, lnew, accnew))
            return tuple(new)

        init = tuple((jnp.full((NQ, 1), NEG, jnp.float32),
                      jnp.zeros((NQ, 1), jnp.float32),
                      jnp.zeros((NQ, NH), jnp.float32)) for _ in range(HEADS))
        fin = lax.fori_loop(0, nch, chunk, init)
        outs = []
        for h in range(HEADS):
            m, l, acc = fin[h]
            outs.append(Qh[h] + acc / jnp.maximum(l, 1e-20))
        o1 = jnp.concatenate(outs, axis=1)
        h1 = _attend_tail(o1, wo1[...], bo1[...])

        qs_ = _doth(h1, wq[...]) + bq[...]
        ks_ = _doth(h1, wk[...]) + bk[...]
        vs_ = _doth(h1, wv[...]) + bv[...]
        cg = lax.broadcasted_iota(jnp.int32, (1, NQ), 1) // SEEDS1
        bm = rg == cg
        qh2, kh2, vh2 = _heads(qs_), _heads(ks_), _heads(vs_)
        outs2 = []
        for h in range(HEADS):
            sc = _dotg(qh2[h], kh2[h], ((1,), (1,))) * SCALE
            sc = jnp.where(bm, sc, NEG)
            m = jnp.max(sc, axis=1, keepdims=True)
            p = jnp.exp(sc - m)
            p = jnp.where(bm, p, 0.0)
            A = p / jnp.sum(p, axis=1, keepdims=True)
            outs2.append(qh2[h] + _dotg(A, vh2[h], ((1,), (0,))))
        o2 = jnp.concatenate(outs2, axis=1)
        h2 = _attend_tail(o2, wso[...], bso[...])

        q3v = q3_ref[...]
        k3 = _doth(h2, wk2[...]) + bk2[...]
        v3 = _doth(h2, wv2[...]) + bv2[...]
        qg = lax.broadcasted_iota(jnp.int32, (GPB, 1), 0)
        qm = qg == cg
        q3h, k3h, v3h = _heads(q3v), _heads(k3), _heads(v3)
        outs3 = []
        for h in range(HEADS):
            sc = _dotg(q3h[h], k3h[h], ((1,), (1,))) * SCALE
            sc = jnp.where(qm, sc, NEG)
            m = jnp.max(sc, axis=1, keepdims=True)
            p = jnp.exp(sc - m)
            p = jnp.where(qm, p, 0.0)
            A = p / jnp.sum(p, axis=1, keepdims=True)
            outs3.append(q3h[h] + _dotg(A, v3h[h], ((1,), (0,))))
        o3 = jnp.concatenate(outs3, axis=1)
        h3 = _attend_tail(o3, wo2[...], bo2[...])

        g1 = _doth(h3, l2w[...]) + l2b[...]
        g2 = jnp.maximum(_doth(g1, f0w[...]) + f0b[...], 0.0)
        o_ref[...] = _doth(g2, fw[...]) + fb[...]

    full = lambda a: pl.BlockSpec(a.shape, lambda g, s: (0,) * a.ndim)
    win = [w['pma1_fco_W'], w['pma1_fco_b'],
           w['sab_fcq_W'], w['sab_fcq_b'], w['sab_fck_W'], w['sab_fck_b'],
           w['sab_fcv_W'], w['sab_fcv_b'], w['sab_fco_W'], w['sab_fco_b'],
           w['pma2_fck_W'], w['pma2_fck_b'], w['pma2_fcv_W'], w['pma2_fcv_b'],
           w['pma2_fco_W'], w['pma2_fco_b'],
           w['lin2_W'], w['lin2_b'], w['fc0_W'], w['fc0_b'],
           w['final_W'], w['final_b']]
    grid_spec = pltpu.PrefetchScalarGridSpec(
        num_scalar_prefetch=1,
        grid=(NGRAPHS // GPB,),
        in_specs=[full(Kd), full(Vd), full(Qs), full(q3s)] +
                 [full(a) for a in win],
        out_specs=pl.BlockSpec((GPB, 1), lambda g, s: (g, 0)),
    )
    return pl.pallas_call(
        body,
        grid_spec=grid_spec,
        out_shape=jax.ShapeDtypeStruct((NGRAPHS, 1), jnp.float32),
    )(starts, Kd, Vd, Qs, q3s, *win)



def kernel(x, edge_index, edge_attr, batch, params):
    p = params
    f32 = jnp.float32
    i32 = jnp.int32
    src = edge_index[0].astype(i32)
    dst = edge_index[1].astype(i32)

    epad = EPAD - EDGES
    src_idx = jnp.concatenate([src, jnp.zeros((epad,), i32)]).reshape(NW, ECHUNKS, CL)
    dst_idx = jnp.concatenate([dst, jnp.full((epad,), DUMMY, i32)]).reshape(NW, ECHUNKS, CL)
    x_pad = jnp.pad(x, ((0, NODES_PAD - NODES), (0, 0)))
    ea_pad = jnp.pad(edge_attr, ((0, epad), (0, 2)))
    zeros16 = jnp.zeros((NODES_PAD, NH), f32)
    zeros128 = jnp.zeros((NODES_PAD, TH), f32)
    ones_msg = jnp.ones((EPAD, NH), f32)

    r1 = lambda a: a.reshape(1, -1)
    W1p = jnp.pad(p['We1'], ((0, 2), (0, 0)))

    node = _node_proj(x_pad, p['proj_W'], r1(p['proj_b']))
    theta = _edge_mlp(ea_pad, W1p, r1(p['be1']), p['We2'], r1(p['be2']))
    deg_parts = _sc_scatter16(ones_msg, dst_idx, zeros16)

    WihT = p['W_ih'].T
    WhhT = p['W_hh'].T
    h = node
    for _ in range(3):
        xs = _sc_gather16(h, src_idx)
        msg = _tc_msg(xs, theta)
        parts = _sc_scatter16(msg, dst_idx, zeros16)
        h = _tc_update(parts[0], parts[1], h, p['Wroot'], r1(p['broot']),
                       WihT, r1(p['b_ih']), WhhT, r1(p['b_hh']))

    hsK, hsV, dinv = _tc_pre_gcn(h, deg_parts[0], deg_parts[1],
                                 p['lin1_W'], r1(p['lin1_b']),
                                 p['pma1_k_W'], p['pma1_v_W'])
    pK = _sc_gcn128(hsK, src_idx, dst_idx, zeros128)
    pV = _sc_gcn128(hsV, src_idx, dst_idx, zeros128)
    Kd, Vd = _tc_post_gcn(pK[0], pK[1], hsK, pV[0], pV[1], hsV, dinv,
                          r1(p['pma1_k_b']), r1(p['pma1_v_b']))

    Qp = p['S1'][0] @ p['pma1_fcq_W'] + p['pma1_fcq_b']
    Qs = jnp.tile(Qp, (GPB, 1))
    q3 = p['S2'][0] @ p['pma2_fcq_W'] + p['pma2_fcq_b']
    q3s = jnp.tile(q3, (GPB, 1))

    starts = jnp.searchsorted(batch.astype(i32), jnp.arange(NGRAPHS + 1, dtype=i32)).astype(i32)

    wdict = {k: (p[k] if k.endswith('_W') else r1(p[k]))
             for k in ['pma1_fco_W', 'pma1_fco_b',
                       'sab_fcq_W', 'sab_fcq_b', 'sab_fck_W', 'sab_fck_b',
                       'sab_fcv_W', 'sab_fcv_b', 'sab_fco_W', 'sab_fco_b',
                       'pma2_fck_W', 'pma2_fck_b', 'pma2_fcv_W', 'pma2_fcv_b',
                       'pma2_fco_W', 'pma2_fco_b',
                       'lin2_W', 'lin2_b', 'fc0_W', 'fc0_b',
                       'final_W', 'final_b']}
    return _tc_attn(starts, Kd, Vd, Qs, q3s, wdict)

# --- scband reference (transcript-rebuilt; emitter-appended) ---
"""Pipeline reference for scband-mpnnmodel-59820304499028 (READ-ONLY COPY).

The authoritative reference and input builder live on the scoring server;
editing this copy changes nothing except your own understanding.
"""

import jax, jax.numpy as jnp
import numpy as np
import math

N_NODES = 10000
N_EDGES = 160000
N_GRAPHS = 400
NH = 16
TH = 128
FH = 64
HEADS = 8
SEEDS1 = 75


def setup_inputs(seed: int = 0):
    key = jax.random.key(seed)
    ks = iter([jax.random.fold_in(key, i) for i in range(200)])
    x = jax.random.normal(next(ks), (N_NODES, 37), dtype=jnp.float32)
    edge_index = jax.random.randint(next(ks), (2, N_EDGES), 0, N_NODES)
    edge_attr = jax.random.uniform(next(ks), (N_EDGES, 6), dtype=jnp.float32)
    batch = jnp.sort(jax.random.randint(next(ks), (N_NODES,), 0, N_GRAPHS))

    def P(shape, scale=0.1):
        return jax.random.normal(next(ks), shape, dtype=jnp.float32) * scale

    params = {}
    params['proj_W'] = P((37, NH)); params['proj_b'] = jnp.zeros((NH,))
    params['We1'] = P((6, 128)); params['be1'] = jnp.zeros((128,))
    params['We2'] = P((128, NH * NH)); params['be2'] = jnp.zeros((NH * NH,))
    params['Wroot'] = P((NH, NH)); params['broot'] = jnp.zeros((NH,))
    params['W_ih'] = P((3 * NH, NH)); params['b_ih'] = jnp.zeros((3 * NH,))
    params['W_hh'] = P((3 * NH, NH)); params['b_hh'] = jnp.zeros((3 * NH,))
    params['lin1_W'] = P((NH, TH)); params['lin1_b'] = jnp.zeros((TH,))
    params['S1'] = P((1, SEEDS1, TH))
    for nm in ['pma1_fcq', 'pma1_k', 'pma1_v', 'pma1_fco', 'sab_fcq', 'sab_fck', 'sab_fcv', 'sab_fco', 'pma2_fcq', 'pma2_fck', 'pma2_fcv', 'pma2_fco']:
        params[nm + '_W'] = P((TH, TH))
        params[nm + '_b'] = jnp.zeros((TH,))
    params['S2'] = P((1, 1, TH))
    params['lin2_W'] = P((TH, FH)); params['lin2_b'] = jnp.zeros((FH,))
    params['fc0_W'] = P((FH, FH)); params['fc0_b'] = jnp.zeros((FH,))
    params['final_W'] = P((FH, 1)); params['final_b'] = jnp.zeros((1,))
    return {'x': x, 'edge_index': edge_index, 'edge_attr': edge_attr, 'batch': batch, 'params': params}


def nnconv(x, edge_index, edge_attr, p):
    src = edge_index[0]; dst = edge_index[1]
    e = jax.nn.relu(edge_attr @ p['We1'] + p['be1'])
    theta = (e @ p['We2'] + p['be2']).reshape(-1, NH, NH)
    msg = jnp.einsum('eh,ehk->ek', x[src], theta)
    agg = jnp.zeros((x.shape[0], NH), dtype=x.dtype).at[dst].add(msg)
    return agg + x @ p['Wroot'] + p['broot']


def gru_cell(xin, h, p):
    gi = xin @ p['W_ih'].T + p['b_ih']
    gh = h @ p['W_hh'].T + p['b_hh']
    r = jax.nn.sigmoid(gi[:, :NH] + gh[:, :NH])
    z = jax.nn.sigmoid(gi[:, NH:2 * NH] + gh[:, NH:2 * NH])
    n = jnp.tanh(gi[:, 2 * NH:] + r * gh[:, 2 * NH:])
    return (1.0 - z) * n + z * h


def gcn_conv(x, edge_index, W, b):
    n = x.shape[0]
    loop = jnp.arange(n)
    src = jnp.concatenate([edge_index[0], loop])
    dst = jnp.concatenate([edge_index[1], loop])
    deg = jnp.zeros((n,), dtype=x.dtype).at[dst].add(1.0)
    dinv = jnp.where(deg > 0, deg ** -0.5, 0.0)
    norm = (dinv[src] * dinv[dst])[:, None]
    h = x @ W
    out = jnp.zeros((n, W.shape[1]), dtype=x.dtype).at[dst].add(h[src] * norm)
    return out + b


def to_dense_batch(x, batch, max_n):
    counts = jnp.bincount(batch, length=N_GRAPHS)
    starts = jnp.cumsum(counts) - counts
    pos = jnp.arange(x.shape[0]) - starts[batch]
    dense = jnp.zeros((N_GRAPHS, max_n, x.shape[1]), dtype=x.dtype).at[batch, pos].set(x)
    mask = jnp.zeros((N_GRAPHS, max_n), dtype=bool).at[batch, pos].set(True)
    return dense, mask


def attend(Qp, Kp, Vp, Wo, bo, mask):
    d = Qp.shape[-1]
    Q_ = jnp.concatenate(jnp.split(Qp, HEADS, axis=2), axis=0)
    K_ = jnp.concatenate(jnp.split(Kp, HEADS, axis=2), axis=0)
    V_ = jnp.concatenate(jnp.split(Vp, HEADS, axis=2), axis=0)
    score = jnp.einsum('bqd,bkd->bqk', Q_, K_) / math.sqrt(d)
    if mask is not None:
        score = score + jnp.concatenate([mask] * HEADS, axis=0)
    A = jax.nn.softmax(score, axis=-1)
    out = Q_ + jnp.einsum('bqk,bkd->bqd', A, V_)
    out = jnp.concatenate(jnp.split(out, HEADS, axis=0), axis=2)
    return out + jax.nn.relu(out @ Wo + bo)


def gmt(xf, edge_index, batch, p, max_n):
    x = xf @ p['lin1_W'] + p['lin1_b']
    dense, m = to_dense_batch(x, batch, max_n)
    mask = jnp.where(m, 0.0, -1e9)[:, None, :].astype(x.dtype)
    Q = jnp.tile(p['S1'], (N_GRAPHS, 1, 1))
    Qp = Q @ p['pma1_fcq_W'] + p['pma1_fcq_b']
    Kd, _ = to_dense_batch(gcn_conv(x, edge_index, p['pma1_k_W'], p['pma1_k_b']), batch, max_n)
    Vd, _ = to_dense_batch(gcn_conv(x, edge_index, p['pma1_v_W'], p['pma1_v_b']), batch, max_n)
    h1 = attend(Qp, Kd, Vd, p['pma1_fco_W'], p['pma1_fco_b'], mask)
    h2 = attend(h1 @ p['sab_fcq_W'] + p['sab_fcq_b'], h1 @ p['sab_fck_W'] + p['sab_fck_b'], h1 @ p['sab_fcv_W'] + p['sab_fcv_b'], p['sab_fco_W'], p['sab_fco_b'], None)
    Q2 = jnp.tile(p['S2'], (N_GRAPHS, 1, 1))
    h3 = attend(Q2 @ p['pma2_fcq_W'] + p['pma2_fcq_b'], h2 @ p['pma2_fck_W'] + p['pma2_fck_b'], h2 @ p['pma2_fcv_W'] + p['pma2_fcv_b'], p['pma2_fco_W'], p['pma2_fco_b'], None)
    return h3[:, 0, :] @ p['lin2_W'] + p['lin2_b']


def forward(x, edge_index, edge_attr, batch, params, max_n):
    node = jax.nn.relu(x @ params['proj_W'] + params['proj_b'])
    hidden = node
    for _ in range(3):
        node = jax.nn.relu(nnconv(node, edge_index, edge_attr, params))
        node = gru_cell(node, hidden, params)
        hidden = node
    out = gmt(node, edge_index, batch, params, max_n)
    out = jax.nn.relu(out @ params['fc0_W'] + params['fc0_b'])
    return out @ params['final_W'] + params['final_b']


def reference(x, edge_index, edge_attr, batch, params):
    max_n = batch.shape[0]
    return forward(x, edge_index, edge_attr, batch, params, max_n)

if __name__ == "__main__":
    import jax
    _d = setup_inputs()
    print(jax.jit(kernel)(*tuple(_d.values())))

</pallas_src>

<mosaic_0001>
#map = affine_map<(d0, d1) -> (0, 0)>
#map1 = affine_map<(d0, d1) -> (0, 0, 0)>
module attributes {stable_mosaic.version = 14 : i64} {
  func.func @scatter(%arg0: i32, %arg1: i32, %arg2: memref<163840x16xf32, #tpu.memory_space<hbm>>, %arg3: memref<32x40x128xi32, #tpu.memory_space<hbm>>, %arg4: memref<10240x16xf32, #tpu.memory_space<hbm>>, %arg5: memref<2x10240x16xf32, #tpu.memory_space<hbm>>, %arg6: memref<40x128xi32, #tpu.memory_space<vmem>>, %arg7: memref<128x16xf32, #tpu.memory_space<vmem>>, %arg8: memref<10240x16xf32, #tpu.memory_space<vmem_shared>>) attributes {dimension_semantics = [#tpu.dimension_semantics<core_parallel>, #tpu.dimension_semantics<subcore_parallel>], iteration_bounds = array<i64: 2, 16>, scalar_prefetch = 0 : i64, scratch_operands = 3 : i64, tpu.core_type = #tpu.core_type<sc_vector_subcore>, window_params = [{transform_indices = #map}, {transform_indices = #map1}, {transform_indices = #map}, {transform_indices = #map1}]} {
    %mul3A = arith.constant 2 : i32
    %mul3A_0 = arith.muli %arg1, %mul3A : i32
    %add3A = arith.addi %mul3A_0, %arg0 : i32
    %eq3A = arith.constant 0 : i32
    %eq3A_1 = arith.cmpi eq, %arg1, %eq3A : i32
    %convert_element_type3A = arith.extui %eq3A_1 : i1 to i32
    %cond3A = arith.constant 0 : i32
    %cond3A_2 = arith.cmpi ne, %convert_element_type3A, %cond3A : i32
    scf.if %cond3A_2 {
      "tpu.region"() ({
        %run_scoped3A = tpu.sem_alloc : memref<!tpu.dma_semaphore, #tpu.memory_space<semaphore_mem>>
        tpu.enqueue_dma source(%arg4 : memref<10240x16xf32, #tpu.memory_space<hbm>>) target(%arg8 : memref<10240x16xf32, #tpu.memory_space<vmem_shared>>) target_semaphore(%run_scoped3A : memref<!tpu.dma_semaphore, #tpu.memory_space<semaphore_mem>>)
        tpu.wait_dma2 semaphore(%run_scoped3A : memref<!tpu.dma_semaphore, #tpu.memory_space<semaphore_mem>>) src(%arg4 : memref<10240x16xf32, #tpu.memory_space<hbm>>) dst(%arg8 : memref<10240x16xf32, #tpu.memory_space<vmem_shared>>)
        tpu.yield
      }) : () -> ()
    } else {
    }
    %barrier3A = arith.constant 0 : index
    tpu.barrier barrier_id(%barrier3A)
    "tpu.region"() ({
      %run_scoped3A = tpu.sem_alloc : memref<!tpu.dma_semaphore, #tpu.memory_space<semaphore_mem>>
      %dma_start3A = arith.constant 0 : i32
      %dma_start3A_14 = arith.constant 0 : i32
      %dma_start3A_15 = tpu.memref_slice %arg3[%add3A, %dma_start3A, %dma_start3A_14] : memref<32x40x128xi32, #tpu.memory_space<hbm>> -> memref<1x40x128xi32, #tpu.memory_space<hbm>>
      %dma_start3A_16 = tpu.memref_squeeze %dma_start3A_15 : memref<1x40x128xi32, #tpu.memory_space<hbm>> -> memref<40x128xi32, #tpu.memory_space<hbm>>
      %dma_start3A_17 = arith.constant 0 : i32
      %dma_start3A_18 = arith.constant 0 : i32
      %dma_start3A_19 = tpu.memref_slice %arg3[%add3A, %dma_start3A_17, %dma_start3A_18] : memref<32x40x128xi32, #tpu.memory_space<hbm>> -> memref<1x40x128xi32, #tpu.memory_space<hbm>>
      %dma_start3A_20 = tpu.memref_squeeze %dma_start3A_19 : memref<1x40x128xi32, #tpu.memory_space<hbm>> -> memref<40x128xi32, #tpu.memory_space<hbm>>
      tpu.enqueue_dma source(%dma_start3A_20 : memref<40x128xi32, #tpu.memory_space<hbm>>) target(%arg6 : memref<40x128xi32, #tpu.memory_space<vmem>>) target_semaphore(%run_scoped3A : memref<!tpu.dma_semaphore, #tpu.memory_space<semaphore_mem>>)
      %dma_wait3A = arith.constant 0 : i32
      %dma_wait3A_21 = arith.constant 0 : i32
      %dma_wait3A_22 = tpu.memref_slice %arg3[%add3A, %dma_wait3A, %dma_wait3A_21] : memref<32x40x128xi32, #tpu.memory_space<hbm>> -> memref<1x40x128xi32, #tpu.memory_space<hbm>>
      %dma_wait3A_23 = tpu.memref_squeeze %dma_wait3A_22 : memref<1x40x128xi32, #tpu.memory_space<hbm>> -> memref<40x128xi32, #tpu.memory_space<hbm>>
      %dma_wait3A_24 = arith.constant 0 : i32
      %dma_wait3A_25 = arith.constant 0 : i32
      %dma_wait3A_26 = tpu.memref_slice %arg3[%add3A, %dma_wait3A_24, %dma_wait3A_25] : memref<32x40x128xi32, #tpu.memory_space<hbm>> -> memref<1x40x128xi32, #tpu.memory_space<hbm>>
      %dma_wait3A_27 = tpu.memref_squeeze %dma_wait3A_26 : memref<1x40x128xi32, #tpu.memory_space<hbm>> -> memref<40x128xi32, #tpu.memory_space<hbm>>
      tpu.wait_dma2 semaphore(%run_scoped3A : memref<!tpu.dma_semaphore, #tpu.memory_space<semaphore_mem>>) src(%dma_wait3A_27 : memref<40x128xi32, #tpu.memory_space<hbm>>) dst(%arg6 : memref<40x128xi32, #tpu.memory_space<vmem>>)
      tpu.yield
    }) : () -> ()
    %scan3A = arith.constant 0 : i32
    %scan3A_3 = arith.constant 0 : i32
    %scan3A_4 = arith.constant 40 : i32
    %scan3A_5 = arith.addi %scan3A_3, %scan3A_4 : i32
    %scan3A_6 = arith.constant 1 : i32
    scf.for %scan3A_14 = %scan3A_3 to %scan3A_5 step %scan3A_6  : i32 {
      %mul3A_15 = arith.constant 5120 : i32
      %mul3A_16 = arith.muli %add3A, %mul3A_15 : i32
      %mul3A_17 = arith.constant 128 : i32
      %mul3A_18 = arith.muli %scan3A_14, %mul3A_17 : i32
      %add3A_19 = arith.addi %mul3A_16, %mul3A_18 : i32
      "tpu.region"() ({
        %run_scoped3A = tpu.sem_alloc : memref<!tpu.dma_semaphore, #tpu.memory_space<semaphore_mem>>
        %dma_start3A = arith.constant 0 : i32
        %dma_start3A_20 = tpu.memref_slice %arg2[%add3A_19, %dma_start3A] : memref<163840x16xf32, #tpu.memory_space<hbm>> -> memref<128x16xf32, #tpu.memory_space<hbm>>
        %dma_start3A_21 = arith.constant 0 : i32
        %dma_start3A_22 = tpu.memref_slice %arg2[%add3A_19, %dma_start3A_21] : memref<163840x16xf32, #tpu.memory_space<hbm>> -> memref<128x16xf32, #tpu.memory_space<hbm>>
        tpu.enqueue_dma source(%dma_start3A_22 : memref<128x16xf32, #tpu.memory_space<hbm>>) target(%arg7 : memref<128x16xf32, #tpu.memory_space<vmem>>) target_semaphore(%run_scoped3A : memref<!tpu.dma_semaphore, #tpu.memory_space<semaphore_mem>>)
        %dma_wait3A = arith.constant 0 : i32
        %dma_wait3A_23 = tpu.memref_slice %arg2[%add3A_19, %dma_wait3A] : memref<163840x16xf32, #tpu.memory_space<hbm>> -> memref<128x16xf32, #tpu.memory_space<hbm>>
        %dma_wait3A_24 = arith.constant 0 : i32
        %dma_wait3A_25 = tpu.memref_slice %arg2[%add3A_19, %dma_wait3A_24] : memref<163840x16xf32, #tpu.memory_space<hbm>> -> memref<128x16xf32, #tpu.memory_space<hbm>>
        tpu.wait_dma2 semaphore(%run_scoped3A : memref<!tpu.dma_semaphore, #tpu.memory_space<semaphore_mem>>) src(%dma_wait3A_25 : memref<128x16xf32, #tpu.memory_space<hbm>>) dst(%arg7 : memref<128x16xf32, #tpu.memory_space<vmem>>)
        tpu.yield
      }) : () -> ()
      "tpu.region"() ({
        %run_scoped3A = tpu.sem_alloc : memref<!tpu.dma_semaphore, #tpu.memory_space<semaphore_mem>>
        %dma_start3A = arith.constant 0 : i32
        %dma_start3A_20 = tpu.memref_slice %arg6[%scan3A_14, %dma_start3A] : memref<40x128xi32, #tpu.memory_space<vmem>> -> memref<1x128xi32, #tpu.memory_space<vmem>>
        %dma_start3A_21 = tpu.memref_squeeze %dma_start3A_20 : memref<1x128xi32, #tpu.memory_space<vmem>> -> memref<128xi32, #tpu.memory_space<vmem>>
        %dma_start3A_22 = arith.constant 0 : i32
        %dma_start3A_23 = arith.constant 0 : i32
        %dma_start3A_24 = tpu.memref_slice %arg8[%dma_start3A_22, %dma_start3A_23] : memref<10240x16xf32, #tpu.memory_space<vmem_shared>> -> memref<10240x16xf32, #tpu.memory_space<vmem_shared>>
        tpu.enqueue_indirect_dma source(%arg7 : memref<128x16xf32, #tpu.memory_space<vmem>>) target(%dma_start3A_24 : memref<10240x16xf32, #tpu.memory_space<vmem_shared>>) offsets(%dma_start3A_21 : memref<128xi32, #tpu.memory_space<vmem>>) semaphore(%run_scoped3A : memref<!tpu.dma_semaphore, #tpu.memory_space<semaphore_mem>>) {add = true}
        %dma_wait3A = arith.constant 0 : i32
        %dma_wait3A_25 = tpu.memref_slice %arg6[%scan3A_14, %dma_wait3A] : memref<40x128xi32, #tpu.memory_space<vmem>> -> memref<1x128xi32, #tpu.memory_space<vmem>>
        %dma_wait3A_26 = tpu.memref_squeeze %dma_wait3A_25 : memref<1x128xi32, #tpu.memory_space<vmem>> -> memref<128xi32, #tpu.memory_space<vmem>>
        %dma_wait3A_27 = arith.constant 0 : i32
        %dma_wait3A_28 = arith.constant 0 : i32
        %dma_wait3A_29 = tpu.memref_slice %arg8[%dma_wait3A_27, %dma_wait3A_28] : memref<10240x16xf32, #tpu.memory_space<vmem_shared>> -> memref<10240x16xf32, #tpu.memory_space<vmem_shared>>
        tpu.wait_indirect_dma semaphore(%run_scoped3A : memref<!tpu.dma_semaphore, #tpu.memory_space<semaphore_mem>>) src(%arg7 : memref<128x16xf32, #tpu.memory_space<vmem>>) dst(%dma_wait3A_29 : memref<10240x16xf32, #tpu.memory_space<vmem_shared>>)
        tpu.yield
      }) : () -> ()
    }
    %scan3A_7 = arith.constant 40 : i32
    %barrier3A_8 = arith.constant 0 : index
    tpu.barrier barrier_id(%barrier3A_8)
    %eq3A_9 = arith.constant 0 : i32
    %eq3A_10 = arith.cmpi eq, %arg1, %eq3A_9 : i32
    %convert_element_type3A_11 = arith.extui %eq3A_10 : i1 to i32
    %cond3A_12 = arith.constant 0 : i32
    %cond3A_13 = arith.cmpi ne, %convert_element_type3A_11, %cond3A_12 : i32
    scf.if %cond3A_13 {
      "tpu.region"() ({
        %run_scoped3A = tpu.sem_alloc : memref<!tpu.dma_semaphore, #tpu.memory_space<semaphore_mem>>
        %dma_start3A = arith.constant 0 : i32
        %dma_start3A_14 = arith.constant 0 : i32
        %dma_start3A_15 = tpu.memref_slice %arg5[%arg0, %dma_start3A, %dma_start3A_14] : memref<2x10240x16xf32, #tpu.memory_space<hbm>> -> memref<1x10240x16xf32, #tpu.memory_space<hbm>>
        %dma_start3A_16 = tpu.memref_squeeze %dma_start3A_15 : memref<1x10240x16xf32, #tpu.memory_space<hbm>> -> memref<10240x16xf32, #tpu.memory_space<hbm>>
        tpu.enqueue_dma source(%arg8 : memref<10240x16xf32, #tpu.memory_space<vmem_shared>>) target(%dma_start3A_16 : memref<10240x16xf32, #tpu.memory_space<hbm>>) target_semaphore(%run_scoped3A : memref<!tpu.dma_semaphore, #tpu.memory_space<semaphore_mem>>)
        %dma_wait3A = arith.constant 0 : i32
        %dma_wait3A_17 = arith.constant 0 : i32
        %dma_wait3A_18 = tpu.memref_slice %arg5[%arg0, %dma_wait3A, %dma_wait3A_17] : memref<2x10240x16xf32, #tpu.memory_space<hbm>> -> memref<1x10240x16xf32, #tpu.memory_space<hbm>>
        %dma_wait3A_19 = tpu.memref_squeeze %dma_wait3A_18 : memref<1x10240x16xf32, #tpu.memory_space<hbm>> -> memref<10240x16xf32, #tpu.memory_space<hbm>>
        tpu.wait_dma2 semaphore(%run_scoped3A : memref<!tpu.dma_semaphore, #tpu.memory_space<semaphore_mem>>) src(%arg8 : memref<10240x16xf32, #tpu.memory_space<vmem_shared>>) dst(%dma_wait3A_19 : memref<10240x16xf32, #tpu.memory_space<hbm>>)
        tpu.yield
      }) : () -> ()
    } else {
    }
    return
  }
}

#map = affine_map<(d0, d1) -> (0, 0)>
#map1 = affine_map<(d0, d1) -> (0, 0, 0)>
module attributes {stable_mosaic.version = 14 : i64} {
  func.func @gather(%arg0: i32, %arg1: i32, %arg2: memref<10240x16xf32, #tpu.memory_space<hbm>>, %arg3: memref<32x40x128xi32, #tpu.memory_space<hbm>>, %arg4: memref<163840x16xf32, #tpu.memory_space<hbm>>, %arg5: memref<40x128xi32, #tpu.memory_space<vmem>>, %arg6: memref<128x16xf32, #tpu.memory_space<vmem>>, %arg7: memref<!tpu.dma_semaphore, #tpu.memory_space<semaphore_mem>>) attributes {dimension_semantics = [#tpu.dimension_semantics<core_parallel>, #tpu.dimension_semantics<subcore_parallel>], iteration_bounds = array<i64: 2, 16>, scalar_prefetch = 0 : i64, scratch_operands = 3 : i64, tpu.core_type = #tpu.core_type<sc_vector_subcore>, window_params = [{transform_indices = #map}, {transform_indices = #map1}, {transform_indices = #map}]} {
    %mul3A = arith.constant 2 : i32
    %mul3A_0 = arith.muli %arg1, %mul3A : i32
    %add3A = arith.addi %mul3A_0, %arg0 : i32
    "tpu.region"() ({
      %run_scoped3A = tpu.sem_alloc : memref<!tpu.dma_semaphore, #tpu.memory_space<semaphore_mem>>
      %dma_start3A = arith.constant 0 : i32
      %dma_start3A_6 = arith.constant 0 : i32
      %dma_start3A_7 = tpu.memref_slice %arg3[%add3A, %dma_start3A, %dma_start3A_6] : memref<32x40x128xi32, #tpu.memory_space<hbm>> -> memref<1x40x128xi32, #tpu.memory_space<hbm>>
      %dma_start3A_8 = tpu.memref_squeeze %dma_start3A_7 : memref<1x40x128xi32, #tpu.memory_space<hbm>> -> memref<40x128xi32, #tpu.memory_space<hbm>>
      %dma_start3A_9 = arith.constant 0 : i32
      %dma_start3A_10 = arith.constant 0 : i32
      %dma_start3A_11 = tpu.memref_slice %arg3[%add3A, %dma_start3A_9, %dma_start3A_10] : memref<32x40x128xi32, #tpu.memory_space<hbm>> -> memref<1x40x128xi32, #tpu.memory_space<hbm>>
      %dma_start3A_12 = tpu.memref_squeeze %dma_start3A_11 : memref<1x40x128xi32, #tpu.memory_space<hbm>> -> memref<40x128xi32, #tpu.memory_space<hbm>>
      tpu.enqueue_dma source(%dma_start3A_12 : memref<40x128xi32, #tpu.memory_space<hbm>>) target(%arg5 : memref<40x128xi32, #tpu.memory_space<vmem>>) target_semaphore(%run_scoped3A : memref<!tpu.dma_semaphore, #tpu.memory_space<semaphore_mem>>)
      %dma_wait3A = arith.constant 0 : i32
      %dma_wait3A_13 = arith.constant 0 : i32
      %dma_wait3A_14 = tpu.memref_slice %arg3[%add3A, %dma_wait3A, %dma_wait3A_13] : memref<32x40x128xi32, #tpu.memory_space<hbm>> -> memref<1x40x128xi32, #tpu.memory_space<hbm>>
      %dma_wait3A_15 = tpu.memref_squeeze %dma_wait3A_14 : memref<1x40x128xi32, #tpu.memory_space<hbm>> -> memref<40x128xi32, #tpu.memory_space<hbm>>
      %dma_wait3A_16 = arith.constant 0 : i32
      %dma_wait3A_17 = arith.constant 0 : i32
      %dma_wait3A_18 = tpu.memref_slice %arg3[%add3A, %dma_wait3A_16, %dma_wait3A_17] : memref<32x40x128xi32, #tpu.memory_space<hbm>> -> memref<1x40x128xi32, #tpu.memory_space<hbm>>
      %dma_wait3A_19 = tpu.memref_squeeze %dma_wait3A_18 : memref<1x40x128xi32, #tpu.memory_space<hbm>> -> memref<40x128xi32, #tpu.memory_space<hbm>>
      tpu.wait_dma2 semaphore(%run_scoped3A : memref<!tpu.dma_semaphore, #tpu.memory_space<semaphore_mem>>) src(%dma_wait3A_19 : memref<40x128xi32, #tpu.memory_space<hbm>>) dst(%arg5 : memref<40x128xi32, #tpu.memory_space<vmem>>)
      tpu.yield
    }) : () -> ()
    %scan3A = arith.constant 0 : i32
    %scan3A_1 = arith.constant 0 : i32
    %scan3A_2 = arith.constant 40 : i32
    %scan3A_3 = arith.addi %scan3A_1, %scan3A_2 : i32
    %scan3A_4 = arith.constant 1 : i32
    scf.for %scan3A_6 = %scan3A_1 to %scan3A_3 step %scan3A_4  : i32 {
      %dma_start3A = arith.constant 0 : i32
      %dma_start3A_7 = tpu.memref_slice %arg5[%scan3A_6, %dma_start3A] : memref<40x128xi32, #tpu.memory_space<vmem>> -> memref<1x128xi32, #tpu.memory_space<vmem>>
      %dma_start3A_8 = tpu.memref_squeeze %dma_start3A_7 : memref<1x128xi32, #tpu.memory_space<vmem>> -> memref<128xi32, #tpu.memory_space<vmem>>
      %dma_start3A_9 = arith.constant 0 : i32
      %dma_start3A_10 = arith.constant 0 : i32
      %dma_start3A_11 = tpu.memref_slice %arg2[%dma_start3A_9, %dma_start3A_10] : memref<10240x16xf32, #tpu.memory_space<hbm>> -> memref<10240x16xf32, #tpu.memory_space<hbm>>
      tpu.enqueue_indirect_dma source(%dma_start3A_11 : memref<10240x16xf32, #tpu.memory_space<hbm>>) target(%arg6 : memref<128x16xf32, #tpu.memory_space<vmem>>) offsets(%dma_start3A_8 : memref<128xi32, #tpu.memory_space<vmem>>) semaphore(%arg7 : memref<!tpu.dma_semaphore, #tpu.memory_space<semaphore_mem>>)
      %dma_wait3A = arith.constant 0 : i32
      %dma_wait3A_12 = tpu.memref_slice %arg5[%scan3A_6, %dma_wait3A] : memref<40x128xi32, #tpu.memory_space<vmem>> -> memref<1x128xi32, #tpu.memory_space<vmem>>
      %dma_wait3A_13 = tpu.memref_squeeze %dma_wait3A_12 : memref<1x128xi32, #tpu.memory_space<vmem>> -> memref<128xi32, #tpu.memory_space<vmem>>
      %dma_wait3A_14 = arith.constant 0 : i32
      %dma_wait3A_15 = arith.constant 0 : i32
      %dma_wait3A_16 = tpu.memref_slice %arg2[%dma_wait3A_14, %dma_wait3A_15] : memref<10240x16xf32, #tpu.memory_space<hbm>> -> memref<10240x16xf32, #tpu.memory_space<hbm>>
      tpu.wait_indirect_dma semaphore(%arg7 : memref<!tpu.dma_semaphore, #tpu.memory_space<semaphore_mem>>) src(%dma_wait3A_16 : memref<10240x16xf32, #tpu.memory_space<hbm>>) dst(%arg6 : memref<128x16xf32, #tpu.memory_space<vmem>>)
      %mul3A_17 = arith.constant 5120 : i32
      %mul3A_18 = arith.muli %add3A, %mul3A_17 : i32
      %mul3A_19 = arith.constant 128 : i32
      %mul3A_20 = arith.muli %scan3A_6, %mul3A_19 : i32
      %add3A_21 = arith.addi %mul3A_18, %mul3A_20 : i32
      "tpu.region"() ({
        %run_scoped3A = tpu.sem_alloc : memref<!tpu.dma_semaphore, #tpu.memory_space<semaphore_mem>>
        %dma_start3A_22 = arith.constant 0 : i32
        %dma_start3A_23 = tpu.memref_slice %arg4[%add3A_21, %dma_start3A_22] : memref<163840x16xf32, #tpu.memory_space<hbm>> -> memref<128x16xf32, #tpu.memory_space<hbm>>
        %dma_start3A_24 = arith.constant 0 : i32
        %dma_start3A_25 = tpu.memref_slice %arg4[%add3A_21, %dma_start3A_24] : memref<163840x16xf32, #tpu.memory_space<hbm>> -> memref<128x16xf32, #tpu.memory_space<hbm>>
        tpu.enqueue_dma source(%arg6 : memref<128x16xf32, #tpu.memory_space<vmem>>) target(%dma_start3A_25 : memref<128x16xf32, #tpu.memory_space<hbm>>) target_semaphore(%run_scoped3A : memref<!tpu.dma_semaphore, #tpu.memory_space<semaphore_mem>>)
        %dma_wait3A_26 = arith.constant 0 : i32
        %dma_wait3A_27 = tpu.memref_slice %arg4[%add3A_21, %dma_wait3A_26] : memref<163840x16xf32, #tpu.memory_space<hbm>> -> memref<128x16xf32, #tpu.memory_space<hbm>>
        %dma_wait3A_28 = arith.constant 0 : i32
        %dma_wait3A_29 = tpu.memref_slice %arg4[%add3A_21, %dma_wait3A_28] : memref<163840x16xf32, #tpu.memory_space<hbm>> -> memref<128x16xf32, #tpu.memory_space<hbm>>
        tpu.wait_dma2 semaphore(%run_scoped3A : memref<!tpu.dma_semaphore, #tpu.memory_space<semaphore_mem>>) src(%arg6 : memref<128x16xf32, #tpu.memory_space<vmem>>) dst(%dma_wait3A_29 : memref<128x16xf32, #tpu.memory_space<hbm>>)
        tpu.yield
      }) : () -> ()
    }
    %scan3A_5 = arith.constant 40 : i32
    return
  }
}

#map = affine_map<(d0, d1) -> (0, 0)>
#map1 = affine_map<(d0, d1) -> (0, 0, 0)>
module attributes {stable_mosaic.version = 14 : i64} {
  func.func @gather(%arg0: i32, %arg1: i32, %arg2: memref<10240x16xf32, #tpu.memory_space<hbm>>, %arg3: memref<32x40x128xi32, #tpu.memory_space<hbm>>, %arg4: memref<163840x16xf32, #tpu.memory_space<hbm>>, %arg5: memref<40x128xi32, #tpu.memory_space<vmem>>, %arg6: memref<128x16xf32, #tpu.memory_space<vmem>>, %arg7: memref<!tpu.dma_semaphore, #tpu.memory_space<semaphore_mem>>) attributes {dimension_semantics = [#tpu.dimension_semantics<core_parallel>, #tpu.dimension_semantics<subcore_parallel>], iteration_bounds = array<i64: 2, 16>, scalar_prefetch = 0 : i64, scratch_operands = 3 : i64, tpu.core_type = #tpu.core_type<sc_vector_subcore>, window_params = [{transform_indices = #map}, {transform_indices = #map1}, {transform_indices = #map}]} {
    %mul3A = arith.constant 2 : i32
    %mul3A_0 = arith.muli %arg1, %mul3A : i32
    %add3A = arith.addi %mul3A_0, %arg0 : i32
    "tpu.region"() ({
      %run_scoped3A = tpu.sem_alloc : memref<!tpu.dma_semaphore, #tpu.memory_space<semaphore_mem>>
      %dma_start3A = arith.constant 0 : i32
      %dma_start3A_6 = arith.constant 0 : i32
      %dma_start3A_7 = tpu.memref_slice %arg3[%add3A, %dma_start3A, %dma_start3A_6] : memref<32x40x128xi32, #tpu.memory_space<hbm>> -> memref<1x40x128xi32, #tpu.memory_space<hbm>>
      %dma_start3A_8 = tpu.memref_squeeze %dma_start3A_7 : memref<1x40x128xi32, #tpu.memory_space<hbm>> -> memref<40x128xi32, #tpu.memory_space<hbm>>
      %dma_start3A_9 = arith.constant 0 : i32
      %dma_start3A_10 = arith.constant 0 : i32
      %dma_start3A_11 = tpu.memref_slice %arg3[%add3A, %dma_start3A_9, %dma_start3A_10] : memref<32x40x128xi32, #tpu.memory_space<hbm>> -> memref<1x40x128xi32, #tpu.memory_space<hbm>>
      %dma_start3A_12 = tpu.memref_squeeze %dma_start3A_11 : memref<1x40x128xi32, #tpu.memory_space<hbm>> -> memref<40x128xi32, #tpu.memory_space<hbm>>
      tpu.enqueue_dma source(%dma_start3A_12 : memref<40x128xi32, #tpu.memory_space<hbm>>) target(%arg5 : memref<40x128xi32, #tpu.memory_space<vmem>>) target_semaphore(%run_scoped3A : memref<!tpu.dma_semaphore, #tpu.memory_space<semaphore_mem>>)
      %dma_wait3A = arith.constant 0 : i32
      %dma_wait3A_13 = arith.constant 0 : i32
      %dma_wait3A_14 = tpu.memref_slice %arg3[%add3A, %dma_wait3A, %dma_wait3A_13] : memref<32x40x128xi32, #tpu.memory_space<hbm>> -> memref<1x40x128xi32, #tpu.memory_space<hbm>>
      %dma_wait3A_15 = tpu.memref_squeeze %dma_wait3A_14 : memref<1x40x128xi32, #tpu.memory_space<hbm>> -> memref<40x128xi32, #tpu.memory_space<hbm>>
      %dma_wait3A_16 = arith.constant 0 : i32
      %dma_wait3A_17 = arith.constant 0 : i32
      %dma_wait3A_18 = tpu.memref_slice %arg3[%add3A, %dma_wait3A_16, %dma_wait3A_17] : memref<32x40x128xi32, #tpu.memory_space<hbm>> -> memref<1x40x128xi32, #tpu.memory_space<hbm>>
      %dma_wait3A_19 = tpu.memref_squeeze %dma_wait3A_18 : memref<1x40x128xi32, #tpu.memory_space<hbm>> -> memref<40x128xi32, #tpu.memory_space<hbm>>
      tpu.wait_dma2 semaphore(%run_scoped3A : memref<!tpu.dma_semaphore, #tpu.memory_space<semaphore_mem>>) src(%dma_wait3A_19 : memref<40x128xi32, #tpu.memory_space<hbm>>) dst(%arg5 : memref<40x128xi32, #tpu.memory_space<vmem>>)
      tpu.yield
    }) : () -> ()
    %scan3A = arith.constant 0 : i32
    %scan3A_1 = arith.constant 0 : i32
    %scan3A_2 = arith.constant 40 : i32
    %scan3A_3 = arith.addi %scan3A_1, %scan3A_2 : i32
    %scan3A_4 = arith.constant 1 : i32
    scf.for %scan3A_6 = %scan3A_1 to %scan3A_3 step %scan3A_4  : i32 {
      %dma_start3A = arith.constant 0 : i32
      %dma_start3A_7 = tpu.memref_slice %arg5[%scan3A_6, %dma_start3A] : memref<40x128xi32, #tpu.memory_space<vmem>> -> memref<1x128xi32, #tpu.memory_space<vmem>>
      %dma_start3A_8 = tpu.memref_squeeze %dma_start3A_7 : memref<1x128xi32, #tpu.memory_space<vmem>> -> memref<128xi32, #tpu.memory_space<vmem>>
      %dma_start3A_9 = arith.constant 0 : i32
      %dma_start3A_10 = arith.constant 0 : i32
      %dma_start3A_11 = tpu.memref_slice %arg2[%dma_start3A_9, %dma_start3A_10] : memref<10240x16xf32, #tpu.memory_space<hbm>> -> memref<10240x16xf32, #tpu.memory_space<hbm>>
      tpu.enqueue_indirect_dma source(%dma_start3A_11 : memref<10240x16xf32, #tpu.memory_space<hbm>>) target(%arg6 : memref<128x16xf32, #tpu.memory_space<vmem>>) offsets(%dma_start3A_8 : memref<128xi32, #tpu.memory_space<vmem>>) semaphore(%arg7 : memref<!tpu.dma_semaphore, #tpu.memory_space<semaphore_mem>>)
      %dma_wait3A = arith.constant 0 : i32
      %dma_wait3A_12 = tpu.memref_slice %arg5[%scan3A_6, %dma_wait3A] : memref<40x128xi32, #tpu.memory_space<vmem>> -> memref<1x128xi32, #tpu.memory_space<vmem>>
      %dma_wait3A_13 = tpu.memref_squeeze %dma_wait3A_12 : memref<1x128xi32, #tpu.memory_space<vmem>> -> memref<128xi32, #tpu.memory_space<vmem>>
      %dma_wait3A_14 = arith.constant 0 : i32
      %dma_wait3A_15 = arith.constant 0 : i32
      %dma_wait3A_16 = tpu.memref_slice %arg2[%dma_wait3A_14, %dma_wait3A_15] : memref<10240x16xf32, #tpu.memory_space<hbm>> -> memref<10240x16xf32, #tpu.memory_space<hbm>>
      tpu.wait_indirect_dma semaphore(%arg7 : memref<!tpu.dma_semaphore, #tpu.memory_space<semaphore_mem>>) src(%dma_wait3A_16 : memref<10240x16xf32, #tpu.memory_space<hbm>>) dst(%arg6 : memref<128x16xf32, #tpu.memory_space<vmem>>)
      %mul3A_17 = arith.constant 5120 : i32
      %mul3A_18 = arith.muli %add3A, %mul3A_17 : i32
      %mul3A_19 = arith.constant 128 : i32
      %mul3A_20 = arith.muli %scan3A_6, %mul3A_19 : i32
      %add3A_21 = arith.addi %mul3A_18, %mul3A_20 : i32
      "tpu.region"() ({
        %run_scoped3A = tpu.sem_alloc : memref<!tpu.dma_semaphore, #tpu.memory_space<semaphore_mem>>
        %dma_start3A_22 = arith.constant 0 : i32
        %dma_start3A_23 = tpu.memref_slice %arg4[%add3A_21, %dma_start3A_22] : memref<163840x16xf32, #tpu.memory_space<hbm>> -> memref<128x16xf32, #tpu.memory_space<hbm>>
        %dma_start3A_24 = arith.constant 0 : i32
        %dma_start3A_25 = tpu.memref_slice %arg4[%add3A_21, %dma_start3A_24] : memref<163840x16xf32, #tpu.memory_space<hbm>> -> memref<128x16xf32, #tpu.memory_space<hbm>>
        tpu.enqueue_dma source(%arg6 : memref<128x16xf32, #tpu.memory_space<vmem>>) target(%dma_start3A_25 : memref<128x16xf32, #tpu.memory_space<hbm>>) target_semaphore(%run_scoped3A : memref<!tpu.dma_semaphore, #tpu.memory_space<semaphore_mem>>)
        %dma_wait3A_26 = arith.constant 0 : i32
        %dma_wait3A_27 = tpu.memref_slice %arg4[%add3A_21, %dma_wait3A_26] : memref<163840x16xf32, #tpu.memory_space<hbm>> -> memref<128x16xf32, #tpu.memory_space<hbm>>
        %dma_wait3A_28 = arith.constant 0 : i32
        %dma_wait3A_29 = tpu.memref_slice %arg4[%add3A_21, %dma_wait3A_28] : memref<163840x16xf32, #tpu.memory_space<hbm>> -> memref<128x16xf32, #tpu.memory_space<hbm>>
        tpu.wait_dma2 semaphore(%run_scoped3A : memref<!tpu.dma_semaphore, #tpu.memory_space<semaphore_mem>>) src(%arg6 : memref<128x16xf32, #tpu.memory_space<vmem>>) dst(%dma_wait3A_29 : memref<128x16xf32, #tpu.memory_space<hbm>>)
        tpu.yield
      }) : () -> ()
    }
    %scan3A_5 = arith.constant 40 : i32
    return
  }
}

#map = affine_map<(d0, d1) -> (0, 0)>
#map1 = affine_map<(d0, d1) -> (0, 0, 0)>
module attributes {stable_mosaic.version = 14 : i64} {
  func.func @scatter(%arg0: i32, %arg1: i32, %arg2: memref<163840x16xf32, #tpu.memory_space<hbm>>, %arg3: memref<32x40x128xi32, #tpu.memory_space<hbm>>, %arg4: memref<10240x16xf32, #tpu.memory_space<hbm>>, %arg5: memref<2x10240x16xf32, #tpu.memory_space<hbm>>, %arg6: memref<40x128xi32, #tpu.memory_space<vmem>>, %arg7: memref<128x16xf32, #tpu.memory_space<vmem>>, %arg8: memref<10240x16xf32, #tpu.memory_space<vmem_shared>>) attributes {dimension_semantics = [#tpu.dimension_semantics<core_parallel>, #tpu.dimension_semantics<subcore_parallel>], iteration_bounds = array<i64: 2, 16>, scalar_prefetch = 0 : i64, scratch_operands = 3 : i64, tpu.core_type = #tpu.core_type<sc_vector_subcore>, window_params = [{transform_indices = #map}, {transform_indices = #map1}, {transform_indices = #map}, {transform_indices = #map1}]} {
    %mul3A = arith.constant 2 : i32
    %mul3A_0 = arith.muli %arg1, %mul3A : i32
    %add3A = arith.addi %mul3A_0, %arg0 : i32
    %eq3A = arith.constant 0 : i32
    %eq3A_1 = arith.cmpi eq, %arg1, %eq3A : i32
    %convert_element_type3A = arith.extui %eq3A_1 : i1 to i32
    %cond3A = arith.constant 0 : i32
    %cond3A_2 = arith.cmpi ne, %convert_element_type3A, %cond3A : i32
    scf.if %cond3A_2 {
      "tpu.region"() ({
        %run_scoped3A = tpu.sem_alloc : memref<!tpu.dma_semaphore, #tpu.memory_space<semaphore_mem>>
        tpu.enqueue_dma source(%arg4 : memref<10240x16xf32, #tpu.memory_space<hbm>>) target(%arg8 : memref<10240x16xf32, #tpu.memory_space<vmem_shared>>) target_semaphore(%run_scoped3A : memref<!tpu.dma_semaphore, #tpu.memory_space<semaphore_mem>>)
        tpu.wait_dma2 semaphore(%run_scoped3A : memref<!tpu.dma_semaphore, #tpu.memory_space<semaphore_mem>>) src(%arg4 : memref<10240x16xf32, #tpu.memory_space<hbm>>) dst(%arg8 : memref<10240x16xf32, #tpu.memory_space<vmem_shared>>)
        tpu.yield
      }) : () -> ()
    } else {
    }
    %barrier3A = arith.constant 0 : index
    tpu.barrier barrier_id(%barrier3A)
    "tpu.region"() ({
      %run_scoped3A = tpu.sem_alloc : memref<!tpu.dma_semaphore, #tpu.memory_space<semaphore_mem>>
      %dma_start3A = arith.constant 0 : i32
      %dma_start3A_14 = arith.constant 0 : i32
      %dma_start3A_15 = tpu.memref_slice %arg3[%add3A, %dma_start3A, %dma_start3A_14] : memref<32x40x128xi32, #tpu.memory_space<hbm>> -> memref<1x40x128xi32, #tpu.memory_space<hbm>>
      %dma_start3A_16 = tpu.memref_squeeze %dma_start3A_15 : memref<1x40x128xi32, #tpu.memory_space<hbm>> -> memref<40x128xi32, #tpu.memory_space<hbm>>
      %dma_start3A_17 = arith.constant 0 : i32
      %dma_start3A_18 = arith.constant 0 : i32
      %dma_start3A_19 = tpu.memref_slice %arg3[%add3A, %dma_start3A_17, %dma_start3A_18] : memref<32x40x128xi32, #tpu.memory_space<hbm>> -> memref<1x40x128xi32, #tpu.memory_space<hbm>>
      %dma_start3A_20 = tpu.memref_squeeze %dma_start3A_19 : memref<1x40x128xi32, #tpu.memory_space<hbm>> -> memref<40x128xi32, #tpu.memory_space<hbm>>
      tpu.enqueue_dma source(%dma_start3A_20 : memref<40x128xi32, #tpu.memory_space<hbm>>) target(%arg6 : memref<40x128xi32, #tpu.memory_space<vmem>>) target_semaphore(%run_scoped3A : memref<!tpu.dma_semaphore, #tpu.memory_space<semaphore_mem>>)
      %dma_wait3A = arith.constant 0 : i32
      %dma_wait3A_21 = arith.constant 0 : i32
      %dma_wait3A_22 = tpu.memref_slice %arg3[%add3A, %dma_wait3A, %dma_wait3A_21] : memref<32x40x128xi32, #tpu.memory_space<hbm>> -> memref<1x40x128xi32, #tpu.memory_space<hbm>>
      %dma_wait3A_23 = tpu.memref_squeeze %dma_wait3A_22 : memref<1x40x128xi32, #tpu.memory_space<hbm>> -> memref<40x128xi32, #tpu.memory_space<hbm>>
      %dma_wait3A_24 = arith.constant 0 : i32
      %dma_wait3A_25 = arith.constant 0 : i32
      %dma_wait3A_26 = tpu.memref_slice %arg3[%add3A, %dma_wait3A_24, %dma_wait3A_25] : memref<32x40x128xi32, #tpu.memory_space<hbm>> -> memref<1x40x128xi32, #tpu.memory_space<hbm>>
      %dma_wait3A_27 = tpu.memref_squeeze %dma_wait3A_26 : memref<1x40x128xi32, #tpu.memory_space<hbm>> -> memref<40x128xi32, #tpu.memory_space<hbm>>
      tpu.wait_dma2 semaphore(%run_scoped3A : memref<!tpu.dma_semaphore, #tpu.memory_space<semaphore_mem>>) src(%dma_wait3A_27 : memref<40x128xi32, #tpu.memory_space<hbm>>) dst(%arg6 : memref<40x128xi32, #tpu.memory_space<vmem>>)
      tpu.yield
    }) : () -> ()
    %scan3A = arith.constant 0 : i32
    %scan3A_3 = arith.constant 0 : i32
    %scan3A_4 = arith.constant 40 : i32
    %scan3A_5 = arith.addi %scan3A_3, %scan3A_4 : i32
    %scan3A_6 = arith.constant 1 : i32
    scf.for %scan3A_14 = %scan3A_3 to %scan3A_5 step %scan3A_6  : i32 {
      %mul3A_15 = arith.constant 5120 : i32
      %mul3A_16 = arith.muli %add3A, %mul3A_15 : i32
      %mul3A_17 = arith.constant 128 : i32
      %mul3A_18 = arith.muli %scan3A_14, %mul3A_17 : i32
      %add3A_19 = arith.addi %mul3A_16, %mul3A_18 : i32
      "tpu.region"() ({
        %run_scoped3A = tpu.sem_alloc : memref<!tpu.dma_semaphore, #tpu.memory_space<semaphore_mem>>
        %dma_start3A = arith.constant 0 : i32
        %dma_start3A_20 = tpu.memref_slice %arg2[%add3A_19, %dma_start3A] : memref<163840x16xf32, #tpu.memory_space<hbm>> -> memref<128x16xf32, #tpu.memory_space<hbm>>
        %dma_start3A_21 = arith.constant 0 : i32
        %dma_start3A_22 = tpu.memref_slice %arg2[%add3A_19, %dma_start3A_21] : memref<163840x16xf32, #tpu.memory_space<hbm>> -> memref<128x16xf32, #tpu.memory_space<hbm>>
        tpu.enqueue_dma source(%dma_start3A_22 : memref<128x16xf32, #tpu.memory_space<hbm>>) target(%arg7 : memref<128x16xf32, #tpu.memory_space<vmem>>) target_semaphore(%run_scoped3A : memref<!tpu.dma_semaphore, #tpu.memory_space<semaphore_mem>>)
        %dma_wait3A = arith.constant 0 : i32
        %dma_wait3A_23 = tpu.memref_slice %arg2[%add3A_19, %dma_wait3A] : memref<163840x16xf32, #tpu.memory_space<hbm>> -> memref<128x16xf32, #tpu.memory_space<hbm>>
        %dma_wait3A_24 = arith.constant 0 : i32
        %dma_wait3A_25 = tpu.memref_slice %arg2[%add3A_19, %dma_wait3A_24] : memref<163840x16xf32, #tpu.memory_space<hbm>> -> memref<128x16xf32, #tpu.memory_space<hbm>>
        tpu.wait_dma2 semaphore(%run_scoped3A : memref<!tpu.dma_semaphore, #tpu.memory_space<semaphore_mem>>) src(%dma_wait3A_25 : memref<128x16xf32, #tpu.memory_space<hbm>>) dst(%arg7 : memref<128x16xf32, #tpu.memory_space<vmem>>)
        tpu.yield
      }) : () -> ()
      "tpu.region"() ({
        %run_scoped3A = tpu.sem_alloc : memref<!tpu.dma_semaphore, #tpu.memory_space<semaphore_mem>>
        %dma_start3A = arith.constant 0 : i32
        %dma_start3A_20 = tpu.memref_slice %arg6[%scan3A_14, %dma_start3A] : memref<40x128xi32, #tpu.memory_space<vmem>> -> memref<1x128xi32, #tpu.memory_space<vmem>>
        %dma_start3A_21 = tpu.memref_squeeze %dma_start3A_20 : memref<1x128xi32, #tpu.memory_space<vmem>> -> memref<128xi32, #tpu.memory_space<vmem>>
        %dma_start3A_22 = arith.constant 0 : i32
        %dma_start3A_23 = arith.constant 0 : i32
        %dma_start3A_24 = tpu.memref_slice %arg8[%dma_start3A_22, %dma_start3A_23] : memref<10240x16xf32, #tpu.memory_space<vmem_shared>> -> memref<10240x16xf32, #tpu.memory_space<vmem_shared>>
        tpu.enqueue_indirect_dma source(%arg7 : memref<128x16xf32, #tpu.memory_space<vmem>>) target(%dma_start3A_24 : memref<10240x16xf32, #tpu.memory_space<vmem_shared>>) offsets(%dma_start3A_21 : memref<128xi32, #tpu.memory_space<vmem>>) semaphore(%run_scoped3A : memref<!tpu.dma_semaphore, #tpu.memory_space<semaphore_mem>>) {add = true}
        %dma_wait3A = arith.constant 0 : i32
        %dma_wait3A_25 = tpu.memref_slice %arg6[%scan3A_14, %dma_wait3A] : memref<40x128xi32, #tpu.memory_space<vmem>> -> memref<1x128xi32, #tpu.memory_space<vmem>>
        %dma_wait3A_26 = tpu.memref_squeeze %dma_wait3A_25 : memref<1x128xi32, #tpu.memory_space<vmem>> -> memref<128xi32, #tpu.memory_space<vmem>>
        %dma_wait3A_27 = arith.constant 0 : i32
        %dma_wait3A_28 = arith.constant 0 : i32
        %dma_wait3A_29 = tpu.memref_slice %arg8[%dma_wait3A_27, %dma_wait3A_28] : memref<10240x16xf32, #tpu.memory_space<vmem_shared>> -> memref<10240x16xf32, #tpu.memory_space<vmem_shared>>
        tpu.wait_indirect_dma semaphore(%run_scoped3A : memref<!tpu.dma_semaphore, #tpu.memory_space<semaphore_mem>>) src(%arg7 : memref<128x16xf32, #tpu.memory_space<vmem>>) dst(%dma_wait3A_29 : memref<10240x16xf32, #tpu.memory_space<vmem_shared>>)
        tpu.yield
      }) : () -> ()
    }
    %scan3A_7 = arith.constant 40 : i32
    %barrier3A_8 = arith.constant 0 : index
    tpu.barrier barrier_id(%barrier3A_8)
    %eq3A_9 = arith.constant 0 : i32
    %eq3A_10 = arith.cmpi eq, %arg1, %eq3A_9 : i32
    %convert_element_type3A_11 = arith.extui %eq3A_10 : i1 to i32
    %cond3A_12 = arith.constant 0 : i32
    %cond3A_13 = arith.cmpi ne, %convert_element_type3A_11, %cond3A_12 : i32
    scf.if %cond3A_13 {
      "tpu.region"() ({
        %run_scoped3A = tpu.sem_alloc : memref<!tpu.dma_semaphore, #tpu.memory_space<semaphore_mem>>
        %dma_start3A = arith.constant 0 : i32
        %dma_start3A_14 = arith.constant 0 : i32
        %dma_start3A_15 = tpu.memref_slice %arg5[%arg0, %dma_start3A, %dma_start3A_14] : memref<2x10240x16xf32, #tpu.memory_space<hbm>> -> memref<1x10240x16xf32, #tpu.memory_space<hbm>>
        %dma_start3A_16 = tpu.memref_squeeze %dma_start3A_15 : memref<1x10240x16xf32, #tpu.memory_space<hbm>> -> memref<10240x16xf32, #tpu.memory_space<hbm>>
        tpu.enqueue_dma source(%arg8 : memref<10240x16xf32, #tpu.memory_space<vmem_shared>>) target(%dma_start3A_16 : memref<10240x16xf32, #tpu.memory_space<hbm>>) target_semaphore(%run_scoped3A : memref<!tpu.dma_semaphore, #tpu.memory_space<semaphore_mem>>)
        %dma_wait3A = arith.constant 0 : i32
        %dma_wait3A_17 = arith.constant 0 : i32
        %dma_wait3A_18 = tpu.memref_slice %arg5[%arg0, %dma_wait3A, %dma_wait3A_17] : memref<2x10240x16xf32, #tpu.memory_space<hbm>> -> memref<1x10240x16xf32, #tpu.memory_space<hbm>>
        %dma_wait3A_19 = tpu.memref_squeeze %dma_wait3A_18 : memref<1x10240x16xf32, #tpu.memory_space<hbm>> -> memref<10240x16xf32, #tpu.memory_space<hbm>>
        tpu.wait_dma2 semaphore(%run_scoped3A : memref<!tpu.dma_semaphore, #tpu.memory_space<semaphore_mem>>) src(%arg8 : memref<10240x16xf32, #tpu.memory_space<vmem_shared>>) dst(%dma_wait3A_19 : memref<10240x16xf32, #tpu.memory_space<hbm>>)
        tpu.yield
      }) : () -> ()
    } else {
    }
    return
  }
}

#map = affine_map<(d0, d1) -> (0, 0)>
#map1 = affine_map<(d0, d1) -> (0, 0, 0)>
module attributes {stable_mosaic.version = 14 : i64} {
  func.func @gather(%arg0: i32, %arg1: i32, %arg2: memref<10240x16xf32, #tpu.memory_space<hbm>>, %arg3: memref<32x40x128xi32, #tpu.memory_space<hbm>>, %arg4: memref<163840x16xf32, #tpu.memory_space<hbm>>, %arg5: memref<40x128xi32, #tpu.memory_space<vmem>>, %arg6: memref<128x16xf32, #tpu.memory_space<vmem>>, %arg7: memref<!tpu.dma_semaphore, #tpu.memory_space<semaphore_mem>>) attributes {dimension_semantics = [#tpu.dimension_semantics<core_parallel>, #tpu.dimension_semantics<subcore_parallel>], iteration_bounds = array<i64: 2, 16>, scalar_prefetch = 0 : i64, scratch_operands = 3 : i64, tpu.core_type = #tpu.core_type<sc_vector_subcore>, window_params = [{transform_indices = #map}, {transform_indices = #map1}, {transform_indices = #map}]} {
    %mul3A = arith.constant 2 : i32
    %mul3A_0 = arith.muli %arg1, %mul3A : i32
    %add3A = arith.addi %mul3A_0, %arg0 : i32
    "tpu.region"() ({
      %run_scoped3A = tpu.sem_alloc : memref<!tpu.dma_semaphore, #tpu.memory_space<semaphore_mem>>
      %dma_start3A = arith.constant 0 : i32
      %dma_start3A_6 = arith.constant 0 : i32
      %dma_start3A_7 = tpu.memref_slice %arg3[%add3A, %dma_start3A, %dma_start3A_6] : memref<32x40x128xi32, #tpu.memory_space<hbm>> -> memref<1x40x128xi32, #tpu.memory_space<hbm>>
      %dma_start3A_8 = tpu.memref_squeeze %dma_start3A_7 : memref<1x40x128xi32, #tpu.memory_space<hbm>> -> memref<40x128xi32, #tpu.memory_space<hbm>>
      %dma_start3A_9 = arith.constant 0 : i32
      %dma_start3A_10 = arith.constant 0 : i32
      %dma_start3A_11 = tpu.memref_slice %arg3[%add3A, %dma_start3A_9, %dma_start3A_10] : memref<32x40x128xi32, #tpu.memory_space<hbm>> -> memref<1x40x128xi32, #tpu.memory_space<hbm>>
      %dma_start3A_12 = tpu.memref_squeeze %dma_start3A_11 : memref<1x40x128xi32, #tpu.memory_space<hbm>> -> memref<40x128xi32, #tpu.memory_space<hbm>>
      tpu.enqueue_dma source(%dma_start3A_12 : memref<40x128xi32, #tpu.memory_space<hbm>>) target(%arg5 : memref<40x128xi32, #tpu.memory_space<vmem>>) target_semaphore(%run_scoped3A : memref<!tpu.dma_semaphore, #tpu.memory_space<semaphore_mem>>)
      %dma_wait3A = arith.constant 0 : i32
      %dma_wait3A_13 = arith.constant 0 : i32
      %dma_wait3A_14 = tpu.memref_slice %arg3[%add3A, %dma_wait3A, %dma_wait3A_13] : memref<32x40x128xi32, #tpu.memory_space<hbm>> -> memref<1x40x128xi32, #tpu.memory_space<hbm>>
      %dma_wait3A_15 = tpu.memref_squeeze %dma_wait3A_14 : memref<1x40x128xi32, #tpu.memory_space<hbm>> -> memref<40x128xi32, #tpu.memory_space<hbm>>
      %dma_wait3A_16 = arith.constant 0 : i32
      %dma_wait3A_17 = arith.constant 0 : i32
      %dma_wait3A_18 = tpu.memref_slice %arg3[%add3A, %dma_wait3A_16, %dma_wait3A_17] : memref<32x40x128xi32, #tpu.memory_space<hbm>> -> memref<1x40x128xi32, #tpu.memory_space<hbm>>
      %dma_wait3A_19 = tpu.memref_squeeze %dma_wait3A_18 : memref<1x40x128xi32, #tpu.memory_space<hbm>> -> memref<40x128xi32, #tpu.memory_space<hbm>>
      tpu.wait_dma2 semaphore(%run_scoped3A : memref<!tpu.dma_semaphore, #tpu.memory_space<semaphore_mem>>) src(%dma_wait3A_19 : memref<40x128xi32, #tpu.memory_space<hbm>>) dst(%arg5 : memref<40x128xi32, #tpu.memory_space<vmem>>)
      tpu.yield
    }) : () -> ()
    %scan3A = arith.constant 0 : i32
    %scan3A_1 = arith.constant 0 : i32
    %scan3A_2 = arith.constant 40 : i32
    %scan3A_3 = arith.addi %scan3A_1, %scan3A_2 : i32
    %scan3A_4 = arith.constant 1 : i32
    scf.for %scan3A_6 = %scan3A_1 to %scan3A_3 step %scan3A_4  : i32 {
      %dma_start3A = arith.constant 0 : i32
      %dma_start3A_7 = tpu.memref_slice %arg5[%scan3A_6, %dma_start3A] : memref<40x128xi32, #tpu.memory_space<vmem>> -> memref<1x128xi32, #tpu.memory_space<vmem>>
      %dma_start3A_8 = tpu.memref_squeeze %dma_start3A_7 : memref<1x128xi32, #tpu.memory_space<vmem>> -> memref<128xi32, #tpu.memory_space<vmem>>
      %dma_start3A_9 = arith.constant 0 : i32
      %dma_start3A_10 = arith.constant 0 : i32
      %dma_start3A_11 = tpu.memref_slice %arg2[%dma_start3A_9, %dma_start3A_10] : memref<10240x16xf32, #tpu.memory_space<hbm>> -> memref<10240x16xf32, #tpu.memory_space<hbm>>
      tpu.enqueue_indirect_dma source(%dma_start3A_11 : memref<10240x16xf32, #tpu.memory_space<hbm>>) target(%arg6 : memref<128x16xf32, #tpu.memory_space<vmem>>) offsets(%dma_start3A_8 : memref<128xi32, #tpu.memory_space<vmem>>) semaphore(%arg7 : memref<!tpu.dma_semaphore, #tpu.memory_space<semaphore_mem>>)
      %dma_wait3A = arith.constant 0 : i32
      %dma_wait3A_12 = tpu.memref_slice %arg5[%scan3A_6, %dma_wait3A] : memref<40x128xi32, #tpu.memory_space<vmem>> -> memref<1x128xi32, #tpu.memory_space<vmem>>
      %dma_wait3A_13 = tpu.memref_squeeze %dma_wait3A_12 : memref<1x128xi32, #tpu.memory_space<vmem>> -> memref<128xi32, #tpu.memory_space<vmem>>
      %dma_wait3A_14 = arith.constant 0 : i32
      %dma_wait3A_15 = arith.constant 0 : i32
      %dma_wait3A_16 = tpu.memref_slice %arg2[%dma_wait3A_14, %dma_wait3A_15] : memref<10240x16xf32, #tpu.memory_space<hbm>> -> memref<10240x16xf32, #tpu.memory_space<hbm>>
      tpu.wait_indirect_dma semaphore(%arg7 : memref<!tpu.dma_semaphore, #tpu.memory_space<semaphore_mem>>) src(%dma_wait3A_16 : memref<10240x16xf32, #tpu.memory_space<hbm>>) dst(%arg6 : memref<128x16xf32, #tpu.memory_space<vmem>>)
      %mul3A_17 = arith.constant 5120 : i32
      %mul3A_18 = arith.muli %add3A, %mul3A_17 : i32
      %mul3A_19 = arith.constant 128 : i32
      %mul3A_20 = arith.muli %scan3A_6, %mul3A_19 : i32
      %add3A_21 = arith.addi %mul3A_18, %mul3A_20 : i32
      "tpu.region"() ({
        %run_scoped3A = tpu.sem_alloc : memref<!tpu.dma_semaphore, #tpu.memory_space<semaphore_mem>>
        %dma_start3A_22 = arith.constant 0 : i32
        %dma_start3A_23 = tpu.memref_slice %arg4[%add3A_21, %dma_start3A_22] : memref<163840x16xf32, #tpu.memory_space<hbm>> -> memref<128x16xf32, #tpu.memory_space<hbm>>
        %dma_start3A_24 = arith.constant 0 : i32
        %dma_start3A_25 = tpu.memref_slice %arg4[%add3A_21, %dma_start3A_24] : memref<163840x16xf32, #tpu.memory_space<hbm>> -> memref<128x16xf32, #tpu.memory_space<hbm>>
        tpu.enqueue_dma source(%arg6 : memref<128x16xf32, #tpu.memory_space<vmem>>) target(%dma_start3A_25 : memref<128x16xf32, #tpu.memory_space<hbm>>) target_semaphore(%run_scoped3A : memref<!tpu.dma_semaphore, #tpu.memory_space<semaphore_mem>>)
        %dma_wait3A_26 = arith.constant 0 : i32
        %dma_wait3A_27 = tpu.memref_slice %arg4[%add3A_21, %dma_wait3A_26] : memref<163840x16xf32, #tpu.memory_space<hbm>> -> memref<128x16xf32, #tpu.memory_space<hbm>>
        %dma_wait3A_28 = arith.constant 0 : i32
        %dma_wait3A_29 = tpu.memref_slice %arg4[%add3A_21, %dma_wait3A_28] : memref<163840x16xf32, #tpu.memory_space<hbm>> -> memref<128x16xf32, #tpu.memory_space<hbm>>
        tpu.wait_dma2 semaphore(%run_scoped3A : memref<!tpu.dma_semaphore, #tpu.memory_space<semaphore_mem>>) src(%arg6 : memref<128x16xf32, #tpu.memory_space<vmem>>) dst(%dma_wait3A_29 : memref<128x16xf32, #tpu.memory_space<hbm>>)
        tpu.yield
      }) : () -> ()
    }
    %scan3A_5 = arith.constant 40 : i32
    return
  }
}

#map = affine_map<(d0, d1) -> (0, 0)>
#map1 = affine_map<(d0, d1) -> (0, 0, 0)>
module attributes {stable_mosaic.version = 14 : i64} {
  func.func @scatter(%arg0: i32, %arg1: i32, %arg2: memref<163840x16xf32, #tpu.memory_space<hbm>>, %arg3: memref<32x40x128xi32, #tpu.memory_space<hbm>>, %arg4: memref<10240x16xf32, #tpu.memory_space<hbm>>, %arg5: memref<2x10240x16xf32, #tpu.memory_space<hbm>>, %arg6: memref<40x128xi32, #tpu.memory_space<vmem>>, %arg7: memref<128x16xf32, #tpu.memory_space<vmem>>, %arg8: memref<10240x16xf32, #tpu.memory_space<vmem_shared>>) attributes {dimension_semantics = [#tpu.dimension_semantics<core_parallel>, #tpu.dimension_semantics<subcore_parallel>], iteration_bounds = array<i64: 2, 16>, scalar_prefetch = 0 : i64, scratch_operands = 3 : i64, tpu.core_type = #tpu.core_type<sc_vector_subcore>, window_params = [{transform_indices = #map}, {transform_indices = #map1}, {transform_indices = #map}, {transform_indices = #map1}]} {
    %mul3A = arith.constant 2 : i32
    %mul3A_0 = arith.muli %arg1, %mul3A : i32
    %add3A = arith.addi %mul3A_0, %arg0 : i32
    %eq3A = arith.constant 0 : i32
    %eq3A_1 = arith.cmpi eq, %arg1, %eq3A : i32
    %convert_element_type3A = arith.extui %eq3A_1 : i1 to i32
    %cond3A = arith.constant 0 : i32
    %cond3A_2 = arith.cmpi ne, %convert_element_type3A, %cond3A : i32
    scf.if %cond3A_2 {
      "tpu.region"() ({
        %run_scoped3A = tpu.sem_alloc : memref<!tpu.dma_semaphore, #tpu.memory_space<semaphore_mem>>
        tpu.enqueue_dma source(%arg4 : memref<10240x16xf32, #tpu.memory_space<hbm>>) target(%arg8 : memref<10240x16xf32, #tpu.memory_space<vmem_shared>>) target_semaphore(%run_scoped3A : memref<!tpu.dma_semaphore, #tpu.memory_space<semaphore_mem>>)
        tpu.wait_dma2 semaphore(%run_scoped3A : memref<!tpu.dma_semaphore, #tpu.memory_space<semaphore_mem>>) src(%arg4 : memref<10240x16xf32, #tpu.memory_space<hbm>>) dst(%arg8 : memref<10240x16xf32, #tpu.memory_space<vmem_shared>>)
        tpu.yield
      }) : () -> ()
    } else {
    }
    %barrier3A = arith.constant 0 : index
    tpu.barrier barrier_id(%barrier3A)
    "tpu.region"() ({
      %run_scoped3A = tpu.sem_alloc : memref<!tpu.dma_semaphore, #tpu.memory_space<semaphore_mem>>
      %dma_start3A = arith.constant 0 : i32
      %dma_start3A_14 = arith.constant 0 : i32
      %dma_start3A_15 = tpu.memref_slice %arg3[%add3A, %dma_start3A, %dma_start3A_14] : memref<32x40x128xi32, #tpu.memory_space<hbm>> -> memref<1x40x128xi32, #tpu.memory_space<hbm>>
      %dma_start3A_16 = tpu.memref_squeeze %dma_start3A_15 : memref<1x40x128xi32, #tpu.memory_space<hbm>> -> memref<40x128xi32, #tpu.memory_space<hbm>>
      %dma_start3A_17 = arith.constant 0 : i32
      %dma_start3A_18 = arith.constant 0 : i32
      %dma_start3A_19 = tpu.memref_slice %arg3[%add3A, %dma_start3A_17, %dma_start3A_18] : memref<32x40x128xi32, #tpu.memory_space<hbm>> -> memref<1x40x128xi32, #tpu.memory_space<hbm>>
      %dma_start3A_20 = tpu.memref_squeeze %dma_start3A_19 : memref<1x40x128xi32, #tpu.memory_space<hbm>> -> memref<40x128xi32, #tpu.memory_space<hbm>>
      tpu.enqueue_dma source(%dma_start3A_20 : memref<40x128xi32, #tpu.memory_space<hbm>>) target(%arg6 : memref<40x128xi32, #tpu.memory_space<vmem>>) target_semaphore(%run_scoped3A : memref<!tpu.dma_semaphore, #tpu.memory_space<semaphore_mem>>)
      %dma_wait3A = arith.constant 0 : i32
      %dma_wait3A_21 = arith.constant 0 : i32
      %dma_wait3A_22 = tpu.memref_slice %arg3[%add3A, %dma_wait3A, %dma_wait3A_21] : memref<32x40x128xi32, #tpu.memory_space<hbm>> -> memref<1x40x128xi32, #tpu.memory_space<hbm>>
      %dma_wait3A_23 = tpu.memref_squeeze %dma_wait3A_22 : memref<1x40x128xi32, #tpu.memory_space<hbm>> -> memref<40x128xi32, #tpu.memory_space<hbm>>
      %dma_wait3A_24 = arith.constant 0 : i32
      %dma_wait3A_25 = arith.constant 0 : i32
      %dma_wait3A_26 = tpu.memref_slice %arg3[%add3A, %dma_wait3A_24, %dma_wait3A_25] : memref<32x40x128xi32, #tpu.memory_space<hbm>> -> memref<1x40x128xi32, #tpu.memory_space<hbm>>
      %dma_wait3A_27 = tpu.memref_squeeze %dma_wait3A_26 : memref<1x40x128xi32, #tpu.memory_space<hbm>> -> memref<40x128xi32, #tpu.memory_space<hbm>>
      tpu.wait_dma2 semaphore(%run_scoped3A : memref<!tpu.dma_semaphore, #tpu.memory_space<semaphore_mem>>) src(%dma_wait3A_27 : memref<40x128xi32, #tpu.memory_space<hbm>>) dst(%arg6 : memref<40x128xi32, #tpu.memory_space<vmem>>)
      tpu.yield
    }) : () -> ()
    %scan3A = arith.constant 0 : i32
    %scan3A_3 = arith.constant 0 : i32
    %scan3A_4 = arith.constant 40 : i32
    %scan3A_5 = arith.addi %scan3A_3, %scan3A_4 : i32
    %scan3A_6 = arith.constant 1 : i32
    scf.for %scan3A_14 = %scan3A_3 to %scan3A_5 step %scan3A_6  : i32 {
      %mul3A_15 = arith.constant 5120 : i32
      %mul3A_16 = arith.muli %add3A, %mul3A_15 : i32
      %mul3A_17 = arith.constant 128 : i32
      %mul3A_18 = arith.muli %scan3A_14, %mul3A_17 : i32
      %add3A_19 = arith.addi %mul3A_16, %mul3A_18 : i32
      "tpu.region"() ({
        %run_scoped3A = tpu.sem_alloc : memref<!tpu.dma_semaphore, #tpu.memory_space<semaphore_mem>>
        %dma_start3A = arith.constant 0 : i32
        %dma_start3A_20 = tpu.memref_slice %arg2[%add3A_19, %dma_start3A] : memref<163840x16xf32, #tpu.memory_space<hbm>> -> memref<128x16xf32, #tpu.memory_space<hbm>>
        %dma_start3A_21 = arith.constant 0 : i32
        %dma_start3A_22 = tpu.memref_slice %arg2[%add3A_19, %dma_start3A_21] : memref<163840x16xf32, #tpu.memory_space<hbm>> -> memref<128x16xf32, #tpu.memory_space<hbm>>
        tpu.enqueue_dma source(%dma_start3A_22 : memref<128x16xf32, #tpu.memory_space<hbm>>) target(%arg7 : memref<128x16xf32, #tpu.memory_space<vmem>>) target_semaphore(%run_scoped3A : memref<!tpu.dma_semaphore, #tpu.memory_space<semaphore_mem>>)
        %dma_wait3A = arith.constant 0 : i32
        %dma_wait3A_23 = tpu.memref_slice %arg2[%add3A_19, %dma_wait3A] : memref<163840x16xf32, #tpu.memory_space<hbm>> -> memref<128x16xf32, #tpu.memory_space<hbm>>
        %dma_wait3A_24 = arith.constant 0 : i32
        %dma_wait3A_25 = tpu.memref_slice %arg2[%add3A_19, %dma_wait3A_24] : memref<163840x16xf32, #tpu.memory_space<hbm>> -> memref<128x16xf32, #tpu.memory_space<hbm>>
        tpu.wait_dma2 semaphore(%run_scoped3A : memref<!tpu.dma_semaphore, #tpu.memory_space<semaphore_mem>>) src(%dma_wait3A_25 : memref<128x16xf32, #tpu.memory_space<hbm>>) dst(%arg7 : memref<128x16xf32, #tpu.memory_space<vmem>>)
        tpu.yield
      }) : () -> ()
      "tpu.region"() ({
        %run_scoped3A = tpu.sem_alloc : memref<!tpu.dma_semaphore, #tpu.memory_space<semaphore_mem>>
        %dma_start3A = arith.constant 0 : i32
        %dma_start3A_20 = tpu.memref_slice %arg6[%scan3A_14, %dma_start3A] : memref<40x128xi32, #tpu.memory_space<vmem>> -> memref<1x128xi32, #tpu.memory_space<vmem>>
        %dma_start3A_21 = tpu.memref_squeeze %dma_start3A_20 : memref<1x128xi32, #tpu.memory_space<vmem>> -> memref<128xi32, #tpu.memory_space<vmem>>
        %dma_start3A_22 = arith.constant 0 : i32
        %dma_start3A_23 = arith.constant 0 : i32
        %dma_start3A_24 = tpu.memref_slice %arg8[%dma_start3A_22, %dma_start3A_23] : memref<10240x16xf32, #tpu.memory_space<vmem_shared>> -> memref<10240x16xf32, #tpu.memory_space<vmem_shared>>
        tpu.enqueue_indirect_dma source(%arg7 : memref<128x16xf32, #tpu.memory_space<vmem>>) target(%dma_start3A_24 : memref<10240x16xf32, #tpu.memory_space<vmem_shared>>) offsets(%dma_start3A_21 : memref<128xi32, #tpu.memory_space<vmem>>) semaphore(%run_scoped3A : memref<!tpu.dma_semaphore, #tpu.memory_space<semaphore_mem>>) {add = true}
        %dma_wait3A = arith.constant 0 : i32
        %dma_wait3A_25 = tpu.memref_slice %arg6[%scan3A_14, %dma_wait3A] : memref<40x128xi32, #tpu.memory_space<vmem>> -> memref<1x128xi32, #tpu.memory_space<vmem>>
        %dma_wait3A_26 = tpu.memref_squeeze %dma_wait3A_25 : memref<1x128xi32, #tpu.memory_space<vmem>> -> memref<128xi32, #tpu.memory_space<vmem>>
        %dma_wait3A_27 = arith.constant 0 : i32
        %dma_wait3A_28 = arith.constant 0 : i32
        %dma_wait3A_29 = tpu.memref_slice %arg8[%dma_wait3A_27, %dma_wait3A_28] : memref<10240x16xf32, #tpu.memory_space<vmem_shared>> -> memref<10240x16xf32, #tpu.memory_space<vmem_shared>>
        tpu.wait_indirect_dma semaphore(%run_scoped3A : memref<!tpu.dma_semaphore, #tpu.memory_space<semaphore_mem>>) src(%arg7 : memref<128x16xf32, #tpu.memory_space<vmem>>) dst(%dma_wait3A_29 : memref<10240x16xf32, #tpu.memory_space<vmem_shared>>)
        tpu.yield
      }) : () -> ()
    }
    %scan3A_7 = arith.constant 40 : i32
    %barrier3A_8 = arith.constant 0 : index
    tpu.barrier barrier_id(%barrier3A_8)
    %eq3A_9 = arith.constant 0 : i32
    %eq3A_10 = arith.cmpi eq, %arg1, %eq3A_9 : i32
    %convert_element_type3A_11 = arith.extui %eq3A_10 : i1 to i32
    %cond3A_12 = arith.constant 0 : i32
    %cond3A_13 = arith.cmpi ne, %convert_element_type3A_11, %cond3A_12 : i32
    scf.if %cond3A_13 {
      "tpu.region"() ({
        %run_scoped3A = tpu.sem_alloc : memref<!tpu.dma_semaphore, #tpu.memory_space<semaphore_mem>>
        %dma_start3A = arith.constant 0 : i32
        %dma_start3A_14 = arith.constant 0 : i32
        %dma_start3A_15 = tpu.memref_slice %arg5[%arg0, %dma_start3A, %dma_start3A_14] : memref<2x10240x16xf32, #tpu.memory_space<hbm>> -> memref<1x10240x16xf32, #tpu.memory_space<hbm>>
        %dma_start3A_16 = tpu.memref_squeeze %dma_start3A_15 : memref<1x10240x16xf32, #tpu.memory_space<hbm>> -> memref<10240x16xf32, #tpu.memory_space<hbm>>
        tpu.enqueue_dma source(%arg8 : memref<10240x16xf32, #tpu.memory_space<vmem_shared>>) target(%dma_start3A_16 : memref<10240x16xf32, #tpu.memory_space<hbm>>) target_semaphore(%run_scoped3A : memref<!tpu.dma_semaphore, #tpu.memory_space<semaphore_mem>>)
        %dma_wait3A = arith.constant 0 : i32
        %dma_wait3A_17 = arith.constant 0 : i32
        %dma_wait3A_18 = tpu.memref_slice %arg5[%arg0, %dma_wait3A, %dma_wait3A_17] : memref<2x10240x16xf32, #tpu.memory_space<hbm>> -> memref<1x10240x16xf32, #tpu.memory_space<hbm>>
        %dma_wait3A_19 = tpu.memref_squeeze %dma_wait3A_18 : memref<1x10240x16xf32, #tpu.memory_space<hbm>> -> memref<10240x16xf32, #tpu.memory_space<hbm>>
        tpu.wait_dma2 semaphore(%run_scoped3A : memref<!tpu.dma_semaphore, #tpu.memory_space<semaphore_mem>>) src(%arg8 : memref<10240x16xf32, #tpu.memory_space<vmem_shared>>) dst(%dma_wait3A_19 : memref<10240x16xf32, #tpu.memory_space<hbm>>)
        tpu.yield
      }) : () -> ()
    } else {
    }
    return
  }
}

#map = affine_map<(d0, d1) -> (0, 0)>
#map1 = affine_map<(d0, d1) -> (0, 0, 0)>
module attributes {stable_mosaic.version = 14 : i64} {
  func.func @scatter(%arg0: i32, %arg1: i32, %arg2: memref<163840x16xf32, #tpu.memory_space<hbm>>, %arg3: memref<32x40x128xi32, #tpu.memory_space<hbm>>, %arg4: memref<10240x16xf32, #tpu.memory_space<hbm>>, %arg5: memref<2x10240x16xf32, #tpu.memory_space<hbm>>, %arg6: memref<40x128xi32, #tpu.memory_space<vmem>>, %arg7: memref<128x16xf32, #tpu.memory_space<vmem>>, %arg8: memref<10240x16xf32, #tpu.memory_space<vmem_shared>>) attributes {dimension_semantics = [#tpu.dimension_semantics<core_parallel>, #tpu.dimension_semantics<subcore_parallel>], iteration_bounds = array<i64: 2, 16>, scalar_prefetch = 0 : i64, scratch_operands = 3 : i64, tpu.core_type = #tpu.core_type<sc_vector_subcore>, window_params = [{transform_indices = #map}, {transform_indices = #map1}, {transform_indices = #map}, {transform_indices = #map1}]} {
    %mul3A = arith.constant 2 : i32
    %mul3A_0 = arith.muli %arg1, %mul3A : i32
    %add3A = arith.addi %mul3A_0, %arg0 : i32
    %eq3A = arith.constant 0 : i32
    %eq3A_1 = arith.cmpi eq, %arg1, %eq3A : i32
    %convert_element_type3A = arith.extui %eq3A_1 : i1 to i32
    %cond3A = arith.constant 0 : i32
    %cond3A_2 = arith.cmpi ne, %convert_element_type3A, %cond3A : i32
    scf.if %cond3A_2 {
      "tpu.region"() ({
        %run_scoped3A = tpu.sem_alloc : memref<!tpu.dma_semaphore, #tpu.memory_space<semaphore_mem>>
        tpu.enqueue_dma source(%arg4 : memref<10240x16xf32, #tpu.memory_space<hbm>>) target(%arg8 : memref<10240x16xf32, #tpu.memory_space<vmem_shared>>) target_semaphore(%run_scoped3A : memref<!tpu.dma_semaphore, #tpu.memory_space<semaphore_mem>>)
        tpu.wait_dma2 semaphore(%run_scoped3A : memref<!tpu.dma_semaphore, #tpu.memory_space<semaphore_mem>>) src(%arg4 : memref<10240x16xf32, #tpu.memory_space<hbm>>) dst(%arg8 : memref<10240x16xf32, #tpu.memory_space<vmem_shared>>)
        tpu.yield
      }) : () -> ()
    } else {
    }
    %barrier3A = arith.constant 0 : index
    tpu.barrier barrier_id(%barrier3A)
    "tpu.region"() ({
      %run_scoped3A = tpu.sem_alloc : memref<!tpu.dma_semaphore, #tpu.memory_space<semaphore_mem>>
      %dma_start3A = arith.constant 0 : i32
      %dma_start3A_14 = arith.constant 0 : i32
      %dma_start3A_15 = tpu.memref_slice %arg3[%add3A, %dma_start3A, %dma_start3A_14] : memref<32x40x128xi32, #tpu.memory_space<hbm>> -> memref<1x40x128xi32, #tpu.memory_space<hbm>>
      %dma_start3A_16 = tpu.memref_squeeze %dma_start3A_15 : memref<1x40x128xi32, #tpu.memory_space<hbm>> -> memref<40x128xi32, #tpu.memory_space<hbm>>
      %dma_start3A_17 = arith.constant 0 : i32
      %dma_start3A_18 = arith.constant 0 : i32
      %dma_start3A_19 = tpu.memref_slice %arg3[%add3A, %dma_start3A_17, %dma_start3A_18] : memref<32x40x128xi32, #tpu.memory_space<hbm>> -> memref<1x40x128xi32, #tpu.memory_space<hbm>>
      %dma_start3A_20 = tpu.memref_squeeze %dma_start3A_19 : memref<1x40x128xi32, #tpu.memory_space<hbm>> -> memref<40x128xi32, #tpu.memory_space<hbm>>
      tpu.enqueue_dma source(%dma_start3A_20 : memref<40x128xi32, #tpu.memory_space<hbm>>) target(%arg6 : memref<40x128xi32, #tpu.memory_space<vmem>>) target_semaphore(%run_scoped3A : memref<!tpu.dma_semaphore, #tpu.memory_space<semaphore_mem>>)
      %dma_wait3A = arith.constant 0 : i32
      %dma_wait3A_21 = arith.constant 0 : i32
      %dma_wait3A_22 = tpu.memref_slice %arg3[%add3A, %dma_wait3A, %dma_wait3A_21] : memref<32x40x128xi32, #tpu.memory_space<hbm>> -> memref<1x40x128xi32, #tpu.memory_space<hbm>>
      %dma_wait3A_23 = tpu.memref_squeeze %dma_wait3A_22 : memref<1x40x128xi32, #tpu.memory_space<hbm>> -> memref<40x128xi32, #tpu.memory_space<hbm>>
      %dma_wait3A_24 = arith.constant 0 : i32
      %dma_wait3A_25 = arith.constant 0 : i32
      %dma_wait3A_26 = tpu.memref_slice %arg3[%add3A, %dma_wait3A_24, %dma_wait3A_25] : memref<32x40x128xi32, #tpu.memory_space<hbm>> -> memref<1x40x128xi32, #tpu.memory_space<hbm>>
      %dma_wait3A_27 = tpu.memref_squeeze %dma_wait3A_26 : memref<1x40x128xi32, #tpu.memory_space<hbm>> -> memref<40x128xi32, #tpu.memory_space<hbm>>
      tpu.wait_dma2 semaphore(%run_scoped3A : memref<!tpu.dma_semaphore, #tpu.memory_space<semaphore_mem>>) src(%dma_wait3A_27 : memref<40x128xi32, #tpu.memory_space<hbm>>) dst(%arg6 : memref<40x128xi32, #tpu.memory_space<vmem>>)
      tpu.yield
    }) : () -> ()
    %scan3A = arith.constant 0 : i32
    %scan3A_3 = arith.constant 0 : i32
    %scan3A_4 = arith.constant 40 : i32
    %scan3A_5 = arith.addi %scan3A_3, %scan3A_4 : i32
    %scan3A_6 = arith.constant 1 : i32
    scf.for %scan3A_14 = %scan3A_3 to %scan3A_5 step %scan3A_6  : i32 {
      %mul3A_15 = arith.constant 5120 : i32
      %mul3A_16 = arith.muli %add3A, %mul3A_15 : i32
      %mul3A_17 = arith.constant 128 : i32
      %mul3A_18 = arith.muli %scan3A_14, %mul3A_17 : i32
      %add3A_19 = arith.addi %mul3A_16, %mul3A_18 : i32
      "tpu.region"() ({
        %run_scoped3A = tpu.sem_alloc : memref<!tpu.dma_semaphore, #tpu.memory_space<semaphore_mem>>
        %dma_start3A = arith.constant 0 : i32
        %dma_start3A_20 = tpu.memref_slice %arg2[%add3A_19, %dma_start3A] : memref<163840x16xf32, #tpu.memory_space<hbm>> -> memref<128x16xf32, #tpu.memory_space<hbm>>
        %dma_start3A_21 = arith.constant 0 : i32
        %dma_start3A_22 = tpu.memref_slice %arg2[%add3A_19, %dma_start3A_21] : memref<163840x16xf32, #tpu.memory_space<hbm>> -> memref<128x16xf32, #tpu.memory_space<hbm>>
        tpu.enqueue_dma source(%dma_start3A_22 : memref<128x16xf32, #tpu.memory_space<hbm>>) target(%arg7 : memref<128x16xf32, #tpu.memory_space<vmem>>) target_semaphore(%run_scoped3A : memref<!tpu.dma_semaphore, #tpu.memory_space<semaphore_mem>>)
        %dma_wait3A = arith.constant 0 : i32
        %dma_wait3A_23 = tpu.memref_slice %arg2[%add3A_19, %dma_wait3A] : memref<163840x16xf32, #tpu.memory_space<hbm>> -> memref<128x16xf32, #tpu.memory_space<hbm>>
        %dma_wait3A_24 = arith.constant 0 : i32
        %dma_wait3A_25 = tpu.memref_slice %arg2[%add3A_19, %dma_wait3A_24] : memref<163840x16xf32, #tpu.memory_space<hbm>> -> memref<128x16xf32, #tpu.memory_space<hbm>>
        tpu.wait_dma2 semaphore(%run_scoped3A : memref<!tpu.dma_semaphore, #tpu.memory_space<semaphore_mem>>) src(%dma_wait3A_25 : memref<128x16xf32, #tpu.memory_space<hbm>>) dst(%arg7 : memref<128x16xf32, #tpu.memory_space<vmem>>)
        tpu.yield
      }) : () -> ()
      "tpu.region"() ({
        %run_scoped3A = tpu.sem_alloc : memref<!tpu.dma_semaphore, #tpu.memory_space<semaphore_mem>>
        %dma_start3A = arith.constant 0 : i32
        %dma_start3A_20 = tpu.memref_slice %arg6[%scan3A_14, %dma_start3A] : memref<40x128xi32, #tpu.memory_space<vmem>> -> memref<1x128xi32, #tpu.memory_space<vmem>>
        %dma_start3A_21 = tpu.memref_squeeze %dma_start3A_20 : memref<1x128xi32, #tpu.memory_space<vmem>> -> memref<128xi32, #tpu.memory_space<vmem>>
        %dma_start3A_22 = arith.constant 0 : i32
        %dma_start3A_23 = arith.constant 0 : i32
        %dma_start3A_24 = tpu.memref_slice %arg8[%dma_start3A_22, %dma_start3A_23] : memref<10240x16xf32, #tpu.memory_space<vmem_shared>> -> memref<10240x16xf32, #tpu.memory_space<vmem_shared>>
        tpu.enqueue_indirect_dma source(%arg7 : memref<128x16xf32, #tpu.memory_space<vmem>>) target(%dma_start3A_24 : memref<10240x16xf32, #tpu.memory_space<vmem_shared>>) offsets(%dma_start3A_21 : memref<128xi32, #tpu.memory_space<vmem>>) semaphore(%run_scoped3A : memref<!tpu.dma_semaphore, #tpu.memory_space<semaphore_mem>>) {add = true}
        %dma_wait3A = arith.constant 0 : i32
        %dma_wait3A_25 = tpu.memref_slice %arg6[%scan3A_14, %dma_wait3A] : memref<40x128xi32, #tpu.memory_space<vmem>> -> memref<1x128xi32, #tpu.memory_space<vmem>>
        %dma_wait3A_26 = tpu.memref_squeeze %dma_wait3A_25 : memref<1x128xi32, #tpu.memory_space<vmem>> -> memref<128xi32, #tpu.memory_space<vmem>>
        %dma_wait3A_27 = arith.constant 0 : i32
        %dma_wait3A_28 = arith.constant 0 : i32
        %dma_wait3A_29 = tpu.memref_slice %arg8[%dma_wait3A_27, %dma_wait3A_28] : memref<10240x16xf32, #tpu.memory_space<vmem_shared>> -> memref<10240x16xf32, #tpu.memory_space<vmem_shared>>
        tpu.wait_indirect_dma semaphore(%run_scoped3A : memref<!tpu.dma_semaphore, #tpu.memory_space<semaphore_mem>>) src(%arg7 : memref<128x16xf32, #tpu.memory_space<vmem>>) dst(%dma_wait3A_29 : memref<10240x16xf32, #tpu.memory_space<vmem_shared>>)
        tpu.yield
      }) : () -> ()
    }
    %scan3A_7 = arith.constant 40 : i32
    %barrier3A_8 = arith.constant 0 : index
    tpu.barrier barrier_id(%barrier3A_8)
    %eq3A_9 = arith.constant 0 : i32
    %eq3A_10 = arith.cmpi eq, %arg1, %eq3A_9 : i32
    %convert_element_type3A_11 = arith.extui %eq3A_10 : i1 to i32
    %cond3A_12 = arith.constant 0 : i32
    %cond3A_13 = arith.cmpi ne, %convert_element_type3A_11, %cond3A_12 : i32
    scf.if %cond3A_13 {
      "tpu.region"() ({
        %run_scoped3A = tpu.sem_alloc : memref<!tpu.dma_semaphore, #tpu.memory_space<semaphore_mem>>
        %dma_start3A = arith.constant 0 : i32
        %dma_start3A_14 = arith.constant 0 : i32
        %dma_start3A_15 = tpu.memref_slice %arg5[%arg0, %dma_start3A, %dma_start3A_14] : memref<2x10240x16xf32, #tpu.memory_space<hbm>> -> memref<1x10240x16xf32, #tpu.memory_space<hbm>>
        %dma_start3A_16 = tpu.memref_squeeze %dma_start3A_15 : memref<1x10240x16xf32, #tpu.memory_space<hbm>> -> memref<10240x16xf32, #tpu.memory_space<hbm>>
        tpu.enqueue_dma source(%arg8 : memref<10240x16xf32, #tpu.memory_space<vmem_shared>>) target(%dma_start3A_16 : memref<10240x16xf32, #tpu.memory_space<hbm>>) target_semaphore(%run_scoped3A : memref<!tpu.dma_semaphore, #tpu.memory_space<semaphore_mem>>)
        %dma_wait3A = arith.constant 0 : i32
        %dma_wait3A_17 = arith.constant 0 : i32
        %dma_wait3A_18 = tpu.memref_slice %arg5[%arg0, %dma_wait3A, %dma_wait3A_17] : memref<2x10240x16xf32, #tpu.memory_space<hbm>> -> memref<1x10240x16xf32, #tpu.memory_space<hbm>>
        %dma_wait3A_19 = tpu.memref_squeeze %dma_wait3A_18 : memref<1x10240x16xf32, #tpu.memory_space<hbm>> -> memref<10240x16xf32, #tpu.memory_space<hbm>>
        tpu.wait_dma2 semaphore(%run_scoped3A : memref<!tpu.dma_semaphore, #tpu.memory_space<semaphore_mem>>) src(%arg8 : memref<10240x16xf32, #tpu.memory_space<vmem_shared>>) dst(%dma_wait3A_19 : memref<10240x16xf32, #tpu.memory_space<hbm>>)
        tpu.yield
      }) : () -> ()
    } else {
    }
    return
  }
}

#map = affine_map<(d0, d1) -> (0, 0)>
#map1 = affine_map<(d0, d1) -> (0, 0, 0)>
module attributes {stable_mosaic.version = 14 : i64} {
  func.func @gcn(%arg0: i32, %arg1: i32, %arg2: memref<10240x128xf32, #tpu.memory_space<hbm>>, %arg3: memref<32x40x128xi32, #tpu.memory_space<hbm>>, %arg4: memref<32x40x128xi32, #tpu.memory_space<hbm>>, %arg5: memref<10240x128xf32, #tpu.memory_space<hbm>>, %arg6: memref<2x10240x128xf32, #tpu.memory_space<hbm>>, %arg7: memref<40x128xi32, #tpu.memory_space<vmem>>, %arg8: memref<40x128xi32, #tpu.memory_space<vmem>>, %arg9: memref<128x128xf32, #tpu.memory_space<vmem>>, %arg10: memref<10240x128xf32, #tpu.memory_space<vmem_shared>>, %arg11: memref<!tpu.dma_semaphore, #tpu.memory_space<semaphore_mem>>) attributes {dimension_semantics = [#tpu.dimension_semantics<core_parallel>, #tpu.dimension_semantics<subcore_parallel>], iteration_bounds = array<i64: 2, 16>, scalar_prefetch = 0 : i64, scratch_operands = 5 : i64, tpu.core_type = #tpu.core_type<sc_vector_subcore>, window_params = [{transform_indices = #map}, {transform_indices = #map1}, {transform_indices = #map1}, {transform_indices = #map}, {transform_indices = #map1}]} {
    %mul3A = arith.constant 2 : i32
    %mul3A_0 = arith.muli %arg1, %mul3A : i32
    %add3A = arith.addi %mul3A_0, %arg0 : i32
    %eq3A = arith.constant 0 : i32
    %eq3A_1 = arith.cmpi eq, %arg1, %eq3A : i32
    %convert_element_type3A = arith.extui %eq3A_1 : i1 to i32
    %cond3A = arith.constant 0 : i32
    %cond3A_2 = arith.cmpi ne, %convert_element_type3A, %cond3A : i32
    scf.if %cond3A_2 {
      "tpu.region"() ({
        %run_scoped3A = tpu.sem_alloc : memref<!tpu.dma_semaphore, #tpu.memory_space<semaphore_mem>>
        tpu.enqueue_dma source(%arg5 : memref<10240x128xf32, #tpu.memory_space<hbm>>) target(%arg10 : memref<10240x128xf32, #tpu.memory_space<vmem_shared>>) target_semaphore(%run_scoped3A : memref<!tpu.dma_semaphore, #tpu.memory_space<semaphore_mem>>)
        tpu.wait_dma2 semaphore(%run_scoped3A : memref<!tpu.dma_semaphore, #tpu.memory_space<semaphore_mem>>) src(%arg5 : memref<10240x128xf32, #tpu.memory_space<hbm>>) dst(%arg10 : memref<10240x128xf32, #tpu.memory_space<vmem_shared>>)
        tpu.yield
      }) : () -> ()
    } else {
    }
    %barrier3A = arith.constant 0 : index
    tpu.barrier barrier_id(%barrier3A)
    "tpu.region"() ({
      %run_scoped3A = tpu.sem_alloc : memref<!tpu.dma_semaphore, #tpu.memory_space<semaphore_mem>>
      %dma_start3A = arith.constant 0 : i32
      %dma_start3A_14 = arith.constant 0 : i32
      %dma_start3A_15 = tpu.memref_slice %arg3[%add3A, %dma_start3A, %dma_start3A_14] : memref<32x40x128xi32, #tpu.memory_space<hbm>> -> memref<1x40x128xi32, #tpu.memory_space<hbm>>
      %dma_start3A_16 = tpu.memref_squeeze %dma_start3A_15 : memref<1x40x128xi32, #tpu.memory_space<hbm>> -> memref<40x128xi32, #tpu.memory_space<hbm>>
      %dma_start3A_17 = arith.constant 0 : i32
      %dma_start3A_18 = arith.constant 0 : i32
      %dma_start3A_19 = tpu.memref_slice %arg3[%add3A, %dma_start3A_17, %dma_start3A_18] : memref<32x40x128xi32, #tpu.memory_space<hbm>> -> memref<1x40x128xi32, #tpu.memory_space<hbm>>
      %dma_start3A_20 = tpu.memref_squeeze %dma_start3A_19 : memref<1x40x128xi32, #tpu.memory_space<hbm>> -> memref<40x128xi32, #tpu.memory_space<hbm>>
      tpu.enqueue_dma source(%dma_start3A_20 : memref<40x128xi32, #tpu.memory_space<hbm>>) target(%arg7 : memref<40x128xi32, #tpu.memory_space<vmem>>) target_semaphore(%run_scoped3A : memref<!tpu.dma_semaphore, #tpu.memory_space<semaphore_mem>>)
      %dma_wait3A = arith.constant 0 : i32
      %dma_wait3A_21 = arith.constant 0 : i32
      %dma_wait3A_22 = tpu.memref_slice %arg3[%add3A, %dma_wait3A, %dma_wait3A_21] : memref<32x40x128xi32, #tpu.memory_space<hbm>> -> memref<1x40x128xi32, #tpu.memory_space<hbm>>
      %dma_wait3A_23 = tpu.memref_squeeze %dma_wait3A_22 : memref<1x40x128xi32, #tpu.memory_space<hbm>> -> memref<40x128xi32, #tpu.memory_space<hbm>>
      %dma_wait3A_24 = arith.constant 0 : i32
      %dma_wait3A_25 = arith.constant 0 : i32
      %dma_wait3A_26 = tpu.memref_slice %arg3[%add3A, %dma_wait3A_24, %dma_wait3A_25] : memref<32x40x128xi32, #tpu.memory_space<hbm>> -> memref<1x40x128xi32, #tpu.memory_space<hbm>>
      %dma_wait3A_27 = tpu.memref_squeeze %dma_wait3A_26 : memref<1x40x128xi32, #tpu.memory_space<hbm>> -> memref<40x128xi32, #tpu.memory_space<hbm>>
      tpu.wait_dma2 semaphore(%run_scoped3A : memref<!tpu.dma_semaphore, #tpu.memory_space<semaphore_mem>>) src(%dma_wait3A_27 : memref<40x128xi32, #tpu.memory_space<hbm>>) dst(%arg7 : memref<40x128xi32, #tpu.memory_space<vmem>>)
      tpu.yield
    }) : () -> ()
    "tpu.region"() ({
      %run_scoped3A = tpu.sem_alloc : memref<!tpu.dma_semaphore, #tpu.memory_space<semaphore_mem>>
      %dma_start3A = arith.constant 0 : i32
      %dma_start3A_14 = arith.constant 0 : i32
      %dma_start3A_15 = tpu.memref_slice %arg4[%add3A, %dma_start3A, %dma_start3A_14] : memref<32x40x128xi32, #tpu.memory_space<hbm>> -> memref<1x40x128xi32, #tpu.memory_space<hbm>>
      %dma_start3A_16 = tpu.memref_squeeze %dma_start3A_15 : memref<1x40x128xi32, #tpu.memory_space<hbm>> -> memref<40x128xi32, #tpu.memory_space<hbm>>
      %dma_start3A_17 = arith.constant 0 : i32
      %dma_start3A_18 = arith.constant 0 : i32
      %dma_start3A_19 = tpu.memref_slice %arg4[%add3A, %dma_start3A_17, %dma_start3A_18] : memref<32x40x128xi32, #tpu.memory_space<hbm>> -> memref<1x40x128xi32, #tpu.memory_space<hbm>>
      %dma_start3A_20 = tpu.memref_squeeze %dma_start3A_19 : memref<1x40x128xi32, #tpu.memory_space<hbm>> -> memref<40x128xi32, #tpu.memory_space<hbm>>
      tpu.enqueue_dma source(%dma_start3A_20 : memref<40x128xi32, #tpu.memory_space<hbm>>) target(%arg8 : memref<40x128xi32, #tpu.memory_space<vmem>>) target_semaphore(%run_scoped3A : memref<!tpu.dma_semaphore, #tpu.memory_space<semaphore_mem>>)
      %dma_wait3A = arith.constant 0 : i32
      %dma_wait3A_21 = arith.constant 0 : i32
      %dma_wait3A_22 = tpu.memref_slice %arg4[%add3A, %dma_wait3A, %dma_wait3A_21] : memref<32x40x128xi32, #tpu.memory_space<hbm>> -> memref<1x40x128xi32, #tpu.memory_space<hbm>>
      %dma_wait3A_23 = tpu.memref_squeeze %dma_wait3A_22 : memref<1x40x128xi32, #tpu.memory_space<hbm>> -> memref<40x128xi32, #tpu.memory_space<hbm>>
      %dma_wait3A_24 = arith.constant 0 : i32
      %dma_wait3A_25 = arith.constant 0 : i32
      %dma_wait3A_26 = tpu.memref_slice %arg4[%add3A, %dma_wait3A_24, %dma_wait3A_25] : memref<32x40x128xi32, #tpu.memory_space<hbm>> -> memref<1x40x128xi32, #tpu.memory_space<hbm>>
      %dma_wait3A_27 = tpu.memref_squeeze %dma_wait3A_26 : memref<1x40x128xi32, #tpu.memory_space<hbm>> -> memref<40x128xi32, #tpu.memory_space<hbm>>
      tpu.wait_dma2 semaphore(%run_scoped3A : memref<!tpu.dma_semaphore, #tpu.memory_space<semaphore_mem>>) src(%dma_wait3A_27 : memref<40x128xi32, #tpu.memory_space<hbm>>) dst(%arg8 : memref<40x128xi32, #tpu.memory_space<vmem>>)
      tpu.yield
    }) : () -> ()
    %scan3A = arith.constant 0 : i32
    %scan3A_3 = arith.constant 0 : i32
    %scan3A_4 = arith.constant 40 : i32
    %scan3A_5 = arith.addi %scan3A_3, %scan3A_4 : i32
    %scan3A_6 = arith.constant 1 : i32
    scf.for %scan3A_14 = %scan3A_3 to %scan3A_5 step %scan3A_6  : i32 {
      %dma_start3A = arith.constant 0 : i32
      %dma_start3A_15 = tpu.memref_slice %arg7[%scan3A_14, %dma_start3A] : memref<40x128xi32, #tpu.memory_space<vmem>> -> memref<1x128xi32, #tpu.memory_space<vmem>>
      %dma_start3A_16 = tpu.memref_squeeze %dma_start3A_15 : memref<1x128xi32, #tpu.memory_space<vmem>> -> memref<128xi32, #tpu.memory_space<vmem>>
      %dma_start3A_17 = arith.constant 0 : i32
      %dma_start3A_18 = arith.constant 0 : i32
      %dma_start3A_19 = tpu.memref_slice %arg2[%dma_start3A_17, %dma_start3A_18] : memref<10240x128xf32, #tpu.memory_space<hbm>> -> memref<10240x128xf32, #tpu.memory_space<hbm>>
      tpu.enqueue_indirect_dma source(%dma_start3A_19 : memref<10240x128xf32, #tpu.memory_space<hbm>>) target(%arg9 : memref<128x128xf32, #tpu.memory_space<vmem>>) offsets(%dma_start3A_16 : memref<128xi32, #tpu.memory_space<vmem>>) semaphore(%arg11 : memref<!tpu.dma_semaphore, #tpu.memory_space<semaphore_mem>>)
      %dma_wait3A = arith.constant 0 : i32
      %dma_wait3A_20 = tpu.memref_slice %arg7[%scan3A_14, %dma_wait3A] : memref<40x128xi32, #tpu.memory_space<vmem>> -> memref<1x128xi32, #tpu.memory_space<vmem>>
      %dma_wait3A_21 = tpu.memref_squeeze %dma_wait3A_20 : memref<1x128xi32, #tpu.memory_space<vmem>> -> memref<128xi32, #tpu.memory_space<vmem>>
      %dma_wait3A_22 = arith.constant 0 : i32
      %dma_wait3A_23 = arith.constant 0 : i32
      %dma_wait3A_24 = tpu.memref_slice %arg2[%dma_wait3A_22, %dma_wait3A_23] : memref<10240x128xf32, #tpu.memory_space<hbm>> -> memref<10240x128xf32, #tpu.memory_space<hbm>>
      tpu.wait_indirect_dma semaphore(%arg11 : memref<!tpu.dma_semaphore, #tpu.memory_space<semaphore_mem>>) src(%dma_wait3A_24 : memref<10240x128xf32, #tpu.memory_space<hbm>>) dst(%arg9 : memref<128x128xf32, #tpu.memory_space<vmem>>)
      "tpu.region"() ({
        %run_scoped3A = tpu.sem_alloc : memref<!tpu.dma_semaphore, #tpu.memory_space<semaphore_mem>>
        %dma_start3A_25 = arith.constant 0 : i32
        %dma_start3A_26 = tpu.memref_slice %arg8[%scan3A_14, %dma_start3A_25] : memref<40x128xi32, #tpu.memory_space<vmem>> -> memref<1x128xi32, #tpu.memory_space<vmem>>
        %dma_start3A_27 = tpu.memref_squeeze %dma_start3A_26 : memref<1x128xi32, #tpu.memory_space<vmem>> -> memref<128xi32, #tpu.memory_space<vmem>>
        %dma_start3A_28 = arith.constant 0 : i32
        %dma_start3A_29 = arith.constant 0 : i32
        %dma_start3A_30 = tpu.memref_slice %arg10[%dma_start3A_28, %dma_start3A_29] : memref<10240x128xf32, #tpu.memory_space<vmem_shared>> -> memref<10240x128xf32, #tpu.memory_space<vmem_shared>>
        tpu.enqueue_indirect_dma source(%arg9 : memref<128x128xf32, #tpu.memory_space<vmem>>) target(%dma_start3A_30 : memref<10240x128xf32, #tpu.memory_space<vmem_shared>>) offsets(%dma_start3A_27 : memref<128xi32, #tpu.memory_space<vmem>>) semaphore(%run_scoped3A : memref<!tpu.dma_semaphore, #tpu.memory_space<semaphore_mem>>) {add = true}
        %dma_wait3A_31 = arith.constant 0 : i32
        %dma_wait3A_32 = tpu.memref_slice %arg8[%scan3A_14, %dma_wait3A_31] : memref<40x128xi32, #tpu.memory_space<vmem>> -> memref<1x128xi32, #tpu.memory_space<vmem>>
        %dma_wait3A_33 = tpu.memref_squeeze %dma_wait3A_32 : memref<1x128xi32, #tpu.memory_space<vmem>> -> memref<128xi32, #tpu.memory_space<vmem>>
        %dma_wait3A_34 = arith.constant 0 : i32
        %dma_wait3A_35 = arith.constant 0 : i32
        %dma_wait3A_36 = tpu.memref_slice %arg10[%dma_wait3A_34, %dma_wait3A_35] : memref<10240x128xf32, #tpu.memory_space<vmem_shared>> -> memref<10240x128xf32, #tpu.memory_space<vmem_shared>>
        tpu.wait_indirect_dma semaphore(%run_scoped3A : memref<!tpu.dma_semaphore, #tpu.memory_space<semaphore_mem>>) src(%arg9 : memref<128x128xf32, #tpu.memory_space<vmem>>) dst(%dma_wait3A_36 : memref<10240x128xf32, #tpu.memory_space<vmem_shared>>)
        tpu.yield
      }) : () -> ()
    }
    %scan3A_7 = arith.constant 40 : i32
    %barrier3A_8 = arith.constant 0 : index
    tpu.barrier barrier_id(%barrier3A_8)
    %eq3A_9 = arith.constant 0 : i32
    %eq3A_10 = arith.cmpi eq, %arg1, %eq3A_9 : i32
    %convert_element_type3A_11 = arith.extui %eq3A_10 : i1 to i32
    %cond3A_12 = arith.constant 0 : i32
    %cond3A_13 = arith.cmpi ne, %convert_element_type3A_11, %cond3A_12 : i32
    scf.if %cond3A_13 {
      "tpu.region"() ({
        %run_scoped3A = tpu.sem_alloc : memref<!tpu.dma_semaphore, #tpu.memory_space<semaphore_mem>>
        %dma_start3A = arith.constant 0 : i32
        %dma_start3A_14 = arith.constant 0 : i32
        %dma_start3A_15 = tpu.memref_slice %arg6[%arg0, %dma_start3A, %dma_start3A_14] : memref<2x10240x128xf32, #tpu.memory_space<hbm>> -> memref<1x10240x128xf32, #tpu.memory_space<hbm>>
        %dma_start3A_16 = tpu.memref_squeeze %dma_start3A_15 : memref<1x10240x128xf32, #tpu.memory_space<hbm>> -> memref<10240x128xf32, #tpu.memory_space<hbm>>
        tpu.enqueue_dma source(%arg10 : memref<10240x128xf32, #tpu.memory_space<vmem_shared>>) target(%dma_start3A_16 : memref<10240x128xf32, #tpu.memory_space<hbm>>) target_semaphore(%run_scoped3A : memref<!tpu.dma_semaphore, #tpu.memory_space<semaphore_mem>>)
        %dma_wait3A = arith.constant 0 : i32
        %dma_wait3A_17 = arith.constant 0 : i32
        %dma_wait3A_18 = tpu.memref_slice %arg6[%arg0, %dma_wait3A, %dma_wait3A_17] : memref<2x10240x128xf32, #tpu.memory_space<hbm>> -> memref<1x10240x128xf32, #tpu.memory_space<hbm>>
        %dma_wait3A_19 = tpu.memref_squeeze %dma_wait3A_18 : memref<1x10240x128xf32, #tpu.memory_space<hbm>> -> memref<10240x128xf32, #tpu.memory_space<hbm>>
        tpu.wait_dma2 semaphore(%run_scoped3A : memref<!tpu.dma_semaphore, #tpu.memory_space<semaphore_mem>>) src(%arg10 : memref<10240x128xf32, #tpu.memory_space<vmem_shared>>) dst(%dma_wait3A_19 : memref<10240x128xf32, #tpu.memory_space<hbm>>)
        tpu.yield
      }) : () -> ()
    } else {
    }
    return
  }
}

#map = affine_map<(d0, d1) -> (0, 0)>
#map1 = affine_map<(d0, d1) -> (0, 0, 0)>
module attributes {stable_mosaic.version = 14 : i64} {
  func.func @gcn(%arg0: i32, %arg1: i32, %arg2: memref<10240x128xf32, #tpu.memory_space<hbm>>, %arg3: memref<32x40x128xi32, #tpu.memory_space<hbm>>, %arg4: memref<32x40x128xi32, #tpu.memory_space<hbm>>, %arg5: memref<10240x128xf32, #tpu.memory_space<hbm>>, %arg6: memref<2x10240x128xf32, #tpu.memory_space<hbm>>, %arg7: memref<40x128xi32, #tpu.memory_space<vmem>>, %arg8: memref<40x128xi32, #tpu.memory_space<vmem>>, %arg9: memref<128x128xf32, #tpu.memory_space<vmem>>, %arg10: memref<10240x128xf32, #tpu.memory_space<vmem_shared>>, %arg11: memref<!tpu.dma_semaphore, #tpu.memory_space<semaphore_mem>>) attributes {dimension_semantics = [#tpu.dimension_semantics<core_parallel>, #tpu.dimension_semantics<subcore_parallel>], iteration_bounds = array<i64: 2, 16>, scalar_prefetch = 0 : i64, scratch_operands = 5 : i64, tpu.core_type = #tpu.core_type<sc_vector_subcore>, window_params = [{transform_indices = #map}, {transform_indices = #map1}, {transform_indices = #map1}, {transform_indices = #map}, {transform_indices = #map1}]} {
    %mul3A = arith.constant 2 : i32
    %mul3A_0 = arith.muli %arg1, %mul3A : i32
    %add3A = arith.addi %mul3A_0, %arg0 : i32
    %eq3A = arith.constant 0 : i32
    %eq3A_1 = arith.cmpi eq, %arg1, %eq3A : i32
    %convert_element_type3A = arith.extui %eq3A_1 : i1 to i32
    %cond3A = arith.constant 0 : i32
    %cond3A_2 = arith.cmpi ne, %convert_element_type3A, %cond3A : i32
    scf.if %cond3A_2 {
      "tpu.region"() ({
        %run_scoped3A = tpu.sem_alloc : memref<!tpu.dma_semaphore, #tpu.memory_space<semaphore_mem>>
        tpu.enqueue_dma source(%arg5 : memref<10240x128xf32, #tpu.memory_space<hbm>>) target(%arg10 : memref<10240x128xf32, #tpu.memory_space<vmem_shared>>) target_semaphore(%run_scoped3A : memref<!tpu.dma_semaphore, #tpu.memory_space<semaphore_mem>>)
        tpu.wait_dma2 semaphore(%run_scoped3A : memref<!tpu.dma_semaphore, #tpu.memory_space<semaphore_mem>>) src(%arg5 : memref<10240x128xf32, #tpu.memory_space<hbm>>) dst(%arg10 : memref<10240x128xf32, #tpu.memory_space<vmem_shared>>)
        tpu.yield
      }) : () -> ()
    } else {
    }
    %barrier3A = arith.constant 0 : index
    tpu.barrier barrier_id(%barrier3A)
    "tpu.region"() ({
      %run_scoped3A = tpu.sem_alloc : memref<!tpu.dma_semaphore, #tpu.memory_space<semaphore_mem>>
      %dma_start3A = arith.constant 0 : i32
      %dma_start3A_14 = arith.constant 0 : i32
      %dma_start3A_15 = tpu.memref_slice %arg3[%add3A, %dma_start3A, %dma_start3A_14] : memref<32x40x128xi32, #tpu.memory_space<hbm>> -> memref<1x40x128xi32, #tpu.memory_space<hbm>>
      %dma_start3A_16 = tpu.memref_squeeze %dma_start3A_15 : memref<1x40x128xi32, #tpu.memory_space<hbm>> -> memref<40x128xi32, #tpu.memory_space<hbm>>
      %dma_start3A_17 = arith.constant 0 : i32
      %dma_start3A_18 = arith.constant 0 : i32
      %dma_start3A_19 = tpu.memref_slice %arg3[%add3A, %dma_start3A_17, %dma_start3A_18] : memref<32x40x128xi32, #tpu.memory_space<hbm>> -> memref<1x40x128xi32, #tpu.memory_space<hbm>>
      %dma_start3A_20 = tpu.memref_squeeze %dma_start3A_19 : memref<1x40x128xi32, #tpu.memory_space<hbm>> -> memref<40x128xi32, #tpu.memory_space<hbm>>
      tpu.enqueue_dma source(%dma_start3A_20 : memref<40x128xi32, #tpu.memory_space<hbm>>) target(%arg7 : memref<40x128xi32, #tpu.memory_space<vmem>>) target_semaphore(%run_scoped3A : memref<!tpu.dma_semaphore, #tpu.memory_space<semaphore_mem>>)
      %dma_wait3A = arith.constant 0 : i32
      %dma_wait3A_21 = arith.constant 0 : i32
      %dma_wait3A_22 = tpu.memref_slice %arg3[%add3A, %dma_wait3A, %dma_wait3A_21] : memref<32x40x128xi32, #tpu.memory_space<hbm>> -> memref<1x40x128xi32, #tpu.memory_space<hbm>>
      %dma_wait3A_23 = tpu.memref_squeeze %dma_wait3A_22 : memref<1x40x128xi32, #tpu.memory_space<hbm>> -> memref<40x128xi32, #tpu.memory_space<hbm>>
      %dma_wait3A_24 = arith.constant 0 : i32
      %dma_wait3A_25 = arith.constant 0 : i32
      %dma_wait3A_26 = tpu.memref_slice %arg3[%add3A, %dma_wait3A_24, %dma_wait3A_25] : memref<32x40x128xi32, #tpu.memory_space<hbm>> -> memref<1x40x128xi32, #tpu.memory_space<hbm>>
      %dma_wait3A_27 = tpu.memref_squeeze %dma_wait3A_26 : memref<1x40x128xi32, #tpu.memory_space<hbm>> -> memref<40x128xi32, #tpu.memory_space<hbm>>
      tpu.wait_dma2 semaphore(%run_scoped3A : memref<!tpu.dma_semaphore, #tpu.memory_space<semaphore_mem>>) src(%dma_wait3A_27 : memref<40x128xi32, #tpu.memory_space<hbm>>) dst(%arg7 : memref<40x128xi32, #tpu.memory_space<vmem>>)
      tpu.yield
    }) : () -> ()
    "tpu.region"() ({
      %run_scoped3A = tpu.sem_alloc : memref<!tpu.dma_semaphore, #tpu.memory_space<semaphore_mem>>
      %dma_start3A = arith.constant 0 : i32
      %dma_start3A_14 = arith.constant 0 : i32
      %dma_start3A_15 = tpu.memref_slice %arg4[%add3A, %dma_start3A, %dma_start3A_14] : memref<32x40x128xi32, #tpu.memory_space<hbm>> -> memref<1x40x128xi32, #tpu.memory_space<hbm>>
      %dma_start3A_16 = tpu.memref_squeeze %dma_start3A_15 : memref<1x40x128xi32, #tpu.memory_space<hbm>> -> memref<40x128xi32, #tpu.memory_space<hbm>>
      %dma_start3A_17 = arith.constant 0 : i32
      %dma_start3A_18 = arith.constant 0 : i32
      %dma_start3A_19 = tpu.memref_slice %arg4[%add3A, %dma_start3A_17, %dma_start3A_18] : memref<32x40x128xi32, #tpu.memory_space<hbm>> -> memref<1x40x128xi32, #tpu.memory_space<hbm>>
      %dma_start3A_20 = tpu.memref_squeeze %dma_start3A_19 : memref<1x40x128xi32, #tpu.memory_space<hbm>> -> memref<40x128xi32, #tpu.memory_space<hbm>>
      tpu.enqueue_dma source(%dma_start3A_20 : memref<40x128xi32, #tpu.memory_space<hbm>>) target(%arg8 : memref<40x128xi32, #tpu.memory_space<vmem>>) target_semaphore(%run_scoped3A : memref<!tpu.dma_semaphore, #tpu.memory_space<semaphore_mem>>)
      %dma_wait3A = arith.constant 0 : i32
      %dma_wait3A_21 = arith.constant 0 : i32
      %dma_wait3A_22 = tpu.memref_slice %arg4[%add3A, %dma_wait3A, %dma_wait3A_21] : memref<32x40x128xi32, #tpu.memory_space<hbm>> -> memref<1x40x128xi32, #tpu.memory_space<hbm>>
      %dma_wait3A_23 = tpu.memref_squeeze %dma_wait3A_22 : memref<1x40x128xi32, #tpu.memory_space<hbm>> -> memref<40x128xi32, #tpu.memory_space<hbm>>
      %dma_wait3A_24 = arith.constant 0 : i32
      %dma_wait3A_25 = arith.constant 0 : i32
      %dma_wait3A_26 = tpu.memref_slice %arg4[%add3A, %dma_wait3A_24, %dma_wait3A_25] : memref<32x40x128xi32, #tpu.memory_space<hbm>> -> memref<1x40x128xi32, #tpu.memory_space<hbm>>
      %dma_wait3A_27 = tpu.memref_squeeze %dma_wait3A_26 : memref<1x40x128xi32, #tpu.memory_space<hbm>> -> memref<40x128xi32, #tpu.memory_space<hbm>>
      tpu.wait_dma2 semaphore(%run_scoped3A : memref<!tpu.dma_semaphore, #tpu.memory_space<semaphore_mem>>) src(%dma_wait3A_27 : memref<40x128xi32, #tpu.memory_space<hbm>>) dst(%arg8 : memref<40x128xi32, #tpu.memory_space<vmem>>)
      tpu.yield
    }) : () -> ()
    %scan3A = arith.constant 0 : i32
    %scan3A_3 = arith.constant 0 : i32
    %scan3A_4 = arith.constant 40 : i32
    %scan3A_5 = arith.addi %scan3A_3, %scan3A_4 : i32
    %scan3A_6 = arith.constant 1 : i32
    scf.for %scan3A_14 = %scan3A_3 to %scan3A_5 step %scan3A_6  : i32 {
      %dma_start3A = arith.constant 0 : i32
      %dma_start3A_15 = tpu.memref_slice %arg7[%scan3A_14, %dma_start3A] : memref<40x128xi32, #tpu.memory_space<vmem>> -> memref<1x128xi32, #tpu.memory_space<vmem>>
      %dma_start3A_16 = tpu.memref_squeeze %dma_start3A_15 : memref<1x128xi32, #tpu.memory_space<vmem>> -> memref<128xi32, #tpu.memory_space<vmem>>
      %dma_start3A_17 = arith.constant 0 : i32
      %dma_start3A_18 = arith.constant 0 : i32
      %dma_start3A_19 = tpu.memref_slice %arg2[%dma_start3A_17, %dma_start3A_18] : memref<10240x128xf32, #tpu.memory_space<hbm>> -> memref<10240x128xf32, #tpu.memory_space<hbm>>
      tpu.enqueue_indirect_dma source(%dma_start3A_19 : memref<10240x128xf32, #tpu.memory_space<hbm>>) target(%arg9 : memref<128x128xf32, #tpu.memory_space<vmem>>) offsets(%dma_start3A_16 : memref<128xi32, #tpu.memory_space<vmem>>) semaphore(%arg11 : memref<!tpu.dma_semaphore, #tpu.memory_space<semaphore_mem>>)
      %dma_wait3A = arith.constant 0 : i32
      %dma_wait3A_20 = tpu.memref_slice %arg7[%scan3A_14, %dma_wait3A] : memref<40x128xi32, #tpu.memory_space<vmem>> -> memref<1x128xi32, #tpu.memory_space<vmem>>
      %dma_wait3A_21 = tpu.memref_squeeze %dma_wait3A_20 : memref<1x128xi32, #tpu.memory_space<vmem>> -> memref<128xi32, #tpu.memory_space<vmem>>
      %dma_wait3A_22 = arith.constant 0 : i32
      %dma_wait3A_23 = arith.constant 0 : i32
      %dma_wait3A_24 = tpu.memref_slice %arg2[%dma_wait3A_22, %dma_wait3A_23] : memref<10240x128xf32, #tpu.memory_space<hbm>> -> memref<10240x128xf32, #tpu.memory_space<hbm>>
      tpu.wait_indirect_dma semaphore(%arg11 : memref<!tpu.dma_semaphore, #tpu.memory_space<semaphore_mem>>) src(%dma_wait3A_24 : memref<10240x128xf32, #tpu.memory_space<hbm>>) dst(%arg9 : memref<128x128xf32, #tpu.memory_space<vmem>>)
      "tpu.region"() ({
        %run_scoped3A = tpu.sem_alloc : memref<!tpu.dma_semaphore, #tpu.memory_space<semaphore_mem>>
        %dma_start3A_25 = arith.constant 0 : i32
        %dma_start3A_26 = tpu.memref_slice %arg8[%scan3A_14, %dma_start3A_25] : memref<40x128xi32, #tpu.memory_space<vmem>> -> memref<1x128xi32, #tpu.memory_space<vmem>>
        %dma_start3A_27 = tpu.memref_squeeze %dma_start3A_26 : memref<1x128xi32, #tpu.memory_space<vmem>> -> memref<128xi32, #tpu.memory_space<vmem>>
        %dma_start3A_28 = arith.constant 0 : i32
        %dma_start3A_29 = arith.constant 0 : i32
        %dma_start3A_30 = tpu.memref_slice %arg10[%dma_start3A_28, %dma_start3A_29] : memref<10240x128xf32, #tpu.memory_space<vmem_shared>> -> memref<10240x128xf32, #tpu.memory_space<vmem_shared>>
        tpu.enqueue_indirect_dma source(%arg9 : memref<128x128xf32, #tpu.memory_space<vmem>>) target(%dma_start3A_30 : memref<10240x128xf32, #tpu.memory_space<vmem_shared>>) offsets(%dma_start3A_27 : memref<128xi32, #tpu.memory_space<vmem>>) semaphore(%run_scoped3A : memref<!tpu.dma_semaphore, #tpu.memory_space<semaphore_mem>>) {add = true}
        %dma_wait3A_31 = arith.constant 0 : i32
        %dma_wait3A_32 = tpu.memref_slice %arg8[%scan3A_14, %dma_wait3A_31] : memref<40x128xi32, #tpu.memory_space<vmem>> -> memref<1x128xi32, #tpu.memory_space<vmem>>
        %dma_wait3A_33 = tpu.memref_squeeze %dma_wait3A_32 : memref<1x128xi32, #tpu.memory_space<vmem>> -> memref<128xi32, #tpu.memory_space<vmem>>
        %dma_wait3A_34 = arith.constant 0 : i32
        %dma_wait3A_35 = arith.constant 0 : i32
        %dma_wait3A_36 = tpu.memref_slice %arg10[%dma_wait3A_34, %dma_wait3A_35] : memref<10240x128xf32, #tpu.memory_space<vmem_shared>> -> memref<10240x128xf32, #tpu.memory_space<vmem_shared>>
        tpu.wait_indirect_dma semaphore(%run_scoped3A : memref<!tpu.dma_semaphore, #tpu.memory_space<semaphore_mem>>) src(%arg9 : memref<128x128xf32, #tpu.memory_space<vmem>>) dst(%dma_wait3A_36 : memref<10240x128xf32, #tpu.memory_space<vmem_shared>>)
        tpu.yield
      }) : () -> ()
    }
    %scan3A_7 = arith.constant 40 : i32
    %barrier3A_8 = arith.constant 0 : index
    tpu.barrier barrier_id(%barrier3A_8)
    %eq3A_9 = arith.constant 0 : i32
    %eq3A_10 = arith.cmpi eq, %arg1, %eq3A_9 : i32
    %convert_element_type3A_11 = arith.extui %eq3A_10 : i1 to i32
    %cond3A_12 = arith.constant 0 : i32
    %cond3A_13 = arith.cmpi ne, %convert_element_type3A_11, %cond3A_12 : i32
    scf.if %cond3A_13 {
      "tpu.region"() ({
        %run_scoped3A = tpu.sem_alloc : memref<!tpu.dma_semaphore, #tpu.memory_space<semaphore_mem>>
        %dma_start3A = arith.constant 0 : i32
        %dma_start3A_14 = arith.constant 0 : i32
        %dma_start3A_15 = tpu.memref_slice %arg6[%arg0, %dma_start3A, %dma_start3A_14] : memref<2x10240x128xf32, #tpu.memory_space<hbm>> -> memref<1x10240x128xf32, #tpu.memory_space<hbm>>
        %dma_start3A_16 = tpu.memref_squeeze %dma_start3A_15 : memref<1x10240x128xf32, #tpu.memory_space<hbm>> -> memref<10240x128xf32, #tpu.memory_space<hbm>>
        tpu.enqueue_dma source(%arg10 : memref<10240x128xf32, #tpu.memory_space<vmem_shared>>) target(%dma_start3A_16 : memref<10240x128xf32, #tpu.memory_space<hbm>>) target_semaphore(%run_scoped3A : memref<!tpu.dma_semaphore, #tpu.memory_space<semaphore_mem>>)
        %dma_wait3A = arith.constant 0 : i32
        %dma_wait3A_17 = arith.constant 0 : i32
        %dma_wait3A_18 = tpu.memref_slice %arg6[%arg0, %dma_wait3A, %dma_wait3A_17] : memref<2x10240x128xf32, #tpu.memory_space<hbm>> -> memref<1x10240x128xf32, #tpu.memory_space<hbm>>
        %dma_wait3A_19 = tpu.memref_squeeze %dma_wait3A_18 : memref<1x10240x128xf32, #tpu.memory_space<hbm>> -> memref<10240x128xf32, #tpu.memory_space<hbm>>
        tpu.wait_dma2 semaphore(%run_scoped3A : memref<!tpu.dma_semaphore, #tpu.memory_space<semaphore_mem>>) src(%arg10 : memref<10240x128xf32, #tpu.memory_space<vmem_shared>>) dst(%dma_wait3A_19 : memref<10240x128xf32, #tpu.memory_space<hbm>>)
        tpu.yield
      }) : () -> ()
    } else {
    }
    return
  }
}

module attributes {stable_mosaic.version = 14 : i64} {
  func.func @body(%arg0: i32, %arg1: memref<1024x37xf32, #tpu.memory_space<vmem>>, %arg2: memref<37x16xf32, #tpu.memory_space<vmem>>, %arg3: memref<1x16xf32, #tpu.memory_space<vmem>>, %arg4: memref<1024x16xf32, #tpu.memory_space<vmem>>) attributes {dimension_semantics = [#tpu.dimension_semantics<arbitrary>], iteration_bounds = array<i64: 10>, scalar_prefetch = 0 : i64, scratch_operands = 0 : i64, tpu.core_type = #tpu.core_type<tc>, window_params = [{transform_indices = @transform_0, window_bounds = array<i64: 1024, 37>}, {pipeline_mode = #tpu.pipeline_mode<synchronous>, transform_indices = @transform_1, window_bounds = array<i64: 37, 16>}, {pipeline_mode = #tpu.pipeline_mode<synchronous>, transform_indices = @transform_2, window_bounds = array<i64: 1, 16>}, {transform_indices = @transform_3, window_bounds = array<i64: 1024, 16>}]} {
    %get3A = arith.constant 0 : index
    %get3A_0 = arith.constant 0 : index
    %get3A_1 = vector.load %arg1[%get3A, %get3A_0] : memref<1024x37xf32, #tpu.memory_space<vmem>>, vector<1024x37xf32>
    %get3A_2 = arith.constant 0 : index
    %get3A_3 = arith.constant 0 : index
    %get3A_4 = vector.load %arg2[%get3A_2, %get3A_3] : memref<37x16xf32, #tpu.memory_space<vmem>>, vector<37x16xf32>
    %dot_general3A = arith.constant dense<0.000000e+00> : vector<1024x16xf32>
    %dot_general3A_5 = tpu.matmul %get3A_1, %get3A_4, %dot_general3A {dimension_numbers = #tpu.dot_dimension_numbers<[1], [0], [0], [1], [0, 0, 1, 1], [], []>, precision = #tpu.contract_precision<fp32>, transpose_lhs_hint = false} : vector<1024x37xf32>, vector<37x16xf32>, vector<1024x16xf32> -> vector<1024x16xf32>
    %get3A_6 = arith.constant 0 : index
    %get3A_7 = arith.constant 0 : index
    %get3A_8 = vector.load %arg3[%get3A_6, %get3A_7] : memref<1x16xf32, #tpu.memory_space<vmem>>, vector<1x16xf32>
    %add3A = vector.broadcast %get3A_8 : vector<1x16xf32> to vector<1024x16xf32>
    %add3A_9 = arith.addf %dot_general3A_5, %add3A : vector<1024x16xf32>
    %max3A = arith.constant 0.000000e+00 : f32
    %max3A_10 = vector.broadcast %max3A : f32 to vector<1024x16xf32>
    %max3A_11 = arith.maximumf %add3A_9, %max3A_10 : vector<1024x16xf32>
    %swap3A = arith.constant 0 : index
    %swap3A_12 = arith.constant 0 : index
    %swap3A_13 = vector.load %arg4[%swap3A, %swap3A_12] : memref<1024x16xf32, #tpu.memory_space<vmem>>, vector<1024x16xf32>
    tpu.vector_store %arg4[%swap3A, %swap3A_12], %max3A_11 {strides = array<i32>} : memref<1024x16xf32, #tpu.memory_space<vmem>>, vector<1024x16xf32>,
    return
  }
  func.func @transform_0(%arg0: i32) -> (i32, i32) {
    %c0_i32 = arith.constant 0 : i32
    %c0_i32_0 = arith.constant 0 : i32
    return %arg0, %c0_i32 : i32, i32
  }
  func.func @transform_1(%arg0: i32) -> (i32, i32) {
    %c0_i32 = arith.constant 0 : i32
    %c0_i32_0 = arith.constant 0 : i32
    %c0_i32_1 = arith.constant 0 : i32
    return %c0_i32, %c0_i32_0 : i32, i32
  }
  func.func @transform_2(%arg0: i32) -> (i32, i32) {
    %c0_i32 = arith.constant 0 : i32
    %c0_i32_0 = arith.constant 0 : i32
    %c0_i32_1 = arith.constant 0 : i32
    return %c0_i32, %c0_i32_0 : i32, i32
  }
  func.func @transform_3(%arg0: i32) -> (i32, i32) {
    %c0_i32 = arith.constant 0 : i32
    %c0_i32_0 = arith.constant 0 : i32
    return %arg0, %c0_i32 : i32, i32
  }
}

module attributes {stable_mosaic.version = 14 : i64} {
  func.func @body(%arg0: i32, %arg1: memref<2048x8xf32, #tpu.memory_space<vmem>>, %arg2: memref<8x128xf32, #tpu.memory_space<vmem>>, %arg3: memref<1x128xf32, #tpu.memory_space<vmem>>, %arg4: memref<128x256xf32, #tpu.memory_space<vmem>>, %arg5: memref<1x256xf32, #tpu.memory_space<vmem>>, %arg6: memref<2048x256xf32, #tpu.memory_space<vmem>>) attributes {dimension_semantics = [#tpu.dimension_semantics<arbitrary>], iteration_bounds = array<i64: 80>, scalar_prefetch = 0 : i64, scratch_operands = 0 : i64, tpu.core_type = #tpu.core_type<tc>, window_params = [{transform_indices = @transform_0, window_bounds = array<i64: 2048, 8>}, {pipeline_mode = #tpu.pipeline_mode<synchronous>, transform_indices = @transform_1, window_bounds = array<i64: 8, 128>}, {pipeline_mode = #tpu.pipeline_mode<synchronous>, transform_indices = @transform_2, window_bounds = array<i64: 1, 128>}, {pipeline_mode = #tpu.pipeline_mode<synchronous>, transform_indices = @transform_3, window_bounds = array<i64: 128, 256>}, {pipeline_mode = #tpu.pipeline_mode<synchronous>, transform_indices = @transform_4, window_bounds = array<i64: 1, 256>}, {transform_indices = @transform_5, window_bounds = array<i64: 2048, 256>}]} {
    %get3A = arith.constant 0 : index
    %get3A_0 = arith.constant 0 : index
    %get3A_1 = vector.load %arg1[%get3A, %get3A_0] : memref<2048x8xf32, #tpu.memory_space<vmem>>, vector<2048x8xf32>
    %get3A_2 = arith.constant 0 : index
    %get3A_3 = arith.constant 0 : index
    %get3A_4 = vector.load %arg2[%get3A_2, %get3A_3] : memref<8x128xf32, #tpu.memory_space<vmem>>, vector<8x128xf32>
    %dot_general3A = arith.constant dense<0.000000e+00> : vector<2048x128xf32>
    %dot_general3A_5 = tpu.matmul %get3A_1, %get3A_4, %dot_general3A {dimension_numbers = #tpu.dot_dimension_numbers<[1], [0], [0], [1], [0, 0, 1, 1], [], []>, precision = #tpu.contract_precision<fp32>, transpose_lhs_hint = false} : vector<2048x8xf32>, vector<8x128xf32>, vector<2048x128xf32> -> vector<2048x128xf32>
    %get3A_6 = arith.constant 0 : index
    %get3A_7 = arith.constant 0 : index
    %get3A_8 = vector.load %arg3[%get3A_6, %get3A_7] : memref<1x128xf32, #tpu.memory_space<vmem>>, vector<1x128xf32>
    %add3A = vector.broadcast %get3A_8 : vector<1x128xf32> to vector<2048x128xf32>
    %add3A_9 = arith.addf %dot_general3A_5, %add3A : vector<2048x128xf32>
    %max3A = arith.constant 0.000000e+00 : f32
    %max3A_10 = vector.broadcast %max3A : f32 to vector<2048x128xf32>
    %max3A_11 = arith.maximumf %add3A_9, %max3A_10 : vector<2048x128xf32>
    %get3A_12 = arith.constant 0 : index
    %get3A_13 = arith.constant 0 : index
    %get3A_14 = vector.load %arg4[%get3A_12, %get3A_13] : memref<128x256xf32, #tpu.memory_space<vmem>>, vector<128x256xf32>
    %dot_general3A_15 = arith.constant dense<0.000000e+00> : vector<2048x256xf32>
    %dot_general3A_16 = tpu.matmul %max3A_11, %get3A_14, %dot_general3A_15 {dimension_numbers = #tpu.dot_dimension_numbers<[1], [0], [0], [1], [0, 0, 1, 1], [], []>, precision = #tpu.contract_precision<fp32>, transpose_lhs_hint = false} : vector<2048x128xf32>, vector<128x256xf32>, vector<2048x256xf32> -> vector<2048x256xf32>
    %get3A_17 = arith.constant 0 : index
    %get3A_18 = arith.constant 0 : index
    %get3A_19 = vector.load %arg5[%get3A_17, %get3A_18] : memref<1x256xf32, #tpu.memory_space<vmem>>, vector<1x256xf32>
    %add3A_20 = vector.broadcast %get3A_19 : vector<1x256xf32> to vector<2048x256xf32>
    %add3A_21 = arith.addf %dot_general3A_16, %add3A_20 : vector<2048x256xf32>
    %swap3A = arith.constant 0 : index
    %swap3A_22 = arith.constant 0 : index
    %swap3A_23 = vector.load %arg6[%swap3A, %swap3A_22] : memref<2048x256xf32, #tpu.memory_space<vmem>>, vector<2048x256xf32>
    tpu.vector_store %arg6[%swap3A, %swap3A_22], %add3A_21 {strides = array<i32>} : memref<2048x256xf32, #tpu.memory_space<vmem>>, vector<2048x256xf32>,
    return
  }
  func.func @transform_0(%arg0: i32) -> (i32, i32) {
    %c0_i32 = arith.constant 0 : i32
    %c0_i32_0 = arith.constant 0 : i32
    return %arg0, %c0_i32 : i32, i32
  }
  func.func @transform_1(%arg0: i32) -> (i32, i32) {
    %c0_i32 = arith.constant 0 : i32
    %c0_i32_0 = arith.constant 0 : i32
    %c0_i32_1 = arith.constant 0 : i32
    return %c0_i32, %c0_i32_0 : i32, i32
  }
  func.func @transform_2(%arg0: i32) -> (i32, i32) {
    %c0_i32 = arith.constant 0 : i32
    %c0_i32_0 = arith.constant 0 : i32
    %c0_i32_1 = arith.constant 0 : i32
    return %c0_i32, %c0_i32_0 : i32, i32
  }
  func.func @transform_3(%arg0: i32) -> (i32, i32) {
    %c0_i32 = arith.constant 0 : i32
    %c0_i32_0 = arith.constant 0 : i32
    %c0_i32_1 = arith.constant 0 : i32
    return %c0_i32, %c0_i32_0 : i32, i32
  }
  func.func @transform_4(%arg0: i32) -> (i32, i32) {
    %c0_i32 = arith.constant 0 : i32
    %c0_i32_0 = arith.constant 0 : i32
    %c0_i32_1 = arith.constant 0 : i32
    return %c0_i32, %c0_i32_0 : i32, i32
  }
  func.func @transform_5(%arg0: i32) -> (i32, i32) {
    %c0_i32 = arith.constant 0 : i32
    %c0_i32_0 = arith.constant 0 : i32
    return %arg0, %c0_i32 : i32, i32
  }
}

module attributes {stable_mosaic.version = 14 : i64} {
  func.func @body(%arg0: i32, %arg1: memref<2048x16xf32, #tpu.memory_space<vmem>>, %arg2: memref<2048x256xf32, #tpu.memory_space<vmem>>, %arg3: memref<2048x16xf32, #tpu.memory_space<vmem>>) attributes {dimension_semantics = [#tpu.dimension_semantics<arbitrary>], iteration_bounds = array<i64: 80>, scalar_prefetch = 0 : i64, scratch_operands = 0 : i64, tpu.core_type = #tpu.core_type<tc>, window_params = [{transform_indices = @transform_0, window_bounds = array<i64: 2048, 16>}, {transform_indices = @transform_1, window_bounds = array<i64: 2048, 256>}, {transform_indices = @transform_2, window_bounds = array<i64: 2048, 16>}]} {
    %get3A = arith.constant 0 : index
    %get3A_0 = arith.constant 0 : index
    %get3A_1 = vector.load %arg1[%get3A, %get3A_0] : memref<2048x16xf32, #tpu.memory_space<vmem>>, vector<2048x16xf32>
    %get3A_2 = arith.constant 0 : index
    %get3A_3 = arith.constant 0 : index
    %get3A_4 = vector.load %arg2[%get3A_2, %get3A_3] : memref<2048x256xf32, #tpu.memory_space<vmem>>, vector<2048x256xf32>
    %slice3A = vector.extract_strided_slice %get3A_1 {offsets = [0, 0], sizes = [2048, 1], strides = [1, 1]} : vector<2048x16xf32> to vector<2048x1xf32>
    %slice3A_5 = vector.extract_strided_slice %get3A_4 {offsets = [0, 0], sizes = [2048, 16], strides = [1, 1]} : vector<2048x256xf32> to vector<2048x16xf32>
    %mul3A = vector.broadcast %slice3A : vector<2048x1xf32> to vector<2048x16xf32>
    %mul3A_6 = arith.mulf %mul3A, %slice3A_5 : vector<2048x16xf32>
    %slice3A_7 = vector.extract_strided_slice %get3A_1 {offsets = [0, 1], sizes = [2048, 1], strides = [1, 1]} : vector<2048x16xf32> to vector<2048x1xf32>
    %slice3A_8 = vector.extract_strided_slice %get3A_4 {offsets = [0, 16], sizes = [2048, 16], strides = [1, 1]} : vector<2048x256xf32> to vector<2048x16xf32>
    %mul3A_9 = vector.broadcast %slice3A_7 : vector<2048x1xf32> to vector<2048x16xf32>
    %mul3A_10 = arith.mulf %mul3A_9, %slice3A_8 : vector<2048x16xf32>
    %add3A = arith.addf %mul3A_6, %mul3A_10 : vector<2048x16xf32>
    %slice3A_11 = vector.extract_strided_slice %get3A_1 {offsets = [0, 2], sizes = [2048, 1], strides = [1, 1]} : vector<2048x16xf32> to vector<2048x1xf32>
    %slice3A_12 = vector.extract_strided_slice %get3A_4 {offsets = [0, 32], sizes = [2048, 16], strides = [1, 1]} : vector<2048x256xf32> to vector<2048x16xf32>
    %mul3A_13 = vector.broadcast %slice3A_11 : vector<2048x1xf32> to vector<2048x16xf32>
    %mul3A_14 = arith.mulf %mul3A_13, %slice3A_12 : vector<2048x16xf32>
    %add3A_15 = arith.addf %add3A, %mul3A_14 : vector<2048x16xf32>
    %slice3A_16 = vector.extract_strided_slice %get3A_1 {offsets = [0, 3], sizes = [2048, 1], strides = [1, 1]} : vector<2048x16xf32> to vector<2048x1xf32>
    %slice3A_17 = vector.extract_strided_slice %get3A_4 {offsets = [0, 48], sizes = [2048, 16], strides = [1, 1]} : vector<2048x256xf32> to vector<2048x16xf32>
    %mul3A_18 = vector.broadcast %slice3A_16 : vector<2048x1xf32> to vector<2048x16xf32>
    %mul3A_19 = arith.mulf %mul3A_18, %slice3A_17 : vector<2048x16xf32>
    %add3A_20 = arith.addf %add3A_15, %mul3A_19 : vector<2048x16xf32>
    %slice3A_21 = vector.extract_strided_slice %get3A_1 {offsets = [0, 4], sizes = [2048, 1], strides = [1, 1]} : vector<2048x16xf32> to vector<2048x1xf32>
    %slice3A_22 = vector.extract_strided_slice %get3A_4 {offsets = [0, 64], sizes = [2048, 16], strides = [1, 1]} : vector<2048x256xf32> to vector<2048x16xf32>
    %mul3A_23 = vector.broadcast %slice3A_21 : vector<2048x1xf32> to vector<2048x16xf32>
    %mul3A_24 = arith.mulf %mul3A_23, %slice3A_22 : vector<2048x16xf32>
    %add3A_25 = arith.addf %add3A_20, %mul3A_24 : vector<2048x16xf32>
    %slice3A_26 = vector.extract_strided_slice %get3A_1 {offsets = [0, 5], sizes = [2048, 1], strides = [1, 1]} : vector<2048x16xf32> to vector<2048x1xf32>
    %slice3A_27 = vector.extract_strided_slice %get3A_4 {offsets = [0, 80], sizes = [2048, 16], strides = [1, 1]} : vector<2048x256xf32> to vector<2048x16xf32>
    %mul3A_28 = vector.broadcast %slice3A_26 : vector<2048x1xf32> to vector<2048x16xf32>
    %mul3A_29 = arith.mulf %mul3A_28, %slice3A_27 : vector<2048x16xf32>
    %add3A_30 = arith.addf %add3A_25, %mul3A_29 : vector<2048x16xf32>
    %slice3A_31 = vector.extract_strided_slice %get3A_1 {offsets = [0, 6], sizes = [2048, 1], strides = [1, 1]} : vector<2048x16xf32> to vector<2048x1xf32>
    %slice3A_32 = vector.extract_strided_slice %get3A_4 {offsets = [0, 96], sizes = [2048, 16], strides = [1, 1]} : vector<2048x256xf32> to vector<2048x16xf32>
    %mul3A_33 = vector.broadcast %slice3A_31 : vector<2048x1xf32> to vector<2048x16xf32>
    %mul3A_34 = arith.mulf %mul3A_33, %slice3A_32 : vector<2048x16xf32>
    %add3A_35 = arith.addf %add3A_30, %mul3A_34 : vector<2048x16xf32>
    %slice3A_36 = vector.extract_strided_slice %get3A_1 {offsets = [0, 7], sizes = [2048, 1], strides = [1, 1]} : vector<2048x16xf32> to vector<2048x1xf32>
    %slice3A_37 = vector.extract_strided_slice %get3A_4 {offsets = [0, 112], sizes = [2048, 16], strides = [1, 1]} : vector<2048x256xf32> to vector<2048x16xf32>
    %mul3A_38 = vector.broadcast %slice3A_36 : vector<2048x1xf32> to vector<2048x16xf32>
    %mul3A_39 = arith.mulf %mul3A_38, %slice3A_37 : vector<2048x16xf32>
    %add3A_40 = arith.addf %add3A_35, %mul3A_39 : vector<2048x16xf32>
    %slice3A_41 = vector.extract_strided_slice %get3A_1 {offsets = [0, 8], sizes = [2048, 1], strides = [1, 1]} : vector<2048x16xf32> to vector<2048x1xf32>
    %slice3A_42 = vector.extract_strided_slice %get3A_4 {offsets = [0, 128], sizes = [2048, 16], strides = [1, 1]} : vector<2048x256xf32> to vector<2048x16xf32>
    %mul3A_43 = vector.broadcast %slice3A_41 : vector<2048x1xf32> to vector<2048x16xf32>
    %mul3A_44 = arith.mulf %mul3A_43, %slice3A_42 : vector<2048x16xf32>
    %add3A_45 = arith.addf %add3A_40, %mul3A_44 : vector<2048x16xf32>
    %slice3A_46 = vector.extract_strided_slice %get3A_1 {offsets = [0, 9], sizes = [2048, 1], strides = [1, 1]} : vector<2048x16xf32> to vector<2048x1xf32>
    %slice3A_47 = vector.extract_strided_slice %get3A_4 {offsets = [0, 144], sizes = [2048, 16], strides = [1, 1]} : vector<2048x256xf32> to vector<2048x16xf32>
    %mul3A_48 = vector.broadcast %slice3A_46 : vector<2048x1xf32> to vector<2048x16xf32>
    %mul3A_49 = arith.mulf %mul3A_48, %slice3A_47 : vector<2048x16xf32>
    %add3A_50 = arith.addf %add3A_45, %mul3A_49 : vector<2048x16xf32>
    %slice3A_51 = vector.extract_strided_slice %get3A_1 {offsets = [0, 10], sizes = [2048, 1], strides = [1, 1]} : vector<2048x16xf32> to vector<2048x1xf32>
    %slice3A_52 = vector.extract_strided_slice %get3A_4 {offsets = [0, 160], sizes = [2048, 16], strides = [1, 1]} : vector<2048x256xf32> to vector<2048x16xf32>
    %mul3A_53 = vector.broadcast %slice3A_51 : vector<2048x1xf32> to vector<2048x16xf32>
    %mul3A_54 = arith.mulf %mul3A_53, %slice3A_52 : vector<2048x16xf32>
    %add3A_55 = arith.addf %add3A_50, %mul3A_54 : vector<2048x16xf32>
    %slice3A_56 = vector.extract_strided_slice %get3A_1 {offsets = [0, 11], sizes = [2048, 1], strides = [1, 1]} : vector<2048x16xf32> to vector<2048x1xf32>
    %slice3A_57 = vector.extract_strided_slice %get3A_4 {offsets = [0, 176], sizes = [2048, 16], strides = [1, 1]} : vector<2048x256xf32> to vector<2048x16xf32>
    %mul3A_58 = vector.broadcast %slice3A_56 : vector<2048x1xf32> to vector<2048x16xf32>
    %mul3A_59 = arith.mulf %mul3A_58, %slice3A_57 : vector<2048x16xf32>
    %add3A_60 = arith.addf %add3A_55, %mul3A_59 : vector<2048x16xf32>
    %slice3A_61 = vector.extract_strided_slice %get3A_1 {offsets = [0, 12], sizes = [2048, 1], strides = [1, 1]} : vector<2048x16xf32> to vector<2048x1xf32>
    %slice3A_62 = vector.extract_strided_slice %get3A_4 {offsets = [0, 192], sizes = [2048, 16], strides = [1, 1]} : vector<2048x256xf32> to vector<2048x16xf32>
    %mul3A_63 = vector.broadcast %slice3A_61 : vector<2048x1xf32> to vector<2048x16xf32>
    %mul3A_64 = arith.mulf %mul3A_63, %slice3A_62 : vector<2048x16xf32>
    %add3A_65 = arith.addf %add3A_60, %mul3A_64 : vector<2048x16xf32>
    %slice3A_66 = vector.extract_strided_slice %get3A_1 {offsets = [0, 13], sizes = [2048, 1], strides = [1, 1]} : vector<2048x16xf32> to vector<2048x1xf32>
    %slice3A_67 = vector.extract_strided_slice %get3A_4 {offsets = [0, 208], sizes = [2048, 16], strides = [1, 1]} : vector<2048x256xf32> to vector<2048x16xf32>
    %mul3A_68 = vector.broadcast %slice3A_66 : vector<2048x1xf32> to vector<2048x16xf32>
    %mul3A_69 = arith.mulf %mul3A_68, %slice3A_67 : vector<2048x16xf32>
    %add3A_70 = arith.addf %add3A_65, %mul3A_69 : vector<2048x16xf32>
    %slice3A_71 = vector.extract_strided_slice %get3A_1 {offsets = [0, 14], sizes = [2048, 1], strides = [1, 1]} : vector<2048x16xf32> to vector<2048x1xf32>
    %slice3A_72 = vector.extract_strided_slice %get3A_4 {offsets = [0, 224], sizes = [2048, 16], strides = [1, 1]} : vector<2048x256xf32> to vector<2048x16xf32>
    %mul3A_73 = vector.broadcast %slice3A_71 : vector<2048x1xf32> to vector<2048x16xf32>
    %mul3A_74 = arith.mulf %mul3A_73, %slice3A_72 : vector<2048x16xf32>
    %add3A_75 = arith.addf %add3A_70, %mul3A_74 : vector<2048x16xf32>
    %slice3A_76 = vector.extract_strided_slice %get3A_1 {offsets = [0, 15], sizes = [2048, 1], strides = [1, 1]} : vector<2048x16xf32> to vector<2048x1xf32>
    %slice3A_77 = vector.extract_strided_slice %get3A_4 {offsets = [0, 240], sizes = [2048, 16], strides = [1, 1]} : vector<2048x256xf32> to vector<2048x16xf32>
    %mul3A_78 = vector.broadcast %slice3A_76 : vector<2048x1xf32> to vector<2048x16xf32>
    %mul3A_79 = arith.mulf %mul3A_78, %slice3A_77 : vector<2048x16xf32>
    %add3A_80 = arith.addf %add3A_75, %mul3A_79 : vector<2048x16xf32>
    %swap3A = arith.constant 0 : index
    %swap3A_81 = arith.constant 0 : index
    %swap3A_82 = vector.load %arg3[%swap3A, %swap3A_81] : memref<2048x16xf32, #tpu.memory_space<vmem>>, vector<2048x16xf32>
    tpu.vector_store %arg3[%swap3A, %swap3A_81], %add3A_80 {strides = array<i32>} : memref<2048x16xf32, #tpu.memory_space<vmem>>, vector<2048x16xf32>,
    return
  }
  func.func @transform_0(%arg0: i32) -> (i32, i32) {
    %c0_i32 = arith.constant 0 : i32
    %c0_i32_0 = arith.constant 0 : i32
    return %arg0, %c0_i32 : i32, i32
  }
  func.func @transform_1(%arg0: i32) -> (i32, i32) {
    %c0_i32 = arith.constant 0 : i32
    %c0_i32_0 = arith.constant 0 : i32
    return %arg0, %c0_i32 : i32, i32
  }
  func.func @transform_2(%arg0: i32) -> (i32, i32) {
    %c0_i32 = arith.constant 0 : i32
    %c0_i32_0 = arith.constant 0 : i32
    return %arg0, %c0_i32 : i32, i32
  }
}

module attributes {stable_mosaic.version = 14 : i64} {
  func.func @body(%arg0: i32, %arg1: memref<1024x16xf32, #tpu.memory_space<vmem>>, %arg2: memref<1024x16xf32, #tpu.memory_space<vmem>>, %arg3: memref<1024x16xf32, #tpu.memory_space<vmem>>, %arg4: memref<16x16xf32, #tpu.memory_space<vmem>>, %arg5: memref<1x16xf32, #tpu.memory_space<vmem>>, %arg6: memref<16x48xf32, #tpu.memory_space<vmem>>, %arg7: memref<1x48xf32, #tpu.memory_space<vmem>>, %arg8: memref<16x48xf32, #tpu.memory_space<vmem>>, %arg9: memref<1x48xf32, #tpu.memory_space<vmem>>, %arg10: memref<1024x16xf32, #tpu.memory_space<vmem>>) attributes {dimension_semantics = [#tpu.dimension_semantics<arbitrary>], iteration_bounds = array<i64: 10>, scalar_prefetch = 0 : i64, scratch_operands = 0 : i64, tpu.core_type = #tpu.core_type<tc>, window_params = [{transform_indices = @transform_0, window_bounds = array<i64: 1024, 16>}, {transform_indices = @transform_1, window_bounds = array<i64: 1024, 16>}, {transform_indices = @transform_2, window_bounds = array<i64: 1024, 16>}, {pipeline_mode = #tpu.pipeline_mode<synchronous>, transform_indices = @transform_3, window_bounds = array<i64: 16, 16>}, {pipeline_mode = #tpu.pipeline_mode<synchronous>, transform_indices = @transform_4, window_bounds = array<i64: 1, 16>}, {pipeline_mode = #tpu.pipeline_mode<synchronous>, transform_indices = @transform_5, window_bounds = array<i64: 16, 48>}, {pipeline_mode = #tpu.pipeline_mode<synchronous>, transform_indices = @transform_6, window_bounds = array<i64: 1, 48>}, {pipeline_mode = #tpu.pipeline_mode<synchronous>, transform_indices = @transform_7, window_bounds = array<i64: 16, 48>}, {pipeline_mode = #tpu.pipeline_mode<synchronous>, transform_indices = @transform_8, window_bounds = array<i64: 1, 48>}, {transform_indices = @transform_9, window_bounds = array<i64: 1024, 16>}]} {
    %get3A = arith.constant 0 : index
    %get3A_0 = arith.constant 0 : index
    %get3A_1 = vector.load %arg3[%get3A, %get3A_0] : memref<1024x16xf32, #tpu.memory_space<vmem>>, vector<1024x16xf32>
    %get3A_2 = arith.constant 0 : index
    %get3A_3 = arith.constant 0 : index
    %get3A_4 = vector.load %arg1[%get3A_2, %get3A_3] : memref<1024x16xf32, #tpu.memory_space<vmem>>, vector<1024x16xf32>
    %get3A_5 = arith.constant 0 : index
    %get3A_6 = arith.constant 0 : index
    %get3A_7 = vector.load %arg2[%get3A_5, %get3A_6] : memref<1024x16xf32, #tpu.memory_space<vmem>>, vector<1024x16xf32>
    %add3A = arith.addf %get3A_4, %get3A_7 : vector<1024x16xf32>
    %get3A_8 = arith.constant 0 : index
    %get3A_9 = arith.constant 0 : index
    %get3A_10 = vector.load %arg4[%get3A_8, %get3A_9] : memref<16x16xf32, #tpu.memory_space<vmem>>, vector<16x16xf32>
    %dot_general3A = arith.constant dense<0.000000e+00> : vector<1024x16xf32>
    %dot_general3A_11 = tpu.matmul %get3A_1, %get3A_10, %dot_general3A {dimension_numbers = #tpu.dot_dimension_numbers<[1], [0], [0], [1], [0, 0, 1, 1], [], []>, precision = #tpu.contract_precision<fp32>, transpose_lhs_hint = false} : vector<1024x16xf32>, vector<16x16xf32>, vector<1024x16xf32> -> vector<1024x16xf32>
    %add3A_12 = arith.addf %add3A, %dot_general3A_11 : vector<1024x16xf32>
    %get3A_13 = arith.constant 0 : index
    %get3A_14 = arith.constant 0 : index
    %get3A_15 = vector.load %arg5[%get3A_13, %get3A_14] : memref<1x16xf32, #tpu.memory_space<vmem>>, vector<1x16xf32>
    %add3A_16 = vector.broadcast %get3A_15 : vector<1x16xf32> to vector<1024x16xf32>
    %add3A_17 = arith.addf %add3A_12, %add3A_16 : vector<1024x16xf32>
    %max3A = arith.constant 0.000000e+00 : f32
    %max3A_18 = vector.broadcast %max3A : f32 to vector<1024x16xf32>
    %max3A_19 = arith.maximumf %add3A_17, %max3A_18 : vector<1024x16xf32>
    %get3A_20 = arith.constant 0 : index
    %get3A_21 = arith.constant 0 : index
    %get3A_22 = vector.load %arg6[%get3A_20, %get3A_21] : memref<16x48xf32, #tpu.memory_space<vmem>>, vector<16x48xf32>
    %dot_general3A_23 = arith.constant dense<0.000000e+00> : vector<1024x48xf32>
    %dot_general3A_24 = tpu.matmul %max3A_19, %get3A_22, %dot_general3A_23 {dimension_numbers = #tpu.dot_dimension_numbers<[1], [0], [0], [1], [0, 0, 1, 1], [], []>, precision = #tpu.contract_precision<fp32>, transpose_lhs_hint = false} : vector<1024x16xf32>, vector<16x48xf32>, vector<1024x48xf32> -> vector<1024x48xf32>
    %get3A_25 = arith.constant 0 : index
    %get3A_26 = arith.constant 0 : index
    %get3A_27 = vector.load %arg7[%get3A_25, %get3A_26] : memref<1x48xf32, #tpu.memory_space<vmem>>, vector<1x48xf32>
    %add3A_28 = vector.broadcast %get3A_27 : vector<1x48xf32> to vector<1024x48xf32>
    %add3A_29 = arith.addf %dot_general3A_24, %add3A_28 : vector<1024x48xf32>
    %get3A_30 = arith.constant 0 : index
    %get3A_31 = arith.constant 0 : index
    %get3A_32 = vector.load %arg8[%get3A_30, %get3A_31] : memref<16x48xf32, #tpu.memory_space<vmem>>, vector<16x48xf32>
    %dot_general3A_33 = arith.constant dense<0.000000e+00> : vector<1024x48xf32>
    %dot_general3A_34 = tpu.matmul %get3A_1, %get3A_32, %dot_general3A_33 {dimension_numbers = #tpu.dot_dimension_numbers<[1], [0], [0], [1], [0, 0, 1, 1], [], []>, precision = #tpu.contract_precision<fp32>, transpose_lhs_hint = false} : vector<1024x16xf32>, vector<16x48xf32>, vector<1024x48xf32> -> vector<1024x48xf32>
    %get3A_35 = arith.constant 0 : index
    %get3A_36 = arith.constant 0 : index
    %get3A_37 = vector.load %arg9[%get3A_35, %get3A_36] : memref<1x48xf32, #tpu.memory_space<vmem>>, vector<1x48xf32>
    %add3A_38 = vector.broadcast %get3A_37 : vector<1x48xf32> to vector<1024x48xf32>
    %add3A_39 = arith.addf %dot_general3A_34, %add3A_38 : vector<1024x48xf32>
    %slice3A = vector.extract_strided_slice %add3A_29 {offsets = [0, 0], sizes = [1024, 16], strides = [1, 1]} : vector<1024x48xf32> to vector<1024x16xf32>
    %slice3A_40 = vector.extract_strided_slice %add3A_39 {offsets = [0, 0], sizes = [1024, 16], strides = [1, 1]} : vector<1024x48xf32> to vector<1024x16xf32>
    %add3A_41 = arith.addf %slice3A, %slice3A_40 : vector<1024x16xf32>
    %logistic3A = arith.negf %add3A_41 : vector<1024x16xf32>
    %logistic3A_42 = math.exp %logistic3A : vector<1024x16xf32>
    %logistic3A_43 = arith.constant 1.000000e+00 : f32
    %logistic3A_44 = vector.broadcast %logistic3A_43 : f32 to vector<1024x16xf32>
    %logistic3A_45 = arith.addf %logistic3A_44, %logistic3A_42 : vector<1024x16xf32>
    %logistic3A_46 = arith.divf %logistic3A_44, %logistic3A_45 : vector<1024x16xf32>
    %slice3A_47 = vector.extract_strided_slice %add3A_29 {offsets = [0, 16], sizes = [1024, 16], strides = [1, 1]} : vector<1024x48xf32> to vector<1024x16xf32>
    %slice3A_48 = vector.extract_strided_slice %add3A_39 {offsets = [0, 16], sizes = [1024, 16], strides = [1, 1]} : vector<1024x48xf32> to vector<1024x16xf32>
    %add3A_49 = arith.addf %slice3A_47, %slice3A_48 : vector<1024x16xf32>
    %logistic3A_50 = arith.negf %add3A_49 : vector<1024x16xf32>
    %logistic3A_51 = math.exp %logistic3A_50 : vector<1024x16xf32>
    %logistic3A_52 = arith.constant 1.000000e+00 : f32
    %logistic3A_53 = vector.broadcast %logistic3A_52 : f32 to vector<1024x16xf32>
    %logistic3A_54 = arith.addf %logistic3A_53, %logistic3A_51 : vector<1024x16xf32>
    %logistic3A_55 = arith.divf %logistic3A_53, %logistic3A_54 : vector<1024x16xf32>
    %slice3A_56 = vector.extract_strided_slice %add3A_29 {offsets = [0, 32], sizes = [1024, 16], strides = [1, 1]} : vector<1024x48xf32> to vector<1024x16xf32>
    %slice3A_57 = vector.extract_strided_slice %add3A_39 {offsets = [0, 32], sizes = [1024, 16], strides = [1, 1]} : vector<1024x48xf32> to vector<1024x16xf32>
    %mul3A = arith.mulf %logistic3A_46, %slice3A_57 : vector<1024x16xf32>
    %add3A_58 = arith.addf %slice3A_56, %mul3A : vector<1024x16xf32>
    %tanh3A = math.tanh %add3A_58 : vector<1024x16xf32>
    %sub3A = arith.constant 1.000000e+00 : f32
    %sub3A_59 = vector.broadcast %sub3A : f32 to vector<1024x16xf32>
    %sub3A_60 = arith.subf %sub3A_59, %logistic3A_55 : vector<1024x16xf32>
    %mul3A_61 = arith.mulf %sub3A_60, %tanh3A : vector<1024x16xf32>
    %mul3A_62 = arith.mulf %logistic3A_55, %get3A_1 : vector<1024x16xf32>
    %add3A_63 = arith.addf %mul3A_61, %mul3A_62 : vector<1024x16xf32>
    %swap3A = arith.constant 0 : index
    %swap3A_64 = arith.constant 0 : index
    %swap3A_65 = vector.load %arg10[%swap3A, %swap3A_64] : memref<1024x16xf32, #tpu.memory_space<vmem>>, vector<1024x16xf32>
    tpu.vector_store %arg10[%swap3A, %swap3A_64], %add3A_63 {strides = array<i32>} : memref<1024x16xf32, #tpu.memory_space<vmem>>, vector<1024x16xf32>,
    return
  }
  func.func @transform_0(%arg0: i32) -> (i32, i32) {
    %c0_i32 = arith.constant 0 : i32
    %c0_i32_0 = arith.constant 0 : i32
    return %arg0, %c0_i32 : i32, i32
  }
  func.func @transform_1(%arg0: i32) -> (i32, i32) {
    %c0_i32 = arith.constant 0 : i32
    %c0_i32_0 = arith.constant 0 : i32
    return %arg0, %c0_i32 : i32, i32
  }
  func.func @transform_2(%arg0: i32) -> (i32, i32) {
    %c0_i32 = arith.constant 0 : i32
    %c0_i32_0 = arith.constant 0 : i32
    return %arg0, %c0_i32 : i32, i32
  }
  func.func @transform_3(%arg0: i32) -> (i32, i32) {
    %c0_i32 = arith.constant 0 : i32
    %c0_i32_0 = arith.constant 0 : i32
    %c0_i32_1 = arith.constant 0 : i32
    return %c0_i32, %c0_i32_0 : i32, i32
  }
  func.func @transform_4(%arg0: i32) -> (i32, i32) {
    %c0_i32 = arith.constant 0 : i32
    %c0_i32_0 = arith.constant 0 : i32
    %c0_i32_1 = arith.constant 0 : i32
    return %c0_i32, %c0_i32_0 : i32, i32
  }
  func.func @transform_5(%arg0: i32) -> (i32, i32) {
    %c0_i32 = arith.constant 0 : i32
    %c0_i32_0 = arith.constant 0 : i32
    %c0_i32_1 = arith.constant 0 : i32
    return %c0_i32, %c0_i32_0 : i32, i32
  }
  func.func @transform_6(%arg0: i32) -> (i32, i32) {
    %c0_i32 = arith.constant 0 : i32
    %c0_i32_0 = arith.constant 0 : i32
    %c0_i32_1 = arith.constant 0 : i32
    return %c0_i32, %c0_i32_0 : i32, i32
  }
  func.func @transform_7(%arg0: i32) -> (i32, i32) {
    %c0_i32 = arith.constant 0 : i32
    %c0_i32_0 = arith.constant 0 : i32
    %c0_i32_1 = arith.constant 0 : i32
    return %c0_i32, %c0_i32_0 : i32, i32
  }
  func.func @transform_8(%arg0: i32) -> (i32, i32) {
    %c0_i32 = arith.constant 0 : i32
    %c0_i32_0 = arith.constant 0 : i32
    %c0_i32_1 = arith.constant 0 : i32
    return %c0_i32, %c0_i32_0 : i32, i32
  }
  func.func @transform_9(%arg0: i32) -> (i32, i32) {
    %c0_i32 = arith.constant 0 : i32
    %c0_i32_0 = arith.constant 0 : i32
    return %arg0, %c0_i32 : i32, i32
  }
}

module attributes {stable_mosaic.version = 14 : i64} {
  func.func @body(%arg0: i32, %arg1: memref<1024x16xf32, #tpu.memory_space<vmem>>, %arg2: memref<1024x16xf32, #tpu.memory_space<vmem>>, %arg3: memref<1024x16xf32, #tpu.memory_space<vmem>>, %arg4: memref<16x128xf32, #tpu.memory_space<vmem>>, %arg5: memref<1x128xf32, #tpu.memory_space<vmem>>, %arg6: memref<128x128xf32, #tpu.memory_space<vmem>>, %arg7: memref<128x128xf32, #tpu.memory_space<vmem>>, %arg8: memref<1024x128xf32, #tpu.memory_space<vmem>>, %arg9: memref<1024x128xf32, #tpu.memory_space<vmem>>, %arg10: memref<1024x1xf32, #tpu.memory_space<vmem>>) attributes {dimension_semantics = [#tpu.dimension_semantics<arbitrary>], iteration_bounds = array<i64: 10>, scalar_prefetch = 0 : i64, scratch_operands = 0 : i64, tpu.core_type = #tpu.core_type<tc>, window_params = [{transform_indices = @transform_0, window_bounds = array<i64: 1024, 16>}, {transform_indices = @transform_1, window_bounds = array<i64: 1024, 16>}, {transform_indices = @transform_2, window_bounds = array<i64: 1024, 16>}, {pipeline_mode = #tpu.pipeline_mode<synchronous>, transform_indices = @transform_3, window_bounds = array<i64: 16, 128>}, {pipeline_mode = #tpu.pipeline_mode<synchronous>, transform_indices = @transform_4, window_bounds = array<i64: 1, 128>}, {pipeline_mode = #tpu.pipeline_mode<synchronous>, transform_indices = @transform_5, window_bounds = array<i64: 128, 128>}, {pipeline_mode = #tpu.pipeline_mode<synchronous>, transform_indices = @transform_6, window_bounds = array<i64: 128, 128>}, {transform_indices = @transform_7, window_bounds = array<i64: 1024, 128>}, {transform_indices = @transform_8, window_bounds = array<i64: 1024, 128>}, {transform_indices = @transform_9, window_bounds = array<i64: 1024, 1>}]} {
    %get3A = arith.constant 0 : index
    %get3A_0 = arith.constant 0 : index
    %get3A_1 = vector.load %arg2[%get3A, %get3A_0] : memref<1024x16xf32, #tpu.memory_space<vmem>>, vector<1024x1xf32>
    %get3A_2 = arith.constant 0 : index
    %get3A_3 = arith.constant 0 : index
    %get3A_4 = vector.load %arg3[%get3A_2, %get3A_3] : memref<1024x16xf32, #tpu.memory_space<vmem>>, vector<1024x1xf32>
    %add3A = arith.addf %get3A_1, %get3A_4 : vector<1024x1xf32>
    %add3A_5 = arith.constant 1.000000e+00 : f32
    %add3A_6 = vector.broadcast %add3A_5 : f32 to vector<1024x1xf32>
    %add3A_7 = arith.addf %add3A, %add3A_6 : vector<1024x1xf32>
    %rsqrt3A = math.rsqrt %add3A_7 : vector<1024x1xf32>
    %get3A_8 = arith.constant 0 : index
    %get3A_9 = arith.constant 0 : index
    %get3A_10 = vector.load %arg1[%get3A_8, %get3A_9] : memref<1024x16xf32, #tpu.memory_space<vmem>>, vector<1024x16xf32>
    %get3A_11 = arith.constant 0 : index
    %get3A_12 = arith.constant 0 : index
    %get3A_13 = vector.load %arg4[%get3A_11, %get3A_12] : memref<16x128xf32, #tpu.memory_space<vmem>>, vector<16x128xf32>
    %dot_general3A = arith.constant dense<0.000000e+00> : vector<1024x128xf32>
    %dot_general3A_14 = tpu.matmul %get3A_10, %get3A_13, %dot_general3A {dimension_numbers = #tpu.dot_dimension_numbers<[1], [0], [0], [1], [0, 0, 1, 1], [], []>, precision = #tpu.contract_precision<fp32>, transpose_lhs_hint = false} : vector<1024x16xf32>, vector<16x128xf32>, vector<1024x128xf32> -> vector<1024x128xf32>
    %get3A_15 = arith.constant 0 : index
    %get3A_16 = arith.constant 0 : index
    %get3A_17 = vector.load %arg5[%get3A_15, %get3A_16] : memref<1x128xf32, #tpu.memory_space<vmem>>, vector<1x128xf32>
    %add3A_18 = vector.broadcast %get3A_17 : vector<1x128xf32> to vector<1024x128xf32>
    %add3A_19 = arith.addf %dot_general3A_14, %add3A_18 : vector<1024x128xf32>
    %get3A_20 = arith.constant 0 : index
    %get3A_21 = arith.constant 0 : index
    %get3A_22 = vector.load %arg6[%get3A_20, %get3A_21] : memref<128x128xf32, #tpu.memory_space<vmem>>, vector<128x128xf32>
    %dot_general3A_23 = arith.constant dense<0.000000e+00> : vector<1024x128xf32>
    %dot_general3A_24 = tpu.matmul %add3A_19, %get3A_22, %dot_general3A_23 {dimension_numbers = #tpu.dot_dimension_numbers<[1], [0], [0], [1], [0, 0, 1, 1], [], []>, precision = #tpu.contract_precision<fp32>, transpose_lhs_hint = false} : vector<1024x128xf32>, vector<128x128xf32>, vector<1024x128xf32> -> vector<1024x128xf32>
    %mul3A = vector.broadcast %rsqrt3A : vector<1024x1xf32> to vector<1024x128xf32>
    %mul3A_25 = arith.mulf %mul3A, %dot_general3A_24 : vector<1024x128xf32>
    %swap3A = arith.constant 0 : index
    %swap3A_26 = arith.constant 0 : index
    %swap3A_27 = vector.load %arg8[%swap3A, %swap3A_26] : memref<1024x128xf32, #tpu.memory_space<vmem>>, vector<1024x128xf32>
    tpu.vector_store %arg8[%swap3A, %swap3A_26], %mul3A_25 {strides = array<i32>} : memref<1024x128xf32, #tpu.memory_space<vmem>>, vector<1024x128xf32>,
    %get3A_28 = arith.constant 0 : index
    %get3A_29 = arith.constant 0 : index
    %get3A_30 = vector.load %arg7[%get3A_28, %get3A_29] : memref<128x128xf32, #tpu.memory_space<vmem>>, vector<128x128xf32>
    %dot_general3A_31 = arith.constant dense<0.000000e+00> : vector<1024x128xf32>
    %dot_general3A_32 = tpu.matmul %add3A_19, %get3A_30, %dot_general3A_31 {dimension_numbers = #tpu.dot_dimension_numbers<[1], [0], [0], [1], [0, 0, 1, 1], [], []>, precision = #tpu.contract_precision<fp32>, transpose_lhs_hint = false} : vector<1024x128xf32>, vector<128x128xf32>, vector<1024x128xf32> -> vector<1024x128xf32>
    %mul3A_33 = vector.broadcast %rsqrt3A : vector<1024x1xf32> to vector<1024x128xf32>
    %mul3A_34 = arith.mulf %mul3A_33, %dot_general3A_32 : vector<1024x128xf32>
    %swap3A_35 = arith.constant 0 : index
    %swap3A_36 = arith.constant 0 : index
    %swap3A_37 = vector.load %arg9[%swap3A_35, %swap3A_36] : memref<1024x128xf32, #tpu.memory_space<vmem>>, vector<1024x128xf32>
    tpu.vector_store %arg9[%swap3A_35, %swap3A_36], %mul3A_34 {strides = array<i32>} : memref<1024x128xf32, #tpu.memory_space<vmem>>, vector<1024x128xf32>,
    %swap3A_38 = arith.constant 0 : index
    %swap3A_39 = arith.constant 0 : index
    %swap3A_40 = vector.load %arg10[%swap3A_38, %swap3A_39] : memref<1024x1xf32, #tpu.memory_space<vmem>>, vector<1024x1xf32>
    tpu.vector_store %arg10[%swap3A_38, %swap3A_39], %rsqrt3A {strides = array<i32>} : memref<1024x1xf32, #tpu.memory_space<vmem>>, vector<1024x1xf32>,
    return
  }
  func.func @transform_0(%arg0: i32) -> (i32, i32) {
    %c0_i32 = arith.constant 0 : i32
    %c0_i32_0 = arith.constant 0 : i32
    return %arg0, %c0_i32 : i32, i32
  }
  func.func @transform_1(%arg0: i32) -> (i32, i32) {
    %c0_i32 = arith.constant 0 : i32
    %c0_i32_0 = arith.constant 0 : i32
    return %arg0, %c0_i32 : i32, i32
  }
  func.func @transform_2(%arg0: i32) -> (i32, i32) {
    %c0_i32 = arith.constant 0 : i32
    %c0_i32_0 = arith.constant 0 : i32
    return %arg0, %c0_i32 : i32, i32
  }
  func.func @transform_3(%arg0: i32) -> (i32, i32) {
    %c0_i32 = arith.constant 0 : i32
    %c0_i32_0 = arith.constant 0 : i32
    %c0_i32_1 = arith.constant 0 : i32
    return %c0_i32, %c0_i32_0 : i32, i32
  }
  func.func @transform_4(%arg0: i32) -> (i32, i32) {
    %c0_i32 = arith.constant 0 : i32
    %c0_i32_0 = arith.constant 0 : i32
    %c0_i32_1 = arith.constant 0 : i32
    return %c0_i32, %c0_i32_0 : i32, i32
  }
  func.func @transform_5(%arg0: i32) -> (i32, i32) {
    %c0_i32 = arith.constant 0 : i32
    %c0_i32_0 = arith.constant 0 : i32
    %c0_i32_1 = arith.constant 0 : i32
    return %c0_i32, %c0_i32_0 : i32, i32
  }
  func.func @transform_6(%arg0: i32) -> (i32, i32) {
    %c0_i32 = arith.constant 0 : i32
    %c0_i32_0 = arith.constant 0 : i32
    %c0_i32_1 = arith.constant 0 : i32
    return %c0_i32, %c0_i32_0 : i32, i32
  }
  func.func @transform_7(%arg0: i32) -> (i32, i32) {
    %c0_i32 = arith.constant 0 : i32
    %c0_i32_0 = arith.constant 0 : i32
    return %arg0, %c0_i32 : i32, i32
  }
  func.func @transform_8(%arg0: i32) -> (i32, i32) {
    %c0_i32 = arith.constant 0 : i32
    %c0_i32_0 = arith.constant 0 : i32
    return %arg0, %c0_i32 : i32, i32
  }
  func.func @transform_9(%arg0: i32) -> (i32, i32) {
    %c0_i32 = arith.constant 0 : i32
    %c0_i32_0 = arith.constant 0 : i32
    return %arg0, %c0_i32 : i32, i32
  }
}

module attributes {stable_mosaic.version = 14 : i64} {
  func.func @body(%arg0: i32, %arg1: memref<1024x128xf32, #tpu.memory_space<vmem>>, %arg2: memref<1024x128xf32, #tpu.memory_space<vmem>>, %arg3: memref<1024x128xf32, #tpu.memory_space<vmem>>, %arg4: memref<1024x128xf32, #tpu.memory_space<vmem>>, %arg5: memref<1024x128xf32, #tpu.memory_space<vmem>>, %arg6: memref<1024x128xf32, #tpu.memory_space<vmem>>, %arg7: memref<1024x1xf32, #tpu.memory_space<vmem>>, %arg8: memref<1x128xf32, #tpu.memory_space<vmem>>, %arg9: memref<1x128xf32, #tpu.memory_space<vmem>>, %arg10: memref<1024x128xf32, #tpu.memory_space<vmem>>, %arg11: memref<1024x128xf32, #tpu.memory_space<vmem>>) attributes {dimension_semantics = [#tpu.dimension_semantics<arbitrary>], iteration_bounds = array<i64: 10>, scalar_prefetch = 0 : i64, scratch_operands = 0 : i64, tpu.core_type = #tpu.core_type<tc>, window_params = [{transform_indices = @transform_0, window_bounds = array<i64: 1024, 128>}, {transform_indices = @transform_1, window_bounds = array<i64: 1024, 128>}, {transform_indices = @transform_2, window_bounds = array<i64: 1024, 128>}, {transform_indices = @transform_3, window_bounds = array<i64: 1024, 128>}, {transform_indices = @transform_4, window_bounds = array<i64: 1024, 128>}, {transform_indices = @transform_5, window_bounds = array<i64: 1024, 128>}, {transform_indices = @transform_6, window_bounds = array<i64: 1024, 1>}, {pipeline_mode = #tpu.pipeline_mode<synchronous>, transform_indices = @transform_7, window_bounds = array<i64: 1, 128>}, {pipeline_mode = #tpu.pipeline_mode<synchronous>, transform_indices = @transform_8, window_bounds = array<i64: 1, 128>}, {transform_indices = @transform_9, window_bounds = array<i64: 1024, 128>}, {transform_indices = @transform_10, window_bounds = array<i64: 1024, 128>}]} {
    %get3A = arith.constant 0 : index
    %get3A_0 = arith.constant 0 : index
    %get3A_1 = vector.load %arg7[%get3A, %get3A_0] : memref<1024x1xf32, #tpu.memory_space<vmem>>, vector<1024x1xf32>
    %get3A_2 = arith.constant 0 : index
    %get3A_3 = arith.constant 0 : index
    %get3A_4 = vector.load %arg1[%get3A_2, %get3A_3] : memref<1024x128xf32, #tpu.memory_space<vmem>>, vector<1024x128xf32>
    %get3A_5 = arith.constant 0 : index
    %get3A_6 = arith.constant 0 : index
    %get3A_7 = vector.load %arg2[%get3A_5, %get3A_6] : memref<1024x128xf32, #tpu.memory_space<vmem>>, vector<1024x128xf32>
    %add3A = arith.addf %get3A_4, %get3A_7 : vector<1024x128xf32>
    %get3A_8 = arith.constant 0 : index
    %get3A_9 = arith.constant 0 : index
    %get3A_10 = vector.load %arg3[%get3A_8, %get3A_9] : memref<1024x128xf32, #tpu.memory_space<vmem>>, vector<1024x128xf32>
    %add3A_11 = arith.addf %add3A, %get3A_10 : vector<1024x128xf32>
    %mul3A = vector.broadcast %get3A_1 : vector<1024x1xf32> to vector<1024x128xf32>
    %mul3A_12 = arith.mulf %mul3A, %add3A_11 : vector<1024x128xf32>
    %get3A_13 = arith.constant 0 : index
    %get3A_14 = arith.constant 0 : index
    %get3A_15 = vector.load %arg8[%get3A_13, %get3A_14] : memref<1x128xf32, #tpu.memory_space<vmem>>, vector<1x128xf32>
    %add3A_16 = vector.broadcast %get3A_15 : vector<1x128xf32> to vector<1024x128xf32>
    %add3A_17 = arith.addf %mul3A_12, %add3A_16 : vector<1024x128xf32>
    %swap3A = arith.constant 0 : index
    %swap3A_18 = arith.constant 0 : index
    %swap3A_19 = vector.load %arg10[%swap3A, %swap3A_18] : memref<1024x128xf32, #tpu.memory_space<vmem>>, vector<1024x128xf32>
    tpu.vector_store %arg10[%swap3A, %swap3A_18], %add3A_17 {strides = array<i32>} : memref<1024x128xf32, #tpu.memory_space<vmem>>, vector<1024x128xf32>,
    %get3A_20 = arith.constant 0 : index
    %get3A_21 = arith.constant 0 : index
    %get3A_22 = vector.load %arg4[%get3A_20, %get3A_21] : memref<1024x128xf32, #tpu.memory_space<vmem>>, vector<1024x128xf32>
    %get3A_23 = arith.constant 0 : index
    %get3A_24 = arith.constant 0 : index
    %get3A_25 = vector.load %arg5[%get3A_23, %get3A_24] : memref<1024x128xf32, #tpu.memory_space<vmem>>, vector<1024x128xf32>
    %add3A_26 = arith.addf %get3A_22, %get3A_25 : vector<1024x128xf32>
    %get3A_27 = arith.constant 0 : index
    %get3A_28 = arith.constant 0 : index
    %get3A_29 = vector.load %arg6[%get3A_27, %get3A_28] : memref<1024x128xf32, #tpu.memory_space<vmem>>, vector<1024x128xf32>
    %add3A_30 = arith.addf %add3A_26, %get3A_29 : vector<1024x128xf32>
    %mul3A_31 = vector.broadcast %get3A_1 : vector<1024x1xf32> to vector<1024x128xf32>
    %mul3A_32 = arith.mulf %mul3A_31, %add3A_30 : vector<1024x128xf32>
    %get3A_33 = arith.constant 0 : index
    %get3A_34 = arith.constant 0 : index
    %get3A_35 = vector.load %arg9[%get3A_33, %get3A_34] : memref<1x128xf32, #tpu.memory_space<vmem>>, vector<1x128xf32>
    %add3A_36 = vector.broadcast %get3A_35 : vector<1x128xf32> to vector<1024x128xf32>
    %add3A_37 = arith.addf %mul3A_32, %add3A_36 : vector<1024x128xf32>
    %swap3A_38 = arith.constant 0 : index
    %swap3A_39 = arith.constant 0 : index
    %swap3A_40 = vector.load %arg11[%swap3A_38, %swap3A_39] : memref<1024x128xf32, #tpu.memory_space<vmem>>, vector<1024x128xf32>
    tpu.vector_store %arg11[%swap3A_38, %swap3A_39], %add3A_37 {strides = array<i32>} : memref<1024x128xf32, #tpu.memory_space<vmem>>, vector<1024x128xf32>,
    return
  }
  func.func @transform_0(%arg0: i32) -> (i32, i32) {
    %c0_i32 = arith.constant 0 : i32
    %c0_i32_0 = arith.constant 0 : i32
    return %arg0, %c0_i32 : i32, i32
  }
  func.func @transform_1(%arg0: i32) -> (i32, i32) {
    %c0_i32 = arith.constant 0 : i32
    %c0_i32_0 = arith.constant 0 : i32
    return %arg0, %c0_i32 : i32, i32
  }
  func.func @transform_2(%arg0: i32) -> (i32, i32) {
    %c0_i32 = arith.constant 0 : i32
    %c0_i32_0 = arith.constant 0 : i32
    return %arg0, %c0_i32 : i32, i32
  }
  func.func @transform_3(%arg0: i32) -> (i32, i32) {
    %c0_i32 = arith.constant 0 : i32
    %c0_i32_0 = arith.constant 0 : i32
    return %arg0, %c0_i32 : i32, i32
  }
  func.func @transform_4(%arg0: i32) -> (i32, i32) {
    %c0_i32 = arith.constant 0 : i32
    %c0_i32_0 = arith.constant 0 : i32
    return %arg0, %c0_i32 : i32, i32
  }
  func.func @transform_5(%arg0: i32) -> (i32, i32) {
    %c0_i32 = arith.constant 0 : i32
    %c0_i32_0 = arith.constant 0 : i32
    return %arg0, %c0_i32 : i32, i32
  }
  func.func @transform_6(%arg0: i32) -> (i32, i32) {
    %c0_i32 = arith.constant 0 : i32
    %c0_i32_0 = arith.constant 0 : i32
    return %arg0, %c0_i32 : i32, i32
  }
  func.func @transform_7(%arg0: i32) -> (i32, i32) {
    %c0_i32 = arith.constant 0 : i32
    %c0_i32_0 = arith.constant 0 : i32
    %c0_i32_1 = arith.constant 0 : i32
    return %c0_i32, %c0_i32_0 : i32, i32
  }
  func.func @transform_8(%arg0: i32) -> (i32, i32) {
    %c0_i32 = arith.constant 0 : i32
    %c0_i32_0 = arith.constant 0 : i32
    %c0_i32_1 = arith.constant 0 : i32
    return %c0_i32, %c0_i32_0 : i32, i32
  }
  func.func @transform_9(%arg0: i32) -> (i32, i32) {
    %c0_i32 = arith.constant 0 : i32
    %c0_i32_0 = arith.constant 0 : i32
    return %arg0, %c0_i32 : i32, i32
  }
  func.func @transform_10(%arg0: i32) -> (i32, i32) {
    %c0_i32 = arith.constant 0 : i32
    %c0_i32_0 = arith.constant 0 : i32
    return %arg0, %c0_i32 : i32, i32
  }
}

module attributes {stable_mosaic.version = 14 : i64} {
  func.func @body(%arg0: i32, %arg1: memref<401xi32, #tpu.memory_space<smem>>, %arg2: memref<10240x128xf32, #tpu.memory_space<vmem>>, %arg3: memref<10240x128xf32, #tpu.memory_space<vmem>>, %arg4: memref<600x128xf32, #tpu.memory_space<vmem>>, %arg5: memref<8x128xf32, #tpu.memory_space<vmem>>, %arg6: memref<128x128xf32, #tpu.memory_space<vmem>>, %arg7: memref<1x128xf32, #tpu.memory_space<vmem>>, %arg8: memref<128x128xf32, #tpu.memory_space<vmem>>, %arg9: memref<1x128xf32, #tpu.memory_space<vmem>>, %arg10: memref<128x128xf32, #tpu.memory_space<vmem>>, %arg11: memref<1x128xf32, #tpu.memory_space<vmem>>, %arg12: memref<128x128xf32, #tpu.memory_space<vmem>>, %arg13: memref<1x128xf32, #tpu.memory_space<vmem>>, %arg14: memref<128x128xf32, #tpu.memory_space<vmem>>, %arg15: memref<1x128xf32, #tpu.memory_space<vmem>>, %arg16: memref<128x128xf32, #tpu.memory_space<vmem>>, %arg17: memref<1x128xf32, #tpu.memory_space<vmem>>, %arg18: memref<128x128xf32, #tpu.memory_space<vmem>>, %arg19: memref<1x128xf32, #tpu.memory_space<vmem>>, %arg20: memref<128x128xf32, #tpu.memory_space<vmem>>, %arg21: memref<1x128xf32, #tpu.memory_space<vmem>>, %arg22: memref<128x64xf32, #tpu.memory_space<vmem>>, %arg23: memref<1x64xf32, #tpu.memory_space<vmem>>, %arg24: memref<64x64xf32, #tpu.memory_space<vmem>>, %arg25: memref<1x64xf32, #tpu.memory_space<vmem>>, %arg26: memref<64x1xf32, #tpu.memory_space<vmem>>, %arg27: memref<1x1xf32, #tpu.memory_space<vmem>>, %arg28: memref<8x1xf32, #tpu.memory_space<vmem>>) attributes {dimension_semantics = [#tpu.dimension_semantics<arbitrary>], iteration_bounds = array<i64: 50>, scalar_prefetch = 1 : i64, scratch_operands = 0 : i64, tpu.core_type = #tpu.core_type<tc>, window_params = [{pipeline_mode = #tpu.pipeline_mode<synchronous>, transform_indices = @transform_0, window_bounds = array<i64: 10240, 128>}, {pipeline_mode = #tpu.pipeline_mode<synchronous>, transform_indices = @transform_1, window_bounds = array<i64: 10240, 128>}, {pipeline_mode = #tpu.pipeline_mode<synchronous>, transform_indices = @transform_2, window_bounds = array<i64: 600, 128>}, {pipeline_mode = #tpu.pipeline_mode<synchronous>, transform_indices = @transform_3, window_bounds = array<i64: 8, 128>}, {pipeline_mode = #tpu.pipeline_mode<synchronous>, transform_indices = @transform_4, window_bounds = array<i64: 128, 128>}, {pipeline_mode = #tpu.pipeline_mode<synchronous>, transform_indices = @transform_5, window_bounds = array<i64: 1, 128>}, {pipeline_mode = #tpu.pipeline_mode<synchronous>, transform_indices = @transform_6, window_bounds = array<i64: 128, 128>}, {pipeline_mode = #tpu.pipeline_mode<synchronous>, transform_indices = @transform_7, window_bounds = array<i64: 1, 128>}, {pipeline_mode = #tpu.pipeline_mode<synchronous>, transform_indices = @transform_8, window_bounds = array<i64: 128, 128>}, {pipeline_mode = #tpu.pipeline_mode<synchronous>, transform_indices = @transform_9, window_bounds = array<i64: 1, 128>}, {pipeline_mode = #tpu.pipeline_mode<synchronous>, transform_indices = @transform_10, window_bounds = array<i64: 128, 128>}, {pipeline_mode = #tpu.pipeline_mode<synchronous>, transform_indices = @transform_11, window_bounds = array<i64: 1, 128>}, {pipeline_mode = #tpu.pipeline_mode<synchronous>, transform_indices = @transform_12, window_bounds = array<i64: 128, 128>}, {pipeline_mode = #tpu.pipeline_mode<synchronous>, transform_indices = @transform_13, window_bounds = array<i64: 1, 128>}, {pipeline_mode = #tpu.pipeline_mode<synchronous>, transform_indices = @transform_14, window_bounds = array<i64: 128, 128>}, {pipeline_mode = #tpu.pipeline_mode<synchronous>, transform_indices = @transform_15, window_bounds = array<i64: 1, 128>}, {pipeline_mode = #tpu.pipeline_mode<synchronous>, transform_indices = @transform_16, window_bounds = array<i64: 128, 128>}, {pipeline_mode = #tpu.pipeline_mode<synchronous>, transform_indices = @transform_17, window_bounds = array<i64: 1, 128>}, {pipeline_mode = #tpu.pipeline_mode<synchronous>, transform_indices = @transform_18, window_bounds = array<i64: 128, 128>}, {pipeline_mode = #tpu.pipeline_mode<synchronous>, transform_indices = @transform_19, window_bounds = array<i64: 1, 128>}, {pipeline_mode = #tpu.pipeline_mode<synchronous>, transform_indices = @transform_20, window_bounds = array<i64: 128, 64>}, {pipeline_mode = #tpu.pipeline_mode<synchronous>, transform_indices = @transform_21, window_bounds = array<i64: 1, 64>}, {pipeline_mode = #tpu.pipeline_mode<synchronous>, transform_indices = @transform_22, window_bounds = array<i64: 64, 64>}, {pipeline_mode = #tpu.pipeline_mode<synchronous>, transform_indices = @transform_23, window_bounds = array<i64: 1, 64>}, {pipeline_mode = #tpu.pipeline_mode<synchronous>, transform_indices = @transform_24, window_bounds = array<i64: 64, 1>}, {pipeline_mode = #tpu.pipeline_mode<synchronous>, transform_indices = @transform_25, window_bounds = array<i64: 1, 1>}, {transform_indices = @transform_26, window_bounds = array<i64: 8, 1>}]} {
    %mul3A = arith.constant 8 : i32
    %mul3A_0 = arith.muli %arg0, %mul3A : i32
    %add3A = arith.constant 0 : i32
    %add3A_1 = arith.addi %mul3A_0, %add3A : i32
    %get3A = arith.index_cast %add3A_1 : i32 to index
    %get3A_2 = memref.load %arg1[%get3A] : memref<401xi32, #tpu.memory_space<smem>>
    %add3A_3 = arith.constant 1 : i32
    %add3A_4 = arith.addi %mul3A_0, %add3A_3 : i32
    %get3A_5 = arith.index_cast %add3A_4 : i32 to index
    %get3A_6 = memref.load %arg1[%get3A_5] : memref<401xi32, #tpu.memory_space<smem>>
    %add3A_7 = arith.constant 2 : i32
    %add3A_8 = arith.addi %mul3A_0, %add3A_7 : i32
    %get3A_9 = arith.index_cast %add3A_8 : i32 to index
    %get3A_10 = memref.load %arg1[%get3A_9] : memref<401xi32, #tpu.memory_space<smem>>
    %add3A_11 = arith.constant 3 : i32
    %add3A_12 = arith.addi %mul3A_0, %add3A_11 : i32
    %get3A_13 = arith.index_cast %add3A_12 : i32 to index
    %get3A_14 = memref.load %arg1[%get3A_13] : memref<401xi32, #tpu.memory_space<smem>>
    %add3A_15 = arith.constant 4 : i32
    %add3A_16 = arith.addi %mul3A_0, %add3A_15 : i32
    %get3A_17 = arith.index_cast %add3A_16 : i32 to index
    %get3A_18 = memref.load %arg1[%get3A_17] : memref<401xi32, #tpu.memory_space<smem>>
    %add3A_19 = arith.constant 5 : i32
    %add3A_20 = arith.addi %mul3A_0, %add3A_19 : i32
    %get3A_21 = arith.index_cast %add3A_20 : i32 to index
    %get3A_22 = memref.load %arg1[%get3A_21] : memref<401xi32, #tpu.memory_space<smem>>
    %add3A_23 = arith.constant 6 : i32
    %add3A_24 = arith.addi %mul3A_0, %add3A_23 : i32
    %get3A_25 = arith.index_cast %add3A_24 : i32 to index
    %get3A_26 = memref.load %arg1[%get3A_25] : memref<401xi32, #tpu.memory_space<smem>>
    %add3A_27 = arith.constant 7 : i32
    %add3A_28 = arith.addi %mul3A_0, %add3A_27 : i32
    %get3A_29 = arith.index_cast %add3A_28 : i32 to index
    %get3A_30 = memref.load %arg1[%get3A_29] : memref<401xi32, #tpu.memory_space<smem>>
    %add3A_31 = arith.constant 8 : i32
    %add3A_32 = arith.addi %mul3A_0, %add3A_31 : i32
    %get3A_33 = arith.index_cast %add3A_32 : i32 to index
    %get3A_34 = memref.load %arg1[%get3A_33] : memref<401xi32, #tpu.memory_space<smem>>
    %sub3A = arith.subi %get3A_34, %get3A_2 : i32
    %add3A_35 = arith.constant 128 : i32
    %add3A_36 = arith.addi %sub3A, %add3A_35 : i32
    %sub3A_37 = arith.constant 1 : i32
    %sub3A_38 = arith.subi %add3A_36, %sub3A_37 : i32
    %jit3A = arith.constant 128 : i32
    %div3A = arith.divsi %sub3A_38, %jit3A : i32
    %sign3A = arith.constant 0 : i32
    %sign3A_39 = arith.cmpi sgt, %sub3A_38, %sign3A : i32
    %sign3A_40 = arith.extui %sign3A_39 : i1 to i32
    %sign3A_41 = arith.constant 0 : i32
    %sign3A_42 = arith.cmpi slt, %sub3A_38, %sign3A_41 : i32
    %sign3A_43 = arith.extui %sign3A_42 : i1 to i32
    %sign3A_44 = arith.subi %sign3A_40, %sign3A_43 : i32
    %sign3A_45 = arith.constant 0 : i32
    %sign3A_46 = arith.cmpi sgt, %jit3A, %sign3A_45 : i32
    %sign3A_47 = arith.extui %sign3A_46 : i1 to i32
    %sign3A_48 = arith.constant 0 : i32
    %sign3A_49 = arith.cmpi slt, %jit3A, %sign3A_48 : i32
    %sign3A_50 = arith.extui %sign3A_49 : i1 to i32
    %sign3A_51 = arith.subi %sign3A_47, %sign3A_50 : i32
    %ne3A = arith.cmpi ne, %sign3A_44, %sign3A_51 : i32
    %rem3A = arith.remsi %sub3A_38, %jit3A : i32
    %ne3A_52 = arith.constant 0 : i32
    %ne3A_53 = arith.cmpi ne, %rem3A, %ne3A_52 : i32
    %and3A = arith.andi %ne3A, %ne3A_53 : i1
    %sub3A_54 = arith.constant 1 : i32
    %sub3A_55 = arith.subi %div3A, %sub3A_54 : i32
    %select_n3A = arith.select %and3A, %sub3A_55, %div3A : i32
    %iota3A = tpu.iota {dimensions = array<i32: 0>} : vector<600x1xi32>
    %jit3A_56 = arith.constant 75 : i32
    %div3A_57 = vector.broadcast %jit3A_56 : i32 to vector<600x1xi32>
    %div3A_58 = arith.divsi %iota3A, %div3A_57 : vector<600x1xi32>
    %sign3A_59 = arith.constant 0 : i32
    %sign3A_60 = vector.broadcast %sign3A_59 : i32 to vector<600x1xi32>
    %sign3A_61 = arith.cmpi sgt, %iota3A, %sign3A_60 : vector<600x1xi32>
    %sign3A_62 = arith.extui %sign3A_61 : vector<600x1xi1> to vector<600x1xi32>
    %sign3A_63 = arith.constant 0 : i32
    %sign3A_64 = vector.broadcast %sign3A_63 : i32 to vector<600x1xi32>
    %sign3A_65 = arith.cmpi slt, %iota3A, %sign3A_64 : vector<600x1xi32>
    %sign3A_66 = arith.extui %sign3A_65 : vector<600x1xi1> to vector<600x1xi32>
    %sign3A_67 = arith.subi %sign3A_62, %sign3A_66 : vector<600x1xi32>
    %sign3A_68 = arith.constant 0 : i32
    %sign3A_69 = arith.cmpi sgt, %jit3A_56, %sign3A_68 : i32
    %sign3A_70 = arith.extui %sign3A_69 : i1 to i32
    %sign3A_71 = arith.constant 0 : i32
    %sign3A_72 = arith.cmpi slt, %jit3A_56, %sign3A_71 : i32
    %sign3A_73 = arith.extui %sign3A_72 : i1 to i32
    %sign3A_74 = arith.subi %sign3A_70, %sign3A_73 : i32
    %ne3A_75 = vector.broadcast %sign3A_74 : i32 to vector<600x1xi32>
    %ne3A_76 = arith.cmpi ne, %sign3A_67, %ne3A_75 : vector<600x1xi32>
    %rem3A_77 = vector.broadcast %jit3A_56 : i32 to vector<600x1xi32>
    %rem3A_78 = arith.remsi %iota3A, %rem3A_77 : vector<600x1xi32>
    %ne3A_79 = arith.constant 0 : i32
    %ne3A_80 = vector.broadcast %ne3A_79 : i32 to vector<600x1xi32>
    %ne3A_81 = arith.cmpi ne, %rem3A_78, %ne3A_80 : vector<600x1xi32>
    %and3A_82 = arith.andi %ne3A_76, %ne3A_81 : vector<600x1xi1>
    %sub3A_83 = arith.constant 1 : i32
    %sub3A_84 = vector.broadcast %sub3A_83 : i32 to vector<600x1xi32>
    %sub3A_85 = arith.subi %div3A_58, %sub3A_84 : vector<600x1xi32>
    %select_n3A_86 = arith.select %and3A_82, %sub3A_85, %div3A_58 : vector<600x1xi1>, vector<600x1xi32>
    %broadcast_in_dim3A = arith.constant 0 : i32
    %broadcast_in_dim3A_87 = vector.broadcast %broadcast_in_dim3A : i32 to vector<600x1xi32>
    %broadcast_in_dim3A_88 = arith.constant 0 : i32
    %broadcast_in_dim3A_89 = vector.broadcast %broadcast_in_dim3A_88 : i32 to vector<600x1xi32>
    %eq3A = arith.constant 0 : i32
    %eq3A_90 = vector.broadcast %eq3A : i32 to vector<600x1xi32>
    %eq3A_91 = arith.cmpi eq, %select_n3A_86, %eq3A_90 : vector<600x1xi32>
    %broadcast_in_dim3A_92 = vector.broadcast %get3A_2 : i32 to vector<600x1xi32>
    %select_n3A_93 = arith.select %eq3A_91, %broadcast_in_dim3A_92, %broadcast_in_dim3A_87 : vector<600x1xi1>, vector<600x1xi32>
    %eq3A_94 = arith.constant 0 : i32
    %eq3A_95 = vector.broadcast %eq3A_94 : i32 to vector<600x1xi32>
    %eq3A_96 = arith.cmpi eq, %select_n3A_86, %eq3A_95 : vector<600x1xi32>
    %broadcast_in_dim3A_97 = vector.broadcast %get3A_6 : i32 to vector<600x1xi32>
    %select_n3A_98 = arith.select %eq3A_96, %broadcast_in_dim3A_97, %broadcast_in_dim3A_89 : vector<600x1xi1>, vector<600x1xi32>
    %eq3A_99 = arith.constant 1 : i32
    %eq3A_100 = vector.broadcast %eq3A_99 : i32 to vector<600x1xi32>
    %eq3A_101 = arith.cmpi eq, %select_n3A_86, %eq3A_100 : vector<600x1xi32>
    %broadcast_in_dim3A_102 = vector.broadcast %get3A_6 : i32 to vector<600x1xi32>
    %select_n3A_103 = arith.select %eq3A_101, %broadcast_in_dim3A_102, %select_n3A_93 : vector<600x1xi1>, vector<600x1xi32>
    %eq3A_104 = arith.constant 1 : i32
    %eq3A_105 = vector.broadcast %eq3A_104 : i32 to vector<600x1xi32>
    %eq3A_106 = arith.cmpi eq, %select_n3A_86, %eq3A_105 : vector<600x1xi32>
    %broadcast_in_dim3A_107 = vector.broadcast %get3A_10 : i32 to vector<600x1xi32>
    %select_n3A_108 = arith.select %eq3A_106, %broadcast_in_dim3A_107, %select_n3A_98 : vector<600x1xi1>, vector<600x1xi32>
    %eq3A_109 = arith.constant 2 : i32
    %eq3A_110 = vector.broadcast %eq3A_109 : i32 to vector<600x1xi32>
    %eq3A_111 = arith.cmpi eq, %select_n3A_86, %eq3A_110 : vector<600x1xi32>
    %broadcast_in_dim3A_112 = vector.broadcast %get3A_10 : i32 to vector<600x1xi32>
    %select_n3A_113 = arith.select %eq3A_111, %broadcast_in_dim3A_112, %select_n3A_103 : vector<600x1xi1>, vector<600x1xi32>
    %eq3A_114 = arith.constant 2 : i32
    %eq3A_115 = vector.broadcast %eq3A_114 : i32 to vector<600x1xi32>
    %eq3A_116 = arith.cmpi eq, %select_n3A_86, %eq3A_115 : vector<600x1xi32>
    %broadcast_in_dim3A_117 = vector.broadcast %get3A_14 : i32 to vector<600x1xi32>
    %select_n3A_118 = arith.select %eq3A_116, %broadcast_in_dim3A_117, %select_n3A_108 : vector<600x1xi1>, vector<600x1xi32>
    %eq3A_119 = arith.constant 3 : i32
    %eq3A_120 = vector.broadcast %eq3A_119 : i32 to vector<600x1xi32>
    %eq3A_121 = arith.cmpi eq, %select_n3A_86, %eq3A_120 : vector<600x1xi32>
    %broadcast_in_dim3A_122 = vector.broadcast %get3A_14 : i32 to vector<600x1xi32>
    %select_n3A_123 = arith.select %eq3A_121, %broadcast_in_dim3A_122, %select_n3A_113 : vector<600x1xi1>, vector<600x1xi32>
    %eq3A_124 = arith.constant 3 : i32
    %eq3A_125 = vector.broadcast %eq3A_124 : i32 to vector<600x1xi32>
    %eq3A_126 = arith.cmpi eq, %select_n3A_86, %eq3A_125 : vector<600x1xi32>
    %broadcast_in_dim3A_127 = vector.broadcast %get3A_18 : i32 to vector<600x1xi32>
    %select_n3A_128 = arith.select %eq3A_126, %broadcast_in_dim3A_127, %select_n3A_118 : vector<600x1xi1>, vector<600x1xi32>
    %eq3A_129 = arith.constant 4 : i32
    %eq3A_130 = vector.broadcast %eq3A_129 : i32 to vector<600x1xi32>
    %eq3A_131 = arith.cmpi eq, %select_n3A_86, %eq3A_130 : vector<600x1xi32>
    %broadcast_in_dim3A_132 = vector.broadcast %get3A_18 : i32 to vector<600x1xi32>
    %select_n3A_133 = arith.select %eq3A_131, %broadcast_in_dim3A_132, %select_n3A_123 : vector<600x1xi1>, vector<600x1xi32>
    %eq3A_134 = arith.constant 4 : i32
    %eq3A_135 = vector.broadcast %eq3A_134 : i32 to vector<600x1xi32>
    %eq3A_136 = arith.cmpi eq, %select_n3A_86, %eq3A_135 : vector<600x1xi32>
    %broadcast_in_dim3A_137 = vector.broadcast %get3A_22 : i32 to vector<600x1xi32>
    %select_n3A_138 = arith.select %eq3A_136, %broadcast_in_dim3A_137, %select_n3A_128 : vector<600x1xi1>, vector<600x1xi32>
    %eq3A_139 = arith.constant 5 : i32
    %eq3A_140 = vector.broadcast %eq3A_139 : i32 to vector<600x1xi32>
    %eq3A_141 = arith.cmpi eq, %select_n3A_86, %eq3A_140 : vector<600x1xi32>
    %broadcast_in_dim3A_142 = vector.broadcast %get3A_22 : i32 to vector<600x1xi32>
    %select_n3A_143 = arith.select %eq3A_141, %broadcast_in_dim3A_142, %select_n3A_133 : vector<600x1xi1>, vector<600x1xi32>
    %eq3A_144 = arith.constant 5 : i32
    %eq3A_145 = vector.broadcast %eq3A_144 : i32 to vector<600x1xi32>
    %eq3A_146 = arith.cmpi eq, %select_n3A_86, %eq3A_145 : vector<600x1xi32>
    %broadcast_in_dim3A_147 = vector.broadcast %get3A_26 : i32 to vector<600x1xi32>
    %select_n3A_148 = arith.select %eq3A_146, %broadcast_in_dim3A_147, %select_n3A_138 : vector<600x1xi1>, vector<600x1xi32>
    %eq3A_149 = arith.constant 6 : i32
    %eq3A_150 = vector.broadcast %eq3A_149 : i32 to vector<600x1xi32>
    %eq3A_151 = arith.cmpi eq, %select_n3A_86, %eq3A_150 : vector<600x1xi32>
    %broadcast_in_dim3A_152 = vector.broadcast %get3A_26 : i32 to vector<600x1xi32>
    %select_n3A_153 = arith.select %eq3A_151, %broadcast_in_dim3A_152, %select_n3A_143 : vector<600x1xi1>, vector<600x1xi32>
    %eq3A_154 = arith.constant 6 : i32
    %eq3A_155 = vector.broadcast %eq3A_154 : i32 to vector<600x1xi32>
    %eq3A_156 = arith.cmpi eq, %select_n3A_86, %eq3A_155 : vector<600x1xi32>
    %broadcast_in_dim3A_157 = vector.broadcast %get3A_30 : i32 to vector<600x1xi32>
    %select_n3A_158 = arith.select %eq3A_156, %broadcast_in_dim3A_157, %select_n3A_148 : vector<600x1xi1>, vector<600x1xi32>
    %eq3A_159 = arith.constant 7 : i32
    %eq3A_160 = vector.broadcast %eq3A_159 : i32 to vector<600x1xi32>
    %eq3A_161 = arith.cmpi eq, %select_n3A_86, %eq3A_160 : vector<600x1xi32>
    %broadcast_in_dim3A_162 = vector.broadcast %get3A_30 : i32 to vector<600x1xi32>
    %select_n3A_163 = arith.select %eq3A_161, %broadcast_in_dim3A_162, %select_n3A_153 : vector<600x1xi1>, vector<600x1xi32>
    %eq3A_164 = arith.constant 7 : i32
    %eq3A_165 = vector.broadcast %eq3A_164 : i32 to vector<600x1xi32>
    %eq3A_166 = arith.cmpi eq, %select_n3A_86, %eq3A_165 : vector<600x1xi32>
    %broadcast_in_dim3A_167 = vector.broadcast %get3A_34 : i32 to vector<600x1xi32>
    %select_n3A_168 = arith.select %eq3A_166, %broadcast_in_dim3A_167, %select_n3A_158 : vector<600x1xi1>, vector<600x1xi32>
    %get3A_169 = arith.constant 0 : index
    %get3A_170 = arith.constant 0 : index
    %get3A_171 = vector.load %arg4[%get3A_169, %get3A_170] : memref<600x128xf32, #tpu.memory_space<vmem>>, vector<600x128xf32>
    %slice3A = vector.extract_strided_slice %get3A_171 {offsets = [0, 0], sizes = [600, 16], strides = [1, 1]} : vector<600x128xf32> to vector<600x16xf32>
    %slice3A_172 = vector.extract_strided_slice %get3A_171 {offsets = [0, 16], sizes = [600, 16], strides = [1, 1]} : vector<600x128xf32> to vector<600x16xf32>
    %slice3A_173 = vector.extract_strided_slice %get3A_171 {offsets = [0, 32], sizes = [600, 16], strides = [1, 1]} : vector<600x128xf32> to vector<600x16xf32>
    %slice3A_174 = vector.extract_strided_slice %get3A_171 {offsets = [0, 48], sizes = [600, 16], strides = [1, 1]} : vector<600x128xf32> to vector<600x16xf32>
    %slice3A_175 = vector.extract_strided_slice %get3A_171 {offsets = [0, 64], sizes = [600, 16], strides = [1, 1]} : vector<600x128xf32> to vector<600x16xf32>
    %slice3A_176 = vector.extract_strided_slice %get3A_171 {offsets = [0, 80], sizes = [600, 16], strides = [1, 1]} : vector<600x128xf32> to vector<600x16xf32>
    %slice3A_177 = vector.extract_strided_slice %get3A_171 {offsets = [0, 96], sizes = [600, 16], strides = [1, 1]} : vector<600x128xf32> to vector<600x16xf32>
    %slice3A_178 = vector.extract_strided_slice %get3A_171 {offsets = [0, 112], sizes = [600, 16], strides = [1, 1]} : vector<600x128xf32> to vector<600x16xf32>
    %slice3A_179 = vector.extract_strided_slice %slice3A {offsets = [0, 0], sizes = [75, 16], strides = [1, 1]} : vector<600x16xf32> to vector<75x16xf32>
    %slice3A_180 = vector.extract_strided_slice %slice3A_172 {offsets = [0, 0], sizes = [75, 16], strides = [1, 1]} : vector<600x16xf32> to vector<75x16xf32>
    %slice3A_181 = vector.extract_strided_slice %slice3A_173 {offsets = [0, 0], sizes = [75, 16], strides = [1, 1]} : vector<600x16xf32> to vector<75x16xf32>
    %slice3A_182 = vector.extract_strided_slice %slice3A_174 {offsets = [0, 0], sizes = [75, 16], strides = [1, 1]} : vector<600x16xf32> to vector<75x16xf32>
    %slice3A_183 = vector.extract_strided_slice %slice3A_175 {offsets = [0, 0], sizes = [75, 16], strides = [1, 1]} : vector<600x16xf32> to vector<75x16xf32>
    %slice3A_184 = vector.extract_strided_slice %slice3A_176 {offsets = [0, 0], sizes = [75, 16], strides = [1, 1]} : vector<600x16xf32> to vector<75x16xf32>
    %slice3A_185 = vector.extract_strided_slice %slice3A_177 {offsets = [0, 0], sizes = [75, 16], strides = [1, 1]} : vector<600x16xf32> to vector<75x16xf32>
    %slice3A_186 = vector.extract_strided_slice %slice3A_178 {offsets = [0, 0], sizes = [75, 16], strides = [1, 1]} : vector<600x16xf32> to vector<75x16xf32>
    %broadcast_in_dim3A_187 = arith.constant -1.000000e+30 : f32
    %broadcast_in_dim3A_188 = vector.broadcast %broadcast_in_dim3A_187 : f32 to vector<600x1xf32>
    %broadcast_in_dim3A_189 = arith.constant 0.000000e+00 : f32
    %broadcast_in_dim3A_190 = vector.broadcast %broadcast_in_dim3A_189 : f32 to vector<600x1xf32>
    %broadcast_in_dim3A_191 = arith.constant 0.000000e+00 : f32
    %broadcast_in_dim3A_192 = vector.broadcast %broadcast_in_dim3A_191 : f32 to vector<600x16xf32>
    %broadcast_in_dim3A_193 = arith.constant -1.000000e+30 : f32
    %broadcast_in_dim3A_194 = vector.broadcast %broadcast_in_dim3A_193 : f32 to vector<600x1xf32>
    %broadcast_in_dim3A_195 = arith.constant 0.000000e+00 : f32
    %broadcast_in_dim3A_196 = vector.broadcast %broadcast_in_dim3A_195 : f32 to vector<600x1xf32>
    %broadcast_in_dim3A_197 = arith.constant 0.000000e+00 : f32
    %broadcast_in_dim3A_198 = vector.broadcast %broadcast_in_dim3A_197 : f32 to vector<600x16xf32>
    %broadcast_in_dim3A_199 = arith.constant -1.000000e+30 : f32
    %broadcast_in_dim3A_200 = vector.broadcast %broadcast_in_dim3A_199 : f32 to vector<600x1xf32>
    %broadcast_in_dim3A_201 = arith.constant 0.000000e+00 : f32
    %broadcast_in_dim3A_202 = vector.broadcast %broadcast_in_dim3A_201 : f32 to vector<600x1xf32>
    %broadcast_in_dim3A_203 = arith.constant 0.000000e+00 : f32
    %broadcast_in_dim3A_204 = vector.broadcast %broadcast_in_dim3A_203 : f32 to vector<600x16xf32>
    %broadcast_in_dim3A_205 = arith.constant -1.000000e+30 : f32
    %broadcast_in_dim3A_206 = vector.broadcast %broadcast_in_dim3A_205 : f32 to vector<600x1xf32>
    %broadcast_in_dim3A_207 = arith.constant 0.000000e+00 : f32
    %broadcast_in_dim3A_208 = vector.broadcast %broadcast_in_dim3A_207 : f32 to vector<600x1xf32>
    %broadcast_in_dim3A_209 = arith.constant 0.000000e+00 : f32
    %broadcast_in_dim3A_210 = vector.broadcast %broadcast_in_dim3A_209 : f32 to vector<600x16xf32>
    %broadcast_in_dim3A_211 = arith.constant -1.000000e+30 : f32
    %broadcast_in_dim3A_212 = vector.broadcast %broadcast_in_dim3A_211 : f32 to vector<600x1xf32>
    %broadcast_in_dim3A_213 = arith.constant 0.000000e+00 : f32
    %broadcast_in_dim3A_214 = vector.broadcast %broadcast_in_dim3A_213 : f32 to vector<600x1xf32>
    %broadcast_in_dim3A_215 = arith.constant 0.000000e+00 : f32
    %broadcast_in_dim3A_216 = vector.broadcast %broadcast_in_dim3A_215 : f32 to vector<600x16xf32>
    %broadcast_in_dim3A_217 = arith.constant -1.000000e+30 : f32
    %broadcast_in_dim3A_218 = vector.broadcast %broadcast_in_dim3A_217 : f32 to vector<600x1xf32>
    %broadcast_in_dim3A_219 = arith.constant 0.000000e+00 : f32
    %broadcast_in_dim3A_220 = vector.broadcast %broadcast_in_dim3A_219 : f32 to vector<600x1xf32>
    %broadcast_in_dim3A_221 = arith.constant 0.000000e+00 : f32
    %broadcast_in_dim3A_222 = vector.broadcast %broadcast_in_dim3A_221 : f32 to vector<600x16xf32>
    %broadcast_in_dim3A_223 = arith.constant -1.000000e+30 : f32
    %broadcast_in_dim3A_224 = vector.broadcast %broadcast_in_dim3A_223 : f32 to vector<600x1xf32>
    %broadcast_in_dim3A_225 = arith.constant 0.000000e+00 : f32
    %broadcast_in_dim3A_226 = vector.broadcast %broadcast_in_dim3A_225 : f32 to vector<600x1xf32>
    %broadcast_in_dim3A_227 = arith.constant 0.000000e+00 : f32
    %broadcast_in_dim3A_228 = vector.broadcast %broadcast_in_dim3A_227 : f32 to vector<600x16xf32>
    %broadcast_in_dim3A_229 = arith.constant -1.000000e+30 : f32
    %broadcast_in_dim3A_230 = vector.broadcast %broadcast_in_dim3A_229 : f32 to vector<600x1xf32>
    %broadcast_in_dim3A_231 = arith.constant 0.000000e+00 : f32
    %broadcast_in_dim3A_232 = vector.broadcast %broadcast_in_dim3A_231 : f32 to vector<600x1xf32>
    %broadcast_in_dim3A_233 = arith.constant 0.000000e+00 : f32
    %broadcast_in_dim3A_234 = vector.broadcast %broadcast_in_dim3A_233 : f32 to vector<600x16xf32>
    %while3A = arith.constant 0 : i32
    %while3A_235 = arith.subi %select_n3A, %while3A : i32
    %while3A_236 = arith.addi %while3A, %while3A_235 : i32
    %while3A_237 = arith.constant 1 : i32
    %while3A_238 = arith.divsi %while3A_235, %while3A_237 : i32
    %while3A_239 = arith.muli %while3A_238, %while3A_237 : i32
    %while3A_240 = arith.addi %while3A, %while3A_239 : i32
    %while3A_241 = arith.constant 1 : i32
    %while3A_242:24 = scf.for %while3A_907 = %while3A to %while3A_240 step %while3A_241 iter_args(%while3A_908 = %broadcast_in_dim3A_188, %while3A_909 = %broadcast_in_dim3A_190, %while3A_910 = %broadcast_in_dim3A_192, %while3A_911 = %broadcast_in_dim3A_194, %while3A_912 = %broadcast_in_dim3A_196, %while3A_913 = %broadcast_in_dim3A_198, %while3A_914 = %broadcast_in_dim3A_200, %while3A_915 = %broadcast_in_dim3A_202, %while3A_916 = %broadcast_in_dim3A_204, %while3A_917 = %broadcast_in_dim3A_206, %while3A_918 = %broadcast_in_dim3A_208, %while3A_919 = %broadcast_in_dim3A_210, %while3A_920 = %broadcast_in_dim3A_212, %while3A_921 = %broadcast_in_dim3A_214, %while3A_922 = %broadcast_in_dim3A_216, %while3A_923 = %broadcast_in_dim3A_218, %while3A_924 = %broadcast_in_dim3A_220, %while3A_925 = %broadcast_in_dim3A_222, %while3A_926 = %broadcast_in_dim3A_224, %while3A_927 = %broadcast_in_dim3A_226, %while3A_928 = %broadcast_in_dim3A_228, %while3A_929 = %broadcast_in_dim3A_230, %while3A_930 = %broadcast_in_dim3A_232, %while3A_931 = %broadcast_in_dim3A_234) -> (vector<600x1xf32>, vector<600x1xf32>, vector<600x16xf32>, vector<600x1xf32>, vector<600x1xf32>, vector<600x16xf32>, vector<600x1xf32>, vector<600x1xf32>, vector<600x16xf32>, vector<600x1xf32>, vector<600x1xf32>, vector<600x16xf32>, vector<600x1xf32>, vector<600x1xf32>, vector<600x16xf32>, vector<600x1xf32>, vector<600x1xf32>, vector<600x16xf32>, vector<600x1xf32>, vector<600x1xf32>, vector<600x16xf32>, vector<600x1xf32>, vector<600x1xf32>, vector<600x16xf32>)  : i32 {
      %mul3A_932 = arith.constant 128 : i32
      %mul3A_933 = arith.muli %while3A_907, %mul3A_932 : i32
      %add3A_934 = arith.addi %get3A_2, %mul3A_933 : i32
      %get3A_935 = arith.index_cast %add3A_934 : i32 to index
      %get3A_936 = arith.constant 0 : index
      %get3A_937 = vector.load %arg2[%get3A_935, %get3A_936] : memref<10240x128xf32, #tpu.memory_space<vmem>>, vector<128x128xf32>
      %get3A_938 = arith.index_cast %add3A_934 : i32 to index
      %get3A_939 = arith.constant 0 : index
      %get3A_940 = vector.load %arg3[%get3A_938, %get3A_939] : memref<10240x128xf32, #tpu.memory_space<vmem>>, vector<128x128xf32>
      %iota3A_941 = tpu.iota {dimensions = array<i32: 1>} : vector<1x128xi32>
      %add3A_942 = vector.broadcast %add3A_934 : i32 to vector<1x128xi32>
      %add3A_943 = arith.addi %add3A_942, %iota3A_941 : vector<1x128xi32>
      %ge3A = vector.broadcast %add3A_943 : vector<1x128xi32> to vector<600x128xi32>
      %ge3A_944 = vector.broadcast %select_n3A_163 : vector<600x1xi32> to vector<600x128xi32>
      %ge3A_945 = arith.cmpi sge, %ge3A, %ge3A_944 : vector<600x128xi32>
      %lt3A = vector.broadcast %add3A_943 : vector<1x128xi32> to vector<600x128xi32>
      %lt3A_946 = vector.broadcast %select_n3A_168 : vector<600x1xi32> to vector<600x128xi32>
      %lt3A_947 = arith.cmpi slt, %lt3A, %lt3A_946 : vector<600x128xi32>
      %and3A_948 = arith.andi %ge3A_945, %lt3A_947 : vector<600x128xi1>
      %slice3A_949 = vector.extract_strided_slice %get3A_937 {offsets = [0, 0], sizes = [128, 16], strides = [1, 1]} : vector<128x128xf32> to vector<128x16xf32>
      %slice3A_950 = vector.extract_strided_slice %get3A_937 {offsets = [0, 16], sizes = [128, 16], strides = [1, 1]} : vector<128x128xf32> to vector<128x16xf32>
      %slice3A_951 = vector.extract_strided_slice %get3A_937 {offsets = [0, 32], sizes = [128, 16], strides = [1, 1]} : vector<128x128xf32> to vector<128x16xf32>
      %slice3A_952 = vector.extract_strided_slice %get3A_937 {offsets = [0, 48], sizes = [128, 16], strides = [1, 1]} : vector<128x128xf32> to vector<128x16xf32>
      %slice3A_953 = vector.extract_strided_slice %get3A_937 {offsets = [0, 64], sizes = [128, 16], strides = [1, 1]} : vector<128x128xf32> to vector<128x16xf32>
      %slice3A_954 = vector.extract_strided_slice %get3A_937 {offsets = [0, 80], sizes = [128, 16], strides = [1, 1]} : vector<128x128xf32> to vector<128x16xf32>
      %slice3A_955 = vector.extract_strided_slice %get3A_937 {offsets = [0, 96], sizes = [128, 16], strides = [1, 1]} : vector<128x128xf32> to vector<128x16xf32>
      %slice3A_956 = vector.extract_strided_slice %get3A_937 {offsets = [0, 112], sizes = [128, 16], strides = [1, 1]} : vector<128x128xf32> to vector<128x16xf32>
      %slice3A_957 = vector.extract_strided_slice %get3A_940 {offsets = [0, 0], sizes = [128, 16], strides = [1, 1]} : vector<128x128xf32> to vector<128x16xf32>
      %slice3A_958 = vector.extract_strided_slice %get3A_940 {offsets = [0, 16], sizes = [128, 16], strides = [1, 1]} : vector<128x128xf32> to vector<128x16xf32>
      %slice3A_959 = vector.extract_strided_slice %get3A_940 {offsets = [0, 32], sizes = [128, 16], strides = [1, 1]} : vector<128x128xf32> to vector<128x16xf32>
      %slice3A_960 = vector.extract_strided_slice %get3A_940 {offsets = [0, 48], sizes = [128, 16], strides = [1, 1]} : vector<128x128xf32> to vector<128x16xf32>
      %slice3A_961 = vector.extract_strided_slice %get3A_940 {offsets = [0, 64], sizes = [128, 16], strides = [1, 1]} : vector<128x128xf32> to vector<128x16xf32>
      %slice3A_962 = vector.extract_strided_slice %get3A_940 {offsets = [0, 80], sizes = [128, 16], strides = [1, 1]} : vector<128x128xf32> to vector<128x16xf32>
      %slice3A_963 = vector.extract_strided_slice %get3A_940 {offsets = [0, 96], sizes = [128, 16], strides = [1, 1]} : vector<128x128xf32> to vector<128x16xf32>
      %slice3A_964 = vector.extract_strided_slice %get3A_940 {offsets = [0, 112], sizes = [128, 16], strides = [1, 1]} : vector<128x128xf32> to vector<128x16xf32>
      %dot_general3A_965 = arith.constant dense<0.000000e+00> : vector<75x128xf32>
      %dot_general3A_966 = tpu.matmul %slice3A_179, %slice3A_949, %dot_general3A_965 {dimension_numbers = #tpu.dot_dimension_numbers<[1], [1], [0], [0], [0, 0, 1, 0], [], []>, precision = #tpu.contract_precision<fp32>, transpose_lhs_hint = false} : vector<75x16xf32>, vector<128x16xf32>, vector<75x128xf32> -> vector<75x128xf32>
      %mul3A_967 = arith.constant 0.0883883461 : f32
      %mul3A_968 = vector.broadcast %mul3A_967 : f32 to vector<75x128xf32>
      %mul3A_969 = arith.mulf %dot_general3A_966, %mul3A_968 : vector<75x128xf32>
      %concatenate3A_970 = tpu.concatenate %mul3A_969, %mul3A_969, %mul3A_969, %mul3A_969, %mul3A_969, %mul3A_969, %mul3A_969, %mul3A_969 in 0 : vector<75x128xf32>, vector<75x128xf32>, vector<75x128xf32>, vector<75x128xf32>, vector<75x128xf32>, vector<75x128xf32>, vector<75x128xf32>, vector<75x128xf32> -> vector<600x128xf32>
      %jit3A_971 = arith.constant -1.000000e+30 : f32
      %broadcast_in_dim3A_972 = vector.broadcast %jit3A_971 : f32 to vector<600x128xf32>
      %select_n3A_973 = arith.select %and3A_948, %concatenate3A_970, %broadcast_in_dim3A_972 : vector<600x128xi1>, vector<600x128xf32>
      %reduce_max3A_974 = arith.constant dense<0xFF800000> : vector<600xf32>
      %reduce_max3A_975 = vector.multi_reduction <maximumf>, %select_n3A_973, %reduce_max3A_974 [1] : vector<600x128xf32> to vector<600xf32>
      %broadcast_in_dim3A_976 = vector.shape_cast %reduce_max3A_975 : vector<600xf32> to vector<600x1xf32>
      %max3A_977 = arith.maximumf %while3A_908, %broadcast_in_dim3A_976 : vector<600x1xf32>
      %sub3A_978 = arith.subf %while3A_908, %max3A_977 : vector<600x1xf32>
      %exp3A_979 = math.exp %sub3A_978 : vector<600x1xf32>
      %sub3A_980 = vector.broadcast %max3A_977 : vector<600x1xf32> to vector<600x128xf32>
      %sub3A_981 = arith.subf %select_n3A_973, %sub3A_980 : vector<600x128xf32>
      %exp3A_982 = math.exp %sub3A_981 : vector<600x128xf32>
      %jit3A_983 = arith.constant 0.000000e+00 : f32
      %broadcast_in_dim3A_984 = vector.broadcast %jit3A_983 : f32 to vector<600x128xf32>
      %select_n3A_985 = arith.select %and3A_948, %exp3A_982, %broadcast_in_dim3A_984 : vector<600x128xi1>, vector<600x128xf32>
      %mul3A_986 = arith.mulf %while3A_909, %exp3A_979 : vector<600x1xf32>
      %reduce_sum3A_987 = arith.constant dense<0.000000e+00> : vector<600xf32>
      %reduce_sum3A_988 = vector.multi_reduction <add>, %select_n3A_985, %reduce_sum3A_987 [1] : vector<600x128xf32> to vector<600xf32>
      %broadcast_in_dim3A_989 = vector.shape_cast %reduce_sum3A_988 : vector<600xf32> to vector<600x1xf32>
      %add3A_990 = arith.addf %mul3A_986, %broadcast_in_dim3A_989 : vector<600x1xf32>
      %mul3A_991 = vector.broadcast %exp3A_979 : vector<600x1xf32> to vector<600x16xf32>
      %mul3A_992 = arith.mulf %while3A_910, %mul3A_991 : vector<600x16xf32>
      %dot_general3A_993 = arith.constant dense<0.000000e+00> : vector<600x16xf32>
      %dot_general3A_994 = tpu.matmul %select_n3A_985, %slice3A_957, %dot_general3A_993 {dimension_numbers = #tpu.dot_dimension_numbers<[1], [0], [0], [1], [0, 0, 1, 1], [], []>, precision = #tpu.contract_precision<fp32>, transpose_lhs_hint = false} : vector<600x128xf32>, vector<128x16xf32>, vector<600x16xf32> -> vector<600x16xf32>
      %add3A_995 = arith.addf %mul3A_992, %dot_general3A_994 : vector<600x16xf32>
      %dot_general3A_996 = arith.constant dense<0.000000e+00> : vector<75x128xf32>
      %dot_general3A_997 = tpu.matmul %slice3A_180, %slice3A_950, %dot_general3A_996 {dimension_numbers = #tpu.dot_dimension_numbers<[1], [1], [0], [0], [0, 0, 1, 0], [], []>, precision = #tpu.contract_precision<fp32>, transpose_lhs_hint = false} : vector<75x16xf32>, vector<128x16xf32>, vector<75x128xf32> -> vector<75x128xf32>
      %mul3A_998 = arith.constant 0.0883883461 : f32
      %mul3A_999 = vector.broadcast %mul3A_998 : f32 to vector<75x128xf32>
      %mul3A_1000 = arith.mulf %dot_general3A_997, %mul3A_999 : vector<75x128xf32>
      %concatenate3A_1001 = tpu.concatenate %mul3A_1000, %mul3A_1000, %mul3A_1000, %mul3A_1000, %mul3A_1000, %mul3A_1000, %mul3A_1000, %mul3A_1000 in 0 : vector<75x128xf32>, vector<75x128xf32>, vector<75x128xf32>, vector<75x128xf32>, vector<75x128xf32>, vector<75x128xf32>, vector<75x128xf32>, vector<75x128xf32> -> vector<600x128xf32>
      %jit3A_1002 = arith.constant -1.000000e+30 : f32
      %broadcast_in_dim3A_1003 = vector.broadcast %jit3A_1002 : f32 to vector<600x128xf32>
      %select_n3A_1004 = arith.select %and3A_948, %concatenate3A_1001, %broadcast_in_dim3A_1003 : vector<600x128xi1>, vector<600x128xf32>
      %reduce_max3A_1005 = arith.constant dense<0xFF800000> : vector<600xf32>
      %reduce_max3A_1006 = vector.multi_reduction <maximumf>, %select_n3A_1004, %reduce_max3A_1005 [1] : vector<600x128xf32> to vector<600xf32>
      %broadcast_in_dim3A_1007 = vector.shape_cast %reduce_max3A_1006 : vector<600xf32> to vector<600x1xf32>
      %max3A_1008 = arith.maximumf %while3A_911, %broadcast_in_dim3A_1007 : vector<600x1xf32>
      %sub3A_1009 = arith.subf %while3A_911, %max3A_1008 : vector<600x1xf32>
      %exp3A_1010 = math.exp %sub3A_1009 : vector<600x1xf32>
      %sub3A_1011 = vector.broadcast %max3A_1008 : vector<600x1xf32> to vector<600x128xf32>
      %sub3A_1012 = arith.subf %select_n3A_1004, %sub3A_1011 : vector<600x128xf32>
      %exp3A_1013 = math.exp %sub3A_1012 : vector<600x128xf32>
      %jit3A_1014 = arith.constant 0.000000e+00 : f32
      %broadcast_in_dim3A_1015 = vector.broadcast %jit3A_1014 : f32 to vector<600x128xf32>
      %select_n3A_1016 = arith.select %and3A_948, %exp3A_1013, %broadcast_in_dim3A_1015 : vector<600x128xi1>, vector<600x128xf32>
      %mul3A_1017 = arith.mulf %while3A_912, %exp3A_1010 : vector<600x1xf32>
      %reduce_sum3A_1018 = arith.constant dense<0.000000e+00> : vector<600xf32>
      %reduce_sum3A_1019 = vector.multi_reduction <add>, %select_n3A_1016, %reduce_sum3A_1018 [1] : vector<600x128xf32> to vector<600xf32>
      %broadcast_in_dim3A_1020 = vector.shape_cast %reduce_sum3A_1019 : vector<600xf32> to vector<600x1xf32>
      %add3A_1021 = arith.addf %mul3A_1017, %broadcast_in_dim3A_1020 : vector<600x1xf32>
      %mul3A_1022 = vector.broadcast %exp3A_1010 : vector<600x1xf32> to vector<600x16xf32>
      %mul3A_1023 = arith.mulf %while3A_913, %mul3A_1022 : vector<600x16xf32>
      %dot_general3A_1024 = arith.constant dense<0.000000e+00> : vector<600x16xf32>
      %dot_general3A_1025 = tpu.matmul %select_n3A_1016, %slice3A_958, %dot_general3A_1024 {dimension_numbers = #tpu.dot_dimension_numbers<[1], [0], [0], [1], [0, 0, 1, 1], [], []>, precision = #tpu.contract_precision<fp32>, transpose_lhs_hint = false} : vector<600x128xf32>, vector<128x16xf32>, vector<600x16xf32> -> vector<600x16xf32>
      %add3A_1026 = arith.addf %mul3A_1023, %dot_general3A_1025 : vector<600x16xf32>
      %dot_general3A_1027 = arith.constant dense<0.000000e+00> : vector<75x128xf32>
      %dot_general3A_1028 = tpu.matmul %slice3A_181, %slice3A_951, %dot_general3A_1027 {dimension_numbers = #tpu.dot_dimension_numbers<[1], [1], [0], [0], [0, 0, 1, 0], [], []>, precision = #tpu.contract_precision<fp32>, transpose_lhs_hint = false} : vector<75x16xf32>, vector<128x16xf32>, vector<75x128xf32> -> vector<75x128xf32>
      %mul3A_1029 = arith.constant 0.0883883461 : f32
      %mul3A_1030 = vector.broadcast %mul3A_1029 : f32 to vector<75x128xf32>
      %mul3A_1031 = arith.mulf %dot_general3A_1028, %mul3A_1030 : vector<75x128xf32>
      %concatenate3A_1032 = tpu.concatenate %mul3A_1031, %mul3A_1031, %mul3A_1031, %mul3A_1031, %mul3A_1031, %mul3A_1031, %mul3A_1031, %mul3A_1031 in 0 : vector<75x128xf32>, vector<75x128xf32>, vector<75x128xf32>, vector<75x128xf32>, vector<75x128xf32>, vector<75x128xf32>, vector<75x128xf32>, vector<75x128xf32> -> vector<600x128xf32>
      %jit3A_1033 = arith.constant -1.000000e+30 : f32
      %broadcast_in_dim3A_1034 = vector.broadcast %jit3A_1033 : f32 to vector<600x128xf32>
      %select_n3A_1035 = arith.select %and3A_948, %concatenate3A_1032, %broadcast_in_dim3A_1034 : vector<600x128xi1>, vector<600x128xf32>
      %reduce_max3A_1036 = arith.constant dense<0xFF800000> : vector<600xf32>
      %reduce_max3A_1037 = vector.multi_reduction <maximumf>, %select_n3A_1035, %reduce_max3A_1036 [1] : vector<600x128xf32> to vector<600xf32>
      %broadcast_in_dim3A_1038 = vector.shape_cast %reduce_max3A_1037 : vector<600xf32> to vector<600x1xf32>
      %max3A_1039 = arith.maximumf %while3A_914, %broadcast_in_dim3A_1038 : vector<600x1xf32>
      %sub3A_1040 = arith.subf %while3A_914, %max3A_1039 : vector<600x1xf32>
      %exp3A_1041 = math.exp %sub3A_1040 : vector<600x1xf32>
      %sub3A_1042 = vector.broadcast %max3A_1039 : vector<600x1xf32> to vector<600x128xf32>
      %sub3A_1043 = arith.subf %select_n3A_1035, %sub3A_1042 : vector<600x128xf32>
      %exp3A_1044 = math.exp %sub3A_1043 : vector<600x128xf32>
      %jit3A_1045 = arith.constant 0.000000e+00 : f32
      %broadcast_in_dim3A_1046 = vector.broadcast %jit3A_1045 : f32 to vector<600x128xf32>
      %select_n3A_1047 = arith.select %and3A_948, %exp3A_1044, %broadcast_in_dim3A_1046 : vector<600x128xi1>, vector<600x128xf32>
      %mul3A_1048 = arith.mulf %while3A_915, %exp3A_1041 : vector<600x1xf32>
      %reduce_sum3A_1049 = arith.constant dense<0.000000e+00> : vector<600xf32>
      %reduce_sum3A_1050 = vector.multi_reduction <add>, %select_n3A_1047, %reduce_sum3A_1049 [1] : vector<600x128xf32> to vector<600xf32>
      %broadcast_in_dim3A_1051 = vector.shape_cast %reduce_sum3A_1050 : vector<600xf32> to vector<600x1xf32>
      %add3A_1052 = arith.addf %mul3A_1048, %broadcast_in_dim3A_1051 : vector<600x1xf32>
      %mul3A_1053 = vector.broadcast %exp3A_1041 : vector<600x1xf32> to vector<600x16xf32>
      %mul3A_1054 = arith.mulf %while3A_916, %mul3A_1053 : vector<600x16xf32>
      %dot_general3A_1055 = arith.constant dense<0.000000e+00> : vector<600x16xf32>
      %dot_general3A_1056 = tpu.matmul %select_n3A_1047, %slice3A_959, %dot_general3A_1055 {dimension_numbers = #tpu.dot_dimension_numbers<[1], [0], [0], [1], [0, 0, 1, 1], [], []>, precision = #tpu.contract_precision<fp32>, transpose_lhs_hint = false} : vector<600x128xf32>, vector<128x16xf32>, vector<600x16xf32> -> vector<600x16xf32>
      %add3A_1057 = arith.addf %mul3A_1054, %dot_general3A_1056 : vector<600x16xf32>
      %dot_general3A_1058 = arith.constant dense<0.000000e+00> : vector<75x128xf32>
      %dot_general3A_1059 = tpu.matmul %slice3A_182, %slice3A_952, %dot_general3A_1058 {dimension_numbers = #tpu.dot_dimension_numbers<[1], [1], [0], [0], [0, 0, 1, 0], [], []>, precision = #tpu.contract_precision<fp32>, transpose_lhs_hint = false} : vector<75x16xf32>, vector<128x16xf32>, vector<75x128xf32> -> vector<75x128xf32>
      %mul3A_1060 = arith.constant 0.0883883461 : f32
      %mul3A_1061 = vector.broadcast %mul3A_1060 : f32 to vector<75x128xf32>
      %mul3A_1062 = arith.mulf %dot_general3A_1059, %mul3A_1061 : vector<75x128xf32>
      %concatenate3A_1063 = tpu.concatenate %mul3A_1062, %mul3A_1062, %mul3A_1062, %mul3A_1062, %mul3A_1062, %mul3A_1062, %mul3A_1062, %mul3A_1062 in 0 : vector<75x128xf32>, vector<75x128xf32>, vector<75x128xf32>, vector<75x128xf32>, vector<75x128xf32>, vector<75x128xf32>, vector<75x128xf32>, vector<75x128xf32> -> vector<600x128xf32>
      %jit3A_1064 = arith.constant -1.000000e+30 : f32
      %broadcast_in_dim3A_1065 = vector.broadcast %jit3A_1064 : f32 to vector<600x128xf32>
      %select_n3A_1066 = arith.select %and3A_948, %concatenate3A_1063, %broadcast_in_dim3A_1065 : vector<600x128xi1>, vector<600x128xf32>
      %reduce_max3A_1067 = arith.constant dense<0xFF800000> : vector<600xf32>
      %reduce_max3A_1068 = vector.multi_reduction <maximumf>, %select_n3A_1066, %reduce_max3A_1067 [1] : vector<600x128xf32> to vector<600xf32>
      %broadcast_in_dim3A_1069 = vector.shape_cast %reduce_max3A_1068 : vector<600xf32> to vector<600x1xf32>
      %max3A_1070 = arith.maximumf %while3A_917, %broadcast_in_dim3A_1069 : vector<600x1xf32>
      %sub3A_1071 = arith.subf %while3A_917, %max3A_1070 : vector<600x1xf32>
      %exp3A_1072 = math.exp %sub3A_1071 : vector<600x1xf32>
      %sub3A_1073 = vector.broadcast %max3A_1070 : vector<600x1xf32> to vector<600x128xf32>
      %sub3A_1074 = arith.subf %select_n3A_1066, %sub3A_1073 : vector<600x128xf32>
      %exp3A_1075 = math.exp %sub3A_1074 : vector<600x128xf32>
      %jit3A_1076 = arith.constant 0.000000e+00 : f32
      %broadcast_in_dim3A_1077 = vector.broadcast %jit3A_1076 : f32 to vector<600x128xf32>
      %select_n3A_1078 = arith.select %and3A_948, %exp3A_1075, %broadcast_in_dim3A_1077 : vector<600x128xi1>, vector<600x128xf32>
      %mul3A_1079 = arith.mulf %while3A_918, %exp3A_1072 : vector<600x1xf32>
      %reduce_sum3A_1080 = arith.constant dense<0.000000e+00> : vector<600xf32>
      %reduce_sum3A_1081 = vector.multi_reduction <add>, %select_n3A_1078, %reduce_sum3A_1080 [1] : vector<600x128xf32> to vector<600xf32>
      %broadcast_in_dim3A_1082 = vector.shape_cast %reduce_sum3A_1081 : vector<600xf32> to vector<600x1xf32>
      %add3A_1083 = arith.addf %mul3A_1079, %broadcast_in_dim3A_1082 : vector<600x1xf32>
      %mul3A_1084 = vector.broadcast %exp3A_1072 : vector<600x1xf32> to vector<600x16xf32>
      %mul3A_1085 = arith.mulf %while3A_919, %mul3A_1084 : vector<600x16xf32>
      %dot_general3A_1086 = arith.constant dense<0.000000e+00> : vector<600x16xf32>
      %dot_general3A_1087 = tpu.matmul %select_n3A_1078, %slice3A_960, %dot_general3A_1086 {dimension_numbers = #tpu.dot_dimension_numbers<[1], [0], [0], [1], [0, 0, 1, 1], [], []>, precision = #tpu.contract_precision<fp32>, transpose_lhs_hint = false} : vector<600x128xf32>, vector<128x16xf32>, vector<600x16xf32> -> vector<600x16xf32>
      %add3A_1088 = arith.addf %mul3A_1085, %dot_general3A_1087 : vector<600x16xf32>
      %dot_general3A_1089 = arith.constant dense<0.000000e+00> : vector<75x128xf32>
      %dot_general3A_1090 = tpu.matmul %slice3A_183, %slice3A_953, %dot_general3A_1089 {dimension_numbers = #tpu.dot_dimension_numbers<[1], [1], [0], [0], [0, 0, 1, 0], [], []>, precision = #tpu.contract_precision<fp32>, transpose_lhs_hint = false} : vector<75x16xf32>, vector<128x16xf32>, vector<75x128xf32> -> vector<75x128xf32>
      %mul3A_1091 = arith.constant 0.0883883461 : f32
      %mul3A_1092 = vector.broadcast %mul3A_1091 : f32 to vector<75x128xf32>
      %mul3A_1093 = arith.mulf %dot_general3A_1090, %mul3A_1092 : vector<75x128xf32>
      %concatenate3A_1094 = tpu.concatenate %mul3A_1093, %mul3A_1093, %mul3A_1093, %mul3A_1093, %mul3A_1093, %mul3A_1093, %mul3A_1093, %mul3A_1093 in 0 : vector<75x128xf32>, vector<75x128xf32>, vector<75x128xf32>, vector<75x128xf32>, vector<75x128xf32>, vector<75x128xf32>, vector<75x128xf32>, vector<75x128xf32> -> vector<600x128xf32>
      %jit3A_1095 = arith.constant -1.000000e+30 : f32
      %broadcast_in_dim3A_1096 = vector.broadcast %jit3A_1095 : f32 to vector<600x128xf32>
      %select_n3A_1097 = arith.select %and3A_948, %concatenate3A_1094, %broadcast_in_dim3A_1096 : vector<600x128xi1>, vector<600x128xf32>
      %reduce_max3A_1098 = arith.constant dense<0xFF800000> : vector<600xf32>
      %reduce_max3A_1099 = vector.multi_reduction <maximumf>, %select_n3A_1097, %reduce_max3A_1098 [1] : vector<600x128xf32> to vector<600xf32>
      %broadcast_in_dim3A_1100 = vector.shape_cast %reduce_max3A_1099 : vector<600xf32> to vector<600x1xf32>
      %max3A_1101 = arith.maximumf %while3A_920, %broadcast_in_dim3A_1100 : vector<600x1xf32>
      %sub3A_1102 = arith.subf %while3A_920, %max3A_1101 : vector<600x1xf32>
      %exp3A_1103 = math.exp %sub3A_1102 : vector<600x1xf32>
      %sub3A_1104 = vector.broadcast %max3A_1101 : vector<600x1xf32> to vector<600x128xf32>
      %sub3A_1105 = arith.subf %select_n3A_1097, %sub3A_1104 : vector<600x128xf32>
      %exp3A_1106 = math.exp %sub3A_1105 : vector<600x128xf32>
      %jit3A_1107 = arith.constant 0.000000e+00 : f32
      %broadcast_in_dim3A_1108 = vector.broadcast %jit3A_1107 : f32 to vector<600x128xf32>
      %select_n3A_1109 = arith.select %and3A_948, %exp3A_1106, %broadcast_in_dim3A_1108 : vector<600x128xi1>, vector<600x128xf32>
      %mul3A_1110 = arith.mulf %while3A_921, %exp3A_1103 : vector<600x1xf32>
      %reduce_sum3A_1111 = arith.constant dense<0.000000e+00> : vector<600xf32>
      %reduce_sum3A_1112 = vector.multi_reduction <add>, %select_n3A_1109, %reduce_sum3A_1111 [1] : vector<600x128xf32> to vector<600xf32>
      %broadcast_in_dim3A_1113 = vector.shape_cast %reduce_sum3A_1112 : vector<600xf32> to vector<600x1xf32>
      %add3A_1114 = arith.addf %mul3A_1110, %broadcast_in_dim3A_1113 : vector<600x1xf32>
      %mul3A_1115 = vector.broadcast %exp3A_1103 : vector<600x1xf32> to vector<600x16xf32>
      %mul3A_1116 = arith.mulf %while3A_922, %mul3A_1115 : vector<600x16xf32>
      %dot_general3A_1117 = arith.constant dense<0.000000e+00> : vector<600x16xf32>
      %dot_general3A_1118 = tpu.matmul %select_n3A_1109, %slice3A_961, %dot_general3A_1117 {dimension_numbers = #tpu.dot_dimension_numbers<[1], [0], [0], [1], [0, 0, 1, 1], [], []>, precision = #tpu.contract_precision<fp32>, transpose_lhs_hint = false} : vector<600x128xf32>, vector<128x16xf32>, vector<600x16xf32> -> vector<600x16xf32>
      %add3A_1119 = arith.addf %mul3A_1116, %dot_general3A_1118 : vector<600x16xf32>
      %dot_general3A_1120 = arith.constant dense<0.000000e+00> : vector<75x128xf32>
      %dot_general3A_1121 = tpu.matmul %slice3A_184, %slice3A_954, %dot_general3A_1120 {dimension_numbers = #tpu.dot_dimension_numbers<[1], [1], [0], [0], [0, 0, 1, 0], [], []>, precision = #tpu.contract_precision<fp32>, transpose_lhs_hint = false} : vector<75x16xf32>, vector<128x16xf32>, vector<75x128xf32> -> vector<75x128xf32>
      %mul3A_1122 = arith.constant 0.0883883461 : f32
      %mul3A_1123 = vector.broadcast %mul3A_1122 : f32 to vector<75x128xf32>
      %mul3A_1124 = arith.mulf %dot_general3A_1121, %mul3A_1123 : vector<75x128xf32>
      %concatenate3A_1125 = tpu.concatenate %mul3A_1124, %mul3A_1124, %mul3A_1124, %mul3A_1124, %mul3A_1124, %mul3A_1124, %mul3A_1124, %mul3A_1124 in 0 : vector<75x128xf32>, vector<75x128xf32>, vector<75x128xf32>, vector<75x128xf32>, vector<75x128xf32>, vector<75x128xf32>, vector<75x128xf32>, vector<75x128xf32> -> vector<600x128xf32>
      %jit3A_1126 = arith.constant -1.000000e+30 : f32
      %broadcast_in_dim3A_1127 = vector.broadcast %jit3A_1126 : f32 to vector<600x128xf32>
      %select_n3A_1128 = arith.select %and3A_948, %concatenate3A_1125, %broadcast_in_dim3A_1127 : vector<600x128xi1>, vector<600x128xf32>
      %reduce_max3A_1129 = arith.constant dense<0xFF800000> : vector<600xf32>
      %reduce_max3A_1130 = vector.multi_reduction <maximumf>, %select_n3A_1128, %reduce_max3A_1129 [1] : vector<600x128xf32> to vector<600xf32>
      %broadcast_in_dim3A_1131 = vector.shape_cast %reduce_max3A_1130 : vector<600xf32> to vector<600x1xf32>
      %max3A_1132 = arith.maximumf %while3A_923, %broadcast_in_dim3A_1131 : vector<600x1xf32>
      %sub3A_1133 = arith.subf %while3A_923, %max3A_1132 : vector<600x1xf32>
      %exp3A_1134 = math.exp %sub3A_1133 : vector<600x1xf32>
      %sub3A_1135 = vector.broadcast %max3A_1132 : vector<600x1xf32> to vector<600x128xf32>
      %sub3A_1136 = arith.subf %select_n3A_1128, %sub3A_1135 : vector<600x128xf32>
      %exp3A_1137 = math.exp %sub3A_1136 : vector<600x128xf32>
      %jit3A_1138 = arith.constant 0.000000e+00 : f32
      %broadcast_in_dim3A_1139 = vector.broadcast %jit3A_1138 : f32 to vector<600x128xf32>
      %select_n3A_1140 = arith.select %and3A_948, %exp3A_1137, %broadcast_in_dim3A_1139 : vector<600x128xi1>, vector<600x128xf32>
      %mul3A_1141 = arith.mulf %while3A_924, %exp3A_1134 : vector<600x1xf32>
      %reduce_sum3A_1142 = arith.constant dense<0.000000e+00> : vector<600xf32>
      %reduce_sum3A_1143 = vector.multi_reduction <add>, %select_n3A_1140, %reduce_sum3A_1142 [1] : vector<600x128xf32> to vector<600xf32>
      %broadcast_in_dim3A_1144 = vector.shape_cast %reduce_sum3A_1143 : vector<600xf32> to vector<600x1xf32>
      %add3A_1145 = arith.addf %mul3A_1141, %broadcast_in_dim3A_1144 : vector<600x1xf32>
      %mul3A_1146 = vector.broadcast %exp3A_1134 : vector<600x1xf32> to vector<600x16xf32>
      %mul3A_1147 = arith.mulf %while3A_925, %mul3A_1146 : vector<600x16xf32>
      %dot_general3A_1148 = arith.constant dense<0.000000e+00> : vector<600x16xf32>
      %dot_general3A_1149 = tpu.matmul %select_n3A_1140, %slice3A_962, %dot_general3A_1148 {dimension_numbers = #tpu.dot_dimension_numbers<[1], [0], [0], [1], [0, 0, 1, 1], [], []>, precision = #tpu.contract_precision<fp32>, transpose_lhs_hint = false} : vector<600x128xf32>, vector<128x16xf32>, vector<600x16xf32> -> vector<600x16xf32>
      %add3A_1150 = arith.addf %mul3A_1147, %dot_general3A_1149 : vector<600x16xf32>
      %dot_general3A_1151 = arith.constant dense<0.000000e+00> : vector<75x128xf32>
      %dot_general3A_1152 = tpu.matmul %slice3A_185, %slice3A_955, %dot_general3A_1151 {dimension_numbers = #tpu.dot_dimension_numbers<[1], [1], [0], [0], [0, 0, 1, 0], [], []>, precision = #tpu.contract_precision<fp32>, transpose_lhs_hint = false} : vector<75x16xf32>, vector<128x16xf32>, vector<75x128xf32> -> vector<75x128xf32>
      %mul3A_1153 = arith.constant 0.0883883461 : f32
      %mul3A_1154 = vector.broadcast %mul3A_1153 : f32 to vector<75x128xf32>
      %mul3A_1155 = arith.mulf %dot_general3A_1152, %mul3A_1154 : vector<75x128xf32>
      %concatenate3A_1156 = tpu.concatenate %mul3A_1155, %mul3A_1155, %mul3A_1155, %mul3A_1155, %mul3A_1155, %mul3A_1155, %mul3A_1155, %mul3A_1155 in 0 : vector<75x128xf32>, vector<75x128xf32>, vector<75x128xf32>, vector<75x128xf32>, vector<75x128xf32>, vector<75x128xf32>, vector<75x128xf32>, vector<75x128xf32> -> vector<600x128xf32>
      %jit3A_1157 = arith.constant -1.000000e+30 : f32
      %broadcast_in_dim3A_1158 = vector.broadcast %jit3A_1157 : f32 to vector<600x128xf32>
      %select_n3A_1159 = arith.select %and3A_948, %concatenate3A_1156, %broadcast_in_dim3A_1158 : vector<600x128xi1>, vector<600x128xf32>
      %reduce_max3A_1160 = arith.constant dense<0xFF800000> : vector<600xf32>
      %reduce_max3A_1161 = vector.multi_reduction <maximumf>, %select_n3A_1159, %reduce_max3A_1160 [1] : vector<600x128xf32> to vector<600xf32>
      %broadcast_in_dim3A_1162 = vector.shape_cast %reduce_max3A_1161 : vector<600xf32> to vector<600x1xf32>
      %max3A_1163 = arith.maximumf %while3A_926, %broadcast_in_dim3A_1162 : vector<600x1xf32>
      %sub3A_1164 = arith.subf %while3A_926, %max3A_1163 : vector<600x1xf32>
      %exp3A_1165 = math.exp %sub3A_1164 : vector<600x1xf32>
      %sub3A_1166 = vector.broadcast %max3A_1163 : vector<600x1xf32> to vector<600x128xf32>
      %sub3A_1167 = arith.subf %select_n3A_1159, %sub3A_1166 : vector<600x128xf32>
      %exp3A_1168 = math.exp %sub3A_1167 : vector<600x128xf32>
      %jit3A_1169 = arith.constant 0.000000e+00 : f32
      %broadcast_in_dim3A_1170 = vector.broadcast %jit3A_1169 : f32 to vector<600x128xf32>
      %select_n3A_1171 = arith.select %and3A_948, %exp3A_1168, %broadcast_in_dim3A_1170 : vector<600x128xi1>, vector<600x128xf32>
      %mul3A_1172 = arith.mulf %while3A_927, %exp3A_1165 : vector<600x1xf32>
      %reduce_sum3A_1173 = arith.constant dense<0.000000e+00> : vector<600xf32>
      %reduce_sum3A_1174 = vector.multi_reduction <add>, %select_n3A_1171, %reduce_sum3A_1173 [1] : vector<600x128xf32> to vector<600xf32>
      %broadcast_in_dim3A_1175 = vector.shape_cast %reduce_sum3A_1174 : vector<600xf32> to vector<600x1xf32>
      %add3A_1176 = arith.addf %mul3A_1172, %broadcast_in_dim3A_1175 : vector<600x1xf32>
      %mul3A_1177 = vector.broadcast %exp3A_1165 : vector<600x1xf32> to vector<600x16xf32>
      %mul3A_1178 = arith.mulf %while3A_928, %mul3A_1177 : vector<600x16xf32>
      %dot_general3A_1179 = arith.constant dense<0.000000e+00> : vector<600x16xf32>
      %dot_general3A_1180 = tpu.matmul %select_n3A_1171, %slice3A_963, %dot_general3A_1179 {dimension_numbers = #tpu.dot_dimension_numbers<[1], [0], [0], [1], [0, 0, 1, 1], [], []>, precision = #tpu.contract_precision<fp32>, transpose_lhs_hint = false} : vector<600x128xf32>, vector<128x16xf32>, vector<600x16xf32> -> vector<600x16xf32>
      %add3A_1181 = arith.addf %mul3A_1178, %dot_general3A_1180 : vector<600x16xf32>
      %dot_general3A_1182 = arith.constant dense<0.000000e+00> : vector<75x128xf32>
      %dot_general3A_1183 = tpu.matmul %slice3A_186, %slice3A_956, %dot_general3A_1182 {dimension_numbers = #tpu.dot_dimension_numbers<[1], [1], [0], [0], [0, 0, 1, 0], [], []>, precision = #tpu.contract_precision<fp32>, transpose_lhs_hint = false} : vector<75x16xf32>, vector<128x16xf32>, vector<75x128xf32> -> vector<75x128xf32>
      %mul3A_1184 = arith.constant 0.0883883461 : f32
      %mul3A_1185 = vector.broadcast %mul3A_1184 : f32 to vector<75x128xf32>
      %mul3A_1186 = arith.mulf %dot_general3A_1183, %mul3A_1185 : vector<75x128xf32>
      %concatenate3A_1187 = tpu.concatenate %mul3A_1186, %mul3A_1186, %mul3A_1186, %mul3A_1186, %mul3A_1186, %mul3A_1186, %mul3A_1186, %mul3A_1186 in 0 : vector<75x128xf32>, vector<75x128xf32>, vector<75x128xf32>, vector<75x128xf32>, vector<75x128xf32>, vector<75x128xf32>, vector<75x128xf32>, vector<75x128xf32> -> vector<600x128xf32>
      %jit3A_1188 = arith.constant -1.000000e+30 : f32
      %broadcast_in_dim3A_1189 = vector.broadcast %jit3A_1188 : f32 to vector<600x128xf32>
      %select_n3A_1190 = arith.select %and3A_948, %concatenate3A_1187, %broadcast_in_dim3A_1189 : vector<600x128xi1>, vector<600x128xf32>
      %reduce_max3A_1191 = arith.constant dense<0xFF800000> : vector<600xf32>
      %reduce_max3A_1192 = vector.multi_reduction <maximumf>, %select_n3A_1190, %reduce_max3A_1191 [1] : vector<600x128xf32> to vector<600xf32>
      %broadcast_in_dim3A_1193 = vector.shape_cast %reduce_max3A_1192 : vector<600xf32> to vector<600x1xf32>
      %max3A_1194 = arith.maximumf %while3A_929, %broadcast_in_dim3A_1193 : vector<600x1xf32>
      %sub3A_1195 = arith.subf %while3A_929, %max3A_1194 : vector<600x1xf32>
      %exp3A_1196 = math.exp %sub3A_1195 : vector<600x1xf32>
      %sub3A_1197 = vector.broadcast %max3A_1194 : vector<600x1xf32> to vector<600x128xf32>
      %sub3A_1198 = arith.subf %select_n3A_1190, %sub3A_1197 : vector<600x128xf32>
      %exp3A_1199 = math.exp %sub3A_1198 : vector<600x128xf32>
      %jit3A_1200 = arith.constant 0.000000e+00 : f32
      %broadcast_in_dim3A_1201 = vector.broadcast %jit3A_1200 : f32 to vector<600x128xf32>
      %select_n3A_1202 = arith.select %and3A_948, %exp3A_1199, %broadcast_in_dim3A_1201 : vector<600x128xi1>, vector<600x128xf32>
      %mul3A_1203 = arith.mulf %while3A_930, %exp3A_1196 : vector<600x1xf32>
      %reduce_sum3A_1204 = arith.constant dense<0.000000e+00> : vector<600xf32>
      %reduce_sum3A_1205 = vector.multi_reduction <add>, %select_n3A_1202, %reduce_sum3A_1204 [1] : vector<600x128xf32> to vector<600xf32>
      %broadcast_in_dim3A_1206 = vector.shape_cast %reduce_sum3A_1205 : vector<600xf32> to vector<600x1xf32>
      %add3A_1207 = arith.addf %mul3A_1203, %broadcast_in_dim3A_1206 : vector<600x1xf32>
      %mul3A_1208 = vector.broadcast %exp3A_1196 : vector<600x1xf32> to vector<600x16xf32>
      %mul3A_1209 = arith.mulf %while3A_931, %mul3A_1208 : vector<600x16xf32>
      %dot_general3A_1210 = arith.constant dense<0.000000e+00> : vector<600x16xf32>
      %dot_general3A_1211 = tpu.matmul %select_n3A_1202, %slice3A_964, %dot_general3A_1210 {dimension_numbers = #tpu.dot_dimension_numbers<[1], [0], [0], [1], [0, 0, 1, 1], [], []>, precision = #tpu.contract_precision<fp32>, transpose_lhs_hint = false} : vector<600x128xf32>, vector<128x16xf32>, vector<600x16xf32> -> vector<600x16xf32>
      %add3A_1212 = arith.addf %mul3A_1209, %dot_general3A_1211 : vector<600x16xf32>
      scf.yield %max3A_977, %add3A_990, %add3A_995, %max3A_1008, %add3A_1021, %add3A_1026, %max3A_1039, %add3A_1052, %add3A_1057, %max3A_1070, %add3A_1083, %add3A_1088, %max3A_1101, %add3A_1114, %add3A_1119, %max3A_1132, %add3A_1145, %add3A_1150, %max3A_1163, %add3A_1176, %add3A_1181, %max3A_1194, %add3A_1207, %add3A_1212 : vector<600x1xf32>, vector<600x1xf32>, vector<600x16xf32>, vector<600x1xf32>, vector<600x1xf32>, vector<600x16xf32>, vector<600x1xf32>, vector<600x1xf32>, vector<600x16xf32>, vector<600x1xf32>, vector<600x1xf32>, vector<600x16xf32>, vector<600x1xf32>, vector<600x1xf32>, vector<600x16xf32>, vector<600x1xf32>, vector<600x1xf32>, vector<600x16xf32>, vector<600x1xf32>, vector<600x1xf32>, vector<600x16xf32>, vector<600x1xf32>, vector<600x1xf32>, vector<600x16xf32>
    }
    %while3A_243 = arith.constant 1 : i32
    %while3A_244:24 = scf.for %while3A_907 = %while3A_240 to %while3A_236 step %while3A_243 iter_args(%while3A_908 = %while3A_242#0, %while3A_909 = %while3A_242#1, %while3A_910 = %while3A_242#2, %while3A_911 = %while3A_242#3, %while3A_912 = %while3A_242#4, %while3A_913 = %while3A_242#5, %while3A_914 = %while3A_242#6, %while3A_915 = %while3A_242#7, %while3A_916 = %while3A_242#8, %while3A_917 = %while3A_242#9, %while3A_918 = %while3A_242#10, %while3A_919 = %while3A_242#11, %while3A_920 = %while3A_242#12, %while3A_921 = %while3A_242#13, %while3A_922 = %while3A_242#14, %while3A_923 = %while3A_242#15, %while3A_924 = %while3A_242#16, %while3A_925 = %while3A_242#17, %while3A_926 = %while3A_242#18, %while3A_927 = %while3A_242#19, %while3A_928 = %while3A_242#20, %while3A_929 = %while3A_242#21, %while3A_930 = %while3A_242#22, %while3A_931 = %while3A_242#23) -> (vector<600x1xf32>, vector<600x1xf32>, vector<600x16xf32>, vector<600x1xf32>, vector<600x1xf32>, vector<600x16xf32>, vector<600x1xf32>, vector<600x1xf32>, vector<600x16xf32>, vector<600x1xf32>, vector<600x1xf32>, vector<600x16xf32>, vector<600x1xf32>, vector<600x1xf32>, vector<600x16xf32>, vector<600x1xf32>, vector<600x1xf32>, vector<600x16xf32>, vector<600x1xf32>, vector<600x1xf32>, vector<600x16xf32>, vector<600x1xf32>, vector<600x1xf32>, vector<600x16xf32>)  : i32 {
      %mul3A_932 = arith.constant 128 : i32
      %mul3A_933 = arith.muli %while3A_907, %mul3A_932 : i32
      %add3A_934 = arith.addi %get3A_2, %mul3A_933 : i32
      %get3A_935 = arith.index_cast %add3A_934 : i32 to index
      %get3A_936 = arith.constant 0 : index
      %get3A_937 = vector.load %arg2[%get3A_935, %get3A_936] : memref<10240x128xf32, #tpu.memory_space<vmem>>, vector<128x128xf32>
      %get3A_938 = arith.index_cast %add3A_934 : i32 to index
      %get3A_939 = arith.constant 0 : index
      %get3A_940 = vector.load %arg3[%get3A_938, %get3A_939] : memref<10240x128xf32, #tpu.memory_space<vmem>>, vector<128x128xf32>
      %iota3A_941 = tpu.iota {dimensions = array<i32: 1>} : vector<1x128xi32>
      %add3A_942 = vector.broadcast %add3A_934 : i32 to vector<1x128xi32>
      %add3A_943 = arith.addi %add3A_942, %iota3A_941 : vector<1x128xi32>
      %ge3A = vector.broadcast %add3A_943 : vector<1x128xi32> to vector<600x128xi32>
      %ge3A_944 = vector.broadcast %select_n3A_163 : vector<600x1xi32> to vector<600x128xi32>
      %ge3A_945 = arith.cmpi sge, %ge3A, %ge3A_944 : vector<600x128xi32>
      %lt3A = vector.broadcast %add3A_943 : vector<1x128xi32> to vector<600x128xi32>
      %lt3A_946 = vector.broadcast %select_n3A_168 : vector<600x1xi32> to vector<600x128xi32>
      %lt3A_947 = arith.cmpi slt, %lt3A, %lt3A_946 : vector<600x128xi32>
      %and3A_948 = arith.andi %ge3A_945, %lt3A_947 : vector<600x128xi1>
      %slice3A_949 = vector.extract_strided_slice %get3A_937 {offsets = [0, 0], sizes = [128, 16], strides = [1, 1]} : vector<128x128xf32> to vector<128x16xf32>
      %slice3A_950 = vector.extract_strided_slice %get3A_937 {offsets = [0, 16], sizes = [128, 16], strides = [1, 1]} : vector<128x128xf32> to vector<128x16xf32>
      %slice3A_951 = vector.extract_strided_slice %get3A_937 {offsets = [0, 32], sizes = [128, 16], strides = [1, 1]} : vector<128x128xf32> to vector<128x16xf32>
      %slice3A_952 = vector.extract_strided_slice %get3A_937 {offsets = [0, 48], sizes = [128, 16], strides = [1, 1]} : vector<128x128xf32> to vector<128x16xf32>
      %slice3A_953 = vector.extract_strided_slice %get3A_937 {offsets = [0, 64], sizes = [128, 16], strides = [1, 1]} : vector<128x128xf32> to vector<128x16xf32>
      %slice3A_954 = vector.extract_strided_slice %get3A_937 {offsets = [0, 80], sizes = [128, 16], strides = [1, 1]} : vector<128x128xf32> to vector<128x16xf32>
      %slice3A_955 = vector.extract_strided_slice %get3A_937 {offsets = [0, 96], sizes = [128, 16], strides = [1, 1]} : vector<128x128xf32> to vector<128x16xf32>
      %slice3A_956 = vector.extract_strided_slice %get3A_937 {offsets = [0, 112], sizes = [128, 16], strides = [1, 1]} : vector<128x128xf32> to vector<128x16xf32>
      %slice3A_957 = vector.extract_strided_slice %get3A_940 {offsets = [0, 0], sizes = [128, 16], strides = [1, 1]} : vector<128x128xf32> to vector<128x16xf32>
      %slice3A_958 = vector.extract_strided_slice %get3A_940 {offsets = [0, 16], sizes = [128, 16], strides = [1, 1]} : vector<128x128xf32> to vector<128x16xf32>
      %slice3A_959 = vector.extract_strided_slice %get3A_940 {offsets = [0, 32], sizes = [128, 16], strides = [1, 1]} : vector<128x128xf32> to vector<128x16xf32>
      %slice3A_960 = vector.extract_strided_slice %get3A_940 {offsets = [0, 48], sizes = [128, 16], strides = [1, 1]} : vector<128x128xf32> to vector<128x16xf32>
      %slice3A_961 = vector.extract_strided_slice %get3A_940 {offsets = [0, 64], sizes = [128, 16], strides = [1, 1]} : vector<128x128xf32> to vector<128x16xf32>
      %slice3A_962 = vector.extract_strided_slice %get3A_940 {offsets = [0, 80], sizes = [128, 16], strides = [1, 1]} : vector<128x128xf32> to vector<128x16xf32>
      %slice3A_963 = vector.extract_strided_slice %get3A_940 {offsets = [0, 96], sizes = [128, 16], strides = [1, 1]} : vector<128x128xf32> to vector<128x16xf32>
      %slice3A_964 = vector.extract_strided_slice %get3A_940 {offsets = [0, 112], sizes = [128, 16], strides = [1, 1]} : vector<128x128xf32> to vector<128x16xf32>
      %dot_general3A_965 = arith.constant dense<0.000000e+00> : vector<75x128xf32>
      %dot_general3A_966 = tpu.matmul %slice3A_179, %slice3A_949, %dot_general3A_965 {dimension_numbers = #tpu.dot_dimension_numbers<[1], [1], [0], [0], [0, 0, 1, 0], [], []>, precision = #tpu.contract_precision<fp32>, transpose_lhs_hint = false} : vector<75x16xf32>, vector<128x16xf32>, vector<75x128xf32> -> vector<75x128xf32>
      %mul3A_967 = arith.constant 0.0883883461 : f32
      %mul3A_968 = vector.broadcast %mul3A_967 : f32 to vector<75x128xf32>
      %mul3A_969 = arith.mulf %dot_general3A_966, %mul3A_968 : vector<75x128xf32>
      %concatenate3A_970 = tpu.concatenate %mul3A_969, %mul3A_969, %mul3A_969, %mul3A_969, %mul3A_969, %mul3A_969, %mul3A_969, %mul3A_969 in 0 : vector<75x128xf32>, vector<75x128xf32>, vector<75x128xf32>, vector<75x128xf32>, vector<75x128xf32>, vector<75x128xf32>, vector<75x128xf32>, vector<75x128xf32> -> vector<600x128xf32>
      %jit3A_971 = arith.constant -1.000000e+30 : f32
      %broadcast_in_dim3A_972 = vector.broadcast %jit3A_971 : f32 to vector<600x128xf32>
      %select_n3A_973 = arith.select %and3A_948, %concatenate3A_970, %broadcast_in_dim3A_972 : vector<600x128xi1>, vector<600x128xf32>
      %reduce_max3A_974 = arith.constant dense<0xFF800000> : vector<600xf32>
      %reduce_max3A_975 = vector.multi_reduction <maximumf>, %select_n3A_973, %reduce_max3A_974 [1] : vector<600x128xf32> to vector<600xf32>
      %broadcast_in_dim3A_976 = vector.shape_cast %reduce_max3A_975 : vector<600xf32> to vector<600x1xf32>
      %max3A_977 = arith.maximumf %while3A_908, %broadcast_in_dim3A_976 : vector<600x1xf32>
      %sub3A_978 = arith.subf %while3A_908, %max3A_977 : vector<600x1xf32>
      %exp3A_979 = math.exp %sub3A_978 : vector<600x1xf32>
      %sub3A_980 = vector.broadcast %max3A_977 : vector<600x1xf32> to vector<600x128xf32>
      %sub3A_981 = arith.subf %select_n3A_973, %sub3A_980 : vector<600x128xf32>
      %exp3A_982 = math.exp %sub3A_981 : vector<600x128xf32>
      %jit3A_983 = arith.constant 0.000000e+00 : f32
      %broadcast_in_dim3A_984 = vector.broadcast %jit3A_983 : f32 to vector<600x128xf32>
      %select_n3A_985 = arith.select %and3A_948, %exp3A_982, %broadcast_in_dim3A_984 : vector<600x128xi1>, vector<600x128xf32>
      %mul3A_986 = arith.mulf %while3A_909, %exp3A_979 : vector<600x1xf32>
      %reduce_sum3A_987 = arith.constant dense<0.000000e+00> : vector<600xf32>
      %reduce_sum3A_988 = vector.multi_reduction <add>, %select_n3A_985, %reduce_sum3A_987 [1] : vector<600x128xf32> to vector<600xf32>
      %broadcast_in_dim3A_989 = vector.shape_cast %reduce_sum3A_988 : vector<600xf32> to vector<600x1xf32>
      %add3A_990 = arith.addf %mul3A_986, %broadcast_in_dim3A_989 : vector<600x1xf32>
      %mul3A_991 = vector.broadcast %exp3A_979 : vector<600x1xf32> to vector<600x16xf32>
      %mul3A_992 = arith.mulf %while3A_910, %mul3A_991 : vector<600x16xf32>
      %dot_general3A_993 = arith.constant dense<0.000000e+00> : vector<600x16xf32>
      %dot_general3A_994 = tpu.matmul %select_n3A_985, %slice3A_957, %dot_general3A_993 {dimension_numbers = #tpu.dot_dimension_numbers<[1], [0], [0], [1], [0, 0, 1, 1], [], []>, precision = #tpu.contract_precision<fp32>, transpose_lhs_hint = false} : vector<600x128xf32>, vector<128x16xf32>, vector<600x16xf32> -> vector<600x16xf32>
      %add3A_995 = arith.addf %mul3A_992, %dot_general3A_994 : vector<600x16xf32>
      %dot_general3A_996 = arith.constant dense<0.000000e+00> : vector<75x128xf32>
      %dot_general3A_997 = tpu.matmul %slice3A_180, %slice3A_950, %dot_general3A_996 {dimension_numbers = #tpu.dot_dimension_numbers<[1], [1], [0], [0], [0, 0, 1, 0], [], []>, precision = #tpu.contract_precision<fp32>, transpose_lhs_hint = false} : vector<75x16xf32>, vector<128x16xf32>, vector<75x128xf32> -> vector<75x128xf32>
      %mul3A_998 = arith.constant 0.0883883461 : f32
      %mul3A_999 = vector.broadcast %mul3A_998 : f32 to vector<75x128xf32>
      %mul3A_1000 = arith.mulf %dot_general3A_997, %mul3A_999 : vector<75x128xf32>
      %concatenate3A_1001 = tpu.concatenate %mul3A_1000, %mul3A_1000, %mul3A_1000, %mul3A_1000, %mul3A_1000, %mul3A_1000, %mul3A_1000, %mul3A_1000 in 0 : vector<75x128xf32>, vector<75x128xf32>, vector<75x128xf32>, vector<75x128xf32>, vector<75x128xf32>, vector<75x128xf32>, vector<75x128xf32>, vector<75x128xf32> -> vector<600x128xf32>
      %jit3A_1002 = arith.constant -1.000000e+30 : f32
      %broadcast_in_dim3A_1003 = vector.broadcast %jit3A_1002 : f32 to vector<600x128xf32>
      %select_n3A_1004 = arith.select %and3A_948, %concatenate3A_1001, %broadcast_in_dim3A_1003 : vector<600x128xi1>, vector<600x128xf32>
      %reduce_max3A_1005 = arith.constant dense<0xFF800000> : vector<600xf32>
      %reduce_max3A_1006 = vector.multi_reduction <maximumf>, %select_n3A_1004, %reduce_max3A_1005 [1] : vector<600x128xf32> to vector<600xf32>
      %broadcast_in_dim3A_1007 = vector.shape_cast %reduce_max3A_1006 : vector<600xf32> to vector<600x1xf32>
      %max3A_1008 = arith.maximumf %while3A_911, %broadcast_in_dim3A_1007 : vector<600x1xf32>
      %sub3A_1009 = arith.subf %while3A_911, %max3A_1008 : vector<600x1xf32>
      %exp3A_1010 = math.exp %sub3A_1009 : vector<600x1xf32>
      %sub3A_1011 = vector.broadcast %max3A_1008 : vector<600x1xf32> to vector<600x128xf32>
      %sub3A_1012 = arith.subf %select_n3A_1004, %sub3A_1011 : vector<600x128xf32>
      %exp3A_1013 = math.exp %sub3A_1012 : vector<600x128xf32>
      %jit3A_1014 = arith.constant 0.000000e+00 : f32
      %broadcast_in_dim3A_1015 = vector.broadcast %jit3A_1014 : f32 to vector<600x128xf32>
      %select_n3A_1016 = arith.select %and3A_948, %exp3A_1013, %broadcast_in_dim3A_1015 : vector<600x128xi1>, vector<600x128xf32>
      %mul3A_1017 = arith.mulf %while3A_912, %exp3A_1010 : vector<600x1xf32>
      %reduce_sum3A_1018 = arith.constant dense<0.000000e+00> : vector<600xf32>
      %reduce_sum3A_1019 = vector.multi_reduction <add>, %select_n3A_1016, %reduce_sum3A_1018 [1] : vector<600x128xf32> to vector<600xf32>
      %broadcast_in_dim3A_1020 = vector.shape_cast %reduce_sum3A_1019 : vector<600xf32> to vector<600x1xf32>
      %add3A_1021 = arith.addf %mul3A_1017, %broadcast_in_dim3A_1020 : vector<600x1xf32>
      %mul3A_1022 = vector.broadcast %exp3A_1010 : vector<600x1xf32> to vector<600x16xf32>
      %mul3A_1023 = arith.mulf %while3A_913, %mul3A_1022 : vector<600x16xf32>
      %dot_general3A_1024 = arith.constant dense<0.000000e+00> : vector<600x16xf32>
      %dot_general3A_1025 = tpu.matmul %select_n3A_1016, %slice3A_958, %dot_general3A_1024 {dimension_numbers = #tpu.dot_dimension_numbers<[1], [0], [0], [1], [0, 0, 1, 1], [], []>, precision = #tpu.contract_precision<fp32>, transpose_lhs_hint = false} : vector<600x128xf32>, vector<128x16xf32>, vector<600x16xf32> -> vector<600x16xf32>
      %add3A_1026 = arith.addf %mul3A_1023, %dot_general3A_1025 : vector<600x16xf32>
      %dot_general3A_1027 = arith.constant dense<0.000000e+00> : vector<75x128xf32>
      %dot_general3A_1028 = tpu.matmul %slice3A_181, %slice3A_951, %dot_general3A_1027 {dimension_numbers = #tpu.dot_dimension_numbers<[1], [1], [0], [0], [0, 0, 1, 0], [], []>, precision = #tpu.contract_precision<fp32>, transpose_lhs_hint = false} : vector<75x16xf32>, vector<128x16xf32>, vector<75x128xf32> -> vector<75x128xf32>
      %mul3A_1029 = arith.constant 0.0883883461 : f32
      %mul3A_1030 = vector.broadcast %mul3A_1029 : f32 to vector<75x128xf32>
      %mul3A_1031 = arith.mulf %dot_general3A_1028, %mul3A_1030 : vector<75x128xf32>
      %concatenate3A_1032 = tpu.concatenate %mul3A_1031, %mul3A_1031, %mul3A_1031, %mul3A_1031, %mul3A_1031, %mul3A_1031, %mul3A_1031, %mul3A_1031 in 0 : vector<75x128xf32>, vector<75x128xf32>, vector<75x128xf32>, vector<75x128xf32>, vector<75x128xf32>, vector<75x128xf32>, vector<75x128xf32>, vector<75x128xf32> -> vector<600x128xf32>
      %jit3A_1033 = arith.constant -1.000000e+30 : f32
      %broadcast_in_dim3A_1034 = vector.broadcast %jit3A_1033 : f32 to vector<600x128xf32>
      %select_n3A_1035 = arith.select %and3A_948, %concatenate3A_1032, %broadcast_in_dim3A_1034 : vector<600x128xi1>, vector<600x128xf32>
      %reduce_max3A_1036 = arith.constant dense<0xFF800000> : vector<600xf32>
      %reduce_max3A_1037 = vector.multi_reduction <maximumf>, %select_n3A_1035, %reduce_max3A_1036 [1] : vector<600x128xf32> to vector<600xf32>
      %broadcast_in_dim3A_1038 = vector.shape_cast %reduce_max3A_1037 : vector<600xf32> to vector<600x1xf32>
      %max3A_1039 = arith.maximumf %while3A_914, %broadcast_in_dim3A_1038 : vector<600x1xf32>
      %sub3A_1040 = arith.subf %while3A_914, %max3A_1039 : vector<600x1xf32>
      %exp3A_1041 = math.exp %sub3A_1040 : vector<600x1xf32>
      %sub3A_1042 = vector.broadcast %max3A_1039 : vector<600x1xf32> to vector<600x128xf32>
      %sub3A_1043 = arith.subf %select_n3A_1035, %sub3A_1042 : vector<600x128xf32>
      %exp3A_1044 = math.exp %sub3A_1043 : vector<600x128xf32>
      %jit3A_1045 = arith.constant 0.000000e+00 : f32
      %broadcast_in_dim3A_1046 = vector.broadcast %jit3A_1045 : f32 to vector<600x128xf32>
      %select_n3A_1047 = arith.select %and3A_948, %exp3A_1044, %broadcast_in_dim3A_1046 : vector<600x128xi1>, vector<600x128xf32>
      %mul3A_1048 = arith.mulf %while3A_915, %exp3A_1041 : vector<600x1xf32>
      %reduce_sum3A_1049 = arith.constant dense<0.000000e+00> : vector<600xf32>
      %reduce_sum3A_1050 = vector.multi_reduction <add>, %select_n3A_1047, %reduce_sum3A_1049 [1] : vector<600x128xf32> to vector<600xf32>
      %broadcast_in_dim3A_1051 = vector.shape_cast %reduce_sum3A_1050 : vector<600xf32> to vector<600x1xf32>
      %add3A_1052 = arith.addf %mul3A_1048, %broadcast_in_dim3A_1051 : vector<600x1xf32>
      %mul3A_1053 = vector.broadcast %exp3A_1041 : vector<600x1xf32> to vector<600x16xf32>
      %mul3A_1054 = arith.mulf %while3A_916, %mul3A_1053 : vector<600x16xf32>
      %dot_general3A_1055 = arith.constant dense<0.000000e+00> : vector<600x16xf32>
      %dot_general3A_1056 = tpu.matmul %select_n3A_1047, %slice3A_959, %dot_general3A_1055 {dimension_numbers = #tpu.dot_dimension_numbers<[1], [0], [0], [1], [0, 0, 1, 1], [], []>, precision = #tpu.contract_precision<fp32>, transpose_lhs_hint = false} : vector<600x128xf32>, vector<128x16xf32>, vector<600x16xf32> -> vector<600x16xf32>
      %add3A_1057 = arith.addf %mul3A_1054, %dot_general3A_1056 : vector<600x16xf32>
      %dot_general3A_1058 = arith.constant dense<0.000000e+00> : vector<75x128xf32>
      %dot_general3A_1059 = tpu.matmul %slice3A_182, %slice3A_952, %dot_general3A_1058 {dimension_numbers = #tpu.dot_dimension_numbers<[1], [1], [0], [0], [0, 0, 1, 0], [], []>, precision = #tpu.contract_precision<fp32>, transpose_lhs_hint = false} : vector<75x16xf32>, vector<128x16xf32>, vector<75x128xf32> -> vector<75x128xf32>
      %mul3A_1060 = arith.constant 0.0883883461 : f32
      %mul3A_1061 = vector.broadcast %mul3A_1060 : f32 to vector<75x128xf32>
      %mul3A_1062 = arith.mulf %dot_general3A_1059, %mul3A_1061 : vector<75x128xf32>
      %concatenate3A_1063 = tpu.concatenate %mul3A_1062, %mul3A_1062, %mul3A_1062, %mul3A_1062, %mul3A_1062, %mul3A_1062, %mul3A_1062, %mul3A_1062 in 0 : vector<75x128xf32>, vector<75x128xf32>, vector<75x128xf32>, vector<75x128xf32>, vector<75x128xf32>, vector<75x128xf32>, vector<75x128xf32>, vector<75x128xf32> -> vector<600x128xf32>
      %jit3A_1064 = arith.constant -1.000000e+30 : f32
      %broadcast_in_dim3A_1065 = vector.broadcast %jit3A_1064 : f32 to vector<600x128xf32>
      %select_n3A_1066 = arith.select %and3A_948, %concatenate3A_1063, %broadcast_in_dim3A_1065 : vector<600x128xi1>, vector<600x128xf32>
      %reduce_max3A_1067 = arith.constant dense<0xFF800000> : vector<600xf32>
      %reduce_max3A_1068 = vector.multi_reduction <maximumf>, %select_n3A_1066, %reduce_max3A_1067 [1] : vector<600x128xf32> to vector<600xf32>
      %broadcast_in_dim3A_1069 = vector.shape_cast %reduce_max3A_1068 : vector<600xf32> to vector<600x1xf32>
      %max3A_1070 = arith.maximumf %while3A_917, %broadcast_in_dim3A_1069 : vector<600x1xf32>
      %sub3A_1071 = arith.subf %while3A_917, %max3A_1070 : vector<600x1xf32>
      %exp3A_1072 = math.exp %sub3A_1071 : vector<600x1xf32>
      %sub3A_1073 = vector.broadcast %max3A_1070 : vector<600x1xf32> to vector<600x128xf32>
      %sub3A_1074 = arith.subf %select_n3A_1066, %sub3A_1073 : vector<600x128xf32>
      %exp3A_1075 = math.exp %sub3A_1074 : vector<600x128xf32>
      %jit3A_1076 = arith.constant 0.000000e+00 : f32
      %broadcast_in_dim3A_1077 = vector.broadcast %jit3A_1076 : f32 to vector<600x128xf32>
      %select_n3A_1078 = arith.select %and3A_948, %exp3A_1075, %broadcast_in_dim3A_1077 : vector<600x128xi1>, vector<600x128xf32>
      %mul3A_1079 = arith.mulf %while3A_918, %exp3A_1072 : vector<600x1xf32>
      %reduce_sum3A_1080 = arith.constant dense<0.000000e+00> : vector<600xf32>
      %reduce_sum3A_1081 = vector.multi_reduction <add>, %select_n3A_1078, %reduce_sum3A_1080 [1] : vector<600x128xf32> to vector<600xf32>
      %broadcast_in_dim3A_1082 = vector.shape_cast %reduce_sum3A_1081 : vector<600xf32> to vector<600x1xf32>
      %add3A_1083 = arith.addf %mul3A_1079, %broadcast_in_dim3A_1082 : vector<600x1xf32>
      %mul3A_1084 = vector.broadcast %exp3A_1072 : vector<600x1xf32> to vector<600x16xf32>
      %mul3A_1085 = arith.mulf %while3A_919, %mul3A_1084 : vector<600x16xf32>
      %dot_general3A_1086 = arith.constant dense<0.000000e+00> : vector<600x16xf32>
      %dot_general3A_1087 = tpu.matmul %select_n3A_1078, %slice3A_960, %dot_general3A_1086 {dimension_numbers = #tpu.dot_dimension_numbers<[1], [0], [0], [1], [0, 0, 1, 1], [], []>, precision = #tpu.contract_precision<fp32>, transpose_lhs_hint = false} : vector<600x128xf32>, vector<128x16xf32>, vector<600x16xf32> -> vector<600x16xf32>
      %add3A_1088 = arith.addf %mul3A_1085, %dot_general3A_1087 : vector<600x16xf32>
      %dot_general3A_1089 = arith.constant dense<0.000000e+00> : vector<75x128xf32>
      %dot_general3A_1090 = tpu.matmul %slice3A_183, %slice3A_953, %dot_general3A_1089 {dimension_numbers = #tpu.dot_dimension_numbers<[1], [1], [0], [0], [0, 0, 1, 0], [], []>, precision = #tpu.contract_precision<fp32>, transpose_lhs_hint = false} : vector<75x16xf32>, vector<128x16xf32>, vector<75x128xf32> -> vector<75x128xf32>
      %mul3A_1091 = arith.constant 0.0883883461 : f32
      %mul3A_1092 = vector.broadcast %mul3A_1091 : f32 to vector<75x128xf32>
      %mul3A_1093 = arith.mulf %dot_general3A_1090, %mul3A_1092 : vector<75x128xf32>
      %concatenate3A_1094 = tpu.concatenate %mul3A_1093, %mul3A_1093, %mul3A_1093, %mul3A_1093, %mul3A_1093, %mul3A_1093, %mul3A_1093, %mul3A_1093 in 0 : vector<75x128xf32>, vector<75x128xf32>, vector<75x128xf32>, vector<75x128xf32>, vector<75x128xf32>, vector<75x128xf32>, vector<75x128xf32>, vector<75x128xf32> -> vector<600x128xf32>
      %jit3A_1095 = arith.constant -1.000000e+30 : f32
      %broadcast_in_dim3A_1096 = vector.broadcast %jit3A_1095 : f32 to vector<600x128xf32>
      %select_n3A_1097 = arith.select %and3A_948, %concatenate3A_1094, %broadcast_in_dim3A_1096 : vector<600x128xi1>, vector<600x128xf32>
      %reduce_max3A_1098 = arith.constant dense<0xFF800000> : vector<600xf32>
      %reduce_max3A_1099 = vector.multi_reduction <maximumf>, %select_n3A_1097, %reduce_max3A_1098 [1] : vector<600x128xf32> to vector<600xf32>
      %broadcast_in_dim3A_1100 = vector.shape_cast %reduce_max3A_1099 : vector<600xf32> to vector<600x1xf32>
      %max3A_1101 = arith.maximumf %while3A_920, %broadcast_in_dim3A_1100 : vector<600x1xf32>
      %sub3A_1102 = arith.subf %while3A_920, %max3A_1101 : vector<600x1xf32>
      %exp3A_1103 = math.exp %sub3A_1102 : vector<600x1xf32>
      %sub3A_1104 = vector.broadcast %max3A_1101 : vector<600x1xf32> to vector<600x128xf32>
      %sub3A_1105 = arith.subf %select_n3A_1097, %sub3A_1104 : vector<600x128xf32>
      %exp3A_1106 = math.exp %sub3A_1105 : vector<600x128xf32>
      %jit3A_1107 = arith.constant 0.000000e+00 : f32
      %broadcast_in_dim3A_1108 = vector.broadcast %jit3A_1107 : f32 to vector<600x128xf32>
      %select_n3A_1109 = arith.select %and3A_948, %exp3A_1106, %broadcast_in_dim3A_1108 : vector<600x128xi1>, vector<600x128xf32>
      %mul3A_1110 = arith.mulf %while3A_921, %exp3A_1103 : vector<600x1xf32>
      %reduce_sum3A_1111 = arith.constant dense<0.000000e+00> : vector<600xf32>
      %reduce_sum3A_1112 = vector.multi_reduction <add>, %select_n3A_1109, %reduce_sum3A_1111 [1] : vector<600x128xf32> to vector<600xf32>
      %broadcast_in_dim3A_1113 = vector.shape_cast %reduce_sum3A_1112 : vector<600xf32> to vector<600x1xf32>
      %add3A_1114 = arith.addf %mul3A_1110, %broadcast_in_dim3A_1113 : vector<600x1xf32>
      %mul3A_1115 = vector.broadcast %exp3A_1103 : vector<600x1xf32> to vector<600x16xf32>
      %mul3A_1116 = arith.mulf %while3A_922, %mul3A_1115 : vector<600x16xf32>
      %dot_general3A_1117 = arith.constant dense<0.000000e+00> : vector<600x16xf32>
      %dot_general3A_1118 = tpu.matmul %select_n3A_1109, %slice3A_961, %dot_general3A_1117 {dimension_numbers = #tpu.dot_dimension_numbers<[1], [0], [0], [1], [0, 0, 1, 1], [], []>, precision = #tpu.contract_precision<fp32>, transpose_lhs_hint = false} : vector<600x128xf32>, vector<128x16xf32>, vector<600x16xf32> -> vector<600x16xf32>
      %add3A_1119 = arith.addf %mul3A_1116, %dot_general3A_1118 : vector<600x16xf32>
      %dot_general3A_1120 = arith.constant dense<0.000000e+00> : vector<75x128xf32>
      %dot_general3A_1121 = tpu.matmul %slice3A_184, %slice3A_954, %dot_general3A_1120 {dimension_numbers = #tpu.dot_dimension_numbers<[1], [1], [0], [0], [0, 0, 1, 0], [], []>, precision = #tpu.contract_precision<fp32>, transpose_lhs_hint = false} : vector<75x16xf32>, vector<128x16xf32>, vector<75x128xf32> -> vector<75x128xf32>
      %mul3A_1122 = arith.constant 0.0883883461 : f32
      %mul3A_1123 = vector.broadcast %mul3A_1122 : f32 to vector<75x128xf32>
      %mul3A_1124 = arith.mulf %dot_general3A_1121, %mul3A_1123 : vector<75x128xf32>
      %concatenate3A_1125 = tpu.concatenate %mul3A_1124, %mul3A_1124, %mul3A_1124, %mul3A_1124, %mul3A_1124, %mul3A_1124, %mul3A_1124, %mul3A_1124 in 0 : vector<75x128xf32>, vector<75x128xf32>, vector<75x128xf32>, vector<75x128xf32>, vector<75x128xf32>, vector<75x128xf32>, vector<75x128xf32>, vector<75x128xf32> -> vector<600x128xf32>
      %jit3A_1126 = arith.constant -1.000000e+30 : f32
      %broadcast_in_dim3A_1127 = vector.broadcast %jit3A_1126 : f32 to vector<600x128xf32>
      %select_n3A_1128 = arith.select %and3A_948, %concatenate3A_1125, %broadcast_in_dim3A_1127 : vector<600x128xi1>, vector<600x128xf32>
      %reduce_max3A_1129 = arith.constant dense<0xFF800000> : vector<600xf32>
      %reduce_max3A_1130 = vector.multi_reduction <maximumf>, %select_n3A_1128, %reduce_max3A_1129 [1] : vector<600x128xf32> to vector<600xf32>
      %broadcast_in_dim3A_1131 = vector.shape_cast %reduce_max3A_1130 : vector<600xf32> to vector<600x1xf32>
      %max3A_1132 = arith.maximumf %while3A_923, %broadcast_in_dim3A_1131 : vector<600x1xf32>
      %sub3A_1133 = arith.subf %while3A_923, %max3A_1132 : vector<600x1xf32>
      %exp3A_1134 = math.exp %sub3A_1133 : vector<600x1xf32>
      %sub3A_1135 = vector.broadcast %max3A_1132 : vector<600x1xf32> to vector<600x128xf32>
      %sub3A_1136 = arith.subf %select_n3A_1128, %sub3A_1135 : vector<600x128xf32>
      %exp3A_1137 = math.exp %sub3A_1136 : vector<600x128xf32>
      %jit3A_1138 = arith.constant 0.000000e+00 : f32
      %broadcast_in_dim3A_1139 = vector.broadcast %jit3A_1138 : f32 to vector<600x128xf32>
      %select_n3A_1140 = arith.select %and3A_948, %exp3A_1137, %broadcast_in_dim3A_1139 : vector<600x128xi1>, vector<600x128xf32>
      %mul3A_1141 = arith.mulf %while3A_924, %exp3A_1134 : vector<600x1xf32>
      %reduce_sum3A_1142 = arith.constant dense<0.000000e+00> : vector<600xf32>
      %reduce_sum3A_1143 = vector.multi_reduction <add>, %select_n3A_1140, %reduce_sum3A_1142 [1] : vector<600x128xf32> to vector<600xf32>
      %broadcast_in_dim3A_1144 = vector.shape_cast %reduce_sum3A_1143 : vector<600xf32> to vector<600x1xf32>
      %add3A_1145 = arith.addf %mul3A_1141, %broadcast_in_dim3A_1144 : vector<600x1xf32>
      %mul3A_1146 = vector.broadcast %exp3A_1134 : vector<600x1xf32> to vector<600x16xf32>
      %mul3A_1147 = arith.mulf %while3A_925, %mul3A_1146 : vector<600x16xf32>
      %dot_general3A_1148 = arith.constant dense<0.000000e+00> : vector<600x16xf32>
      %dot_general3A_1149 = tpu.matmul %select_n3A_1140, %slice3A_962, %dot_general3A_1148 {dimension_numbers = #tpu.dot_dimension_numbers<[1], [0], [0], [1], [0, 0, 1, 1], [], []>, precision = #tpu.contract_precision<fp32>, transpose_lhs_hint = false} : vector<600x128xf32>, vector<128x16xf32>, vector<600x16xf32> -> vector<600x16xf32>
      %add3A_1150 = arith.addf %mul3A_1147, %dot_general3A_1149 : vector<600x16xf32>
      %dot_general3A_1151 = arith.constant dense<0.000000e+00> : vector<75x128xf32>
      %dot_general3A_1152 = tpu.matmul %slice3A_185, %slice3A_955, %dot_general3A_1151 {dimension_numbers = #tpu.dot_dimension_numbers<[1], [1], [0], [0], [0, 0, 1, 0], [], []>, precision = #tpu.contract_precision<fp32>, transpose_lhs_hint = false} : vector<75x16xf32>, vector<128x16xf32>, vector<75x128xf32> -> vector<75x128xf32>
      %mul3A_1153 = arith.constant 0.0883883461 : f32
      %mul3A_1154 = vector.broadcast %mul3A_1153 : f32 to vector<75x128xf32>
      %mul3A_1155 = arith.mulf %dot_general3A_1152, %mul3A_1154 : vector<75x128xf32>
      %concatenate3A_1156 = tpu.concatenate %mul3A_1155, %mul3A_1155, %mul3A_1155, %mul3A_1155, %mul3A_1155, %mul3A_1155, %mul3A_1155, %mul3A_1155 in 0 : vector<75x128xf32>, vector<75x128xf32>, vector<75x128xf32>, vector<75x128xf32>, vector<75x128xf32>, vector<75x128xf32>, vector<75x128xf32>, vector<75x128xf32> -> vector<600x128xf32>
      %jit3A_1157 = arith.constant -1.000000e+30 : f32
      %broadcast_in_dim3A_1158 = vector.broadcast %jit3A_1157 : f32 to vector<600x128xf32>
      %select_n3A_1159 = arith.select %and3A_948, %concatenate3A_1156, %broadcast_in_dim3A_1158 : vector<600x128xi1>, vector<600x128xf32>
      %reduce_max3A_1160 = arith.constant dense<0xFF800000> : vector<600xf32>
      %reduce_max3A_1161 = vector.multi_reduction <maximumf>, %select_n3A_1159, %reduce_max3A_1160 [1] : vector<600x128xf32> to vector<600xf32>
      %broadcast_in_dim3A_1162 = vector.shape_cast %reduce_max3A_1161 : vector<600xf32> to vector<600x1xf32>
      %max3A_1163 = arith.maximumf %while3A_926, %broadcast_in_dim3A_1162 : vector<600x1xf32>
      %sub3A_1164 = arith.subf %while3A_926, %max3A_1163 : vector<600x1xf32>
      %exp3A_1165 = math.exp %sub3A_1164 : vector<600x1xf32>
      %sub3A_1166 = vector.broadcast %max3A_1163 : vector<600x1xf32> to vector<600x128xf32>
      %sub3A_1167 = arith.subf %select_n3A_1159, %sub3A_1166 : vector<600x128xf32>
      %exp3A_1168 = math.exp %sub3A_1167 : vector<600x128xf32>
      %jit3A_1169 = arith.constant 0.000000e+00 : f32
      %broadcast_in_dim3A_1170 = vector.broadcast %jit3A_1169 : f32 to vector<600x128xf32>
      %select_n3A_1171 = arith.select %and3A_948, %exp3A_1168, %broadcast_in_dim3A_1170 : vector<600x128xi1>, vector<600x128xf32>
      %mul3A_1172 = arith.mulf %while3A_927, %exp3A_1165 : vector<600x1xf32>
      %reduce_sum3A_1173 = arith.constant dense<0.000000e+00> : vector<600xf32>
      %reduce_sum3A_1174 = vector.multi_reduction <add>, %select_n3A_1171, %reduce_sum3A_1173 [1] : vector<600x128xf32> to vector<600xf32>
      %broadcast_in_dim3A_1175 = vector.shape_cast %reduce_sum3A_1174 : vector<600xf32> to vector<600x1xf32>
      %add3A_1176 = arith.addf %mul3A_1172, %broadcast_in_dim3A_1175 : vector<600x1xf32>
      %mul3A_1177 = vector.broadcast %exp3A_1165 : vector<600x1xf32> to vector<600x16xf32>
      %mul3A_1178 = arith.mulf %while3A_928, %mul3A_1177 : vector<600x16xf32>
      %dot_general3A_1179 = arith.constant dense<0.000000e+00> : vector<600x16xf32>
      %dot_general3A_1180 = tpu.matmul %select_n3A_1171, %slice3A_963, %dot_general3A_1179 {dimension_numbers = #tpu.dot_dimension_numbers<[1], [0], [0], [1], [0, 0, 1, 1], [], []>, precision = #tpu.contract_precision<fp32>, transpose_lhs_hint = false} : vector<600x128xf32>, vector<128x16xf32>, vector<600x16xf32> -> vector<600x16xf32>
      %add3A_1181 = arith.addf %mul3A_1178, %dot_general3A_1180 : vector<600x16xf32>
      %dot_general3A_1182 = arith.constant dense<0.000000e+00> : vector<75x128xf32>
      %dot_general3A_1183 = tpu.matmul %slice3A_186, %slice3A_956, %dot_general3A_1182 {dimension_numbers = #tpu.dot_dimension_numbers<[1], [1], [0], [0], [0, 0, 1, 0], [], []>, precision = #tpu.contract_precision<fp32>, transpose_lhs_hint = false} : vector<75x16xf32>, vector<128x16xf32>, vector<75x128xf32> -> vector<75x128xf32>
      %mul3A_1184 = arith.constant 0.0883883461 : f32
      %mul3A_1185 = vector.broadcast %mul3A_1184 : f32 to vector<75x128xf32>
      %mul3A_1186 = arith.mulf %dot_general3A_1183, %mul3A_1185 : vector<75x128xf32>
      %concatenate3A_1187 = tpu.concatenate %mul3A_1186, %mul3A_1186, %mul3A_1186, %mul3A_1186, %mul3A_1186, %mul3A_1186, %mul3A_1186, %mul3A_1186 in 0 : vector<75x128xf32>, vector<75x128xf32>, vector<75x128xf32>, vector<75x128xf32>, vector<75x128xf32>, vector<75x128xf32>, vector<75x128xf32>, vector<75x128xf32> -> vector<600x128xf32>
      %jit3A_1188 = arith.constant -1.000000e+30 : f32
      %broadcast_in_dim3A_1189 = vector.broadcast %jit3A_1188 : f32 to vector<600x128xf32>
      %select_n3A_1190 = arith.select %and3A_948, %concatenate3A_1187, %broadcast_in_dim3A_1189 : vector<600x128xi1>, vector<600x128xf32>
      %reduce_max3A_1191 = arith.constant dense<0xFF800000> : vector<600xf32>
      %reduce_max3A_1192 = vector.multi_reduction <maximumf>, %select_n3A_1190, %reduce_max3A_1191 [1] : vector<600x128xf32> to vector<600xf32>
      %broadcast_in_dim3A_1193 = vector.shape_cast %reduce_max3A_1192 : vector<600xf32> to vector<600x1xf32>
      %max3A_1194 = arith.maximumf %while3A_929, %broadcast_in_dim3A_1193 : vector<600x1xf32>
      %sub3A_1195 = arith.subf %while3A_929, %max3A_1194 : vector<600x1xf32>
      %exp3A_1196 = math.exp %sub3A_1195 : vector<600x1xf32>
      %sub3A_1197 = vector.broadcast %max3A_1194 : vector<600x1xf32> to vector<600x128xf32>
      %sub3A_1198 = arith.subf %select_n3A_1190, %sub3A_1197 : vector<600x128xf32>
      %exp3A_1199 = math.exp %sub3A_1198 : vector<600x128xf32>
      %jit3A_1200 = arith.constant 0.000000e+00 : f32
      %broadcast_in_dim3A_1201 = vector.broadcast %jit3A_1200 : f32 to vector<600x128xf32>
      %select_n3A_1202 = arith.select %and3A_948, %exp3A_1199, %broadcast_in_dim3A_1201 : vector<600x128xi1>, vector<600x128xf32>
      %mul3A_1203 = arith.mulf %while3A_930, %exp3A_1196 : vector<600x1xf32>
      %reduce_sum3A_1204 = arith.constant dense<0.000000e+00> : vector<600xf32>
      %reduce_sum3A_1205 = vector.multi_reduction <add>, %select_n3A_1202, %reduce_sum3A_1204 [1] : vector<600x128xf32> to vector<600xf32>
      %broadcast_in_dim3A_1206 = vector.shape_cast %reduce_sum3A_1205 : vector<600xf32> to vector<600x1xf32>
      %add3A_1207 = arith.addf %mul3A_1203, %broadcast_in_dim3A_1206 : vector<600x1xf32>
      %mul3A_1208 = vector.broadcast %exp3A_1196 : vector<600x1xf32> to vector<600x16xf32>
      %mul3A_1209 = arith.mulf %while3A_931, %mul3A_1208 : vector<600x16xf32>
      %dot_general3A_1210 = arith.constant dense<0.000000e+00> : vector<600x16xf32>
      %dot_general3A_1211 = tpu.matmul %select_n3A_1202, %slice3A_964, %dot_general3A_1210 {dimension_numbers = #tpu.dot_dimension_numbers<[1], [0], [0], [1], [0, 0, 1, 1], [], []>, precision = #tpu.contract_precision<fp32>, transpose_lhs_hint = false} : vector<600x128xf32>, vector<128x16xf32>, vector<600x16xf32> -> vector<600x16xf32>
      %add3A_1212 = arith.addf %mul3A_1209, %dot_general3A_1211 : vector<600x16xf32>
      scf.yield %max3A_977, %add3A_990, %add3A_995, %max3A_1008, %add3A_1021, %add3A_1026, %max3A_1039, %add3A_1052, %add3A_1057, %max3A_1070, %add3A_1083, %add3A_1088, %max3A_1101, %add3A_1114, %add3A_1119, %max3A_1132, %add3A_1145, %add3A_1150, %max3A_1163, %add3A_1176, %add3A_1181, %max3A_1194, %add3A_1207, %add3A_1212 : vector<600x1xf32>, vector<600x1xf32>, vector<600x16xf32>, vector<600x1xf32>, vector<600x1xf32>, vector<600x16xf32>, vector<600x1xf32>, vector<600x1xf32>, vector<600x16xf32>, vector<600x1xf32>, vector<600x1xf32>, vector<600x16xf32>, vector<600x1xf32>, vector<600x1xf32>, vector<600x16xf32>, vector<600x1xf32>, vector<600x1xf32>, vector<600x16xf32>, vector<600x1xf32>, vector<600x1xf32>, vector<600x16xf32>, vector<600x1xf32>, vector<600x1xf32>, vector<600x16xf32>
    }
    %max3A = arith.constant 9.99999968E-21 : f32
    %max3A_245 = vector.broadcast %max3A : f32 to vector<600x1xf32>
    %max3A_246 = arith.maximumf %while3A_244#1, %max3A_245 : vector<600x1xf32>
    %div3A_247 = vector.broadcast %max3A_246 : vector<600x1xf32> to vector<600x16xf32>
    %div3A_248 = arith.divf %while3A_244#2, %div3A_247 : vector<600x16xf32>
    %add3A_249 = arith.addf %slice3A, %div3A_248 : vector<600x16xf32>
    %max3A_250 = arith.constant 9.99999968E-21 : f32
    %max3A_251 = vector.broadcast %max3A_250 : f32 to vector<600x1xf32>
    %max3A_252 = arith.maximumf %while3A_244#4, %max3A_251 : vector<600x1xf32>
    %div3A_253 = vector.broadcast %max3A_252 : vector<600x1xf32> to vector<600x16xf32>
    %div3A_254 = arith.divf %while3A_244#5, %div3A_253 : vector<600x16xf32>
    %add3A_255 = arith.addf %slice3A_172, %div3A_254 : vector<600x16xf32>
    %max3A_256 = arith.constant 9.99999968E-21 : f32
    %max3A_257 = vector.broadcast %max3A_256 : f32 to vector<600x1xf32>
    %max3A_258 = arith.maximumf %while3A_244#7, %max3A_257 : vector<600x1xf32>
    %div3A_259 = vector.broadcast %max3A_258 : vector<600x1xf32> to vector<600x16xf32>
    %div3A_260 = arith.divf %while3A_244#8, %div3A_259 : vector<600x16xf32>
    %add3A_261 = arith.addf %slice3A_173, %div3A_260 : vector<600x16xf32>
    %max3A_262 = arith.constant 9.99999968E-21 : f32
    %max3A_263 = vector.broadcast %max3A_262 : f32 to vector<600x1xf32>
    %max3A_264 = arith.maximumf %while3A_244#10, %max3A_263 : vector<600x1xf32>
    %div3A_265 = vector.broadcast %max3A_264 : vector<600x1xf32> to vector<600x16xf32>
    %div3A_266 = arith.divf %while3A_244#11, %div3A_265 : vector<600x16xf32>
    %add3A_267 = arith.addf %slice3A_174, %div3A_266 : vector<600x16xf32>
    %max3A_268 = arith.constant 9.99999968E-21 : f32
    %max3A_269 = vector.broadcast %max3A_268 : f32 to vector<600x1xf32>
    %max3A_270 = arith.maximumf %while3A_244#13, %max3A_269 : vector<600x1xf32>
    %div3A_271 = vector.broadcast %max3A_270 : vector<600x1xf32> to vector<600x16xf32>
    %div3A_272 = arith.divf %while3A_244#14, %div3A_271 : vector<600x16xf32>
    %add3A_273 = arith.addf %slice3A_175, %div3A_272 : vector<600x16xf32>
    %max3A_274 = arith.constant 9.99999968E-21 : f32
    %max3A_275 = vector.broadcast %max3A_274 : f32 to vector<600x1xf32>
    %max3A_276 = arith.maximumf %while3A_244#16, %max3A_275 : vector<600x1xf32>
    %div3A_277 = vector.broadcast %max3A_276 : vector<600x1xf32> to vector<600x16xf32>
    %div3A_278 = arith.divf %while3A_244#17, %div3A_277 : vector<600x16xf32>
    %add3A_279 = arith.addf %slice3A_176, %div3A_278 : vector<600x16xf32>
    %max3A_280 = arith.constant 9.99999968E-21 : f32
    %max3A_281 = vector.broadcast %max3A_280 : f32 to vector<600x1xf32>
    %max3A_282 = arith.maximumf %while3A_244#19, %max3A_281 : vector<600x1xf32>
    %div3A_283 = vector.broadcast %max3A_282 : vector<600x1xf32> to vector<600x16xf32>
    %div3A_284 = arith.divf %while3A_244#20, %div3A_283 : vector<600x16xf32>
    %add3A_285 = arith.addf %slice3A_177, %div3A_284 : vector<600x16xf32>
    %max3A_286 = arith.constant 9.99999968E-21 : f32
    %max3A_287 = vector.broadcast %max3A_286 : f32 to vector<600x1xf32>
    %max3A_288 = arith.maximumf %while3A_244#22, %max3A_287 : vector<600x1xf32>
    %div3A_289 = vector.broadcast %max3A_288 : vector<600x1xf32> to vector<600x16xf32>
    %div3A_290 = arith.divf %while3A_244#23, %div3A_289 : vector<600x16xf32>
    %add3A_291 = arith.addf %slice3A_178, %div3A_290 : vector<600x16xf32>
    %concatenate3A = tpu.concatenate %add3A_249, %add3A_255, %add3A_261, %add3A_267, %add3A_273, %add3A_279, %add3A_285, %add3A_291 in 1 : vector<600x16xf32>, vector<600x16xf32>, vector<600x16xf32>, vector<600x16xf32>, vector<600x16xf32>, vector<600x16xf32>, vector<600x16xf32>, vector<600x16xf32> -> vector<600x128xf32>
    %get3A_292 = arith.constant 0 : index
    %get3A_293 = arith.constant 0 : index
    %get3A_294 = vector.load %arg6[%get3A_292, %get3A_293] : memref<128x128xf32, #tpu.memory_space<vmem>>, vector<128x128xf32>
    %get3A_295 = arith.constant 0 : index
    %get3A_296 = arith.constant 0 : index
    %get3A_297 = vector.load %arg7[%get3A_295, %get3A_296] : memref<1x128xf32, #tpu.memory_space<vmem>>, vector<1x128xf32>
    %dot_general3A = arith.constant dense<0.000000e+00> : vector<600x128xf32>
    %dot_general3A_298 = tpu.matmul %concatenate3A, %get3A_294, %dot_general3A {dimension_numbers = #tpu.dot_dimension_numbers<[1], [0], [0], [1], [0, 0, 1, 1], [], []>, precision = #tpu.contract_precision<fp32>, transpose_lhs_hint = false} : vector<600x128xf32>, vector<128x128xf32>, vector<600x128xf32> -> vector<600x128xf32>
    %add3A_299 = vector.broadcast %get3A_297 : vector<1x128xf32> to vector<600x128xf32>
    %add3A_300 = arith.addf %dot_general3A_298, %add3A_299 : vector<600x128xf32>
    %max3A_301 = arith.constant 0.000000e+00 : f32
    %max3A_302 = vector.broadcast %max3A_301 : f32 to vector<600x128xf32>
    %max3A_303 = arith.maximumf %add3A_300, %max3A_302 : vector<600x128xf32>
    %add3A_304 = arith.addf %concatenate3A, %max3A_303 : vector<600x128xf32>
    %get3A_305 = arith.constant 0 : index
    %get3A_306 = arith.constant 0 : index
    %get3A_307 = vector.load %arg8[%get3A_305, %get3A_306] : memref<128x128xf32, #tpu.memory_space<vmem>>, vector<128x128xf32>
    %dot_general3A_308 = arith.constant dense<0.000000e+00> : vector<600x128xf32>
    %dot_general3A_309 = tpu.matmul %add3A_304, %get3A_307, %dot_general3A_308 {dimension_numbers = #tpu.dot_dimension_numbers<[1], [0], [0], [1], [0, 0, 1, 1], [], []>, precision = #tpu.contract_precision<fp32>, transpose_lhs_hint = false} : vector<600x128xf32>, vector<128x128xf32>, vector<600x128xf32> -> vector<600x128xf32>
    %get3A_310 = arith.constant 0 : index
    %get3A_311 = arith.constant 0 : index
    %get3A_312 = vector.load %arg9[%get3A_310, %get3A_311] : memref<1x128xf32, #tpu.memory_space<vmem>>, vector<1x128xf32>
    %add3A_313 = vector.broadcast %get3A_312 : vector<1x128xf32> to vector<600x128xf32>
    %add3A_314 = arith.addf %dot_general3A_309, %add3A_313 : vector<600x128xf32>
    %get3A_315 = arith.constant 0 : index
    %get3A_316 = arith.constant 0 : index
    %get3A_317 = vector.load %arg10[%get3A_315, %get3A_316] : memref<128x128xf32, #tpu.memory_space<vmem>>, vector<128x128xf32>
    %dot_general3A_318 = arith.constant dense<0.000000e+00> : vector<600x128xf32>
    %dot_general3A_319 = tpu.matmul %add3A_304, %get3A_317, %dot_general3A_318 {dimension_numbers = #tpu.dot_dimension_numbers<[1], [0], [0], [1], [0, 0, 1, 1], [], []>, precision = #tpu.contract_precision<fp32>, transpose_lhs_hint = false} : vector<600x128xf32>, vector<128x128xf32>, vector<600x128xf32> -> vector<600x128xf32>
    %get3A_320 = arith.constant 0 : index
    %get3A_321 = arith.constant 0 : index
    %get3A_322 = vector.load %arg11[%get3A_320, %get3A_321] : memref<1x128xf32, #tpu.memory_space<vmem>>, vector<1x128xf32>
    %add3A_323 = vector.broadcast %get3A_322 : vector<1x128xf32> to vector<600x128xf32>
    %add3A_324 = arith.addf %dot_general3A_319, %add3A_323 : vector<600x128xf32>
    %get3A_325 = arith.constant 0 : index
    %get3A_326 = arith.constant 0 : index
    %get3A_327 = vector.load %arg12[%get3A_325, %get3A_326] : memref<128x128xf32, #tpu.memory_space<vmem>>, vector<128x128xf32>
    %dot_general3A_328 = arith.constant dense<0.000000e+00> : vector<600x128xf32>
    %dot_general3A_329 = tpu.matmul %add3A_304, %get3A_327, %dot_general3A_328 {dimension_numbers = #tpu.dot_dimension_numbers<[1], [0], [0], [1], [0, 0, 1, 1], [], []>, precision = #tpu.contract_precision<fp32>, transpose_lhs_hint = false} : vector<600x128xf32>, vector<128x128xf32>, vector<600x128xf32> -> vector<600x128xf32>
    %get3A_330 = arith.constant 0 : index
    %get3A_331 = arith.constant 0 : index
    %get3A_332 = vector.load %arg13[%get3A_330, %get3A_331] : memref<1x128xf32, #tpu.memory_space<vmem>>, vector<1x128xf32>
    %add3A_333 = vector.broadcast %get3A_332 : vector<1x128xf32> to vector<600x128xf32>
    %add3A_334 = arith.addf %dot_general3A_329, %add3A_333 : vector<600x128xf32>
    %iota3A_335 = tpu.iota {dimensions = array<i32: 1>} : vector<1x600xi32>
    %jit3A_336 = arith.constant 75 : i32
    %div3A_337 = vector.broadcast %jit3A_336 : i32 to vector<1x600xi32>
    %div3A_338 = arith.divsi %iota3A_335, %div3A_337 : vector<1x600xi32>
    %sign3A_339 = arith.constant 0 : i32
    %sign3A_340 = vector.broadcast %sign3A_339 : i32 to vector<1x600xi32>
    %sign3A_341 = arith.cmpi sgt, %iota3A_335, %sign3A_340 : vector<1x600xi32>
    %sign3A_342 = arith.extui %sign3A_341 : vector<1x600xi1> to vector<1x600xi32>
    %sign3A_343 = arith.constant 0 : i32
    %sign3A_344 = vector.broadcast %sign3A_343 : i32 to vector<1x600xi32>
    %sign3A_345 = arith.cmpi slt, %iota3A_335, %sign3A_344 : vector<1x600xi32>
    %sign3A_346 = arith.extui %sign3A_345 : vector<1x600xi1> to vector<1x600xi32>
    %sign3A_347 = arith.subi %sign3A_342, %sign3A_346 : vector<1x600xi32>
    %sign3A_348 = arith.constant 0 : i32
    %sign3A_349 = arith.cmpi sgt, %jit3A_336, %sign3A_348 : i32
    %sign3A_350 = arith.extui %sign3A_349 : i1 to i32
    %sign3A_351 = arith.constant 0 : i32
    %sign3A_352 = arith.cmpi slt, %jit3A_336, %sign3A_351 : i32
    %sign3A_353 = arith.extui %sign3A_352 : i1 to i32
    %sign3A_354 = arith.subi %sign3A_350, %sign3A_353 : i32
    %ne3A_355 = vector.broadcast %sign3A_354 : i32 to vector<1x600xi32>
    %ne3A_356 = arith.cmpi ne, %sign3A_347, %ne3A_355 : vector<1x600xi32>
    %rem3A_357 = vector.broadcast %jit3A_336 : i32 to vector<1x600xi32>
    %rem3A_358 = arith.remsi %iota3A_335, %rem3A_357 : vector<1x600xi32>
    %ne3A_359 = arith.constant 0 : i32
    %ne3A_360 = vector.broadcast %ne3A_359 : i32 to vector<1x600xi32>
    %ne3A_361 = arith.cmpi ne, %rem3A_358, %ne3A_360 : vector<1x600xi32>
    %and3A_362 = arith.andi %ne3A_356, %ne3A_361 : vector<1x600xi1>
    %sub3A_363 = arith.constant 1 : i32
    %sub3A_364 = vector.broadcast %sub3A_363 : i32 to vector<1x600xi32>
    %sub3A_365 = arith.subi %div3A_338, %sub3A_364 : vector<1x600xi32>
    %select_n3A_366 = arith.select %and3A_362, %sub3A_365, %div3A_338 : vector<1x600xi1>, vector<1x600xi32>
    %eq3A_367 = vector.broadcast %select_n3A_86 : vector<600x1xi32> to vector<600x600xi32>
    %eq3A_368 = vector.broadcast %select_n3A_366 : vector<1x600xi32> to vector<600x600xi32>
    %eq3A_369 = arith.cmpi eq, %eq3A_367, %eq3A_368 : vector<600x600xi32>
    %slice3A_370 = vector.extract_strided_slice %add3A_314 {offsets = [0, 0], sizes = [600, 16], strides = [1, 1]} : vector<600x128xf32> to vector<600x16xf32>
    %slice3A_371 = vector.extract_strided_slice %add3A_314 {offsets = [0, 16], sizes = [600, 16], strides = [1, 1]} : vector<600x128xf32> to vector<600x16xf32>
    %slice3A_372 = vector.extract_strided_slice %add3A_314 {offsets = [0, 32], sizes = [600, 16], strides = [1, 1]} : vector<600x128xf32> to vector<600x16xf32>
    %slice3A_373 = vector.extract_strided_slice %add3A_314 {offsets = [0, 48], sizes = [600, 16], strides = [1, 1]} : vector<600x128xf32> to vector<600x16xf32>
    %slice3A_374 = vector.extract_strided_slice %add3A_314 {offsets = [0, 64], sizes = [600, 16], strides = [1, 1]} : vector<600x128xf32> to vector<600x16xf32>
    %slice3A_375 = vector.extract_strided_slice %add3A_314 {offsets = [0, 80], sizes = [600, 16], strides = [1, 1]} : vector<600x128xf32> to vector<600x16xf32>
    %slice3A_376 = vector.extract_strided_slice %add3A_314 {offsets = [0, 96], sizes = [600, 16], strides = [1, 1]} : vector<600x128xf32> to vector<600x16xf32>
    %slice3A_377 = vector.extract_strided_slice %add3A_314 {offsets = [0, 112], sizes = [600, 16], strides = [1, 1]} : vector<600x128xf32> to vector<600x16xf32>
    %slice3A_378 = vector.extract_strided_slice %add3A_324 {offsets = [0, 0], sizes = [600, 16], strides = [1, 1]} : vector<600x128xf32> to vector<600x16xf32>
    %slice3A_379 = vector.extract_strided_slice %add3A_324 {offsets = [0, 16], sizes = [600, 16], strides = [1, 1]} : vector<600x128xf32> to vector<600x16xf32>
    %slice3A_380 = vector.extract_strided_slice %add3A_324 {offsets = [0, 32], sizes = [600, 16], strides = [1, 1]} : vector<600x128xf32> to vector<600x16xf32>
    %slice3A_381 = vector.extract_strided_slice %add3A_324 {offsets = [0, 48], sizes = [600, 16], strides = [1, 1]} : vector<600x128xf32> to vector<600x16xf32>
    %slice3A_382 = vector.extract_strided_slice %add3A_324 {offsets = [0, 64], sizes = [600, 16], strides = [1, 1]} : vector<600x128xf32> to vector<600x16xf32>
    %slice3A_383 = vector.extract_strided_slice %add3A_324 {offsets = [0, 80], sizes = [600, 16], strides = [1, 1]} : vector<600x128xf32> to vector<600x16xf32>
    %slice3A_384 = vector.extract_strided_slice %add3A_324 {offsets = [0, 96], sizes = [600, 16], strides = [1, 1]} : vector<600x128xf32> to vector<600x16xf32>
    %slice3A_385 = vector.extract_strided_slice %add3A_324 {offsets = [0, 112], sizes = [600, 16], strides = [1, 1]} : vector<600x128xf32> to vector<600x16xf32>
    %slice3A_386 = vector.extract_strided_slice %add3A_334 {offsets = [0, 0], sizes = [600, 16], strides = [1, 1]} : vector<600x128xf32> to vector<600x16xf32>
    %slice3A_387 = vector.extract_strided_slice %add3A_334 {offsets = [0, 16], sizes = [600, 16], strides = [1, 1]} : vector<600x128xf32> to vector<600x16xf32>
    %slice3A_388 = vector.extract_strided_slice %add3A_334 {offsets = [0, 32], sizes = [600, 16], strides = [1, 1]} : vector<600x128xf32> to vector<600x16xf32>
    %slice3A_389 = vector.extract_strided_slice %add3A_334 {offsets = [0, 48], sizes = [600, 16], strides = [1, 1]} : vector<600x128xf32> to vector<600x16xf32>
    %slice3A_390 = vector.extract_strided_slice %add3A_334 {offsets = [0, 64], sizes = [600, 16], strides = [1, 1]} : vector<600x128xf32> to vector<600x16xf32>
    %slice3A_391 = vector.extract_strided_slice %add3A_334 {offsets = [0, 80], sizes = [600, 16], strides = [1, 1]} : vector<600x128xf32> to vector<600x16xf32>
    %slice3A_392 = vector.extract_strided_slice %add3A_334 {offsets = [0, 96], sizes = [600, 16], strides = [1, 1]} : vector<600x128xf32> to vector<600x16xf32>
    %slice3A_393 = vector.extract_strided_slice %add3A_334 {offsets = [0, 112], sizes = [600, 16], strides = [1, 1]} : vector<600x128xf32> to vector<600x16xf32>
    %dot_general3A_394 = arith.constant dense<0.000000e+00> : vector<600x600xf32>
    %dot_general3A_395 = tpu.matmul %slice3A_370, %slice3A_378, %dot_general3A_394 {dimension_numbers = #tpu.dot_dimension_numbers<[1], [1], [0], [0], [0, 0, 1, 0], [], []>, precision = #tpu.contract_precision<fp32>, transpose_lhs_hint = false} : vector<600x16xf32>, vector<600x16xf32>, vector<600x600xf32> -> vector<600x600xf32>
    %mul3A_396 = arith.constant 0.0883883461 : f32
    %mul3A_397 = vector.broadcast %mul3A_396 : f32 to vector<600x600xf32>
    %mul3A_398 = arith.mulf %dot_general3A_395, %mul3A_397 : vector<600x600xf32>
    %jit3A_399 = arith.constant -1.000000e+30 : f32
    %broadcast_in_dim3A_400 = vector.broadcast %jit3A_399 : f32 to vector<600x600xf32>
    %select_n3A_401 = arith.select %eq3A_369, %mul3A_398, %broadcast_in_dim3A_400 : vector<600x600xi1>, vector<600x600xf32>
    %reduce_max3A = arith.constant dense<0xFF800000> : vector<600xf32>
    %reduce_max3A_402 = vector.multi_reduction <maximumf>, %select_n3A_401, %reduce_max3A [1] : vector<600x600xf32> to vector<600xf32>
    %broadcast_in_dim3A_403 = vector.shape_cast %reduce_max3A_402 : vector<600xf32> to vector<600x1xf32>
    %sub3A_404 = vector.broadcast %broadcast_in_dim3A_403 : vector<600x1xf32> to vector<600x600xf32>
    %sub3A_405 = arith.subf %select_n3A_401, %sub3A_404 : vector<600x600xf32>
    %exp3A = math.exp %sub3A_405 : vector<600x600xf32>
    %jit3A_406 = arith.constant 0.000000e+00 : f32
    %broadcast_in_dim3A_407 = vector.broadcast %jit3A_406 : f32 to vector<600x600xf32>
    %select_n3A_408 = arith.select %eq3A_369, %exp3A, %broadcast_in_dim3A_407 : vector<600x600xi1>, vector<600x600xf32>
    %reduce_sum3A = arith.constant dense<0.000000e+00> : vector<600xf32>
    %reduce_sum3A_409 = vector.multi_reduction <add>, %select_n3A_408, %reduce_sum3A [1] : vector<600x600xf32> to vector<600xf32>
    %broadcast_in_dim3A_410 = vector.shape_cast %reduce_sum3A_409 : vector<600xf32> to vector<600x1xf32>
    %div3A_411 = vector.broadcast %broadcast_in_dim3A_410 : vector<600x1xf32> to vector<600x600xf32>
    %div3A_412 = arith.divf %select_n3A_408, %div3A_411 : vector<600x600xf32>
    %dot_general3A_413 = arith.constant dense<0.000000e+00> : vector<600x16xf32>
    %dot_general3A_414 = tpu.matmul %div3A_412, %slice3A_386, %dot_general3A_413 {dimension_numbers = #tpu.dot_dimension_numbers<[1], [0], [0], [1], [0, 0, 1, 1], [], []>, precision = #tpu.contract_precision<fp32>, transpose_lhs_hint = false} : vector<600x600xf32>, vector<600x16xf32>, vector<600x16xf32> -> vector<600x16xf32>
    %add3A_415 = arith.addf %slice3A_370, %dot_general3A_414 : vector<600x16xf32>
    %dot_general3A_416 = arith.constant dense<0.000000e+00> : vector<600x600xf32>
    %dot_general3A_417 = tpu.matmul %slice3A_371, %slice3A_379, %dot_general3A_416 {dimension_numbers = #tpu.dot_dimension_numbers<[1], [1], [0], [0], [0, 0, 1, 0], [], []>, precision = #tpu.contract_precision<fp32>, transpose_lhs_hint = false} : vector<600x16xf32>, vector<600x16xf32>, vector<600x600xf32> -> vector<600x600xf32>
    %mul3A_418 = arith.constant 0.0883883461 : f32
    %mul3A_419 = vector.broadcast %mul3A_418 : f32 to vector<600x600xf32>
    %mul3A_420 = arith.mulf %dot_general3A_417, %mul3A_419 : vector<600x600xf32>
    %jit3A_421 = arith.constant -1.000000e+30 : f32
    %broadcast_in_dim3A_422 = vector.broadcast %jit3A_421 : f32 to vector<600x600xf32>
    %select_n3A_423 = arith.select %eq3A_369, %mul3A_420, %broadcast_in_dim3A_422 : vector<600x600xi1>, vector<600x600xf32>
    %reduce_max3A_424 = arith.constant dense<0xFF800000> : vector<600xf32>
    %reduce_max3A_425 = vector.multi_reduction <maximumf>, %select_n3A_423, %reduce_max3A_424 [1] : vector<600x600xf32> to vector<600xf32>
    %broadcast_in_dim3A_426 = vector.shape_cast %reduce_max3A_425 : vector<600xf32> to vector<600x1xf32>
    %sub3A_427 = vector.broadcast %broadcast_in_dim3A_426 : vector<600x1xf32> to vector<600x600xf32>
    %sub3A_428 = arith.subf %select_n3A_423, %sub3A_427 : vector<600x600xf32>
    %exp3A_429 = math.exp %sub3A_428 : vector<600x600xf32>
    %jit3A_430 = arith.constant 0.000000e+00 : f32
    %broadcast_in_dim3A_431 = vector.broadcast %jit3A_430 : f32 to vector<600x600xf32>
    %select_n3A_432 = arith.select %eq3A_369, %exp3A_429, %broadcast_in_dim3A_431 : vector<600x600xi1>, vector<600x600xf32>
    %reduce_sum3A_433 = arith.constant dense<0.000000e+00> : vector<600xf32>
    %reduce_sum3A_434 = vector.multi_reduction <add>, %select_n3A_432, %reduce_sum3A_433 [1] : vector<600x600xf32> to vector<600xf32>
    %broadcast_in_dim3A_435 = vector.shape_cast %reduce_sum3A_434 : vector<600xf32> to vector<600x1xf32>
    %div3A_436 = vector.broadcast %broadcast_in_dim3A_435 : vector<600x1xf32> to vector<600x600xf32>
    %div3A_437 = arith.divf %select_n3A_432, %div3A_436 : vector<600x600xf32>
    %dot_general3A_438 = arith.constant dense<0.000000e+00> : vector<600x16xf32>
    %dot_general3A_439 = tpu.matmul %div3A_437, %slice3A_387, %dot_general3A_438 {dimension_numbers = #tpu.dot_dimension_numbers<[1], [0], [0], [1], [0, 0, 1, 1], [], []>, precision = #tpu.contract_precision<fp32>, transpose_lhs_hint = false} : vector<600x600xf32>, vector<600x16xf32>, vector<600x16xf32> -> vector<600x16xf32>
    %add3A_440 = arith.addf %slice3A_371, %dot_general3A_439 : vector<600x16xf32>
    %dot_general3A_441 = arith.constant dense<0.000000e+00> : vector<600x600xf32>
    %dot_general3A_442 = tpu.matmul %slice3A_372, %slice3A_380, %dot_general3A_441 {dimension_numbers = #tpu.dot_dimension_numbers<[1], [1], [0], [0], [0, 0, 1, 0], [], []>, precision = #tpu.contract_precision<fp32>, transpose_lhs_hint = false} : vector<600x16xf32>, vector<600x16xf32>, vector<600x600xf32> -> vector<600x600xf32>
    %mul3A_443 = arith.constant 0.0883883461 : f32
    %mul3A_444 = vector.broadcast %mul3A_443 : f32 to vector<600x600xf32>
    %mul3A_445 = arith.mulf %dot_general3A_442, %mul3A_444 : vector<600x600xf32>
    %jit3A_446 = arith.constant -1.000000e+30 : f32
    %broadcast_in_dim3A_447 = vector.broadcast %jit3A_446 : f32 to vector<600x600xf32>
    %select_n3A_448 = arith.select %eq3A_369, %mul3A_445, %broadcast_in_dim3A_447 : vector<600x600xi1>, vector<600x600xf32>
    %reduce_max3A_449 = arith.constant dense<0xFF800000> : vector<600xf32>
    %reduce_max3A_450 = vector.multi_reduction <maximumf>, %select_n3A_448, %reduce_max3A_449 [1] : vector<600x600xf32> to vector<600xf32>
    %broadcast_in_dim3A_451 = vector.shape_cast %reduce_max3A_450 : vector<600xf32> to vector<600x1xf32>
    %sub3A_452 = vector.broadcast %broadcast_in_dim3A_451 : vector<600x1xf32> to vector<600x600xf32>
    %sub3A_453 = arith.subf %select_n3A_448, %sub3A_452 : vector<600x600xf32>
    %exp3A_454 = math.exp %sub3A_453 : vector<600x600xf32>
    %jit3A_455 = arith.constant 0.000000e+00 : f32
    %broadcast_in_dim3A_456 = vector.broadcast %jit3A_455 : f32 to vector<600x600xf32>
    %select_n3A_457 = arith.select %eq3A_369, %exp3A_454, %broadcast_in_dim3A_456 : vector<600x600xi1>, vector<600x600xf32>
    %reduce_sum3A_458 = arith.constant dense<0.000000e+00> : vector<600xf32>
    %reduce_sum3A_459 = vector.multi_reduction <add>, %select_n3A_457, %reduce_sum3A_458 [1] : vector<600x600xf32> to vector<600xf32>
    %broadcast_in_dim3A_460 = vector.shape_cast %reduce_sum3A_459 : vector<600xf32> to vector<600x1xf32>
    %div3A_461 = vector.broadcast %broadcast_in_dim3A_460 : vector<600x1xf32> to vector<600x600xf32>
    %div3A_462 = arith.divf %select_n3A_457, %div3A_461 : vector<600x600xf32>
    %dot_general3A_463 = arith.constant dense<0.000000e+00> : vector<600x16xf32>
    %dot_general3A_464 = tpu.matmul %div3A_462, %slice3A_388, %dot_general3A_463 {dimension_numbers = #tpu.dot_dimension_numbers<[1], [0], [0], [1], [0, 0, 1, 1], [], []>, precision = #tpu.contract_precision<fp32>, transpose_lhs_hint = false} : vector<600x600xf32>, vector<600x16xf32>, vector<600x16xf32> -> vector<600x16xf32>
    %add3A_465 = arith.addf %slice3A_372, %dot_general3A_464 : vector<600x16xf32>
    %dot_general3A_466 = arith.constant dense<0.000000e+00> : vector<600x600xf32>
    %dot_general3A_467 = tpu.matmul %slice3A_373, %slice3A_381, %dot_general3A_466 {dimension_numbers = #tpu.dot_dimension_numbers<[1], [1], [0], [0], [0, 0, 1, 0], [], []>, precision = #tpu.contract_precision<fp32>, transpose_lhs_hint = false} : vector<600x16xf32>, vector<600x16xf32>, vector<600x600xf32> -> vector<600x600xf32>
    %mul3A_468 = arith.constant 0.0883883461 : f32
    %mul3A_469 = vector.broadcast %mul3A_468 : f32 to vector<600x600xf32>
    %mul3A_470 = arith.mulf %dot_general3A_467, %mul3A_469 : vector<600x600xf32>
    %jit3A_471 = arith.constant -1.000000e+30 : f32
    %broadcast_in_dim3A_472 = vector.broadcast %jit3A_471 : f32 to vector<600x600xf32>
    %select_n3A_473 = arith.select %eq3A_369, %mul3A_470, %broadcast_in_dim3A_472 : vector<600x600xi1>, vector<600x600xf32>
    %reduce_max3A_474 = arith.constant dense<0xFF800000> : vector<600xf32>
    %reduce_max3A_475 = vector.multi_reduction <maximumf>, %select_n3A_473, %reduce_max3A_474 [1] : vector<600x600xf32> to vector<600xf32>
    %broadcast_in_dim3A_476 = vector.shape_cast %reduce_max3A_475 : vector<600xf32> to vector<600x1xf32>
    %sub3A_477 = vector.broadcast %broadcast_in_dim3A_476 : vector<600x1xf32> to vector<600x600xf32>
    %sub3A_478 = arith.subf %select_n3A_473, %sub3A_477 : vector<600x600xf32>
    %exp3A_479 = math.exp %sub3A_478 : vector<600x600xf32>
    %jit3A_480 = arith.constant 0.000000e+00 : f32
    %broadcast_in_dim3A_481 = vector.broadcast %jit3A_480 : f32 to vector<600x600xf32>
    %select_n3A_482 = arith.select %eq3A_369, %exp3A_479, %broadcast_in_dim3A_481 : vector<600x600xi1>, vector<600x600xf32>
    %reduce_sum3A_483 = arith.constant dense<0.000000e+00> : vector<600xf32>
    %reduce_sum3A_484 = vector.multi_reduction <add>, %select_n3A_482, %reduce_sum3A_483 [1] : vector<600x600xf32> to vector<600xf32>
    %broadcast_in_dim3A_485 = vector.shape_cast %reduce_sum3A_484 : vector<600xf32> to vector<600x1xf32>
    %div3A_486 = vector.broadcast %broadcast_in_dim3A_485 : vector<600x1xf32> to vector<600x600xf32>
    %div3A_487 = arith.divf %select_n3A_482, %div3A_486 : vector<600x600xf32>
    %dot_general3A_488 = arith.constant dense<0.000000e+00> : vector<600x16xf32>
    %dot_general3A_489 = tpu.matmul %div3A_487, %slice3A_389, %dot_general3A_488 {dimension_numbers = #tpu.dot_dimension_numbers<[1], [0], [0], [1], [0, 0, 1, 1], [], []>, precision = #tpu.contract_precision<fp32>, transpose_lhs_hint = false} : vector<600x600xf32>, vector<600x16xf32>, vector<600x16xf32> -> vector<600x16xf32>
    %add3A_490 = arith.addf %slice3A_373, %dot_general3A_489 : vector<600x16xf32>
    %dot_general3A_491 = arith.constant dense<0.000000e+00> : vector<600x600xf32>
    %dot_general3A_492 = tpu.matmul %slice3A_374, %slice3A_382, %dot_general3A_491 {dimension_numbers = #tpu.dot_dimension_numbers<[1], [1], [0], [0], [0, 0, 1, 0], [], []>, precision = #tpu.contract_precision<fp32>, transpose_lhs_hint = false} : vector<600x16xf32>, vector<600x16xf32>, vector<600x600xf32> -> vector<600x600xf32>
    %mul3A_493 = arith.constant 0.0883883461 : f32
    %mul3A_494 = vector.broadcast %mul3A_493 : f32 to vector<600x600xf32>
    %mul3A_495 = arith.mulf %dot_general3A_492, %mul3A_494 : vector<600x600xf32>
    %jit3A_496 = arith.constant -1.000000e+30 : f32
    %broadcast_in_dim3A_497 = vector.broadcast %jit3A_496 : f32 to vector<600x600xf32>
    %select_n3A_498 = arith.select %eq3A_369, %mul3A_495, %broadcast_in_dim3A_497 : vector<600x600xi1>, vector<600x600xf32>
    %reduce_max3A_499 = arith.constant dense<0xFF800000> : vector<600xf32>
    %reduce_max3A_500 = vector.multi_reduction <maximumf>, %select_n3A_498, %reduce_max3A_499 [1] : vector<600x600xf32> to vector<600xf32>
    %broadcast_in_dim3A_501 = vector.shape_cast %reduce_max3A_500 : vector<600xf32> to vector<600x1xf32>
    %sub3A_502 = vector.broadcast %broadcast_in_dim3A_501 : vector<600x1xf32> to vector<600x600xf32>
    %sub3A_503 = arith.subf %select_n3A_498, %sub3A_502 : vector<600x600xf32>
    %exp3A_504 = math.exp %sub3A_503 : vector<600x600xf32>
    %jit3A_505 = arith.constant 0.000000e+00 : f32
    %broadcast_in_dim3A_506 = vector.broadcast %jit3A_505 : f32 to vector<600x600xf32>
    %select_n3A_507 = arith.select %eq3A_369, %exp3A_504, %broadcast_in_dim3A_506 : vector<600x600xi1>, vector<600x600xf32>
    %reduce_sum3A_508 = arith.constant dense<0.000000e+00> : vector<600xf32>
    %reduce_sum3A_509 = vector.multi_reduction <add>, %select_n3A_507, %reduce_sum3A_508 [1] : vector<600x600xf32> to vector<600xf32>
    %broadcast_in_dim3A_510 = vector.shape_cast %reduce_sum3A_509 : vector<600xf32> to vector<600x1xf32>
    %div3A_511 = vector.broadcast %broadcast_in_dim3A_510 : vector<600x1xf32> to vector<600x600xf32>
    %div3A_512 = arith.divf %select_n3A_507, %div3A_511 : vector<600x600xf32>
    %dot_general3A_513 = arith.constant dense<0.000000e+00> : vector<600x16xf32>
    %dot_general3A_514 = tpu.matmul %div3A_512, %slice3A_390, %dot_general3A_513 {dimension_numbers = #tpu.dot_dimension_numbers<[1], [0], [0], [1], [0, 0, 1, 1], [], []>, precision = #tpu.contract_precision<fp32>, transpose_lhs_hint = false} : vector<600x600xf32>, vector<600x16xf32>, vector<600x16xf32> -> vector<600x16xf32>
    %add3A_515 = arith.addf %slice3A_374, %dot_general3A_514 : vector<600x16xf32>
    %dot_general3A_516 = arith.constant dense<0.000000e+00> : vector<600x600xf32>
    %dot_general3A_517 = tpu.matmul %slice3A_375, %slice3A_383, %dot_general3A_516 {dimension_numbers = #tpu.dot_dimension_numbers<[1], [1], [0], [0], [0, 0, 1, 0], [], []>, precision = #tpu.contract_precision<fp32>, transpose_lhs_hint = false} : vector<600x16xf32>, vector<600x16xf32>, vector<600x600xf32> -> vector<600x600xf32>
    %mul3A_518 = arith.constant 0.0883883461 : f32
    %mul3A_519 = vector.broadcast %mul3A_518 : f32 to vector<600x600xf32>
    %mul3A_520 = arith.mulf %dot_general3A_517, %mul3A_519 : vector<600x600xf32>
    %jit3A_521 = arith.constant -1.000000e+30 : f32
    %broadcast_in_dim3A_522 = vector.broadcast %jit3A_521 : f32 to vector<600x600xf32>
    %select_n3A_523 = arith.select %eq3A_369, %mul3A_520, %broadcast_in_dim3A_522 : vector<600x600xi1>, vector<600x600xf32>
    %reduce_max3A_524 = arith.constant dense<0xFF800000> : vector<600xf32>
    %reduce_max3A_525 = vector.multi_reduction <maximumf>, %select_n3A_523, %reduce_max3A_524 [1] : vector<600x600xf32> to vector<600xf32>
    %broadcast_in_dim3A_526 = vector.shape_cast %reduce_max3A_525 : vector<600xf32> to vector<600x1xf32>
    %sub3A_527 = vector.broadcast %broadcast_in_dim3A_526 : vector<600x1xf32> to vector<600x600xf32>
    %sub3A_528 = arith.subf %select_n3A_523, %sub3A_527 : vector<600x600xf32>
    %exp3A_529 = math.exp %sub3A_528 : vector<600x600xf32>
    %jit3A_530 = arith.constant 0.000000e+00 : f32
    %broadcast_in_dim3A_531 = vector.broadcast %jit3A_530 : f32 to vector<600x600xf32>
    %select_n3A_532 = arith.select %eq3A_369, %exp3A_529, %broadcast_in_dim3A_531 : vector<600x600xi1>, vector<600x600xf32>
    %reduce_sum3A_533 = arith.constant dense<0.000000e+00> : vector<600xf32>
    %reduce_sum3A_534 = vector.multi_reduction <add>, %select_n3A_532, %reduce_sum3A_533 [1] : vector<600x600xf32> to vector<600xf32>
    %broadcast_in_dim3A_535 = vector.shape_cast %reduce_sum3A_534 : vector<600xf32> to vector<600x1xf32>
    %div3A_536 = vector.broadcast %broadcast_in_dim3A_535 : vector<600x1xf32> to vector<600x600xf32>
    %div3A_537 = arith.divf %select_n3A_532, %div3A_536 : vector<600x600xf32>
    %dot_general3A_538 = arith.constant dense<0.000000e+00> : vector<600x16xf32>
    %dot_general3A_539 = tpu.matmul %div3A_537, %slice3A_391, %dot_general3A_538 {dimension_numbers = #tpu.dot_dimension_numbers<[1], [0], [0], [1], [0, 0, 1, 1], [], []>, precision = #tpu.contract_precision<fp32>, transpose_lhs_hint = false} : vector<600x600xf32>, vector<600x16xf32>, vector<600x16xf32> -> vector<600x16xf32>
    %add3A_540 = arith.addf %slice3A_375, %dot_general3A_539 : vector<600x16xf32>
    %dot_general3A_541 = arith.constant dense<0.000000e+00> : vector<600x600xf32>
    %dot_general3A_542 = tpu.matmul %slice3A_376, %slice3A_384, %dot_general3A_541 {dimension_numbers = #tpu.dot_dimension_numbers<[1], [1], [0], [0], [0, 0, 1, 0], [], []>, precision = #tpu.contract_precision<fp32>, transpose_lhs_hint = false} : vector<600x16xf32>, vector<600x16xf32>, vector<600x600xf32> -> vector<600x600xf32>
    %mul3A_543 = arith.constant 0.0883883461 : f32
    %mul3A_544 = vector.broadcast %mul3A_543 : f32 to vector<600x600xf32>
    %mul3A_545 = arith.mulf %dot_general3A_542, %mul3A_544 : vector<600x600xf32>
    %jit3A_546 = arith.constant -1.000000e+30 : f32
    %broadcast_in_dim3A_547 = vector.broadcast %jit3A_546 : f32 to vector<600x600xf32>
    %select_n3A_548 = arith.select %eq3A_369, %mul3A_545, %broadcast_in_dim3A_547 : vector<600x600xi1>, vector<600x600xf32>
    %reduce_max3A_549 = arith.constant dense<0xFF800000> : vector<600xf32>
    %reduce_max3A_550 = vector.multi_reduction <maximumf>, %select_n3A_548, %reduce_max3A_549 [1] : vector<600x600xf32> to vector<600xf32>
    %broadcast_in_dim3A_551 = vector.shape_cast %reduce_max3A_550 : vector<600xf32> to vector<600x1xf32>
    %sub3A_552 = vector.broadcast %broadcast_in_dim3A_551 : vector<600x1xf32> to vector<600x600xf32>
    %sub3A_553 = arith.subf %select_n3A_548, %sub3A_552 : vector<600x600xf32>
    %exp3A_554 = math.exp %sub3A_553 : vector<600x600xf32>
    %jit3A_555 = arith.constant 0.000000e+00 : f32
    %broadcast_in_dim3A_556 = vector.broadcast %jit3A_555 : f32 to vector<600x600xf32>
    %select_n3A_557 = arith.select %eq3A_369, %exp3A_554, %broadcast_in_dim3A_556 : vector<600x600xi1>, vector<600x600xf32>
    %reduce_sum3A_558 = arith.constant dense<0.000000e+00> : vector<600xf32>
    %reduce_sum3A_559 = vector.multi_reduction <add>, %select_n3A_557, %reduce_sum3A_558 [1] : vector<600x600xf32> to vector<600xf32>
    %broadcast_in_dim3A_560 = vector.shape_cast %reduce_sum3A_559 : vector<600xf32> to vector<600x1xf32>
    %div3A_561 = vector.broadcast %broadcast_in_dim3A_560 : vector<600x1xf32> to vector<600x600xf32>
    %div3A_562 = arith.divf %select_n3A_557, %div3A_561 : vector<600x600xf32>
    %dot_general3A_563 = arith.constant dense<0.000000e+00> : vector<600x16xf32>
    %dot_general3A_564 = tpu.matmul %div3A_562, %slice3A_392, %dot_general3A_563 {dimension_numbers = #tpu.dot_dimension_numbers<[1], [0], [0], [1], [0, 0, 1, 1], [], []>, precision = #tpu.contract_precision<fp32>, transpose_lhs_hint = false} : vector<600x600xf32>, vector<600x16xf32>, vector<600x16xf32> -> vector<600x16xf32>
    %add3A_565 = arith.addf %slice3A_376, %dot_general3A_564 : vector<600x16xf32>
    %dot_general3A_566 = arith.constant dense<0.000000e+00> : vector<600x600xf32>
    %dot_general3A_567 = tpu.matmul %slice3A_377, %slice3A_385, %dot_general3A_566 {dimension_numbers = #tpu.dot_dimension_numbers<[1], [1], [0], [0], [0, 0, 1, 0], [], []>, precision = #tpu.contract_precision<fp32>, transpose_lhs_hint = false} : vector<600x16xf32>, vector<600x16xf32>, vector<600x600xf32> -> vector<600x600xf32>
    %mul3A_568 = arith.constant 0.0883883461 : f32
    %mul3A_569 = vector.broadcast %mul3A_568 : f32 to vector<600x600xf32>
    %mul3A_570 = arith.mulf %dot_general3A_567, %mul3A_569 : vector<600x600xf32>
    %jit3A_571 = arith.constant -1.000000e+30 : f32
    %broadcast_in_dim3A_572 = vector.broadcast %jit3A_571 : f32 to vector<600x600xf32>
    %select_n3A_573 = arith.select %eq3A_369, %mul3A_570, %broadcast_in_dim3A_572 : vector<600x600xi1>, vector<600x600xf32>
    %reduce_max3A_574 = arith.constant dense<0xFF800000> : vector<600xf32>
    %reduce_max3A_575 = vector.multi_reduction <maximumf>, %select_n3A_573, %reduce_max3A_574 [1] : vector<600x600xf32> to vector<600xf32>
    %broadcast_in_dim3A_576 = vector.shape_cast %reduce_max3A_575 : vector<600xf32> to vector<600x1xf32>
    %sub3A_577 = vector.broadcast %broadcast_in_dim3A_576 : vector<600x1xf32> to vector<600x600xf32>
    %sub3A_578 = arith.subf %select_n3A_573, %sub3A_577 : vector<600x600xf32>
    %exp3A_579 = math.exp %sub3A_578 : vector<600x600xf32>
    %jit3A_580 = arith.constant 0.000000e+00 : f32
    %broadcast_in_dim3A_581 = vector.broadcast %jit3A_580 : f32 to vector<600x600xf32>
    %select_n3A_582 = arith.select %eq3A_369, %exp3A_579, %broadcast_in_dim3A_581 : vector<600x600xi1>, vector<600x600xf32>
    %reduce_sum3A_583 = arith.constant dense<0.000000e+00> : vector<600xf32>
    %reduce_sum3A_584 = vector.multi_reduction <add>, %select_n3A_582, %reduce_sum3A_583 [1] : vector<600x600xf32> to vector<600xf32>
    %broadcast_in_dim3A_585 = vector.shape_cast %reduce_sum3A_584 : vector<600xf32> to vector<600x1xf32>
    %div3A_586 = vector.broadcast %broadcast_in_dim3A_585 : vector<600x1xf32> to vector<600x600xf32>
    %div3A_587 = arith.divf %select_n3A_582, %div3A_586 : vector<600x600xf32>
    %dot_general3A_588 = arith.constant dense<0.000000e+00> : vector<600x16xf32>
    %dot_general3A_589 = tpu.matmul %div3A_587, %slice3A_393, %dot_general3A_588 {dimension_numbers = #tpu.dot_dimension_numbers<[1], [0], [0], [1], [0, 0, 1, 1], [], []>, precision = #tpu.contract_precision<fp32>, transpose_lhs_hint = false} : vector<600x600xf32>, vector<600x16xf32>, vector<600x16xf32> -> vector<600x16xf32>
    %add3A_590 = arith.addf %slice3A_377, %dot_general3A_589 : vector<600x16xf32>
    %concatenate3A_591 = tpu.concatenate %add3A_415, %add3A_440, %add3A_465, %add3A_490, %add3A_515, %add3A_540, %add3A_565, %add3A_590 in 1 : vector<600x16xf32>, vector<600x16xf32>, vector<600x16xf32>, vector<600x16xf32>, vector<600x16xf32>, vector<600x16xf32>, vector<600x16xf32>, vector<600x16xf32> -> vector<600x128xf32>
    %get3A_592 = arith.constant 0 : index
    %get3A_593 = arith.constant 0 : index
    %get3A_594 = vector.load %arg14[%get3A_592, %get3A_593] : memref<128x128xf32, #tpu.memory_space<vmem>>, vector<128x128xf32>
    %get3A_595 = arith.constant 0 : index
    %get3A_596 = arith.constant 0 : index
    %get3A_597 = vector.load %arg15[%get3A_595, %get3A_596] : memref<1x128xf32, #tpu.memory_space<vmem>>, vector<1x128xf32>
    %dot_general3A_598 = arith.constant dense<0.000000e+00> : vector<600x128xf32>
    %dot_general3A_599 = tpu.matmul %concatenate3A_591, %get3A_594, %dot_general3A_598 {dimension_numbers = #tpu.dot_dimension_numbers<[1], [0], [0], [1], [0, 0, 1, 1], [], []>, precision = #tpu.contract_precision<fp32>, transpose_lhs_hint = false} : vector<600x128xf32>, vector<128x128xf32>, vector<600x128xf32> -> vector<600x128xf32>
    %add3A_600 = vector.broadcast %get3A_597 : vector<1x128xf32> to vector<600x128xf32>
    %add3A_601 = arith.addf %dot_general3A_599, %add3A_600 : vector<600x128xf32>
    %max3A_602 = arith.constant 0.000000e+00 : f32
    %max3A_603 = vector.broadcast %max3A_602 : f32 to vector<600x128xf32>
    %max3A_604 = arith.maximumf %add3A_601, %max3A_603 : vector<600x128xf32>
    %add3A_605 = arith.addf %concatenate3A_591, %max3A_604 : vector<600x128xf32>
    %get3A_606 = arith.constant 0 : index
    %get3A_607 = arith.constant 0 : index
    %get3A_608 = vector.load %arg5[%get3A_606, %get3A_607] : memref<8x128xf32, #tpu.memory_space<vmem>>, vector<8x128xf32>
    %get3A_609 = arith.constant 0 : index
    %get3A_610 = arith.constant 0 : index
    %get3A_611 = vector.load %arg16[%get3A_609, %get3A_610] : memref<128x128xf32, #tpu.memory_space<vmem>>, vector<128x128xf32>
    %dot_general3A_612 = arith.constant dense<0.000000e+00> : vector<600x128xf32>
    %dot_general3A_613 = tpu.matmul %add3A_605, %get3A_611, %dot_general3A_612 {dimension_numbers = #tpu.dot_dimension_numbers<[1], [0], [0], [1], [0, 0, 1, 1], [], []>, precision = #tpu.contract_precision<fp32>, transpose_lhs_hint = false} : vector<600x128xf32>, vector<128x128xf32>, vector<600x128xf32> -> vector<600x128xf32>
    %get3A_614 = arith.constant 0 : index
    %get3A_615 = arith.constant 0 : index
    %get3A_616 = vector.load %arg17[%get3A_614, %get3A_615] : memref<1x128xf32, #tpu.memory_space<vmem>>, vector<1x128xf32>
    %add3A_617 = vector.broadcast %get3A_616 : vector<1x128xf32> to vector<600x128xf32>
    %add3A_618 = arith.addf %dot_general3A_613, %add3A_617 : vector<600x128xf32>
    %get3A_619 = arith.constant 0 : index
    %get3A_620 = arith.constant 0 : index
    %get3A_621 = vector.load %arg18[%get3A_619, %get3A_620] : memref<128x128xf32, #tpu.memory_space<vmem>>, vector<128x128xf32>
    %dot_general3A_622 = arith.constant dense<0.000000e+00> : vector<600x128xf32>
    %dot_general3A_623 = tpu.matmul %add3A_605, %get3A_621, %dot_general3A_622 {dimension_numbers = #tpu.dot_dimension_numbers<[1], [0], [0], [1], [0, 0, 1, 1], [], []>, precision = #tpu.contract_precision<fp32>, transpose_lhs_hint = false} : vector<600x128xf32>, vector<128x128xf32>, vector<600x128xf32> -> vector<600x128xf32>
    %get3A_624 = arith.constant 0 : index
    %get3A_625 = arith.constant 0 : index
    %get3A_626 = vector.load %arg19[%get3A_624, %get3A_625] : memref<1x128xf32, #tpu.memory_space<vmem>>, vector<1x128xf32>
    %add3A_627 = vector.broadcast %get3A_626 : vector<1x128xf32> to vector<600x128xf32>
    %add3A_628 = arith.addf %dot_general3A_623, %add3A_627 : vector<600x128xf32>
    %iota3A_629 = tpu.iota {dimensions = array<i32: 0>} : vector<8x1xi32>
    %eq3A_630 = vector.broadcast %iota3A_629 : vector<8x1xi32> to vector<8x600xi32>
    %eq3A_631 = vector.broadcast %select_n3A_366 : vector<1x600xi32> to vector<8x600xi32>
    %eq3A_632 = arith.cmpi eq, %eq3A_630, %eq3A_631 : vector<8x600xi32>
    %slice3A_633 = vector.extract_strided_slice %get3A_608 {offsets = [0, 0], sizes = [8, 16], strides = [1, 1]} : vector<8x128xf32> to vector<8x16xf32>
    %slice3A_634 = vector.extract_strided_slice %get3A_608 {offsets = [0, 16], sizes = [8, 16], strides = [1, 1]} : vector<8x128xf32> to vector<8x16xf32>
    %slice3A_635 = vector.extract_strided_slice %get3A_608 {offsets = [0, 32], sizes = [8, 16], strides = [1, 1]} : vector<8x128xf32> to vector<8x16xf32>
    %slice3A_636 = vector.extract_strided_slice %get3A_608 {offsets = [0, 48], sizes = [8, 16], strides = [1, 1]} : vector<8x128xf32> to vector<8x16xf32>
    %slice3A_637 = vector.extract_strided_slice %get3A_608 {offsets = [0, 64], sizes = [8, 16], strides = [1, 1]} : vector<8x128xf32> to vector<8x16xf32>
    %slice3A_638 = vector.extract_strided_slice %get3A_608 {offsets = [0, 80], sizes = [8, 16], strides = [1, 1]} : vector<8x128xf32> to vector<8x16xf32>
    %slice3A_639 = vector.extract_strided_slice %get3A_608 {offsets = [0, 96], sizes = [8, 16], strides = [1, 1]} : vector<8x128xf32> to vector<8x16xf32>
    %slice3A_640 = vector.extract_strided_slice %get3A_608 {offsets = [0, 112], sizes = [8, 16], strides = [1, 1]} : vector<8x128xf32> to vector<8x16xf32>
    %slice3A_641 = vector.extract_strided_slice %add3A_618 {offsets = [0, 0], sizes = [600, 16], strides = [1, 1]} : vector<600x128xf32> to vector<600x16xf32>
    %slice3A_642 = vector.extract_strided_slice %add3A_618 {offsets = [0, 16], sizes = [600, 16], strides = [1, 1]} : vector<600x128xf32> to vector<600x16xf32>
    %slice3A_643 = vector.extract_strided_slice %add3A_618 {offsets = [0, 32], sizes = [600, 16], strides = [1, 1]} : vector<600x128xf32> to vector<600x16xf32>
    %slice3A_644 = vector.extract_strided_slice %add3A_618 {offsets = [0, 48], sizes = [600, 16], strides = [1, 1]} : vector<600x128xf32> to vector<600x16xf32>
    %slice3A_645 = vector.extract_strided_slice %add3A_618 {offsets = [0, 64], sizes = [600, 16], strides = [1, 1]} : vector<600x128xf32> to vector<600x16xf32>
    %slice3A_646 = vector.extract_strided_slice %add3A_618 {offsets = [0, 80], sizes = [600, 16], strides = [1, 1]} : vector<600x128xf32> to vector<600x16xf32>
    %slice3A_647 = vector.extract_strided_slice %add3A_618 {offsets = [0, 96], sizes = [600, 16], strides = [1, 1]} : vector<600x128xf32> to vector<600x16xf32>
    %slice3A_648 = vector.extract_strided_slice %add3A_618 {offsets = [0, 112], sizes = [600, 16], strides = [1, 1]} : vector<600x128xf32> to vector<600x16xf32>
    %slice3A_649 = vector.extract_strided_slice %add3A_628 {offsets = [0, 0], sizes = [600, 16], strides = [1, 1]} : vector<600x128xf32> to vector<600x16xf32>
    %slice3A_650 = vector.extract_strided_slice %add3A_628 {offsets = [0, 16], sizes = [600, 16], strides = [1, 1]} : vector<600x128xf32> to vector<600x16xf32>
    %slice3A_651 = vector.extract_strided_slice %add3A_628 {offsets = [0, 32], sizes = [600, 16], strides = [1, 1]} : vector<600x128xf32> to vector<600x16xf32>
    %slice3A_652 = vector.extract_strided_slice %add3A_628 {offsets = [0, 48], sizes = [600, 16], strides = [1, 1]} : vector<600x128xf32> to vector<600x16xf32>
    %slice3A_653 = vector.extract_strided_slice %add3A_628 {offsets = [0, 64], sizes = [600, 16], strides = [1, 1]} : vector<600x128xf32> to vector<600x16xf32>
    %slice3A_654 = vector.extract_strided_slice %add3A_628 {offsets = [0, 80], sizes = [600, 16], strides = [1, 1]} : vector<600x128xf32> to vector<600x16xf32>
    %slice3A_655 = vector.extract_strided_slice %add3A_628 {offsets = [0, 96], sizes = [600, 16], strides = [1, 1]} : vector<600x128xf32> to vector<600x16xf32>
    %slice3A_656 = vector.extract_strided_slice %add3A_628 {offsets = [0, 112], sizes = [600, 16], strides = [1, 1]} : vector<600x128xf32> to vector<600x16xf32>
    %dot_general3A_657 = arith.constant dense<0.000000e+00> : vector<8x600xf32>
    %dot_general3A_658 = tpu.matmul %slice3A_633, %slice3A_641, %dot_general3A_657 {dimension_numbers = #tpu.dot_dimension_numbers<[1], [1], [0], [0], [0, 0, 1, 0], [], []>, precision = #tpu.contract_precision<fp32>, transpose_lhs_hint = false} : vector<8x16xf32>, vector<600x16xf32>, vector<8x600xf32> -> vector<8x600xf32>
    %mul3A_659 = arith.constant 0.0883883461 : f32
    %mul3A_660 = vector.broadcast %mul3A_659 : f32 to vector<8x600xf32>
    %mul3A_661 = arith.mulf %dot_general3A_658, %mul3A_660 : vector<8x600xf32>
    %jit3A_662 = arith.constant -1.000000e+30 : f32
    %broadcast_in_dim3A_663 = vector.broadcast %jit3A_662 : f32 to vector<8x600xf32>
    %select_n3A_664 = arith.select %eq3A_632, %mul3A_661, %broadcast_in_dim3A_663 : vector<8x600xi1>, vector<8x600xf32>
    %reduce_max3A_665 = arith.constant dense<0xFF800000> : vector<8xf32>
    %reduce_max3A_666 = vector.multi_reduction <maximumf>, %select_n3A_664, %reduce_max3A_665 [1] : vector<8x600xf32> to vector<8xf32>
    %broadcast_in_dim3A_667 = vector.shape_cast %reduce_max3A_666 : vector<8xf32> to vector<8x1xf32>
    %sub3A_668 = vector.broadcast %broadcast_in_dim3A_667 : vector<8x1xf32> to vector<8x600xf32>
    %sub3A_669 = arith.subf %select_n3A_664, %sub3A_668 : vector<8x600xf32>
    %exp3A_670 = math.exp %sub3A_669 : vector<8x600xf32>
    %jit3A_671 = arith.constant 0.000000e+00 : f32
    %broadcast_in_dim3A_672 = vector.broadcast %jit3A_671 : f32 to vector<8x600xf32>
    %select_n3A_673 = arith.select %eq3A_632, %exp3A_670, %broadcast_in_dim3A_672 : vector<8x600xi1>, vector<8x600xf32>
    %reduce_sum3A_674 = arith.constant dense<0.000000e+00> : vector<8xf32>
    %reduce_sum3A_675 = vector.multi_reduction <add>, %select_n3A_673, %reduce_sum3A_674 [1] : vector<8x600xf32> to vector<8xf32>
    %broadcast_in_dim3A_676 = vector.shape_cast %reduce_sum3A_675 : vector<8xf32> to vector<8x1xf32>
    %div3A_677 = vector.broadcast %broadcast_in_dim3A_676 : vector<8x1xf32> to vector<8x600xf32>
    %div3A_678 = arith.divf %select_n3A_673, %div3A_677 : vector<8x600xf32>
    %dot_general3A_679 = arith.constant dense<0.000000e+00> : vector<8x16xf32>
    %dot_general3A_680 = tpu.matmul %div3A_678, %slice3A_649, %dot_general3A_679 {dimension_numbers = #tpu.dot_dimension_numbers<[1], [0], [0], [1], [0, 0, 1, 1], [], []>, precision = #tpu.contract_precision<fp32>, transpose_lhs_hint = false} : vector<8x600xf32>, vector<600x16xf32>, vector<8x16xf32> -> vector<8x16xf32>
    %add3A_681 = arith.addf %slice3A_633, %dot_general3A_680 : vector<8x16xf32>
    %dot_general3A_682 = arith.constant dense<0.000000e+00> : vector<8x600xf32>
    %dot_general3A_683 = tpu.matmul %slice3A_634, %slice3A_642, %dot_general3A_682 {dimension_numbers = #tpu.dot_dimension_numbers<[1], [1], [0], [0], [0, 0, 1, 0], [], []>, precision = #tpu.contract_precision<fp32>, transpose_lhs_hint = false} : vector<8x16xf32>, vector<600x16xf32>, vector<8x600xf32> -> vector<8x600xf32>
    %mul3A_684 = arith.constant 0.0883883461 : f32
    %mul3A_685 = vector.broadcast %mul3A_684 : f32 to vector<8x600xf32>
    %mul3A_686 = arith.mulf %dot_general3A_683, %mul3A_685 : vector<8x600xf32>
    %jit3A_687 = arith.constant -1.000000e+30 : f32
    %broadcast_in_dim3A_688 = vector.broadcast %jit3A_687 : f32 to vector<8x600xf32>
    %select_n3A_689 = arith.select %eq3A_632, %mul3A_686, %broadcast_in_dim3A_688 : vector<8x600xi1>, vector<8x600xf32>
    %reduce_max3A_690 = arith.constant dense<0xFF800000> : vector<8xf32>
    %reduce_max3A_691 = vector.multi_reduction <maximumf>, %select_n3A_689, %reduce_max3A_690 [1] : vector<8x600xf32> to vector<8xf32>
    %broadcast_in_dim3A_692 = vector.shape_cast %reduce_max3A_691 : vector<8xf32> to vector<8x1xf32>
    %sub3A_693 = vector.broadcast %broadcast_in_dim3A_692 : vector<8x1xf32> to vector<8x600xf32>
    %sub3A_694 = arith.subf %select_n3A_689, %sub3A_693 : vector<8x600xf32>
    %exp3A_695 = math.exp %sub3A_694 : vector<8x600xf32>
    %jit3A_696 = arith.constant 0.000000e+00 : f32
    %broadcast_in_dim3A_697 = vector.broadcast %jit3A_696 : f32 to vector<8x600xf32>
    %select_n3A_698 = arith.select %eq3A_632, %exp3A_695, %broadcast_in_dim3A_697 : vector<8x600xi1>, vector<8x600xf32>
    %reduce_sum3A_699 = arith.constant dense<0.000000e+00> : vector<8xf32>
    %reduce_sum3A_700 = vector.multi_reduction <add>, %select_n3A_698, %reduce_sum3A_699 [1] : vector<8x600xf32> to vector<8xf32>
    %broadcast_in_dim3A_701 = vector.shape_cast %reduce_sum3A_700 : vector<8xf32> to vector<8x1xf32>
    %div3A_702 = vector.broadcast %broadcast_in_dim3A_701 : vector<8x1xf32> to vector<8x600xf32>
    %div3A_703 = arith.divf %select_n3A_698, %div3A_702 : vector<8x600xf32>
    %dot_general3A_704 = arith.constant dense<0.000000e+00> : vector<8x16xf32>
    %dot_general3A_705 = tpu.matmul %div3A_703, %slice3A_650, %dot_general3A_704 {dimension_numbers = #tpu.dot_dimension_numbers<[1], [0], [0], [1], [0, 0, 1, 1], [], []>, precision = #tpu.contract_precision<fp32>, transpose_lhs_hint = false} : vector<8x600xf32>, vector<600x16xf32>, vector<8x16xf32> -> vector<8x16xf32>
    %add3A_706 = arith.addf %slice3A_634, %dot_general3A_705 : vector<8x16xf32>
    %dot_general3A_707 = arith.constant dense<0.000000e+00> : vector<8x600xf32>
    %dot_general3A_708 = tpu.matmul %slice3A_635, %slice3A_643, %dot_general3A_707 {dimension_numbers = #tpu.dot_dimension_numbers<[1], [1], [0], [0], [0, 0, 1, 0], [], []>, precision = #tpu.contract_precision<fp32>, transpose_lhs_hint = false} : vector<8x16xf32>, vector<600x16xf32>, vector<8x600xf32> -> vector<8x600xf32>
    %mul3A_709 = arith.constant 0.0883883461 : f32
    %mul3A_710 = vector.broadcast %mul3A_709 : f32 to vector<8x600xf32>
    %mul3A_711 = arith.mulf %dot_general3A_708, %mul3A_710 : vector<8x600xf32>
    %jit3A_712 = arith.constant -1.000000e+30 : f32
    %broadcast_in_dim3A_713 = vector.broadcast %jit3A_712 : f32 to vector<8x600xf32>
    %select_n3A_714 = arith.select %eq3A_632, %mul3A_711, %broadcast_in_dim3A_713 : vector<8x600xi1>, vector<8x600xf32>
    %reduce_max3A_715 = arith.constant dense<0xFF800000> : vector<8xf32>
    %reduce_max3A_716 = vector.multi_reduction <maximumf>, %select_n3A_714, %reduce_max3A_715 [1] : vector<8x600xf32> to vector<8xf32>
    %broadcast_in_dim3A_717 = vector.shape_cast %reduce_max3A_716 : vector<8xf32> to vector<8x1xf32>
    %sub3A_718 = vector.broadcast %broadcast_in_dim3A_717 : vector<8x1xf32> to vector<8x600xf32>
    %sub3A_719 = arith.subf %select_n3A_714, %sub3A_718 : vector<8x600xf32>
    %exp3A_720 = math.exp %sub3A_719 : vector<8x600xf32>
    %jit3A_721 = arith.constant 0.000000e+00 : f32
    %broadcast_in_dim3A_722 = vector.broadcast %jit3A_721 : f32 to vector<8x600xf32>
    %select_n3A_723 = arith.select %eq3A_632, %exp3A_720, %broadcast_in_dim3A_722 : vector<8x600xi1>, vector<8x600xf32>
    %reduce_sum3A_724 = arith.constant dense<0.000000e+00> : vector<8xf32>
    %reduce_sum3A_725 = vector.multi_reduction <add>, %select_n3A_723, %reduce_sum3A_724 [1] : vector<8x600xf32> to vector<8xf32>
    %broadcast_in_dim3A_726 = vector.shape_cast %reduce_sum3A_725 : vector<8xf32> to vector<8x1xf32>
    %div3A_727 = vector.broadcast %broadcast_in_dim3A_726 : vector<8x1xf32> to vector<8x600xf32>
    %div3A_728 = arith.divf %select_n3A_723, %div3A_727 : vector<8x600xf32>
    %dot_general3A_729 = arith.constant dense<0.000000e+00> : vector<8x16xf32>
    %dot_general3A_730 = tpu.matmul %div3A_728, %slice3A_651, %dot_general3A_729 {dimension_numbers = #tpu.dot_dimension_numbers<[1], [0], [0], [1], [0, 0, 1, 1], [], []>, precision = #tpu.contract_precision<fp32>, transpose_lhs_hint = false} : vector<8x600xf32>, vector<600x16xf32>, vector<8x16xf32> -> vector<8x16xf32>
    %add3A_731 = arith.addf %slice3A_635, %dot_general3A_730 : vector<8x16xf32>
    %dot_general3A_732 = arith.constant dense<0.000000e+00> : vector<8x600xf32>
    %dot_general3A_733 = tpu.matmul %slice3A_636, %slice3A_644, %dot_general3A_732 {dimension_numbers = #tpu.dot_dimension_numbers<[1], [1], [0], [0], [0, 0, 1, 0], [], []>, precision = #tpu.contract_precision<fp32>, transpose_lhs_hint = false} : vector<8x16xf32>, vector<600x16xf32>, vector<8x600xf32> -> vector<8x600xf32>
    %mul3A_734 = arith.constant 0.0883883461 : f32
    %mul3A_735 = vector.broadcast %mul3A_734 : f32 to vector<8x600xf32>
    %mul3A_736 = arith.mulf %dot_general3A_733, %mul3A_735 : vector<8x600xf32>
    %jit3A_737 = arith.constant -1.000000e+30 : f32
    %broadcast_in_dim3A_738 = vector.broadcast %jit3A_737 : f32 to vector<8x600xf32>
    %select_n3A_739 = arith.select %eq3A_632, %mul3A_736, %broadcast_in_dim3A_738 : vector<8x600xi1>, vector<8x600xf32>
    %reduce_max3A_740 = arith.constant dense<0xFF800000> : vector<8xf32>
    %reduce_max3A_741 = vector.multi_reduction <maximumf>, %select_n3A_739, %reduce_max3A_740 [1] : vector<8x600xf32> to vector<8xf32>
    %broadcast_in_dim3A_742 = vector.shape_cast %reduce_max3A_741 : vector<8xf32> to vector<8x1xf32>
    %sub3A_743 = vector.broadcast %broadcast_in_dim3A_742 : vector<8x1xf32> to vector<8x600xf32>
    %sub3A_744 = arith.subf %select_n3A_739, %sub3A_743 : vector<8x600xf32>
    %exp3A_745 = math.exp %sub3A_744 : vector<8x600xf32>
    %jit3A_746 = arith.constant 0.000000e+00 : f32
    %broadcast_in_dim3A_747 = vector.broadcast %jit3A_746 : f32 to vector<8x600xf32>
    %select_n3A_748 = arith.select %eq3A_632, %exp3A_745, %broadcast_in_dim3A_747 : vector<8x600xi1>, vector<8x600xf32>
    %reduce_sum3A_749 = arith.constant dense<0.000000e+00> : vector<8xf32>
    %reduce_sum3A_750 = vector.multi_reduction <add>, %select_n3A_748, %reduce_sum3A_749 [1] : vector<8x600xf32> to vector<8xf32>
    %broadcast_in_dim3A_751 = vector.shape_cast %reduce_sum3A_750 : vector<8xf32> to vector<8x1xf32>
    %div3A_752 = vector.broadcast %broadcast_in_dim3A_751 : vector<8x1xf32> to vector<8x600xf32>
    %div3A_753 = arith.divf %select_n3A_748, %div3A_752 : vector<8x600xf32>
    %dot_general3A_754 = arith.constant dense<0.000000e+00> : vector<8x16xf32>
    %dot_general3A_755 = tpu.matmul %div3A_753, %slice3A_652, %dot_general3A_754 {dimension_numbers = #tpu.dot_dimension_numbers<[1], [0], [0], [1], [0, 0, 1, 1], [], []>, precision = #tpu.contract_precision<fp32>, transpose_lhs_hint = false} : vector<8x600xf32>, vector<600x16xf32>, vector<8x16xf32> -> vector<8x16xf32>
    %add3A_756 = arith.addf %slice3A_636, %dot_general3A_755 : vector<8x16xf32>
    %dot_general3A_757 = arith.constant dense<0.000000e+00> : vector<8x600xf32>
    %dot_general3A_758 = tpu.matmul %slice3A_637, %slice3A_645, %dot_general3A_757 {dimension_numbers = #tpu.dot_dimension_numbers<[1], [1], [0], [0], [0, 0, 1, 0], [], []>, precision = #tpu.contract_precision<fp32>, transpose_lhs_hint = false} : vector<8x16xf32>, vector<600x16xf32>, vector<8x600xf32> -> vector<8x600xf32>
    %mul3A_759 = arith.constant 0.0883883461 : f32
    %mul3A_760 = vector.broadcast %mul3A_759 : f32 to vector<8x600xf32>
    %mul3A_761 = arith.mulf %dot_general3A_758, %mul3A_760 : vector<8x600xf32>
    %jit3A_762 = arith.constant -1.000000e+30 : f32
    %broadcast_in_dim3A_763 = vector.broadcast %jit3A_762 : f32 to vector<8x600xf32>
    %select_n3A_764 = arith.select %eq3A_632, %mul3A_761, %broadcast_in_dim3A_763 : vector<8x600xi1>, vector<8x600xf32>
    %reduce_max3A_765 = arith.constant dense<0xFF800000> : vector<8xf32>
    %reduce_max3A_766 = vector.multi_reduction <maximumf>, %select_n3A_764, %reduce_max3A_765 [1] : vector<8x600xf32> to vector<8xf32>
    %broadcast_in_dim3A_767 = vector.shape_cast %reduce_max3A_766 : vector<8xf32> to vector<8x1xf32>
    %sub3A_768 = vector.broadcast %broadcast_in_dim3A_767 : vector<8x1xf32> to vector<8x600xf32>
    %sub3A_769 = arith.subf %select_n3A_764, %sub3A_768 : vector<8x600xf32>
    %exp3A_770 = math.exp %sub3A_769 : vector<8x600xf32>
    %jit3A_771 = arith.constant 0.000000e+00 : f32
    %broadcast_in_dim3A_772 = vector.broadcast %jit3A_771 : f32 to vector<8x600xf32>
    %select_n3A_773 = arith.select %eq3A_632, %exp3A_770, %broadcast_in_dim3A_772 : vector<8x600xi1>, vector<8x600xf32>
    %reduce_sum3A_774 = arith.constant dense<0.000000e+00> : vector<8xf32>
    %reduce_sum3A_775 = vector.multi_reduction <add>, %select_n3A_773, %reduce_sum3A_774 [1] : vector<8x600xf32> to vector<8xf32>
    %broadcast_in_dim3A_776 = vector.shape_cast %reduce_sum3A_775 : vector<8xf32> to vector<8x1xf32>
    %div3A_777 = vector.broadcast %broadcast_in_dim3A_776 : vector<8x1xf32> to vector<8x600xf32>
    %div3A_778 = arith.divf %select_n3A_773, %div3A_777 : vector<8x600xf32>
    %dot_general3A_779 = arith.constant dense<0.000000e+00> : vector<8x16xf32>
    %dot_general3A_780 = tpu.matmul %div3A_778, %slice3A_653, %dot_general3A_779 {dimension_numbers = #tpu.dot_dimension_numbers<[1], [0], [0], [1], [0, 0, 1, 1], [], []>, precision = #tpu.contract_precision<fp32>, transpose_lhs_hint = false} : vector<8x600xf32>, vector<600x16xf32>, vector<8x16xf32> -> vector<8x16xf32>
    %add3A_781 = arith.addf %slice3A_637, %dot_general3A_780 : vector<8x16xf32>
    %dot_general3A_782 = arith.constant dense<0.000000e+00> : vector<8x600xf32>
    %dot_general3A_783 = tpu.matmul %slice3A_638, %slice3A_646, %dot_general3A_782 {dimension_numbers = #tpu.dot_dimension_numbers<[1], [1], [0], [0], [0, 0, 1, 0], [], []>, precision = #tpu.contract_precision<fp32>, transpose_lhs_hint = false} : vector<8x16xf32>, vector<600x16xf32>, vector<8x600xf32> -> vector<8x600xf32>
    %mul3A_784 = arith.constant 0.0883883461 : f32
    %mul3A_785 = vector.broadcast %mul3A_784 : f32 to vector<8x600xf32>
    %mul3A_786 = arith.mulf %dot_general3A_783, %mul3A_785 : vector<8x600xf32>
    %jit3A_787 = arith.constant -1.000000e+30 : f32
    %broadcast_in_dim3A_788 = vector.broadcast %jit3A_787 : f32 to vector<8x600xf32>
    %select_n3A_789 = arith.select %eq3A_632, %mul3A_786, %broadcast_in_dim3A_788 : vector<8x600xi1>, vector<8x600xf32>
    %reduce_max3A_790 = arith.constant dense<0xFF800000> : vector<8xf32>
    %reduce_max3A_791 = vector.multi_reduction <maximumf>, %select_n3A_789, %reduce_max3A_790 [1] : vector<8x600xf32> to vector<8xf32>
    %broadcast_in_dim3A_792 = vector.shape_cast %reduce_max3A_791 : vector<8xf32> to vector<8x1xf32>
    %sub3A_793 = vector.broadcast %broadcast_in_dim3A_792 : vector<8x1xf32> to vector<8x600xf32>
    %sub3A_794 = arith.subf %select_n3A_789, %sub3A_793 : vector<8x600xf32>
    %exp3A_795 = math.exp %sub3A_794 : vector<8x600xf32>
    %jit3A_796 = arith.constant 0.000000e+00 : f32
    %broadcast_in_dim3A_797 = vector.broadcast %jit3A_796 : f32 to vector<8x600xf32>
    %select_n3A_798 = arith.select %eq3A_632, %exp3A_795, %broadcast_in_dim3A_797 : vector<8x600xi1>, vector<8x600xf32>
    %reduce_sum3A_799 = arith.constant dense<0.000000e+00> : vector<8xf32>
    %reduce_sum3A_800 = vector.multi_reduction <add>, %select_n3A_798, %reduce_sum3A_799 [1] : vector<8x600xf32> to vector<8xf32>
    %broadcast_in_dim3A_801 = vector.shape_cast %reduce_sum3A_800 : vector<8xf32> to vector<8x1xf32>
    %div3A_802 = vector.broadcast %broadcast_in_dim3A_801 : vector<8x1xf32> to vector<8x600xf32>
    %div3A_803 = arith.divf %select_n3A_798, %div3A_802 : vector<8x600xf32>
    %dot_general3A_804 = arith.constant dense<0.000000e+00> : vector<8x16xf32>
    %dot_general3A_805 = tpu.matmul %div3A_803, %slice3A_654, %dot_general3A_804 {dimension_numbers = #tpu.dot_dimension_numbers<[1], [0], [0], [1], [0, 0, 1, 1], [], []>, precision = #tpu.contract_precision<fp32>, transpose_lhs_hint = false} : vector<8x600xf32>, vector<600x16xf32>, vector<8x16xf32> -> vector<8x16xf32>
    %add3A_806 = arith.addf %slice3A_638, %dot_general3A_805 : vector<8x16xf32>
    %dot_general3A_807 = arith.constant dense<0.000000e+00> : vector<8x600xf32>
    %dot_general3A_808 = tpu.matmul %slice3A_639, %slice3A_647, %dot_general3A_807 {dimension_numbers = #tpu.dot_dimension_numbers<[1], [1], [0], [0], [0, 0, 1, 0], [], []>, precision = #tpu.contract_precision<fp32>, transpose_lhs_hint = false} : vector<8x16xf32>, vector<600x16xf32>, vector<8x600xf32> -> vector<8x600xf32>
    %mul3A_809 = arith.constant 0.0883883461 : f32
    %mul3A_810 = vector.broadcast %mul3A_809 : f32 to vector<8x600xf32>
    %mul3A_811 = arith.mulf %dot_general3A_808, %mul3A_810 : vector<8x600xf32>
    %jit3A_812 = arith.constant -1.000000e+30 : f32
    %broadcast_in_dim3A_813 = vector.broadcast %jit3A_812 : f32 to vector<8x600xf32>
    %select_n3A_814 = arith.select %eq3A_632, %mul3A_811, %broadcast_in_dim3A_813 : vector<8x600xi1>, vector<8x600xf32>
    %reduce_max3A_815 = arith.constant dense<0xFF800000> : vector<8xf32>
    %reduce_max3A_816 = vector.multi_reduction <maximumf>, %select_n3A_814, %reduce_max3A_815 [1] : vector<8x600xf32> to vector<8xf32>
    %broadcast_in_dim3A_817 = vector.shape_cast %reduce_max3A_816 : vector<8xf32> to vector<8x1xf32>
    %sub3A_818 = vector.broadcast %broadcast_in_dim3A_817 : vector<8x1xf32> to vector<8x600xf32>
    %sub3A_819 = arith.subf %select_n3A_814, %sub3A_818 : vector<8x600xf32>
    %exp3A_820 = math.exp %sub3A_819 : vector<8x600xf32>
    %jit3A_821 = arith.constant 0.000000e+00 : f32
    %broadcast_in_dim3A_822 = vector.broadcast %jit3A_821 : f32 to vector<8x600xf32>
    %select_n3A_823 = arith.select %eq3A_632, %exp3A_820, %broadcast_in_dim3A_822 : vector<8x600xi1>, vector<8x600xf32>
    %reduce_sum3A_824 = arith.constant dense<0.000000e+00> : vector<8xf32>
    %reduce_sum3A_825 = vector.multi_reduction <add>, %select_n3A_823, %reduce_sum3A_824 [1] : vector<8x600xf32> to vector<8xf32>
    %broadcast_in_dim3A_826 = vector.shape_cast %reduce_sum3A_825 : vector<8xf32> to vector<8x1xf32>
    %div3A_827 = vector.broadcast %broadcast_in_dim3A_826 : vector<8x1xf32> to vector<8x600xf32>
    %div3A_828 = arith.divf %select_n3A_823, %div3A_827 : vector<8x600xf32>
    %dot_general3A_829 = arith.constant dense<0.000000e+00> : vector<8x16xf32>
    %dot_general3A_830 = tpu.matmul %div3A_828, %slice3A_655, %dot_general3A_829 {dimension_numbers = #tpu.dot_dimension_numbers<[1], [0], [0], [1], [0, 0, 1, 1], [], []>, precision = #tpu.contract_precision<fp32>, transpose_lhs_hint = false} : vector<8x600xf32>, vector<600x16xf32>, vector<8x16xf32> -> vector<8x16xf32>
    %add3A_831 = arith.addf %slice3A_639, %dot_general3A_830 : vector<8x16xf32>
    %dot_general3A_832 = arith.constant dense<0.000000e+00> : vector<8x600xf32>
    %dot_general3A_833 = tpu.matmul %slice3A_640, %slice3A_648, %dot_general3A_832 {dimension_numbers = #tpu.dot_dimension_numbers<[1], [1], [0], [0], [0, 0, 1, 0], [], []>, precision = #tpu.contract_precision<fp32>, transpose_lhs_hint = false} : vector<8x16xf32>, vector<600x16xf32>, vector<8x600xf32> -> vector<8x600xf32>
    %mul3A_834 = arith.constant 0.0883883461 : f32
    %mul3A_835 = vector.broadcast %mul3A_834 : f32 to vector<8x600xf32>
    %mul3A_836 = arith.mulf %dot_general3A_833, %mul3A_835 : vector<8x600xf32>
    %jit3A_837 = arith.constant -1.000000e+30 : f32
    %broadcast_in_dim3A_838 = vector.broadcast %jit3A_837 : f32 to vector<8x600xf32>
    %select_n3A_839 = arith.select %eq3A_632, %mul3A_836, %broadcast_in_dim3A_838 : vector<8x600xi1>, vector<8x600xf32>
    %reduce_max3A_840 = arith.constant dense<0xFF800000> : vector<8xf32>
    %reduce_max3A_841 = vector.multi_reduction <maximumf>, %select_n3A_839, %reduce_max3A_840 [1] : vector<8x600xf32> to vector<8xf32>
    %broadcast_in_dim3A_842 = vector.shape_cast %reduce_max3A_841 : vector<8xf32> to vector<8x1xf32>
    %sub3A_843 = vector.broadcast %broadcast_in_dim3A_842 : vector<8x1xf32> to vector<8x600xf32>
    %sub3A_844 = arith.subf %select_n3A_839, %sub3A_843 : vector<8x600xf32>
    %exp3A_845 = math.exp %sub3A_844 : vector<8x600xf32>
    %jit3A_846 = arith.constant 0.000000e+00 : f32
    %broadcast_in_dim3A_847 = vector.broadcast %jit3A_846 : f32 to vector<8x600xf32>
    %select_n3A_848 = arith.select %eq3A_632, %exp3A_845, %broadcast_in_dim3A_847 : vector<8x600xi1>, vector<8x600xf32>
    %reduce_sum3A_849 = arith.constant dense<0.000000e+00> : vector<8xf32>
    %reduce_sum3A_850 = vector.multi_reduction <add>, %select_n3A_848, %reduce_sum3A_849 [1] : vector<8x600xf32> to vector<8xf32>
    %broadcast_in_dim3A_851 = vector.shape_cast %reduce_sum3A_850 : vector<8xf32> to vector<8x1xf32>
    %div3A_852 = vector.broadcast %broadcast_in_dim3A_851 : vector<8x1xf32> to vector<8x600xf32>
    %div3A_853 = arith.divf %select_n3A_848, %div3A_852 : vector<8x600xf32>
    %dot_general3A_854 = arith.constant dense<0.000000e+00> : vector<8x16xf32>
    %dot_general3A_855 = tpu.matmul %div3A_853, %slice3A_656, %dot_general3A_854 {dimension_numbers = #tpu.dot_dimension_numbers<[1], [0], [0], [1], [0, 0, 1, 1], [], []>, precision = #tpu.contract_precision<fp32>, transpose_lhs_hint = false} : vector<8x600xf32>, vector<600x16xf32>, vector<8x16xf32> -> vector<8x16xf32>
    %add3A_856 = arith.addf %slice3A_640, %dot_general3A_855 : vector<8x16xf32>
    %concatenate3A_857 = tpu.concatenate %add3A_681, %add3A_706, %add3A_731, %add3A_756, %add3A_781, %add3A_806, %add3A_831, %add3A_856 in 1 : vector<8x16xf32>, vector<8x16xf32>, vector<8x16xf32>, vector<8x16xf32>, vector<8x16xf32>, vector<8x16xf32>, vector<8x16xf32>, vector<8x16xf32> -> vector<8x128xf32>
    %get3A_858 = arith.constant 0 : index
    %get3A_859 = arith.constant 0 : index
    %get3A_860 = vector.load %arg20[%get3A_858, %get3A_859] : memref<128x128xf32, #tpu.memory_space<vmem>>, vector<128x128xf32>
    %get3A_861 = arith.constant 0 : index
    %get3A_862 = arith.constant 0 : index
    %get3A_863 = vector.load %arg21[%get3A_861, %get3A_862] : memref<1x128xf32, #tpu.memory_space<vmem>>, vector<1x128xf32>
    %dot_general3A_864 = arith.constant dense<0.000000e+00> : vector<8x128xf32>
    %dot_general3A_865 = tpu.matmul %concatenate3A_857, %get3A_860, %dot_general3A_864 {dimension_numbers = #tpu.dot_dimension_numbers<[1], [0], [0], [1], [0, 0, 1, 1], [], []>, precision = #tpu.contract_precision<fp32>, transpose_lhs_hint = false} : vector<8x128xf32>, vector<128x128xf32>, vector<8x128xf32> -> vector<8x128xf32>
    %add3A_866 = vector.broadcast %get3A_863 : vector<1x128xf32> to vector<8x128xf32>
    %add3A_867 = arith.addf %dot_general3A_865, %add3A_866 : vector<8x128xf32>
    %max3A_868 = arith.constant 0.000000e+00 : f32
    %max3A_869 = vector.broadcast %max3A_868 : f32 to vector<8x128xf32>
    %max3A_870 = arith.maximumf %add3A_867, %max3A_869 : vector<8x128xf32>
    %add3A_871 = arith.addf %concatenate3A_857, %max3A_870 : vector<8x128xf32>
    %get3A_872 = arith.constant 0 : index
    %get3A_873 = arith.constant 0 : index
    %get3A_874 = vector.load %arg22[%get3A_872, %get3A_873] : memref<128x64xf32, #tpu.memory_space<vmem>>, vector<128x64xf32>
    %dot_general3A_875 = arith.constant dense<0.000000e+00> : vector<8x64xf32>
    %dot_general3A_876 = tpu.matmul %add3A_871, %get3A_874, %dot_general3A_875 {dimension_numbers = #tpu.dot_dimension_numbers<[1], [0], [0], [1], [0, 0, 1, 1], [], []>, precision = #tpu.contract_precision<fp32>, transpose_lhs_hint = false} : vector<8x128xf32>, vector<128x64xf32>, vector<8x64xf32> -> vector<8x64xf32>
    %get3A_877 = arith.constant 0 : index
    %get3A_878 = arith.constant 0 : index
    %get3A_879 = vector.load %arg23[%get3A_877, %get3A_878] : memref<1x64xf32, #tpu.memory_space<vmem>>, vector<1x64xf32>
    %add3A_880 = vector.broadcast %get3A_879 : vector<1x64xf32> to vector<8x64xf32>
    %add3A_881 = arith.addf %dot_general3A_876, %add3A_880 : vector<8x64xf32>
    %get3A_882 = arith.constant 0 : index
    %get3A_883 = arith.constant 0 : index
    %get3A_884 = vector.load %arg24[%get3A_882, %get3A_883] : memref<64x64xf32, #tpu.memory_space<vmem>>, vector<64x64xf32>
    %dot_general3A_885 = arith.constant dense<0.000000e+00> : vector<8x64xf32>
    %dot_general3A_886 = tpu.matmul %add3A_881, %get3A_884, %dot_general3A_885 {dimension_numbers = #tpu.dot_dimension_numbers<[1], [0], [0], [1], [0, 0, 1, 1], [], []>, precision = #tpu.contract_precision<fp32>, transpose_lhs_hint = false} : vector<8x64xf32>, vector<64x64xf32>, vector<8x64xf32> -> vector<8x64xf32>
    %get3A_887 = arith.constant 0 : index
    %get3A_888 = arith.constant 0 : index
    %get3A_889 = vector.load %arg25[%get3A_887, %get3A_888] : memref<1x64xf32, #tpu.memory_space<vmem>>, vector<1x64xf32>
    %add3A_890 = vector.broadcast %get3A_889 : vector<1x64xf32> to vector<8x64xf32>
    %add3A_891 = arith.addf %dot_general3A_886, %add3A_890 : vector<8x64xf32>
    %max3A_892 = arith.constant 0.000000e+00 : f32
    %max3A_893 = vector.broadcast %max3A_892 : f32 to vector<8x64xf32>
    %max3A_894 = arith.maximumf %add3A_891, %max3A_893 : vector<8x64xf32>
    %get3A_895 = arith.constant 0 : index
    %get3A_896 = arith.constant 0 : index
    %get3A_897 = vector.load %arg26[%get3A_895, %get3A_896] : memref<64x1xf32, #tpu.memory_space<vmem>>, vector<64x1xf32>
    %dot_general3A_898 = arith.constant dense<0.000000e+00> : vector<8x1xf32>
    %dot_general3A_899 = tpu.matmul %max3A_894, %get3A_897, %dot_general3A_898 {dimension_numbers = #tpu.dot_dimension_numbers<[1], [0], [0], [1], [0, 0, 1, 1], [], []>, precision = #tpu.contract_precision<fp32>, transpose_lhs_hint = false} : vector<8x64xf32>, vector<64x1xf32>, vector<8x1xf32> -> vector<8x1xf32>
    %get3A_900 = arith.constant 0 : index
    %get3A_901 = arith.constant 0 : index
    %get3A_902 = vector.load %arg27[%get3A_900, %get3A_901] : memref<1x1xf32, #tpu.memory_space<vmem>>, vector<1x1xf32>
    %add3A_903 = vector.broadcast %get3A_902 : vector<1x1xf32> to vector<8x1xf32>
    %add3A_904 = arith.addf %dot_general3A_899, %add3A_903 : vector<8x1xf32>
    %swap3A = arith.constant 0 : index
    %swap3A_905 = arith.constant 0 : index
    %swap3A_906 = vector.load %arg28[%swap3A, %swap3A_905] : memref<8x1xf32, #tpu.memory_space<vmem>>, vector<8x1xf32>
    tpu.vector_store %arg28[%swap3A, %swap3A_905], %add3A_904 {strides = array<i32>} : memref<8x1xf32, #tpu.memory_space<vmem>>, vector<8x1xf32>,
    return
  }
  func.func @transform_0(%arg0: i32, %arg1: memref<401xi32, #tpu.memory_space<smem>>) -> (i32, i32) {
    %c0_i32 = arith.constant 0 : i32
    %c0_i32_0 = arith.constant 0 : i32
    %c0_i32_1 = arith.constant 0 : i32
    return %c0_i32, %c0_i32_0 : i32, i32
  }
  func.func @transform_1(%arg0: i32, %arg1: memref<401xi32, #tpu.memory_space<smem>>) -> (i32, i32) {
    %c0_i32 = arith.constant 0 : i32
    %c0_i32_0 = arith.constant 0 : i32
    %c0_i32_1 = arith.constant 0 : i32
    return %c0_i32, %c0_i32_0 : i32, i32
  }
  func.func @transform_2(%arg0: i32, %arg1: memref<401xi32, #tpu.memory_space<smem>>) -> (i32, i32) {
    %c0_i32 = arith.constant 0 : i32
    %c0_i32_0 = arith.constant 0 : i32
    %c0_i32_1 = arith.constant 0 : i32
    return %c0_i32, %c0_i32_0 : i32, i32
  }
  func.func @transform_3(%arg0: i32, %arg1: memref<401xi32, #tpu.memory_space<smem>>) -> (i32, i32) {
    %c0_i32 = arith.constant 0 : i32
    %c0_i32_0 = arith.constant 0 : i32
    %c0_i32_1 = arith.constant 0 : i32
    return %c0_i32, %c0_i32_0 : i32, i32
  }
  func.func @transform_4(%arg0: i32, %arg1: memref<401xi32, #tpu.memory_space<smem>>) -> (i32, i32) {
    %c0_i32 = arith.constant 0 : i32
    %c0_i32_0 = arith.constant 0 : i32
    %c0_i32_1 = arith.constant 0 : i32
    return %c0_i32, %c0_i32_0 : i32, i32
  }
  func.func @transform_5(%arg0: i32, %arg1: memref<401xi32, #tpu.memory_space<smem>>) -> (i32, i32) {
    %c0_i32 = arith.constant 0 : i32
    %c0_i32_0 = arith.constant 0 : i32
    %c0_i32_1 = arith.constant 0 : i32
    return %c0_i32, %c0_i32_0 : i32, i32
  }
  func.func @transform_6(%arg0: i32, %arg1: memref<401xi32, #tpu.memory_space<smem>>) -> (i32, i32) {
    %c0_i32 = arith.constant 0 : i32
    %c0_i32_0 = arith.constant 0 : i32
    %c0_i32_1 = arith.constant 0 : i32
    return %c0_i32, %c0_i32_0 : i32, i32
  }
  func.func @transform_7(%arg0: i32, %arg1: memref<401xi32, #tpu.memory_space<smem>>) -> (i32, i32) {
    %c0_i32 = arith.constant 0 : i32
    %c0_i32_0 = arith.constant 0 : i32
    %c0_i32_1 = arith.constant 0 : i32
    return %c0_i32, %c0_i32_0 : i32, i32
  }
  func.func @transform_8(%arg0: i32, %arg1: memref<401xi32, #tpu.memory_space<smem>>) -> (i32, i32) {
    %c0_i32 = arith.constant 0 : i32
    %c0_i32_0 = arith.constant 0 : i32
    %c0_i32_1 = arith.constant 0 : i32
    return %c0_i32, %c0_i32_0 : i32, i32
  }
  func.func @transform_9(%arg0: i32, %arg1: memref<401xi32, #tpu.memory_space<smem>>) -> (i32, i32) {
    %c0_i32 = arith.constant 0 : i32
    %c0_i32_0 = arith.constant 0 : i32
    %c0_i32_1 = arith.constant 0 : i32
    return %c0_i32, %c0_i32_0 : i32, i32
  }
  func.func @transform_10(%arg0: i32, %arg1: memref<401xi32, #tpu.memory_space<smem>>) -> (i32, i32) {
    %c0_i32 = arith.constant 0 : i32
    %c0_i32_0 = arith.constant 0 : i32
    %c0_i32_1 = arith.constant 0 : i32
    return %c0_i32, %c0_i32_0 : i32, i32
  }
  func.func @transform_11(%arg0: i32, %arg1: memref<401xi32, #tpu.memory_space<smem>>) -> (i32, i32) {
    %c0_i32 = arith.constant 0 : i32
    %c0_i32_0 = arith.constant 0 : i32
    %c0_i32_1 = arith.constant 0 : i32
    return %c0_i32, %c0_i32_0 : i32, i32
  }
  func.func @transform_12(%arg0: i32, %arg1: memref<401xi32, #tpu.memory_space<smem>>) -> (i32, i32) {
    %c0_i32 = arith.constant 0 : i32
    %c0_i32_0 = arith.constant 0 : i32
    %c0_i32_1 = arith.constant 0 : i32
    return %c0_i32, %c0_i32_0 : i32, i32
  }
  func.func @transform_13(%arg0: i32, %arg1: memref<401xi32, #tpu.memory_space<smem>>) -> (i32, i32) {
    %c0_i32 = arith.constant 0 : i32
    %c0_i32_0 = arith.constant 0 : i32
    %c0_i32_1 = arith.constant 0 : i32
    return %c0_i32, %c0_i32_0 : i32, i32
  }
  func.func @transform_14(%arg0: i32, %arg1: memref<401xi32, #tpu.memory_space<smem>>) -> (i32, i32) {
    %c0_i32 = arith.constant 0 : i32
    %c0_i32_0 = arith.constant 0 : i32
    %c0_i32_1 = arith.constant 0 : i32
    return %c0_i32, %c0_i32_0 : i32, i32
  }
  func.func @transform_15(%arg0: i32, %arg1: memref<401xi32, #tpu.memory_space<smem>>) -> (i32, i32) {
    %c0_i32 = arith.constant 0 : i32
    %c0_i32_0 = arith.constant 0 : i32
    %c0_i32_1 = arith.constant 0 : i32
    return %c0_i32, %c0_i32_0 : i32, i32
  }
  func.func @transform_16(%arg0: i32, %arg1: memref<401xi32, #tpu.memory_space<smem>>) -> (i32, i32) {
    %c0_i32 = arith.constant 0 : i32
    %c0_i32_0 = arith.constant 0 : i32
    %c0_i32_1 = arith.constant 0 : i32
    return %c0_i32, %c0_i32_0 : i32, i32
  }
  func.func @transform_17(%arg0: i32, %arg1: memref<401xi32, #tpu.memory_space<smem>>) -> (i32, i32) {
    %c0_i32 = arith.constant 0 : i32
    %c0_i32_0 = arith.constant 0 : i32
    %c0_i32_1 = arith.constant 0 : i32
    return %c0_i32, %c0_i32_0 : i32, i32
  }
  func.func @transform_18(%arg0: i32, %arg1: memref<401xi32, #tpu.memory_space<smem>>) -> (i32, i32) {
    %c0_i32 = arith.constant 0 : i32
    %c0_i32_0 = arith.constant 0 : i32
    %c0_i32_1 = arith.constant 0 : i32
    return %c0_i32, %c0_i32_0 : i32, i32
  }
  func.func @transform_19(%arg0: i32, %arg1: memref<401xi32, #tpu.memory_space<smem>>) -> (i32, i32) {
    %c0_i32 = arith.constant 0 : i32
    %c0_i32_0 = arith.constant 0 : i32
    %c0_i32_1 = arith.constant 0 : i32
    return %c0_i32, %c0_i32_0 : i32, i32
  }
  func.func @transform_20(%arg0: i32, %arg1: memref<401xi32, #tpu.memory_space<smem>>) -> (i32, i32) {
    %c0_i32 = arith.constant 0 : i32
    %c0_i32_0 = arith.constant 0 : i32
    %c0_i32_1 = arith.constant 0 : i32
    return %c0_i32, %c0_i32_0 : i32, i32
  }
  func.func @transform_21(%arg0: i32, %arg1: memref<401xi32, #tpu.memory_space<smem>>) -> (i32, i32) {
    %c0_i32 = arith.constant 0 : i32
    %c0_i32_0 = arith.constant 0 : i32
    %c0_i32_1 = arith.constant 0 : i32
    return %c0_i32, %c0_i32_0 : i32, i32
  }
  func.func @transform_22(%arg0: i32, %arg1: memref<401xi32, #tpu.memory_space<smem>>) -> (i32, i32) {
    %c0_i32 = arith.constant 0 : i32
    %c0_i32_0 = arith.constant 0 : i32
    %c0_i32_1 = arith.constant 0 : i32
    return %c0_i32, %c0_i32_0 : i32, i32
  }
  func.func @transform_23(%arg0: i32, %arg1: memref<401xi32, #tpu.memory_space<smem>>) -> (i32, i32) {
    %c0_i32 = arith.constant 0 : i32
    %c0_i32_0 = arith.constant 0 : i32
    %c0_i32_1 = arith.constant 0 : i32
    return %c0_i32, %c0_i32_0 : i32, i32
  }
  func.func @transform_24(%arg0: i32, %arg1: memref<401xi32, #tpu.memory_space<smem>>) -> (i32, i32) {
    %c0_i32 = arith.constant 0 : i32
    %c0_i32_0 = arith.constant 0 : i32
    %c0_i32_1 = arith.constant 0 : i32
    return %c0_i32, %c0_i32_0 : i32, i32
  }
  func.func @transform_25(%arg0: i32, %arg1: memref<401xi32, #tpu.memory_space<smem>>) -> (i32, i32) {
    %c0_i32 = arith.constant 0 : i32
    %c0_i32_0 = arith.constant 0 : i32
    %c0_i32_1 = arith.constant 0 : i32
    return %c0_i32, %c0_i32_0 : i32, i32
  }
  func.func @transform_26(%arg0: i32, %arg1: memref<401xi32, #tpu.memory_space<smem>>) -> (i32, i32) {
    %c0_i32 = arith.constant 0 : i32
    %c0_i32_0 = arith.constant 0 : i32
    return %arg0, %c0_i32 : i32, i32
  }
}

</mosaic_0001>

<sc_bundles>
// kernel: kernel.22.cloned.1.call-start
scs
__scs_entry_jumppad:
0x0: {  	(pc) =	sbr.rel $0x88, $3  }
0x1: {  	(tag) =	ssettag $0x0;
	lr =	simm.s32 $0x1  }
0x2: {  	[smem:$0x3F6F] =	sst lr;
	_ =	strace $0xD0000000  }
0x3: {  	_ = 	snop  }
0x4: {  	_ = 	snop  }
0x5: {  	_ = 	snop  }
0x6: {  	_ = 	snop  }
0x7: {  	_ = 	snop  }
__scs_overlays_trampoline_lowered:
0x8: {  	[smem:$0x3F7E] =	sst s0  }
0x9: {  	[smem:$0x3F7F] =	sst s1  }
0xa: {  	[smem:$0x3F80] =	sst s2  }
0xb: {  	[smem:$0x3F81] =	sst s3  }
0xc: {  	[smem:$0x3F82] =	sst s4  }
0xd: {  	[smem:$0x3F83] =	sst s5  }
0xe: {  	[smem:$0x3F84] =	sst s6  }
0xf: {  	[smem:$0x3F85] =	sst s7  }
0x10: {  	[smem:$0x3F86] =	sst s8  }
0x11: {  	[smem:$0x3F87] =	sst s9;
	s0 =	simm.s32 @!p0 $0x0  }
0x12: {  	s1 =	sld [smem:$0x3F6D];
	s0 =	simm.s32 @p0 $0x1  }
0x13: {  	[smem:$0x3F88] =	sst s0;
	s0 =	simm.s32 @!p1 $0x0  }
0x14: {  	s2 =	sld [smem:$0x3F6C];
	s0 =	simm.s32 @p1 $0x1  }
0x15: {  	[smem:$0x3F89] =	sst s0;
	s0 =	simm.s32 @!p2 $0x0  }
0x16: {  	s3 =	sld [smem:$0x3FDB];
	s0 =	simm.s32 @p2 $0x1  }
0x17: {  	s4 =	simm.s32 $0x1BF5;
	[smem:$0x3F8B] =	sst s0  }
0x18: {  	s0 =	sld [smem:$0x3F6E];
	_ =	swait.ge [sflag:s4], $0x0  }
0x19: {  	s7 =	sld [smem:$0x3F6F]  }
0x1a: {  	s8 =	sadd.s32 $0xFFFFE003, lr  }
0x1b: {  	s9 =	sadd.s32 $0xFFFFFEF7, lr;
	s5 =	simm.s32 $0xFFFFFFFF;
	p2 =	slt.u32 s8, $0xFFFFF086  }
0x1c: {  	p1 =	slt.u32 s9, $0xF7A;
	s5 =	simm.s32 @!p2 $0x0  }
0x1d: {  	s5 =	simm.s32 @p1 $0x1;
	p0 =	seq.s32 s7, s2  }
0x1e: {  	s7 =	smul.u32 @!p0 $0xF7A, s2;
	p2 =	seq.s32 @!p0 s5, $0x0  }
0x1f: {  	s9 =	smul.u32 $0xF7A, s1;
	s8 =	simm.s32 @!p0 $0x1BF5;
	p2 =	por !p2, p0  }
0x20: {  	[sflag:s8] =	ssyncset.s32 @!p0 $0xFFFFF086;
	s6 =	sadd.s32 @!p0 s3, s7;
	s7 =	simm.s32 @!p0 $0x108  }
0x21: {  	s3 =	sadd.s32 s3, s9;
	s6 =	sadd.s32 @!p0 $0x88, s6;
	s7 =	simm.s32 @p2 $0x1082  }
0x22: {  	[simem:s7], [sflag:s8] =	dma.local @!p0 [hbm:s6], $0xF7A  }
0x23: {  	s9 =	sor.u32 $0xD0000000, s2;
	s6 =	simm.s32 $0x108;
	_ =	swait.ge @!p0 [sflag:s8], $0x0  }
0x24: {  	s3 =	sadd.s32 $0x88, s3;
	s6 =	simm.s32 @!p1 $0x1082;
	[sflag:s4] =	ssyncset.s32 $0xFFFFF086  }
0x25: {  	[simem:s6], [sflag:s4] =	dma.local [hbm:s3], $0xF7A  }
0x26: {  	[smem:$0x3F6F] =	sst s1;
	(tag) =	ssettag s2;
	_ =	strace s9  }
0x27: {  	s1 =	sld [smem:$0x3F7F]  }
0x28: {  	s2 =	sld [smem:$0x3F80]  }
0x29: {  	s4 =	sld [smem:$0x3F82]  }
0x2a: {  	p0 =	seq.s32 s5, $0x0;
	s5 =	sld [smem:$0x3F83]  }
0x2b: {  	s6 =	sld [smem:$0x3F84]  }
0x2c: {  	s7 =	sld [smem:$0x3F85]  }
0x2d: {  	s3 =	simm.s32 $0x108;
	s8 =	sld [smem:$0x3F86]  }
0x2e: {  	s3 =	simm.s32 @!p0 $0x1082;
	s9 =	sld [smem:$0x3F87]  }
0x2f: {  	lr =	sadd.s32 s0, s3;
	s0 =	sld [smem:$0x3F7E]  }
0x30: {  	s3 =	sld [smem:$0x3F81]  }
0x31: {  	[smem:$0x3F8A] =	sst s10  }
0x32: {  	s10 =	sld [smem:$0x3F88];
	_ =	sdelay $0x3  }
0x33: {  	p0 =	seq.s32 s10, $0x1;
	s10 =	sld [smem:$0x3F8A];
	_ =	sdelay $0x3  }
0x34: {  	[smem:$0x3F8A] =	sst s10  }
0x35: {  	s10 =	sld [smem:$0x3F89];
	_ =	sdelay $0x3  }
0x36: {  	p1 =	seq.s32 s10, $0x1;
	s10 =	sld [smem:$0x3F8A];
	_ =	sdelay $0x3  }
0x37: {  	[smem:$0x3F8A] =	sst s10  }
0x38: {  	s10 =	sld [smem:$0x3F8B]  }
0x39: {  	_ = 	snop;
	(pc) =	sbr.ind lr, $3  }
0x3a: {  	_ = 	snop  }
0x3b: {  	_ = 	snop  }
0x3c: {  	p2 =	seq.s32 s10, $0x1;
	s10 =	sld [smem:$0x3F8A]  }
0x3d: {  	_ =	shalt  }
0x3e: {  	_ =	shalt  }
0x3f: {  	_ =	shalt  }
0x40: {  	_ =	shalt  }
0x41: {  	_ =	shalt  }
0x42: {  	_ =	shalt  }
0x43: {  	_ =	shalt  }
0x44: {  	_ =	shalt  }
0x45: {  	_ =	shalt  }
0x46: {  	_ =	shalt  }
0x47: {  	_ =	shalt  }
0x48: {  	_ =	shalt  }
0x49: {  	_ =	shalt  }
0x4a: {  	_ =	shalt  }
0x4b: {  	_ =	shalt  }
0x4c: {  	_ =	shalt  }
0x4d: {  	_ =	shalt  }
0x4e: {  	_ =	shalt  }
0x4f: {  	_ =	shalt  }
0x50: {  	_ =	shalt  }
0x51: {  	_ =	shalt  }
0x52: {  	_ =	shalt  }
0x53: {  	_ =	shalt  }
0x54: {  	_ =	shalt  }
0x55: {  	_ =	shalt  }
0x56: {  	_ =	shalt  }
0x57: {  	_ =	shalt  }
0x58: {  	_ =	shalt  }
0x59: {  	_ =	shalt  }
0x5a: {  	_ =	shalt  }
0x5b: {  	_ =	shalt  }
0x5c: {  	_ =	shalt  }
0x5d: {  	_ =	shalt  }
0x5e: {  	_ =	shalt  }
0x5f: {  	_ =	shalt  }
0x60: {  	_ =	shalt  }
0x61: {  	_ =	shalt  }
0x62: {  	_ =	shalt  }
0x63: {  	_ =	shalt  }
0x64: {  	_ =	shalt  }
0x65: {  	_ =	shalt  }
0x66: {  	_ =	shalt  }
0x67: {  	_ =	shalt  }
0x68: {  	_ =	shalt  }
0x69: {  	_ =	shalt  }
0x6a: {  	_ =	shalt  }
0x6b: {  	_ =	shalt  }
0x6c: {  	_ =	shalt  }
0x6d: {  	_ =	shalt  }
0x6e: {  	_ =	shalt  }
0x6f: {  	_ =	shalt  }
0x70: {  	_ =	shalt  }
0x71: {  	_ =	shalt  }
0x72: {  	_ =	shalt  }
0x73: {  	_ =	shalt  }
0x74: {  	_ =	shalt  }
0x75: {  	_ =	shalt  }
0x76: {  	_ =	shalt  }
0x77: {  	_ =	shalt  }
0x78: {  	_ =	shalt  }
0x79: {  	_ =	shalt  }
0x7a: {  	_ =	shalt  }
0x7b: {  	_ =	shalt  }
0x7c: {  	_ =	shalt  }
0x7d: {  	_ =	shalt  }
0x7e: {  	_ =	shalt  }
0x7f: {  	_ =	shalt  }
0x80: {  	_ =	shalt  }
0x81: {  	_ =	shalt  }
0x82: {  	_ =	shalt  }
0x83: {  	_ =	shalt  }
0x84: {  	_ =	shalt  }
0x85: {  	_ =	shalt  }
0x86: {  	_ =	shalt  }
0x87: {  	_ =	shalt  }
.Lfunc_end0:
.L_simem_size_0:
called_computation_lowered:
.L_overlay_start_0:
0x88: {  	s2 =	sld [smem:$0x3FD9]  }
0x89: {  	s3 =	sld [smem:$0x3FFE];
	_ =	sdelay $0x1  }
0x8a: {  	s1 =	srdreg.scid  }
0x8b: {  	s0 =	sand.u32 $0x1, s1  }
0x8c: {  	s17 =	sshll.u32 s0, $0xA;
	s2 =	sadd.s32 s3, s2  }
0x8d: {  	s2 =	sadd.s32 s2, s17  }
0x8e: {  	[smem:$0x3F96] =	sst s2  }
0x8f: {  	_ = 	snop  }
0x90: {  	(tm) =	ssettm $0x1  }
0x91: {  	s18 =	sld [smem:$0x3FFB];
	_ =	sdelay $0x3  }
0x92: {  	_ =	strace s18  }
0x93: {  	s2 =	sld [smem:$0x3FFC];
	_ =	sdelay $0x3  }
0x94: {  	_ =	strace s2  }
0x95: {  	s2 =	sld [smem:$0x3FFD];
	_ =	sdelay $0x3  }
0x96: {  	_ =	strace s2  }
0x97: {  	_ =	strace $0x8FFFFFFF  }
0x98: {  	s19 =	sld [smem:$0x3FDB];
	_ =	sdelay $0x1  }
0x99: {  	s20 =	simm.s32 $_scs_section_size  }
0x9a: {  	s4 =	simm.s32 $_size__tile_overlayer_lowered;
	s5 =	simm.s32 $_tile_overlayer_lowered  }
0x9b: {  	s6 =	simm.s32 $0x1BFF;
	s21 =	sshll.u32 s5, $0x1;
	s3 =	sadd.s32 s20, s19  }
0x9c: {  	s22 =	simm.s32 $0x0;
	s4 =	sshll.u32 s4, $0x1;
	s5 =	sadd.s32 s21, s3  }
0x9d: {  	[timem:s22], [sflag:s6] =	dma.local [hbm:s5], s4  }
0x9e: {  	_ =	swait.ge [sflag:s6], s4  }
0x9f: {  	s4 =	ssub.s32 $0x0, s4;
	[sflag:s6] =	ssyncset.done $0x0  }
0xa0: {  	[sflag:s6] =	ssyncadd.s32 s4;
	_ =	sdelay $0x1  }
0xa1: {  	s23 =	simm.s32 $0x1B8B  }
0xa2: {  	_ =	swait.ge [sflag:s23], $0x1  }
0xa3: {  	[sflag:s23] =	ssyncset.done $0x0  }
0xa4: {  	[sflag:s23] =	ssyncadd.s32 $0xFFFFFFFF  }
0xa5: {  	s4 =	sld [smem:$0x0]  }
0xa6: {  	s5 =	sand.u32 $0xFFFFFFFE, s1  }
0xa7: {  	p0 =	sne.s32 s1, s5  }
0xa8: {  	s5 =	sshll.u32 @p0 s5, $0xE  }
0xa9: {  	s5 =	sadd.s32 @p0 $0x11B8D, s5;
	s6 =	sshll.u32 @p0 s4, $0x11  }
0xaa: {  	s5 =	sor.u32 @p0 s6, s5  }
0xab: {  	[sflag:s5] =	ssyncadd.remote.s32 @p0 $0x1;
	_ =	sdelay $0x1  }
0xac: {  	s5 =	simm.s32 @p0 $0x1B8D  }
0xad: {  	_ =	swait.eq @p0 [sflag:s5], $0x1  }
0xae: {  	[sflag:s5] =	ssyncadd.s32 @p0 $0xFFFFFFFF  }
0xaf: {  	s6 =	sshll.u32 @!p0 s1, $0xE  }
0xb0: {  	s6 =	sor.u32 @!p0 $0x4000, s6;
	s5 =	simm.s32 @!p0 $0x1B8D  }
0xb1: {  	s4 =	sshll.u32 @!p0 s4, $0x11;
	s6 =	sadd.s32 @!p0 $0x11B8D, s6;
	_ =	swait.eq @!p0 [sflag:s5], $0x1  }
0xb2: {  	s4 =	sor.u32 @!p0 s4, s6;
	[sflag:s5] =	ssyncadd.s32 @!p0 $0xFFFFFFFF  }
0xb3: {  	s25 =	simm.s32 $0x1B8E;
	s24 =	sld [smem:$0x3FFE];
	[sflag:s4] =	ssyncadd.remote.s32 @!p0 $0x1  }
0xb4: {  	s26 =	simm.s32 $execute0_lowered;
	[smem:$0x3FD2] =	sst s25  }
0xb5: {  	s5 =	sshll.u32 s26, $0x1;
	_ =	strace $0x80000055;
	[dreg:$0x1] =	wrdreg $0xFFFFFFFF  }
0xb6: {  	s28 =	simm.s32 $_size_execute0_lowered;
	s3 =	sadd.s32 s3, s5;
	[dreg:$0x0] =	wrdreg $0x0  }
0xb7: {  	s5 =	sshll.u32 s28, $0x1;
	[dreg:$0x2] =	wrdreg s3  }
0xb8: {  	[dreg:$0x3] =	wrdreg s5  }
0xb9: {  	[dreg:$0x4] =	wrdreg $0xC0  }
0xba: {  	_ =	task [dreg:s22], $0x5FFFF  }
0xbb: {  	[dreg:$0x1] =	wrdreg $0xFFFFFFFF  }
0xbc: {  	[dreg:$0x0] =	wrdreg $0x60  }
0xbd: {  	[dreg:$0x2] =	wrdreg s24  }
0xbe: {  	[dreg:$0x3] =	wrdreg $0x1C000  }
0xbf: {  	[dreg:$0x4] =	wrdreg $0x9  }
0xc0: {  	_ =	task.clear_ibuf [dreg:s22], $0x5FFFF;
	_ =	strace $0x90000055  }
0xc1: {  	s29 =	simm.s32 $0x9;
	_ =	strace $0x80000057  }
0xc2: {  	_ =	swait.ge [sflag:s29], $0x1  }
0xc3: {  	[sflag:s29] =	ssyncadd.s32 $0xFFFFFFFF  }
0xc4: {  	_ =	strace $0x90000057  }
0xc5: {  	_ =	sfence  }
0xc6: {  	s30 =	sld [smem:$0x0];
	_ =	sdelay $0x2  }
0xc7: {  	s31 =	sshll.u32 s1, $0xD;
	s1 =	sshrl.u32 s1, $0x2  }
0xc8: {  	s4 =	sand.u32 $0x4000, s31;
	s1 =	sadd.s32 s1, s30  }
0xc9: {  	s0 =	sor.u32 s4, s0;
	s1 =	sshll.u32 s1, $0x11  }
0xca: {  	s0 =	sor.u32 s1, s0  }
0xcb: {  	s0 =	sadd.s32 $0x8F2B, s0  }
0xcc: {  	[sflag:s0] =	ssyncadd.remote.s32 $0x1  }
0xcd: {  	_ =	sfence.sel $0xFFFF  }
0xce: {  	[dreg:$0x0] =	wrdreg $0xFFFFFFFF;
	(pc) =	sbr.abs _section_cstart, $3  }
0xcf: {  	[dreg:$0x1] =	wrdreg $0xFFFFFFFF  }
0xd0: {  	_ =	task.clear_ibuf [dreg:s22], $0x2FFFF;
	_ =	strace $0x9FFFFFFF  }
0xd1: {  	(tm) =	ssettm $0x7FFFFFFF  }
tec
execute0_lowered:
.L_overlay_start_1:
0x0: {  	(tag) =	ssettag $0x1  }
0x1: {  	s4 =	rddreg [dreg:$0x0]  }
0x2: {  	s1 =	rddreg [dreg:$0x1]  }
0x3: {  	s7 =	stileid.u32;
	s2 =	srdreg.scid  }
0x4: {  	s0 =	rddreg [dreg:$0x2];
	s12 =	simm.s32 $0x0;
	s5 =	sand.u32 $0x1, s2  }
0x5: {  	s3 =	sshll.u32 s7, $0x1;
	s2 =	simm.s32 $0x0;
	s6 =	smul.u32 $0x5000, s7  }
0x6: {  	p0 =	sne.s32 s7, $0x0;
	s3 =	sor.u32 s5, s3;
	s30 =	smul.u32 $0x5000, s5  }
0x7: {  	[smem:$0x7FF] =	sst s2;
	s10 =	ssub.s32 $0x2, s5;
	s11 =	smul.u32 $0x2800, s5  }
0x8: {  	s3 =	smul.u32 $0x1400, s3;
	_ =	strace $0x80000056;
	s31 =	sshrl.u32 s10, $0x1  }
0x9: {  	s8 =	sadd.s32 s6, s4;
	s6 =	sadd.s32 s30, s4;
	s10 =	ssub.s32 s10, s31  }
0xa: {  	s8 =	sadd.s32 s11, s8;
	s11 =	simm.s32 $0x80;
	s3 =	sshrl.u32 s3, $0x3  }
0xb: {  	s5 =	sadd.s32 $0x43E00, s6;
	s6 =	smax.u32 s10, $0x1;
	s7 =	sadd.s32 $0xE3E00, s8  }
0xc: {  	s8 =	sshrl.u32 @!p0 s1, $0x3;
	s10 =	simm.s32 $0x1400;
	s9 =	sadd.s32 s3, s4  }
0xd: {  	s3 =	sadd.s32 $0x34E00, s4;
	s4 =	sadd.s32 $0x8EE00, s9;
	s9 =	simm.s32 $0x1  }
.LBB2_1:
0xe: {  	s13 =	simm.s32 @!p0 $0x1C01  }
0xf: {  	[spmem:s8], [sflag:s13] =	dma.local @!p0 [hbm:s3], $0x5000  }
0x10: {  	s13 =	simm.s32 @!p0 $0x1  }
0x11: {  	_ =	swait.ge @!p0 [sflag:s13], $0x5000  }
0x12: {  	[sflag:s13] =	ssyncset.done @!p0 $0x0  }
0x13: {  	[sflag:s13] =	ssyncadd.s32 @!p0 $0xFFFFB000  }
0x14: {  	[bflag:$0x0] =	sbarrier.arrive $0xFFFF  }
0x15: {  	[tilespmem:s2], [sflag:$0x1] =	stream.linear.gather [hbm4b:s4+s2], $0x1400, $0x38;
	[tilespmem:$0x4400] =	vst v63  }
0x16: {  	_ =	swait.ge [sflag:s9], $0x1400  }
0x17: {  	[sflag:s9] =	ssyncset.done $0x0  }
0x18: {  	s31 =	sadd.s32 $0x0, s7;
	[sflag:s9] =	ssyncadd.s32 $0xFFFFEC00  }
0x19: {  	[tilespmem:s10], [sflag:$0x1] =	stream.linear.gather [hbm4b:s31+s2], $0x800, $0x38;
	[tilespmem:$0x4400] =	vst v63  }
0x1a: {  	_ =	swait.ge [sflag:s9], $0x800  }
0x1b: {  	[sflag:s9] =	ssyncset.done $0x0  }
0x1c: {  	[sflag:s9] =	ssyncadd.s32 $0xFFFFF800  }
0x1d: {  	[spmem:s1] =	stream.indirect.scatter.add.f32 [tilespmem:s10], [sflag:$0x1], $0x10, s2, s11, $0xb8;
	[tilespmem:$0x4400] =	vst v63  }
0x1e: {  	s14 =	simm.s32 $0x100;
	_ =	swait.ge [sflag:s9], $0x800  }
0x1f: {  	s15 =	simm.s32 $0x200;
	s13 =	simm.s32 $0x80;
	[sflag:s9] =	ssyncset.done $0x0  }
.LBB2_2:
0x20: {  	s16 =	sadd.s32 s14, s7  }
0x21: {  	[sflag:s9] =	ssyncadd.s32 $0xFFFFF800;
	s14 =	smov.u32 s15;
	s17 =	sadd.s32 $0x100, s15  }
0x22: {  	[tilespmem:s10], [sflag:$0x1] =	stream.linear.gather [hbm4b:s16+s2], $0x800, $0x38;
	[tilespmem:$0x4400] =	vst v63  }
0x23: {  	p1 =	sne.s32 s15, $0x2700;
	_ =	swait.ge [sflag:s9], $0x800  }
.Ltmp0:
0x24: {  	[sflag:s9] =	ssyncset.done $0x0;
	(pc) =	sbr.rel @p1 .LBB2_2-.Ltmp0, $4  }
0x25: {  	[sflag:s9] =	ssyncadd.s32 $0xFFFFF800  }
0x26: {  	[spmem:s1] =	stream.indirect.scatter.add.f32 [tilespmem:s10], [sflag:$0x1], $0x10, s13, s11, $0xb8;
	[tilespmem:$0x4400] =	vst v63  }
0x27: {  	_ =	swait.ge [sflag:s9], $0x800  }
0x28: {  	s15 =	smov.u32 s17;
	s13 =	sadd.s32 $0x80, s13;
	[sflag:s9] =	ssyncset.done $0x0  }
0x29: {  	s14 =	sadd.s32 s14, s7;
	[sflag:s9] =	ssyncadd.s32 $0xFFFFF800  }
0x2a: {  	[tilespmem:s10], [sflag:$0x1] =	stream.linear.gather [hbm4b:s14+s2], $0x800, $0x38;
	[tilespmem:$0x4400] =	vst v63  }
0x2b: {  	_ =	swait.ge [sflag:s9], $0x800  }
0x2c: {  	[sflag:s9] =	ssyncset.done $0x0  }
0x2d: {  	[sflag:s9] =	ssyncadd.s32 $0xFFFFF800  }
0x2e: {  	[spmem:s1] =	stream.indirect.scatter.add.f32 [tilespmem:s10], [sflag:$0x1], $0x10, s13, s11, $0xb8;
	[tilespmem:$0x4400] =	vst v63  }
0x2f: {  	_ =	swait.ge [sflag:s9], $0x800  }
0x30: {  	[sflag:s9] =	ssyncset.done $0x0  }
0x31: {  	s12 =	sadd.s32 $0x1, s12;
	[sflag:s9] =	ssyncadd.s32 $0xFFFFF800  }
0x32: {  	p1 =	sne.s32 s12, s6;
	s13 =	simm.s32 @!p0 $0x1C01;
	[bflag:$0x0] =	sbarrier.arrive $0xFFFF  }
0x33: {  	[hbm:s5], [sflag:s13] =	dma.local @!p0 [spmem:s8], $0x5000  }
.Ltmp1:
0x34: {  	_ = 	snop;
	(pc) =	sbr.rel @p1 .LBB2_1-.Ltmp1, $4  }
0x35: {  	s13 =	simm.s32 @!p0 $0x1  }
0x36: {  	_ =	swait.ge @!p0 [sflag:s13], $0x5000  }
0x37: {  	[sflag:s13] =	ssyncset.done @!p0 $0x0  }
0x38: {  	[sflag:s13] =	ssyncadd.s32 @!p0 $0xFFFFB000  }
0x39: {  	_ =	sfence.sel $0x180000  }
0x3a: {  	[bflag:$0x0] =	sbarrier.arrive $0xFFFF  }
0x3b: {  	_ =	strace $0x90000056  }
0x3c: {  	s0 =	sadd.s32 @!p0 $0x100000, s0;
	[bflag:$0x2] =	sbarrier.arrive $0xFFFF  }
0x3d: {  	[sflag:s0] =	ssyncadd.tile.s32 @!p0 $0x1;
	_ =	shalt  }
.Lfunc_end2:
_tile_overlayer_lowered:
.L_overlay_start_2:
0x3e: {  	(tag) =	ssettag $0x2  }
0x3f: {  	s0 =	rddreg [dreg:$0x0];
	s2 =	stileid.u32  }
0x40: {  	s1 =	rddreg [dreg:$0x1];
	p0 =	sne.s32 s2, $0x0  }
0x41: {  	s3 =	rddreg [dreg:$0x2];
	[bflag:$0x3] =	sbarrier.arrive $0xFFFF;
	s2 =	simm.s32 @!p0 $0x1C01  }
0x42: {  	[timem:s3], [sflag:s2] =	dma.local @!p0 [hbm:s0], s1  }
0x43: {  	s0 =	simm.s32 @!p0 $0x1  }
0x44: {  	_ =	swait.ge @!p0 [sflag:s0], s1  }
0x45: {  	s1 =	ssub.s32 @!p0 $0x0, s1;
	[sflag:s0] =	ssyncset.done @!p0 $0x0  }
0x46: {  	[sflag:s0] =	ssyncadd.s32 @!p0 s1  }
0x47: {  	[bflag:$0x3] =	sbarrier.arrive $0xFFFF  }
0x48: {  	_ =	shalt  }

// kernel: kernel.25.cloned.1.call-start
scs
__scs_entry_jumppad:
0x0: {  	(pc) =	sbr.rel $0x88, $3  }
0x1: {  	(tag) =	ssettag $0x0;
	lr =	simm.s32 $0x1  }
0x2: {  	[smem:$0x3F6F] =	sst lr;
	_ =	strace $0xD0000000  }
0x3: {  	_ = 	snop  }
0x4: {  	_ = 	snop  }
0x5: {  	_ = 	snop  }
0x6: {  	_ = 	snop  }
0x7: {  	_ = 	snop  }
__scs_overlays_trampoline_lowered:
0x8: {  	[smem:$0x3F7E] =	sst s0  }
0x9: {  	[smem:$0x3F7F] =	sst s1  }
0xa: {  	[smem:$0x3F80] =	sst s2  }
0xb: {  	[smem:$0x3F81] =	sst s3  }
0xc: {  	[smem:$0x3F82] =	sst s4  }
0xd: {  	[smem:$0x3F83] =	sst s5  }
0xe: {  	[smem:$0x3F84] =	sst s6  }
0xf: {  	[smem:$0x3F85] =	sst s7  }
0x10: {  	[smem:$0x3F86] =	sst s8  }
0x11: {  	[smem:$0x3F87] =	sst s9;
	s0 =	simm.s32 @!p0 $0x0  }
0x12: {  	s1 =	sld [smem:$0x3F6D];
	s0 =	simm.s32 @p0 $0x1  }
0x13: {  	[smem:$0x3F88] =	sst s0;
	s0 =	simm.s32 @!p1 $0x0  }
0x14: {  	s2 =	sld [smem:$0x3F6C];
	s0 =	simm.s32 @p1 $0x1  }
0x15: {  	[smem:$0x3F89] =	sst s0;
	s0 =	simm.s32 @!p2 $0x0  }
0x16: {  	s3 =	sld [smem:$0x3FDB];
	s0 =	simm.s32 @p2 $0x1  }
0x17: {  	s4 =	simm.s32 $0x1BF5;
	[smem:$0x3F8B] =	sst s0  }
0x18: {  	s0 =	sld [smem:$0x3F6E];
	_ =	swait.ge [sflag:s4], $0x0  }
0x19: {  	s7 =	sld [smem:$0x3F6F]  }
0x1a: {  	s8 =	sadd.s32 $0xFFFFE003, lr  }
0x1b: {  	s9 =	sadd.s32 $0xFFFFFEF7, lr;
	s5 =	simm.s32 $0xFFFFFFFF;
	p2 =	slt.u32 s8, $0xFFFFF086  }
0x1c: {  	p1 =	slt.u32 s9, $0xF7A;
	s5 =	simm.s32 @!p2 $0x0  }
0x1d: {  	s5 =	simm.s32 @p1 $0x1;
	p0 =	seq.s32 s7, s2  }
0x1e: {  	s7 =	smul.u32 @!p0 $0xF7A, s2;
	p2 =	seq.s32 @!p0 s5, $0x0  }
0x1f: {  	s9 =	smul.u32 $0xF7A, s1;
	s8 =	simm.s32 @!p0 $0x1BF5;
	p2 =	por !p2, p0  }
0x20: {  	[sflag:s8] =	ssyncset.s32 @!p0 $0xFFFFF086;
	s6 =	sadd.s32 @!p0 s3, s7;
	s7 =	simm.s32 @!p0 $0x108  }
0x21: {  	s3 =	sadd.s32 s3, s9;
	s6 =	sadd.s32 @!p0 $0x88, s6;
	s7 =	simm.s32 @p2 $0x1082  }
0x22: {  	[simem:s7], [sflag:s8] =	dma.local @!p0 [hbm:s6], $0xF7A  }
0x23: {  	s9 =	sor.u32 $0xD0000000, s2;
	s6 =	simm.s32 $0x108;
	_ =	swait.ge @!p0 [sflag:s8], $0x0  }
0x24: {  	s3 =	sadd.s32 $0x88, s3;
	s6 =	simm.s32 @!p1 $0x1082;
	[sflag:s4] =	ssyncset.s32 $0xFFFFF086  }
0x25: {  	[simem:s6], [sflag:s4] =	dma.local [hbm:s3], $0xF7A  }
0x26: {  	[smem:$0x3F6F] =	sst s1;
	(tag) =	ssettag s2;
	_ =	strace s9  }
0x27: {  	s1 =	sld [smem:$0x3F7F]  }
0x28: {  	s2 =	sld [smem:$0x3F80]  }
0x29: {  	s4 =	sld [smem:$0x3F82]  }
0x2a: {  	p0 =	seq.s32 s5, $0x0;
	s5 =	sld [smem:$0x3F83]  }
0x2b: {  	s6 =	sld [smem:$0x3F84]  }
0x2c: {  	s7 =	sld [smem:$0x3F85]  }
0x2d: {  	s3 =	simm.s32 $0x108;
	s8 =	sld [smem:$0x3F86]  }
0x2e: {  	s3 =	simm.s32 @!p0 $0x1082;
	s9 =	sld [smem:$0x3F87]  }
0x2f: {  	lr =	sadd.s32 s0, s3;
	s0 =	sld [smem:$0x3F7E]  }
0x30: {  	s3 =	sld [smem:$0x3F81]  }
0x31: {  	[smem:$0x3F8A] =	sst s10  }
0x32: {  	s10 =	sld [smem:$0x3F88];
	_ =	sdelay $0x3  }
0x33: {  	p0 =	seq.s32 s10, $0x1;
	s10 =	sld [smem:$0x3F8A];
	_ =	sdelay $0x3  }
0x34: {  	[smem:$0x3F8A] =	sst s10  }
0x35: {  	s10 =	sld [smem:$0x3F89];
	_ =	sdelay $0x3  }
0x36: {  	p1 =	seq.s32 s10, $0x1;
	s10 =	sld [smem:$0x3F8A];
	_ =	sdelay $0x3  }
0x37: {  	[smem:$0x3F8A] =	sst s10  }
0x38: {  	s10 =	sld [smem:$0x3F8B]  }
0x39: {  	_ = 	snop;
	(pc) =	sbr.ind lr, $3  }
0x3a: {  	_ = 	snop  }
0x3b: {  	_ = 	snop  }
0x3c: {  	p2 =	seq.s32 s10, $0x1;
	s10 =	sld [smem:$0x3F8A]  }
0x3d: {  	_ =	shalt  }
0x3e: {  	_ =	shalt  }
0x3f: {  	_ =	shalt  }
0x40: {  	_ =	shalt  }
0x41: {  	_ =	shalt  }
0x42: {  	_ =	shalt  }
0x43: {  	_ =	shalt  }
0x44: {  	_ =	shalt  }
0x45: {  	_ =	shalt  }
0x46: {  	_ =	shalt  }
0x47: {  	_ =	shalt  }
0x48: {  	_ =	shalt  }
0x49: {  	_ =	shalt  }
0x4a: {  	_ =	shalt  }
0x4b: {  	_ =	shalt  }
0x4c: {  	_ =	shalt  }
0x4d: {  	_ =	shalt  }
0x4e: {  	_ =	shalt  }
0x4f: {  	_ =	shalt  }
0x50: {  	_ =	shalt  }
0x51: {  	_ =	shalt  }
0x52: {  	_ =	shalt  }
0x53: {  	_ =	shalt  }
0x54: {  	_ =	shalt  }
0x55: {  	_ =	shalt  }
0x56: {  	_ =	shalt  }
0x57: {  	_ =	shalt  }
0x58: {  	_ =	shalt  }
0x59: {  	_ =	shalt  }
0x5a: {  	_ =	shalt  }
0x5b: {  	_ =	shalt  }
0x5c: {  	_ =	shalt  }
0x5d: {  	_ =	shalt  }
0x5e: {  	_ =	shalt  }
0x5f: {  	_ =	shalt  }
0x60: {  	_ =	shalt  }
0x61: {  	_ =	shalt  }
0x62: {  	_ =	shalt  }
0x63: {  	_ =	shalt  }
0x64: {  	_ =	shalt  }
0x65: {  	_ =	shalt  }
0x66: {  	_ =	shalt  }
0x67: {  	_ =	shalt  }
0x68: {  	_ =	shalt  }
0x69: {  	_ =	shalt  }
0x6a: {  	_ =	shalt  }
0x6b: {  	_ =	shalt  }
0x6c: {  	_ =	shalt  }
0x6d: {  	_ =	shalt  }
0x6e: {  	_ =	shalt  }
0x6f: {  	_ =	shalt  }
0x70: {  	_ =	shalt  }
0x71: {  	_ =	shalt  }
0x72: {  	_ =	shalt  }
0x73: {  	_ =	shalt  }
0x74: {  	_ =	shalt  }
0x75: {  	_ =	shalt  }
0x76: {  	_ =	shalt  }
0x77: {  	_ =	shalt  }
0x78: {  	_ =	shalt  }
0x79: {  	_ =	shalt  }
0x7a: {  	_ =	shalt  }
0x7b: {  	_ =	shalt  }
0x7c: {  	_ =	shalt  }
0x7d: {  	_ =	shalt  }
0x7e: {  	_ =	shalt  }
0x7f: {  	_ =	shalt  }
0x80: {  	_ =	shalt  }
0x81: {  	_ =	shalt  }
0x82: {  	_ =	shalt  }
0x83: {  	_ =	shalt  }
0x84: {  	_ =	shalt  }
0x85: {  	_ =	shalt  }
0x86: {  	_ =	shalt  }
0x87: {  	_ =	shalt  }
.Lfunc_end0:
.L_simem_size_0:
called_computation.1_lowered:
.L_overlay_start_0:
0x88: {  	s2 =	sld [smem:$0x3FD9]  }
0x89: {  	s3 =	sld [smem:$0x3FFE];
	_ =	sdelay $0x1  }
0x8a: {  	s1 =	srdreg.scid  }
0x8b: {  	s0 =	sand.u32 $0x1, s1  }
0x8c: {  	s16 =	sshll.u32 s0, $0xA;
	s2 =	sadd.s32 s3, s2  }
0x8d: {  	s2 =	sadd.s32 s2, s16  }
0x8e: {  	[smem:$0x3F96] =	sst s2  }
0x8f: {  	_ = 	snop  }
0x90: {  	(tm) =	ssettm $0x1  }
0x91: {  	s17 =	sld [smem:$0x3FFB];
	_ =	sdelay $0x3  }
0x92: {  	_ =	strace s17  }
0x93: {  	s2 =	sld [smem:$0x3FFC];
	_ =	sdelay $0x3  }
0x94: {  	_ =	strace s2  }
0x95: {  	s2 =	sld [smem:$0x3FFD];
	_ =	sdelay $0x3  }
0x96: {  	_ =	strace s2  }
0x97: {  	_ =	strace $0x8FFFFFFF  }
0x98: {  	s18 =	sld [smem:$0x3FDB];
	_ =	sdelay $0x1  }
0x99: {  	s19 =	simm.s32 $_scs_section_size  }
0x9a: {  	s4 =	simm.s32 $_size__tile_overlayer_lowered;
	s5 =	simm.s32 $_tile_overlayer_lowered  }
0x9b: {  	s22 =	simm.s32 $0x1BFF;
	s21 =	sshll.u32 s5, $0x1;
	s2 =	sadd.s32 s19, s18  }
0x9c: {  	s6 =	simm.s32 $0x0;
	s20 =	sshll.u32 s4, $0x1;
	s4 =	sadd.s32 s21, s2  }
0x9d: {  	[timem:s6], [sflag:s22] =	dma.local [hbm:s4], s20  }
0x9e: {  	_ =	swait.ge [sflag:s22], s20  }
0x9f: {  	s3 =	ssub.s32 $0x0, s20;
	[sflag:s22] =	ssyncset.done $0x0  }
0xa0: {  	[sflag:s22] =	ssyncadd.s32 s3;
	_ =	sdelay $0x1  }
0xa1: {  	s23 =	simm.s32 $0x1B8B  }
0xa2: {  	_ =	swait.ge [sflag:s23], $0x1  }
0xa3: {  	[sflag:s23] =	ssyncset.done $0x0  }
0xa4: {  	s25 =	simm.s32 $0x1B8E;
	s24 =	sld [smem:$0x3FFE];
	[sflag:s23] =	ssyncadd.s32 $0xFFFFFFFF  }
0xa5: {  	s26 =	simm.s32 $execute0_lowered;
	[smem:$0x3FD2] =	sst s25  }
0xa6: {  	s4 =	sshll.u32 s26, $0x1;
	_ =	strace $0x80000046;
	[dreg:$0x1] =	wrdreg $0xFFFFFFFF  }
0xa7: {  	s28 =	simm.s32 $_size_execute0_lowered;
	s2 =	sadd.s32 s2, s4;
	[dreg:$0x0] =	wrdreg $0x0  }
0xa8: {  	s4 =	sshll.u32 s28, $0x1;
	[dreg:$0x2] =	wrdreg s2  }
0xa9: {  	[dreg:$0x3] =	wrdreg s4  }
0xaa: {  	[dreg:$0x4] =	wrdreg $0xC0  }
0xab: {  	_ =	task [dreg:s6], $0x5FFFF  }
0xac: {  	[dreg:$0x1] =	wrdreg $0xFFFFFFFF  }
0xad: {  	[dreg:$0x0] =	wrdreg $0x60  }
0xae: {  	[dreg:$0x2] =	wrdreg s24  }
0xaf: {  	[dreg:$0x3] =	wrdreg $0x9  }
0xb0: {  	_ =	task.clear_ibuf [dreg:s6], $0x4FFFF;
	_ =	strace $0x90000046  }
0xb1: {  	s29 =	simm.s32 $0x9;
	_ =	strace $0x80000048  }
0xb2: {  	_ =	swait.ge [sflag:s29], $0x1  }
0xb3: {  	[sflag:s29] =	ssyncadd.s32 $0xFFFFFFFF  }
0xb4: {  	_ =	strace $0x90000048  }
0xb5: {  	_ =	sfence  }
0xb6: {  	s30 =	sld [smem:$0x0];
	_ =	sdelay $0x2  }
0xb7: {  	s31 =	sshll.u32 s1, $0xD;
	s1 =	sshrl.u32 s1, $0x2  }
0xb8: {  	s3 =	sand.u32 $0x4000, s31;
	s1 =	sadd.s32 s1, s30  }
0xb9: {  	s0 =	sor.u32 s3, s0;
	s1 =	sshll.u32 s1, $0x11  }
0xba: {  	s0 =	sor.u32 s1, s0  }
0xbb: {  	s0 =	sadd.s32 $0x8F2B, s0  }
0xbc: {  	[sflag:s0] =	ssyncadd.remote.s32 $0x1  }
0xbd: {  	_ =	sfence.sel $0xFFFF  }
0xbe: {  	[dreg:$0x0] =	wrdreg $0xFFFFFFFF;
	(pc) =	sbr.abs _section_cstart, $3  }
0xbf: {  	[dreg:$0x1] =	wrdreg $0xFFFFFFFF  }
0xc0: {  	_ =	task.clear_ibuf [dreg:s6], $0x2FFFF;
	_ =	strace $0x9FFFFFFF  }
0xc1: {  	(tm) =	ssettm $0x7FFFFFFF  }
tec
execute0_lowered:
.L_overlay_start_1:
0x0: {  	(tag) =	ssettag $0x1  }
0x1: {  	s4 =	rddreg [dreg:$0x0]  }
0x2: {  	s0 =	rddreg [dreg:$0x1]  }
0x3: {  	s3 =	srdreg.scid;
	s1 =	stileid.u32;
	s2 =	simm.s32 $0x0  }
0x4: {  	s11 =	simm.s32 $0x0;
	s5 =	sand.u32 $0x1, s3;
	s28 =	sshll.u32 s1, $0x1  }
0x5: {  	[smem:$0x7FF] =	sst s2;
	s7 =	smul.u32 $0x5000, s1;
	s3 =	sor.u32 s5, s28  }
0x6: {  	_ =	strace $0x80000047;
	s8 =	ssub.s32 $0x2, s5;
	s10 =	smul.u32 $0x2800, s5  }
0x7: {  	s6 =	smul.u32 $0x1400, s3;
	s3 =	sadd.s32 $0x34E00, s4;
	s9 =	sshrl.u32 s8, $0x1  }
0x8: {  	s30 =	sadd.s32 s7, s4;
	s7 =	simm.s32 $0x2;
	s31 =	ssub.s32 s8, s9  }
0x9: {  	s8 =	simm.s32 $0x80;
	s9 =	simm.s32 $0x1400;
	s6 =	sshrl.u32 s6, $0x3  }
0xa: {  	s5 =	smax.u32 s31, $0x1;
	s29 =	sadd.s32 s6, s4;
	s6 =	sadd.s32 s10, s30  }
0xb: {  	s10 =	simm.s32 $0x1;
	s4 =	sadd.s32 $0x39E00, s29;
	s6 =	sadd.s32 $0x3EE00, s6  }
.LBB2_1:
0xc: {  	[tilespmem:s2], [sflag:$0x2] =	stream.linear.gather [hbm4b:s4+s2], $0x1400, $0x38;
	[tilespmem:$0x1C00] =	vst v63  }
0xd: {  	_ =	swait.ge [sflag:s7], $0x1400  }
0xe: {  	[sflag:s7] =	ssyncset.done $0x0  }
0xf: {  	[sflag:s7] =	ssyncadd.s32 $0xFFFFEC00  }
0x10: {  	[tilespmem:s9], [sflag:$0x1] =	stream.indirect.gather [hbm4b:s3+s8], $0x10, s2, s8, $0xb8;
	[tilespmem:$0x1C00] =	vst v63  }
0x11: {  	_ =	swait.ge [sflag:s10], $0x800  }
0x12: {  	[sflag:s10] =	ssyncset.done $0x0  }
0x13: {  	s12 =	sadd.s32 $0x0, s6;
	[sflag:s10] =	ssyncadd.s32 $0xFFFFF800  }
0x14: {  	[hbm4b:s12+s2] =	stream.linear.scatter [tilespmem:s9], [sflag:$0x2], $0x800, $0x38;
	[tilespmem:$0x1C00] =	vst v63  }
0x15: {  	_ =	swait.ge [sflag:s7], $0x800  }
0x16: {  	s13 =	simm.s32 $0x0;
	s12 =	simm.s32 $0x100;
	[sflag:s7] =	ssyncset.done $0x0  }
.LBB2_2:
0x17: {  	p0 =	sne.s32 s12, $0x2700;
	[sflag:s7] =	ssyncadd.s32 $0xFFFFF800;
	s13 =	sadd.s32 $0x80, s13  }
0x18: {  	[tilespmem:s9], [sflag:$0x1] =	stream.indirect.gather [hbm4b:s3+s8], $0x10, s13, s8, $0xb8;
	[tilespmem:$0x1C00] =	vst v63  }
0x19: {  	s14 =	smov.u32 s12;
	s12 =	sadd.s32 $0x100, s12;
	_ =	swait.ge [sflag:s10], $0x800  }
.Ltmp0:
0x1a: {  	[sflag:s10] =	ssyncset.done $0x0;
	(pc) =	sbr.rel @p0 .LBB2_2-.Ltmp0, $4  }
0x1b: {  	s14 =	sadd.s32 s14, s6;
	[sflag:s10] =	ssyncadd.s32 $0xFFFFF800  }
0x1c: {  	[hbm4b:s14+s2] =	stream.linear.scatter [tilespmem:s9], [sflag:$0x2], $0x800, $0x38;
	[tilespmem:$0x1C00] =	vst v63  }
0x1d: {  	_ =	swait.ge [sflag:s7], $0x800  }
0x1e: {  	[sflag:s7] =	ssyncset.done $0x0  }
0x1f: {  	s11 =	sadd.s32 $0x1, s11  }
0x20: {  	p0 =	sne.s32 s11, s5  }
.Ltmp1:
0x21: {  	_ = 	snop;
	(pc) =	sbr.rel @p0 .LBB2_1-.Ltmp1, $2  }
0x22: {  	_ =	sdelay $0x2  }
0x23: {  	[sflag:s7] =	ssyncadd.s32 $0xFFFFF800  }
0x24: {  	_ =	sfence.sel $0x180000  }
0x25: {  	[bflag:$0x0] =	sbarrier.arrive $0xFFFF  }
0x26: {  	p0 =	sne.s32 s1, $0x0;
	_ =	strace $0x90000047  }
0x27: {  	s0 =	sadd.s32 @!p0 $0x100000, s0;
	[bflag:$0x2] =	sbarrier.arrive $0xFFFF  }
0x28: {  	[sflag:s0] =	ssyncadd.tile.s32 @!p0 $0x1;
	_ =	shalt  }
.Lfunc_end2:
_tile_overlayer_lowered:
.L_overlay_start_2:
0x29: {  	(tag) =	ssettag $0x2  }
0x2a: {  	s0 =	rddreg [dreg:$0x0];
	s2 =	stileid.u32  }
0x2b: {  	s1 =	rddreg [dreg:$0x1];
	p0 =	sne.s32 s2, $0x0  }
0x2c: {  	s3 =	rddreg [dreg:$0x2];
	[bflag:$0x3] =	sbarrier.arrive $0xFFFF;
	s2 =	simm.s32 @!p0 $0x1C02  }
0x2d: {  	[timem:s3], [sflag:s2] =	dma.local @!p0 [hbm:s0], s1  }
0x2e: {  	s0 =	simm.s32 @!p0 $0x2  }
0x2f: {  	_ =	swait.ge @!p0 [sflag:s0], s1  }
0x30: {  	s1 =	ssub.s32 @!p0 $0x0, s1;
	[sflag:s0] =	ssyncset.done @!p0 $0x0  }
0x31: {  	[sflag:s0] =	ssyncadd.s32 @!p0 s1  }
0x32: {  	[bflag:$0x3] =	sbarrier.arrive $0xFFFF  }
0x33: {  	_ =	shalt  }

// kernel: kernel.28.cloned.1.call-start
scs
__scs_entry_jumppad:
0x0: {  	(pc) =	sbr.rel $0x88, $3  }
0x1: {  	(tag) =	ssettag $0x0;
	lr =	simm.s32 $0x1  }
0x2: {  	[smem:$0x3F6F] =	sst lr;
	_ =	strace $0xD0000000  }
0x3: {  	_ = 	snop  }
0x4: {  	_ = 	snop  }
0x5: {  	_ = 	snop  }
0x6: {  	_ = 	snop  }
0x7: {  	_ = 	snop  }
__scs_overlays_trampoline_lowered:
0x8: {  	[smem:$0x3F7E] =	sst s0  }
0x9: {  	[smem:$0x3F7F] =	sst s1  }
0xa: {  	[smem:$0x3F80] =	sst s2  }
0xb: {  	[smem:$0x3F81] =	sst s3  }
0xc: {  	[smem:$0x3F82] =	sst s4  }
0xd: {  	[smem:$0x3F83] =	sst s5  }
0xe: {  	[smem:$0x3F84] =	sst s6  }
0xf: {  	[smem:$0x3F85] =	sst s7  }
0x10: {  	[smem:$0x3F86] =	sst s8  }
0x11: {  	[smem:$0x3F87] =	sst s9;
	s0 =	simm.s32 @!p0 $0x0  }
0x12: {  	s1 =	sld [smem:$0x3F6D];
	s0 =	simm.s32 @p0 $0x1  }
0x13: {  	[smem:$0x3F88] =	sst s0;
	s0 =	simm.s32 @!p1 $0x0  }
0x14: {  	s2 =	sld [smem:$0x3F6C];
	s0 =	simm.s32 @p1 $0x1  }
0x15: {  	[smem:$0x3F89] =	sst s0;
	s0 =	simm.s32 @!p2 $0x0  }
0x16: {  	s3 =	sld [smem:$0x3FDB];
	s0 =	simm.s32 @p2 $0x1  }
0x17: {  	s4 =	simm.s32 $0x1BF5;
	[smem:$0x3F8B] =	sst s0  }
0x18: {  	s0 =	sld [smem:$0x3F6E];
	_ =	swait.ge [sflag:s4], $0x0  }
0x19: {  	s7 =	sld [smem:$0x3F6F]  }
0x1a: {  	s8 =	sadd.s32 $0xFFFFE003, lr  }
0x1b: {  	s9 =	sadd.s32 $0xFFFFFEF7, lr;
	s5 =	simm.s32 $0xFFFFFFFF;
	p2 =	slt.u32 s8, $0xFFFFF086  }
0x1c: {  	p1 =	slt.u32 s9, $0xF7A;
	s5 =	simm.s32 @!p2 $0x0  }
0x1d: {  	s5 =	simm.s32 @p1 $0x1;
	p0 =	seq.s32 s7, s2  }
0x1e: {  	s7 =	smul.u32 @!p0 $0xF7A, s2;
	p2 =	seq.s32 @!p0 s5, $0x0  }
0x1f: {  	s9 =	smul.u32 $0xF7A, s1;
	s8 =	simm.s32 @!p0 $0x1BF5;
	p2 =	por !p2, p0  }
0x20: {  	[sflag:s8] =	ssyncset.s32 @!p0 $0xFFFFF086;
	s6 =	sadd.s32 @!p0 s3, s7;
	s7 =	simm.s32 @!p0 $0x108  }
0x21: {  	s3 =	sadd.s32 s3, s9;
	s6 =	sadd.s32 @!p0 $0x88, s6;
	s7 =	simm.s32 @p2 $0x1082  }
0x22: {  	[simem:s7], [sflag:s8] =	dma.local @!p0 [hbm:s6], $0xF7A  }
0x23: {  	s9 =	sor.u32 $0xD0000000, s2;
	s6 =	simm.s32 $0x108;
	_ =	swait.ge @!p0 [sflag:s8], $0x0  }
0x24: {  	s3 =	sadd.s32 $0x88, s3;
	s6 =	simm.s32 @!p1 $0x1082;
	[sflag:s4] =	ssyncset.s32 $0xFFFFF086  }
0x25: {  	[simem:s6], [sflag:s4] =	dma.local [hbm:s3], $0xF7A  }
0x26: {  	[smem:$0x3F6F] =	sst s1;
	(tag) =	ssettag s2;
	_ =	strace s9  }
0x27: {  	s1 =	sld [smem:$0x3F7F]  }
0x28: {  	s2 =	sld [smem:$0x3F80]  }
0x29: {  	s4 =	sld [smem:$0x3F82]  }
0x2a: {  	p0 =	seq.s32 s5, $0x0;
	s5 =	sld [smem:$0x3F83]  }
0x2b: {  	s6 =	sld [smem:$0x3F84]  }
0x2c: {  	s7 =	sld [smem:$0x3F85]  }
0x2d: {  	s3 =	simm.s32 $0x108;
	s8 =	sld [smem:$0x3F86]  }
0x2e: {  	s3 =	simm.s32 @!p0 $0x1082;
	s9 =	sld [smem:$0x3F87]  }
0x2f: {  	lr =	sadd.s32 s0, s3;
	s0 =	sld [smem:$0x3F7E]  }
0x30: {  	s3 =	sld [smem:$0x3F81]  }
0x31: {  	[smem:$0x3F8A] =	sst s10  }
0x32: {  	s10 =	sld [smem:$0x3F88];
	_ =	sdelay $0x3  }
0x33: {  	p0 =	seq.s32 s10, $0x1;
	s10 =	sld [smem:$0x3F8A];
	_ =	sdelay $0x3  }
0x34: {  	[smem:$0x3F8A] =	sst s10  }
0x35: {  	s10 =	sld [smem:$0x3F89];
	_ =	sdelay $0x3  }
0x36: {  	p1 =	seq.s32 s10, $0x1;
	s10 =	sld [smem:$0x3F8A];
	_ =	sdelay $0x3  }
0x37: {  	[smem:$0x3F8A] =	sst s10  }
0x38: {  	s10 =	sld [smem:$0x3F8B]  }
0x39: {  	_ = 	snop;
	(pc) =	sbr.ind lr, $3  }
0x3a: {  	_ = 	snop  }
0x3b: {  	_ = 	snop  }
0x3c: {  	p2 =	seq.s32 s10, $0x1;
	s10 =	sld [smem:$0x3F8A]  }
0x3d: {  	_ =	shalt  }
0x3e: {  	_ =	shalt  }
0x3f: {  	_ =	shalt  }
0x40: {  	_ =	shalt  }
0x41: {  	_ =	shalt  }
0x42: {  	_ =	shalt  }
0x43: {  	_ =	shalt  }
0x44: {  	_ =	shalt  }
0x45: {  	_ =	shalt  }
0x46: {  	_ =	shalt  }
0x47: {  	_ =	shalt  }
0x48: {  	_ =	shalt  }
0x49: {  	_ =	shalt  }
0x4a: {  	_ =	shalt  }
0x4b: {  	_ =	shalt  }
0x4c: {  	_ =	shalt  }
0x4d: {  	_ =	shalt  }
0x4e: {  	_ =	shalt  }
0x4f: {  	_ =	shalt  }
0x50: {  	_ =	shalt  }
0x51: {  	_ =	shalt  }
0x52: {  	_ =	shalt  }
0x53: {  	_ =	shalt  }
0x54: {  	_ =	shalt  }
0x55: {  	_ =	shalt  }
0x56: {  	_ =	shalt  }
0x57: {  	_ =	shalt  }
0x58: {  	_ =	shalt  }
0x59: {  	_ =	shalt  }
0x5a: {  	_ =	shalt  }
0x5b: {  	_ =	shalt  }
0x5c: {  	_ =	shalt  }
0x5d: {  	_ =	shalt  }
0x5e: {  	_ =	shalt  }
0x5f: {  	_ =	shalt  }
0x60: {  	_ =	shalt  }
0x61: {  	_ =	shalt  }
0x62: {  	_ =	shalt  }
0x63: {  	_ =	shalt  }
0x64: {  	_ =	shalt  }
0x65: {  	_ =	shalt  }
0x66: {  	_ =	shalt  }
0x67: {  	_ =	shalt  }
0x68: {  	_ =	shalt  }
0x69: {  	_ =	shalt  }
0x6a: {  	_ =	shalt  }
0x6b: {  	_ =	shalt  }
0x6c: {  	_ =	shalt  }
0x6d: {  	_ =	shalt  }
0x6e: {  	_ =	shalt  }
0x6f: {  	_ =	shalt  }
0x70: {  	_ =	shalt  }
0x71: {  	_ =	shalt  }
0x72: {  	_ =	shalt  }
0x73: {  	_ =	shalt  }
0x74: {  	_ =	shalt  }
0x75: {  	_ =	shalt  }
0x76: {  	_ =	shalt  }
0x77: {  	_ =	shalt  }
0x78: {  	_ =	shalt  }
0x79: {  	_ =	shalt  }
0x7a: {  	_ =	shalt  }
0x7b: {  	_ =	shalt  }
0x7c: {  	_ =	shalt  }
0x7d: {  	_ =	shalt  }
0x7e: {  	_ =	shalt  }
0x7f: {  	_ =	shalt  }
0x80: {  	_ =	shalt  }
0x81: {  	_ =	shalt  }
0x82: {  	_ =	shalt  }
0x83: {  	_ =	shalt  }
0x84: {  	_ =	shalt  }
0x85: {  	_ =	shalt  }
0x86: {  	_ =	shalt  }
0x87: {  	_ =	shalt  }
.Lfunc_end0:
.L_simem_size_0:
called_computation.2_lowered:
.L_overlay_start_0:
0x88: {  	s2 =	sld [smem:$0x3FD9]  }
0x89: {  	s3 =	sld [smem:$0x3FFE];
	_ =	sdelay $0x1  }
0x8a: {  	s1 =	srdreg.scid  }
0x8b: {  	s0 =	sand.u32 $0x1, s1  }
0x8c: {  	s16 =	sshll.u32 s0, $0xA;
	s2 =	sadd.s32 s3, s2  }
0x8d: {  	s2 =	sadd.s32 s2, s16  }
0x8e: {  	[smem:$0x3F96] =	sst s2  }
0x8f: {  	_ = 	snop  }
0x90: {  	(tm) =	ssettm $0x1  }
0x91: {  	s17 =	sld [smem:$0x3FFB];
	_ =	sdelay $0x3  }
0x92: {  	_ =	strace s17  }
0x93: {  	s2 =	sld [smem:$0x3FFC];
	_ =	sdelay $0x3  }
0x94: {  	_ =	strace s2  }
0x95: {  	s2 =	sld [smem:$0x3FFD];
	_ =	sdelay $0x3  }
0x96: {  	_ =	strace s2  }
0x97: {  	_ =	strace $0x8FFFFFFF  }
0x98: {  	s18 =	sld [smem:$0x3FDB];
	_ =	sdelay $0x1  }
0x99: {  	s19 =	simm.s32 $_scs_section_size  }
0x9a: {  	s4 =	simm.s32 $_size__tile_overlayer_lowered;
	s5 =	simm.s32 $_tile_overlayer_lowered  }
0x9b: {  	s22 =	simm.s32 $0x1BFF;
	s21 =	sshll.u32 s5, $0x1;
	s2 =	sadd.s32 s19, s18  }
0x9c: {  	s6 =	simm.s32 $0x0;
	s20 =	sshll.u32 s4, $0x1;
	s4 =	sadd.s32 s21, s2  }
0x9d: {  	[timem:s6], [sflag:s22] =	dma.local [hbm:s4], s20  }
0x9e: {  	_ =	swait.ge [sflag:s22], s20  }
0x9f: {  	s3 =	ssub.s32 $0x0, s20;
	[sflag:s22] =	ssyncset.done $0x0  }
0xa0: {  	[sflag:s22] =	ssyncadd.s32 s3;
	_ =	sdelay $0x1  }
0xa1: {  	s23 =	simm.s32 $0x1B8B  }
0xa2: {  	_ =	swait.ge [sflag:s23], $0x1  }
0xa3: {  	[sflag:s23] =	ssyncset.done $0x0  }
0xa4: {  	s25 =	simm.s32 $0x1B8E;
	s24 =	sld [smem:$0x3FFE];
	[sflag:s23] =	ssyncadd.s32 $0xFFFFFFFF  }
0xa5: {  	s26 =	simm.s32 $execute0_lowered;
	[smem:$0x3FD2] =	sst s25  }
0xa6: {  	s4 =	sshll.u32 s26, $0x1;
	_ =	strace $0x80000049;
	[dreg:$0x1] =	wrdreg $0xFFFFFFFF  }
0xa7: {  	s28 =	simm.s32 $_size_execute0_lowered;
	s2 =	sadd.s32 s2, s4;
	[dreg:$0x0] =	wrdreg $0x0  }
0xa8: {  	s4 =	sshll.u32 s28, $0x1;
	[dreg:$0x2] =	wrdreg s2  }
0xa9: {  	[dreg:$0x3] =	wrdreg s4  }
0xaa: {  	[dreg:$0x4] =	wrdreg $0xC0  }
0xab: {  	_ =	task [dreg:s6], $0x5FFFF  }
0xac: {  	[dreg:$0x1] =	wrdreg $0xFFFFFFFF  }
0xad: {  	[dreg:$0x0] =	wrdreg $0x60  }
0xae: {  	[dreg:$0x2] =	wrdreg s24  }
0xaf: {  	[dreg:$0x3] =	wrdreg $0x1C000  }
0xb0: {  	[dreg:$0x4] =	wrdreg $0x9  }
0xb1: {  	_ =	task.clear_ibuf [dreg:s6], $0x5FFFF;
	_ =	strace $0x90000049  }
0xb2: {  	s29 =	simm.s32 $0x9;
	_ =	strace $0x8000004B  }
0xb3: {  	_ =	swait.ge [sflag:s29], $0x1  }
0xb4: {  	[sflag:s29] =	ssyncadd.s32 $0xFFFFFFFF  }
0xb5: {  	_ =	strace $0x9000004B  }
0xb6: {  	_ =	sfence  }
0xb7: {  	s30 =	sld [smem:$0x0];
	_ =	sdelay $0x2  }
0xb8: {  	s31 =	sshll.u32 s1, $0xD;
	s1 =	sshrl.u32 s1, $0x2  }
0xb9: {  	s3 =	sand.u32 $0x4000, s31;
	s1 =	sadd.s32 s1, s30  }
0xba: {  	s0 =	sor.u32 s3, s0;
	s1 =	sshll.u32 s1, $0x11  }
0xbb: {  	s0 =	sor.u32 s1, s0  }
0xbc: {  	s0 =	sadd.s32 $0x8F2B, s0  }
0xbd: {  	[sflag:s0] =	ssyncadd.remote.s32 $0x1  }
0xbe: {  	_ =	sfence.sel $0xFFFF  }
0xbf: {  	[dreg:$0x0] =	wrdreg $0xFFFFFFFF;
	(pc) =	sbr.abs _section_cstart, $3  }
0xc0: {  	[dreg:$0x1] =	wrdreg $0xFFFFFFFF  }
0xc1: {  	_ =	task.clear_ibuf [dreg:s6], $0x2FFFF;
	_ =	strace $0x9FFFFFFF  }
0xc2: {  	(tm) =	ssettm $0x7FFFFFFF  }
0xc3: {  	_ =	shalt  }
tec
execute0_lowered:
.L_overlay_start_1:
0x0: {  	(tag) =	ssettag $0x1  }
0x1: {  	s4 =	rddreg [dreg:$0x0]  }
0x2: {  	s1 =	rddreg [dreg:$0x1]  }
0x3: {  	s7 =	stileid.u32;
	s2 =	srdreg.scid  }
0x4: {  	s0 =	rddreg [dreg:$0x2];
	s12 =	simm.s32 $0x0;
	s5 =	sand.u32 $0x1, s2  }
0x5: {  	s3 =	sshll.u32 s7, $0x1;
	s2 =	simm.s32 $0x0;
	s6 =	smul.u32 $0x5000, s7  }
0x6: {  	p0 =	sne.s32 s7, $0x0;
	s3 =	sor.u32 s5, s3;
	s30 =	smul.u32 $0x5000, s5  }
0x7: {  	[smem:$0x7FF] =	sst s2;
	s10 =	ssub.s32 $0x2, s5;
	s11 =	smul.u32 $0x2800, s5  }
0x8: {  	s3 =	smul.u32 $0x1400, s3;
	_ =	strace $0x8000004A;
	s31 =	sshrl.u32 s10, $0x1  }
0x9: {  	s8 =	sadd.s32 s6, s4;
	s6 =	sadd.s32 s30, s4;
	s10 =	ssub.s32 s10, s31  }
0xa: {  	s8 =	sadd.s32 s11, s8;
	s11 =	simm.s32 $0x80;
	s3 =	sshrl.u32 s3, $0x3  }
0xb: {  	s5 =	sadd.s32 $0x93E00, s6;
	s6 =	smax.u32 s10, $0x1;
	s7 =	sadd.s32 $0x3EE00, s8  }
0xc: {  	s8 =	sshrl.u32 @!p0 s1, $0x3;
	s10 =	simm.s32 $0x1400;
	s9 =	sadd.s32 s3, s4  }
0xd: {  	s3 =	sadd.s32 $0x34E00, s4;
	s4 =	sadd.s32 $0x8EE00, s9;
	s9 =	simm.s32 $0x1  }
.LBB2_1:
0xe: {  	s13 =	simm.s32 @!p0 $0x1C01  }
0xf: {  	[spmem:s8], [sflag:s13] =	dma.local @!p0 [hbm:s3], $0x5000  }
0x10: {  	s13 =	simm.s32 @!p0 $0x1  }
0x11: {  	_ =	swait.ge @!p0 [sflag:s13], $0x5000  }
0x12: {  	[sflag:s13] =	ssyncset.done @!p0 $0x0  }
0x13: {  	[sflag:s13] =	ssyncadd.s32 @!p0 $0xFFFFB000  }
0x14: {  	[bflag:$0x0] =	sbarrier.arrive $0xFFFF  }
0x15: {  	[tilespmem:s2], [sflag:$0x1] =	stream.linear.gather [hbm4b:s4+s2], $0x1400, $0x38;
	[tilespmem:$0x4400] =	vst v63  }
0x16: {  	_ =	swait.ge [sflag:s9], $0x1400  }
0x17: {  	[sflag:s9] =	ssyncset.done $0x0  }
0x18: {  	s31 =	sadd.s32 $0x0, s7;
	[sflag:s9] =	ssyncadd.s32 $0xFFFFEC00  }
0x19: {  	[tilespmem:s10], [sflag:$0x1] =	stream.linear.gather [hbm4b:s31+s2], $0x800, $0x38;
	[tilespmem:$0x4400] =	vst v63  }
0x1a: {  	_ =	swait.ge [sflag:s9], $0x800  }
0x1b: {  	[sflag:s9] =	ssyncset.done $0x0  }
0x1c: {  	[sflag:s9] =	ssyncadd.s32 $0xFFFFF800  }
0x1d: {  	[spmem:s1] =	stream.indirect.scatter.add.f32 [tilespmem:s10], [sflag:$0x1], $0x10, s2, s11, $0xb8;
	[tilespmem:$0x4400] =	vst v63  }
0x1e: {  	s14 =	simm.s32 $0x100;
	_ =	swait.ge [sflag:s9], $0x800  }
0x1f: {  	s15 =	simm.s32 $0x200;
	s13 =	simm.s32 $0x80;
	[sflag:s9] =	ssyncset.done $0x0  }
.LBB2_2:
0x20: {  	s16 =	sadd.s32 s14, s7  }
0x21: {  	[sflag:s9] =	ssyncadd.s32 $0xFFFFF800;
	s14 =	smov.u32 s15;
	s17 =	sadd.s32 $0x100, s15  }
0x22: {  	[tilespmem:s10], [sflag:$0x1] =	stream.linear.gather [hbm4b:s16+s2], $0x800, $0x38;
	[tilespmem:$0x4400] =	vst v63  }
0x23: {  	p1 =	sne.s32 s15, $0x2700;
	_ =	swait.ge [sflag:s9], $0x800  }
.Ltmp0:
0x24: {  	[sflag:s9] =	ssyncset.done $0x0;
	(pc) =	sbr.rel @p1 .LBB2_2-.Ltmp0, $4  }
0x25: {  	[sflag:s9] =	ssyncadd.s32 $0xFFFFF800  }
0x26: {  	[spmem:s1] =	stream.indirect.scatter.add.f32 [tilespmem:s10], [sflag:$0x1], $0x10, s13, s11, $0xb8;
	[tilespmem:$0x4400] =	vst v63  }
0x27: {  	_ =	swait.ge [sflag:s9], $0x800  }
0x28: {  	s15 =	smov.u32 s17;
	s13 =	sadd.s32 $0x80, s13;
	[sflag:s9] =	ssyncset.done $0x0  }
0x29: {  	s14 =	sadd.s32 s14, s7;
	[sflag:s9] =	ssyncadd.s32 $0xFFFFF800  }
0x2a: {  	[tilespmem:s10], [sflag:$0x1] =	stream.linear.gather [hbm4b:s14+s2], $0x800, $0x38;
	[tilespmem:$0x4400] =	vst v63  }
0x2b: {  	_ =	swait.ge [sflag:s9], $0x800  }
0x2c: {  	[sflag:s9] =	ssyncset.done $0x0  }
0x2d: {  	[sflag:s9] =	ssyncadd.s32 $0xFFFFF800  }
0x2e: {  	[spmem:s1] =	stream.indirect.scatter.add.f32 [tilespmem:s10], [sflag:$0x1], $0x10, s13, s11, $0xb8;
	[tilespmem:$0x4400] =	vst v63  }
0x2f: {  	_ =	swait.ge [sflag:s9], $0x800  }
0x30: {  	[sflag:s9] =	ssyncset.done $0x0  }
0x31: {  	s12 =	sadd.s32 $0x1, s12;
	[sflag:s9] =	ssyncadd.s32 $0xFFFFF800  }
0x32: {  	p1 =	sne.s32 s12, s6;
	s13 =	simm.s32 @!p0 $0x1C01;
	[bflag:$0x0] =	sbarrier.arrive $0xFFFF  }
0x33: {  	[hbm:s5], [sflag:s13] =	dma.local @!p0 [spmem:s8], $0x5000  }
.Ltmp1:
0x34: {  	_ = 	snop;
	(pc) =	sbr.rel @p1 .LBB2_1-.Ltmp1, $4  }
0x35: {  	s13 =	simm.s32 @!p0 $0x1  }
0x36: {  	_ =	swait.ge @!p0 [sflag:s13], $0x5000  }
0x37: {  	[sflag:s13] =	ssyncset.done @!p0 $0x0  }
0x38: {  	[sflag:s13] =	ssyncadd.s32 @!p0 $0xFFFFB000  }
0x39: {  	_ =	sfence.sel $0x180000  }
0x3a: {  	[bflag:$0x0] =	sbarrier.arrive $0xFFFF  }
0x3b: {  	_ =	strace $0x9000004A  }
0x3c: {  	s0 =	sadd.s32 @!p0 $0x100000, s0;
	[bflag:$0x2] =	sbarrier.arrive $0xFFFF  }
0x3d: {  	[sflag:s0] =	ssyncadd.tile.s32 @!p0 $0x1;
	_ =	shalt  }
.Lfunc_end2:
_tile_overlayer_lowered:
.L_overlay_start_2:
0x3e: {  	(tag) =	ssettag $0x2  }
0x3f: {  	s0 =	rddreg [dreg:$0x0];
	s2 =	stileid.u32  }
0x40: {  	s1 =	rddreg [dreg:$0x1];
	p0 =	sne.s32 s2, $0x0  }
0x41: {  	s3 =	rddreg [dreg:$0x2];
	[bflag:$0x3] =	sbarrier.arrive $0xFFFF;
	s2 =	simm.s32 @!p0 $0x1C01  }
0x42: {  	[timem:s3], [sflag:s2] =	dma.local @!p0 [hbm:s0], s1  }
0x43: {  	s0 =	simm.s32 @!p0 $0x1  }
0x44: {  	_ =	swait.ge @!p0 [sflag:s0], s1  }
0x45: {  	s1 =	ssub.s32 @!p0 $0x0, s1;
	[sflag:s0] =	ssyncset.done @!p0 $0x0  }
0x46: {  	[sflag:s0] =	ssyncadd.s32 @!p0 s1  }
0x47: {  	[bflag:$0x3] =	sbarrier.arrive $0xFFFF  }
0x48: {  	_ =	shalt  }

// kernel: kernel.31.cloned.1.call-start
scs
__scs_entry_jumppad:
0x0: {  	(pc) =	sbr.rel $0x88, $3  }
0x1: {  	(tag) =	ssettag $0x0;
	lr =	simm.s32 $0x1  }
0x2: {  	[smem:$0x3F6F] =	sst lr;
	_ =	strace $0xD0000000  }
0x3: {  	_ = 	snop  }
0x4: {  	_ = 	snop  }
0x5: {  	_ = 	snop  }
0x6: {  	_ = 	snop  }
0x7: {  	_ = 	snop  }
__scs_overlays_trampoline_lowered:
0x8: {  	[smem:$0x3F7E] =	sst s0  }
0x9: {  	[smem:$0x3F7F] =	sst s1  }
0xa: {  	[smem:$0x3F80] =	sst s2  }
0xb: {  	[smem:$0x3F81] =	sst s3  }
0xc: {  	[smem:$0x3F82] =	sst s4  }
0xd: {  	[smem:$0x3F83] =	sst s5  }
0xe: {  	[smem:$0x3F84] =	sst s6  }
0xf: {  	[smem:$0x3F85] =	sst s7  }
0x10: {  	[smem:$0x3F86] =	sst s8  }
0x11: {  	[smem:$0x3F87] =	sst s9;
	s0 =	simm.s32 @!p0 $0x0  }
0x12: {  	s1 =	sld [smem:$0x3F6D];
	s0 =	simm.s32 @p0 $0x1  }
0x13: {  	[smem:$0x3F88] =	sst s0;
	s0 =	simm.s32 @!p1 $0x0  }
0x14: {  	s2 =	sld [smem:$0x3F6C];
	s0 =	simm.s32 @p1 $0x1  }
0x15: {  	[smem:$0x3F89] =	sst s0;
	s0 =	simm.s32 @!p2 $0x0  }
0x16: {  	s3 =	sld [smem:$0x3FDB];
	s0 =	simm.s32 @p2 $0x1  }
0x17: {  	s4 =	simm.s32 $0x1BF5;
	[smem:$0x3F8B] =	sst s0  }
0x18: {  	s0 =	sld [smem:$0x3F6E];
	_ =	swait.ge [sflag:s4], $0x0  }
0x19: {  	s7 =	sld [smem:$0x3F6F]  }
0x1a: {  	s8 =	sadd.s32 $0xFFFFE003, lr  }
0x1b: {  	s9 =	sadd.s32 $0xFFFFFEF7, lr;
	s5 =	simm.s32 $0xFFFFFFFF;
	p2 =	slt.u32 s8, $0xFFFFF086  }
0x1c: {  	p1 =	slt.u32 s9, $0xF7A;
	s5 =	simm.s32 @!p2 $0x0  }
0x1d: {  	s5 =	simm.s32 @p1 $0x1;
	p0 =	seq.s32 s7, s2  }
0x1e: {  	s7 =	smul.u32 @!p0 $0xF7A, s2;
	p2 =	seq.s32 @!p0 s5, $0x0  }
0x1f: {  	s9 =	smul.u32 $0xF7A, s1;
	s8 =	simm.s32 @!p0 $0x1BF5;
	p2 =	por !p2, p0  }
0x20: {  	[sflag:s8] =	ssyncset.s32 @!p0 $0xFFFFF086;
	s6 =	sadd.s32 @!p0 s3, s7;
	s7 =	simm.s32 @!p0 $0x108  }
0x21: {  	s3 =	sadd.s32 s3, s9;
	s6 =	sadd.s32 @!p0 $0x88, s6;
	s7 =	simm.s32 @p2 $0x1082  }
0x22: {  	[simem:s7], [sflag:s8] =	dma.local @!p0 [hbm:s6], $0xF7A  }
0x23: {  	s9 =	sor.u32 $0xD0000000, s2;
	s6 =	simm.s32 $0x108;
	_ =	swait.ge @!p0 [sflag:s8], $0x0  }
0x24: {  	s3 =	sadd.s32 $0x88, s3;
	s6 =	simm.s32 @!p1 $0x1082;
	[sflag:s4] =	ssyncset.s32 $0xFFFFF086  }
0x25: {  	[simem:s6], [sflag:s4] =	dma.local [hbm:s3], $0xF7A  }
0x26: {  	[smem:$0x3F6F] =	sst s1;
	(tag) =	ssettag s2;
	_ =	strace s9  }
0x27: {  	s1 =	sld [smem:$0x3F7F]  }
0x28: {  	s2 =	sld [smem:$0x3F80]  }
0x29: {  	s4 =	sld [smem:$0x3F82]  }
0x2a: {  	p0 =	seq.s32 s5, $0x0;
	s5 =	sld [smem:$0x3F83]  }
0x2b: {  	s6 =	sld [smem:$0x3F84]  }
0x2c: {  	s7 =	sld [smem:$0x3F85]  }
0x2d: {  	s3 =	simm.s32 $0x108;
	s8 =	sld [smem:$0x3F86]  }
0x2e: {  	s3 =	simm.s32 @!p0 $0x1082;
	s9 =	sld [smem:$0x3F87]  }
0x2f: {  	lr =	sadd.s32 s0, s3;
	s0 =	sld [smem:$0x3F7E]  }
0x30: {  	s3 =	sld [smem:$0x3F81]  }
0x31: {  	[smem:$0x3F8A] =	sst s10  }
0x32: {  	s10 =	sld [smem:$0x3F88];
	_ =	sdelay $0x3  }
0x33: {  	p0 =	seq.s32 s10, $0x1;
	s10 =	sld [smem:$0x3F8A];
	_ =	sdelay $0x3  }
0x34: {  	[smem:$0x3F8A] =	sst s10  }
0x35: {  	s10 =	sld [smem:$0x3F89];
	_ =	sdelay $0x3  }
0x36: {  	p1 =	seq.s32 s10, $0x1;
	s10 =	sld [smem:$0x3F8A];
	_ =	sdelay $0x3  }
0x37: {  	[smem:$0x3F8A] =	sst s10  }
0x38: {  	s10 =	sld [smem:$0x3F8B]  }
0x39: {  	_ = 	snop;
	(pc) =	sbr.ind lr, $3  }
0x3a: {  	_ = 	snop  }
0x3b: {  	_ = 	snop  }
0x3c: {  	p2 =	seq.s32 s10, $0x1;
	s10 =	sld [smem:$0x3F8A]  }
0x3d: {  	_ =	shalt  }
0x3e: {  	_ =	shalt  }
0x3f: {  	_ =	shalt  }
0x40: {  	_ =	shalt  }
0x41: {  	_ =	shalt  }
0x42: {  	_ =	shalt  }
0x43: {  	_ =	shalt  }
0x44: {  	_ =	shalt  }
0x45: {  	_ =	shalt  }
0x46: {  	_ =	shalt  }
0x47: {  	_ =	shalt  }
0x48: {  	_ =	shalt  }
0x49: {  	_ =	shalt  }
0x4a: {  	_ =	shalt  }
0x4b: {  	_ =	shalt  }
0x4c: {  	_ =	shalt  }
0x4d: {  	_ =	shalt  }
0x4e: {  	_ =	shalt  }
0x4f: {  	_ =	shalt  }
0x50: {  	_ =	shalt  }
0x51: {  	_ =	shalt  }
0x52: {  	_ =	shalt  }
0x53: {  	_ =	shalt  }
0x54: {  	_ =	shalt  }
0x55: {  	_ =	shalt  }
0x56: {  	_ =	shalt  }
0x57: {  	_ =	shalt  }
0x58: {  	_ =	shalt  }
0x59: {  	_ =	shalt  }
0x5a: {  	_ =	shalt  }
0x5b: {  	_ =	shalt  }
0x5c: {  	_ =	shalt  }
0x5d: {  	_ =	shalt  }
0x5e: {  	_ =	shalt  }
0x5f: {  	_ =	shalt  }
0x60: {  	_ =	shalt  }
0x61: {  	_ =	shalt  }
0x62: {  	_ =	shalt  }
0x63: {  	_ =	shalt  }
0x64: {  	_ =	shalt  }
0x65: {  	_ =	shalt  }
0x66: {  	_ =	shalt  }
0x67: {  	_ =	shalt  }
0x68: {  	_ =	shalt  }
0x69: {  	_ =	shalt  }
0x6a: {  	_ =	shalt  }
0x6b: {  	_ =	shalt  }
0x6c: {  	_ =	shalt  }
0x6d: {  	_ =	shalt  }
0x6e: {  	_ =	shalt  }
0x6f: {  	_ =	shalt  }
0x70: {  	_ =	shalt  }
0x71: {  	_ =	shalt  }
0x72: {  	_ =	shalt  }
0x73: {  	_ =	shalt  }
0x74: {  	_ =	shalt  }
0x75: {  	_ =	shalt  }
0x76: {  	_ =	shalt  }
0x77: {  	_ =	shalt  }
0x78: {  	_ =	shalt  }
0x79: {  	_ =	shalt  }
0x7a: {  	_ =	shalt  }
0x7b: {  	_ =	shalt  }
0x7c: {  	_ =	shalt  }
0x7d: {  	_ =	shalt  }
0x7e: {  	_ =	shalt  }
0x7f: {  	_ =	shalt  }
0x80: {  	_ =	shalt  }
0x81: {  	_ =	shalt  }
0x82: {  	_ =	shalt  }
0x83: {  	_ =	shalt  }
0x84: {  	_ =	shalt  }
0x85: {  	_ =	shalt  }
0x86: {  	_ =	shalt  }
0x87: {  	_ =	shalt  }
.Lfunc_end0:
.L_simem_size_0:
called_computation.3_lowered:
.L_overlay_start_0:
0x88: {  	s2 =	sld [smem:$0x3FD9]  }
0x89: {  	s3 =	sld [smem:$0x3FFE];
	_ =	sdelay $0x1  }
0x8a: {  	s1 =	srdreg.scid  }
0x8b: {  	s0 =	sand.u32 $0x1, s1  }
0x8c: {  	s16 =	sshll.u32 s0, $0xA;
	s2 =	sadd.s32 s3, s2  }
0x8d: {  	s2 =	sadd.s32 s2, s16  }
0x8e: {  	[smem:$0x3F96] =	sst s2  }
0x8f: {  	_ = 	snop  }
0x90: {  	(tm) =	ssettm $0x1  }
0x91: {  	s17 =	sld [smem:$0x3FFB];
	_ =	sdelay $0x3  }
0x92: {  	_ =	strace s17  }
0x93: {  	s2 =	sld [smem:$0x3FFC];
	_ =	sdelay $0x3  }
0x94: {  	_ =	strace s2  }
0x95: {  	s2 =	sld [smem:$0x3FFD];
	_ =	sdelay $0x3  }
0x96: {  	_ =	strace s2  }
0x97: {  	_ =	strace $0x8FFFFFFF  }
0x98: {  	s18 =	sld [smem:$0x3FDB];
	_ =	sdelay $0x1  }
0x99: {  	s19 =	simm.s32 $_scs_section_size  }
0x9a: {  	s4 =	simm.s32 $_size__tile_overlayer_lowered;
	s5 =	simm.s32 $_tile_overlayer_lowered  }
0x9b: {  	s22 =	simm.s32 $0x1BFF;
	s21 =	sshll.u32 s5, $0x1;
	s2 =	sadd.s32 s19, s18  }
0x9c: {  	s6 =	simm.s32 $0x0;
	s20 =	sshll.u32 s4, $0x1;
	s4 =	sadd.s32 s21, s2  }
0x9d: {  	[timem:s6], [sflag:s22] =	dma.local [hbm:s4], s20  }
0x9e: {  	_ =	swait.ge [sflag:s22], s20  }
0x9f: {  	s3 =	ssub.s32 $0x0, s20;
	[sflag:s22] =	ssyncset.done $0x0  }
0xa0: {  	[sflag:s22] =	ssyncadd.s32 s3;
	_ =	sdelay $0x1  }
0xa1: {  	s23 =	simm.s32 $0x1B8B  }
0xa2: {  	_ =	swait.ge [sflag:s23], $0x1  }
0xa3: {  	[sflag:s23] =	ssyncset.done $0x0  }
0xa4: {  	s25 =	simm.s32 $0x1B8E;
	s24 =	sld [smem:$0x3FFE];
	[sflag:s23] =	ssyncadd.s32 $0xFFFFFFFF  }
0xa5: {  	s26 =	simm.s32 $execute0_lowered;
	[smem:$0x3FD2] =	sst s25  }
0xa6: {  	s4 =	sshll.u32 s26, $0x1;
	_ =	strace $0x8000004C;
	[dreg:$0x1] =	wrdreg $0xFFFFFFFF  }
0xa7: {  	s28 =	simm.s32 $_size_execute0_lowered;
	s2 =	sadd.s32 s2, s4;
	[dreg:$0x0] =	wrdreg $0x0  }
0xa8: {  	s4 =	sshll.u32 s28, $0x1;
	[dreg:$0x2] =	wrdreg s2  }
0xa9: {  	[dreg:$0x3] =	wrdreg s4  }
0xaa: {  	[dreg:$0x4] =	wrdreg $0xC0  }
0xab: {  	_ =	task [dreg:s6], $0x5FFFF  }
0xac: {  	[dreg:$0x1] =	wrdreg $0xFFFFFFFF  }
0xad: {  	[dreg:$0x0] =	wrdreg $0x60  }
0xae: {  	[dreg:$0x2] =	wrdreg s24  }
0xaf: {  	[dreg:$0x3] =	wrdreg $0x9  }
0xb0: {  	_ =	task.clear_ibuf [dreg:s6], $0x4FFFF;
	_ =	strace $0x9000004C  }
0xb1: {  	s29 =	simm.s32 $0x9;
	_ =	strace $0x8000004E  }
0xb2: {  	_ =	swait.ge [sflag:s29], $0x1  }
0xb3: {  	[sflag:s29] =	ssyncadd.s32 $0xFFFFFFFF  }
0xb4: {  	_ =	strace $0x9000004E  }
0xb5: {  	_ =	sfence  }
0xb6: {  	s30 =	sld [smem:$0x0];
	_ =	sdelay $0x2  }
0xb7: {  	s31 =	sshll.u32 s1, $0xD;
	s1 =	sshrl.u32 s1, $0x2  }
0xb8: {  	s3 =	sand.u32 $0x4000, s31;
	s1 =	sadd.s32 s1, s30  }
0xb9: {  	s0 =	sor.u32 s3, s0;
	s1 =	sshll.u32 s1, $0x11  }
0xba: {  	s0 =	sor.u32 s1, s0  }
0xbb: {  	s0 =	sadd.s32 $0x8F2B, s0  }
0xbc: {  	[sflag:s0] =	ssyncadd.remote.s32 $0x1  }
0xbd: {  	_ =	sfence.sel $0xFFFF  }
0xbe: {  	[dreg:$0x0] =	wrdreg $0xFFFFFFFF;
	(pc) =	sbr.abs _section_cstart, $3  }
0xbf: {  	[dreg:$0x1] =	wrdreg $0xFFFFFFFF  }
0xc0: {  	_ =	task.clear_ibuf [dreg:s6], $0x2FFFF;
	_ =	strace $0x9FFFFFFF  }
0xc1: {  	(tm) =	ssettm $0x7FFFFFFF  }
tec
execute0_lowered:
.L_overlay_start_1:
0x0: {  	(tag) =	ssettag $0x1  }
0x1: {  	s4 =	rddreg [dreg:$0x0]  }
0x2: {  	s0 =	rddreg [dreg:$0x1]  }
0x3: {  	s3 =	srdreg.scid;
	s1 =	stileid.u32;
	s2 =	simm.s32 $0x0  }
0x4: {  	s11 =	simm.s32 $0x0;
	s5 =	sand.u32 $0x1, s3;
	s28 =	sshll.u32 s1, $0x1  }
0x5: {  	[smem:$0x7FF] =	sst s2;
	s7 =	smul.u32 $0x5000, s1;
	s3 =	sor.u32 s5, s28  }
0x6: {  	_ =	strace $0x8000004D;
	s8 =	ssub.s32 $0x2, s5;
	s10 =	smul.u32 $0x2800, s5  }
0x7: {  	s6 =	smul.u32 $0x1400, s3;
	s3 =	sadd.s32 $0x3EE00, s4;
	s9 =	sshrl.u32 s8, $0x1  }
0x8: {  	s30 =	sadd.s32 s7, s4;
	s7 =	simm.s32 $0x2;
	s31 =	ssub.s32 s8, s9  }
0x9: {  	s8 =	simm.s32 $0x80;
	s9 =	simm.s32 $0x1400;
	s6 =	sshrl.u32 s6, $0x3  }
0xa: {  	s5 =	smax.u32 s31, $0x1;
	s29 =	sadd.s32 s6, s4;
	s6 =	sadd.s32 s10, s30  }
0xb: {  	s10 =	simm.s32 $0x1;
	s4 =	sadd.s32 $0x39E00, s29;
	s6 =	sadd.s32 $0x93E00, s6  }
.LBB2_1:
0xc: {  	[tilespmem:s2], [sflag:$0x2] =	stream.linear.gather [hbm4b:s4+s2], $0x1400, $0x38;
	[tilespmem:$0x1C00] =	vst v63  }
0xd: {  	_ =	swait.ge [sflag:s7], $0x1400  }
0xe: {  	[sflag:s7] =	ssyncset.done $0x0  }
0xf: {  	[sflag:s7] =	ssyncadd.s32 $0xFFFFEC00  }
0x10: {  	[tilespmem:s9], [sflag:$0x1] =	stream.indirect.gather [hbm4b:s3+s8], $0x10, s2, s8, $0xb8;
	[tilespmem:$0x1C00] =	vst v63  }
0x11: {  	_ =	swait.ge [sflag:s10], $0x800  }
0x12: {  	[sflag:s10] =	ssyncset.done $0x0  }
0x13: {  	s12 =	sadd.s32 $0x0, s6;
	[sflag:s10] =	ssyncadd.s32 $0xFFFFF800  }
0x14: {  	[hbm4b:s12+s2] =	stream.linear.scatter [tilespmem:s9], [sflag:$0x2], $0x800, $0x38;
	[tilespmem:$0x1C00] =	vst v63  }
0x15: {  	_ =	swait.ge [sflag:s7], $0x800  }
0x16: {  	s13 =	simm.s32 $0x0;
	s12 =	simm.s32 $0x100;
	[sflag:s7] =	ssyncset.done $0x0  }
.LBB2_2:
0x17: {  	p0 =	sne.s32 s12, $0x2700;
	[sflag:s7] =	ssyncadd.s32 $0xFFFFF800;
	s13 =	sadd.s32 $0x80, s13  }
0x18: {  	[tilespmem:s9], [sflag:$0x1] =	stream.indirect.gather [hbm4b:s3+s8], $0x10, s13, s8, $0xb8;
	[tilespmem:$0x1C00] =	vst v63  }
0x19: {  	s14 =	smov.u32 s12;
	s12 =	sadd.s32 $0x100, s12;
	_ =	swait.ge [sflag:s10], $0x800  }
.Ltmp0:
0x1a: {  	[sflag:s10] =	ssyncset.done $0x0;
	(pc) =	sbr.rel @p0 .LBB2_2-.Ltmp0, $4  }
0x1b: {  	s14 =	sadd.s32 s14, s6;
	[sflag:s10] =	ssyncadd.s32 $0xFFFFF800  }
0x1c: {  	[hbm4b:s14+s2] =	stream.linear.scatter [tilespmem:s9], [sflag:$0x2], $0x800, $0x38;
	[tilespmem:$0x1C00] =	vst v63  }
0x1d: {  	_ =	swait.ge [sflag:s7], $0x800  }
0x1e: {  	[sflag:s7] =	ssyncset.done $0x0  }
0x1f: {  	s11 =	sadd.s32 $0x1, s11  }
0x20: {  	p0 =	sne.s32 s11, s5  }
.Ltmp1:
0x21: {  	_ = 	snop;
	(pc) =	sbr.rel @p0 .LBB2_1-.Ltmp1, $2  }
0x22: {  	_ =	sdelay $0x2  }
0x23: {  	[sflag:s7] =	ssyncadd.s32 $0xFFFFF800  }
0x24: {  	_ =	sfence.sel $0x180000  }
0x25: {  	[bflag:$0x0] =	sbarrier.arrive $0xFFFF  }
0x26: {  	p0 =	sne.s32 s1, $0x0;
	_ =	strace $0x9000004D  }
0x27: {  	s0 =	sadd.s32 @!p0 $0x100000, s0;
	[bflag:$0x2] =	sbarrier.arrive $0xFFFF  }
0x28: {  	[sflag:s0] =	ssyncadd.tile.s32 @!p0 $0x1;
	_ =	shalt  }
.Lfunc_end2:
_tile_overlayer_lowered:
.L_overlay_start_2:
0x29: {  	(tag) =	ssettag $0x2  }
0x2a: {  	s0 =	rddreg [dreg:$0x0];
	s2 =	stileid.u32  }
0x2b: {  	s1 =	rddreg [dreg:$0x1];
	p0 =	sne.s32 s2, $0x0  }
0x2c: {  	s3 =	rddreg [dreg:$0x2];
	[bflag:$0x3] =	sbarrier.arrive $0xFFFF;
	s2 =	simm.s32 @!p0 $0x1C02  }
0x2d: {  	[timem:s3], [sflag:s2] =	dma.local @!p0 [hbm:s0], s1  }
0x2e: {  	s0 =	simm.s32 @!p0 $0x2  }
0x2f: {  	_ =	swait.ge @!p0 [sflag:s0], s1  }
0x30: {  	s1 =	ssub.s32 @!p0 $0x0, s1;
	[sflag:s0] =	ssyncset.done @!p0 $0x0  }
0x31: {  	[sflag:s0] =	ssyncadd.s32 @!p0 s1  }
0x32: {  	[bflag:$0x3] =	sbarrier.arrive $0xFFFF  }
0x33: {  	_ =	shalt  }

// kernel: kernel.34.cloned.1.call-start
scs
__scs_entry_jumppad:
0x0: {  	(pc) =	sbr.rel $0x88, $3  }
0x1: {  	(tag) =	ssettag $0x0;
	lr =	simm.s32 $0x1  }
0x2: {  	[smem:$0x3F6F] =	sst lr;
	_ =	strace $0xD0000000  }
0x3: {  	_ = 	snop  }
0x4: {  	_ = 	snop  }
0x5: {  	_ = 	snop  }
0x6: {  	_ = 	snop  }
0x7: {  	_ = 	snop  }
__scs_overlays_trampoline_lowered:
0x8: {  	[smem:$0x3F7E] =	sst s0  }
0x9: {  	[smem:$0x3F7F] =	sst s1  }
0xa: {  	[smem:$0x3F80] =	sst s2  }
0xb: {  	[smem:$0x3F81] =	sst s3  }
0xc: {  	[smem:$0x3F82] =	sst s4  }
0xd: {  	[smem:$0x3F83] =	sst s5  }
0xe: {  	[smem:$0x3F84] =	sst s6  }
0xf: {  	[smem:$0x3F85] =	sst s7  }
0x10: {  	[smem:$0x3F86] =	sst s8  }
0x11: {  	[smem:$0x3F87] =	sst s9;
	s0 =	simm.s32 @!p0 $0x0  }
0x12: {  	s1 =	sld [smem:$0x3F6D];
	s0 =	simm.s32 @p0 $0x1  }
0x13: {  	[smem:$0x3F88] =	sst s0;
	s0 =	simm.s32 @!p1 $0x0  }
0x14: {  	s2 =	sld [smem:$0x3F6C];
	s0 =	simm.s32 @p1 $0x1  }
0x15: {  	[smem:$0x3F89] =	sst s0;
	s0 =	simm.s32 @!p2 $0x0  }
0x16: {  	s3 =	sld [smem:$0x3FDB];
	s0 =	simm.s32 @p2 $0x1  }
0x17: {  	s4 =	simm.s32 $0x1BF5;
	[smem:$0x3F8B] =	sst s0  }
0x18: {  	s0 =	sld [smem:$0x3F6E];
	_ =	swait.ge [sflag:s4], $0x0  }
0x19: {  	s7 =	sld [smem:$0x3F6F]  }
0x1a: {  	s8 =	sadd.s32 $0xFFFFE003, lr  }
0x1b: {  	s9 =	sadd.s32 $0xFFFFFEF7, lr;
	s5 =	simm.s32 $0xFFFFFFFF;
	p2 =	slt.u32 s8, $0xFFFFF086  }
0x1c: {  	p1 =	slt.u32 s9, $0xF7A;
	s5 =	simm.s32 @!p2 $0x0  }
0x1d: {  	s5 =	simm.s32 @p1 $0x1;
	p0 =	seq.s32 s7, s2  }
0x1e: {  	s7 =	smul.u32 @!p0 $0xF7A, s2;
	p2 =	seq.s32 @!p0 s5, $0x0  }
0x1f: {  	s9 =	smul.u32 $0xF7A, s1;
	s8 =	simm.s32 @!p0 $0x1BF5;
	p2 =	por !p2, p0  }
0x20: {  	[sflag:s8] =	ssyncset.s32 @!p0 $0xFFFFF086;
	s6 =	sadd.s32 @!p0 s3, s7;
	s7 =	simm.s32 @!p0 $0x108  }
0x21: {  	s3 =	sadd.s32 s3, s9;
	s6 =	sadd.s32 @!p0 $0x88, s6;
	s7 =	simm.s32 @p2 $0x1082  }
0x22: {  	[simem:s7], [sflag:s8] =	dma.local @!p0 [hbm:s6], $0xF7A  }
0x23: {  	s9 =	sor.u32 $0xD0000000, s2;
	s6 =	simm.s32 $0x108;
	_ =	swait.ge @!p0 [sflag:s8], $0x0  }
0x24: {  	s3 =	sadd.s32 $0x88, s3;
	s6 =	simm.s32 @!p1 $0x1082;
	[sflag:s4] =	ssyncset.s32 $0xFFFFF086  }
0x25: {  	[simem:s6], [sflag:s4] =	dma.local [hbm:s3], $0xF7A  }
0x26: {  	[smem:$0x3F6F] =	sst s1;
	(tag) =	ssettag s2;
	_ =	strace s9  }
0x27: {  	s1 =	sld [smem:$0x3F7F]  }
0x28: {  	s2 =	sld [smem:$0x3F80]  }
0x29: {  	s4 =	sld [smem:$0x3F82]  }
0x2a: {  	p0 =	seq.s32 s5, $0x0;
	s5 =	sld [smem:$0x3F83]  }
0x2b: {  	s6 =	sld [smem:$0x3F84]  }
0x2c: {  	s7 =	sld [smem:$0x3F85]  }
0x2d: {  	s3 =	simm.s32 $0x108;
	s8 =	sld [smem:$0x3F86]  }
0x2e: {  	s3 =	simm.s32 @!p0 $0x1082;
	s9 =	sld [smem:$0x3F87]  }
0x2f: {  	lr =	sadd.s32 s0, s3;
	s0 =	sld [smem:$0x3F7E]  }
0x30: {  	s3 =	sld [smem:$0x3F81]  }
0x31: {  	[smem:$0x3F8A] =	sst s10  }
0x32: {  	s10 =	sld [smem:$0x3F88];
	_ =	sdelay $0x3  }
0x33: {  	p0 =	seq.s32 s10, $0x1;
	s10 =	sld [smem:$0x3F8A];
	_ =	sdelay $0x3  }
0x34: {  	[smem:$0x3F8A] =	sst s10  }
0x35: {  	s10 =	sld [smem:$0x3F89];
	_ =	sdelay $0x3  }
0x36: {  	p1 =	seq.s32 s10, $0x1;
	s10 =	sld [smem:$0x3F8A];
	_ =	sdelay $0x3  }
0x37: {  	[smem:$0x3F8A] =	sst s10  }
0x38: {  	s10 =	sld [smem:$0x3F8B]  }
0x39: {  	_ = 	snop;
	(pc) =	sbr.ind lr, $3  }
0x3a: {  	_ = 	snop  }
0x3b: {  	_ = 	snop  }
0x3c: {  	p2 =	seq.s32 s10, $0x1;
	s10 =	sld [smem:$0x3F8A]  }
0x3d: {  	_ =	shalt  }
0x3e: {  	_ =	shalt  }
0x3f: {  	_ =	shalt  }
0x40: {  	_ =	shalt  }
0x41: {  	_ =	shalt  }
0x42: {  	_ =	shalt  }
0x43: {  	_ =	shalt  }
0x44: {  	_ =	shalt  }
0x45: {  	_ =	shalt  }
0x46: {  	_ =	shalt  }
0x47: {  	_ =	shalt  }
0x48: {  	_ =	shalt  }
0x49: {  	_ =	shalt  }
0x4a: {  	_ =	shalt  }
0x4b: {  	_ =	shalt  }
0x4c: {  	_ =	shalt  }
0x4d: {  	_ =	shalt  }
0x4e: {  	_ =	shalt  }
0x4f: {  	_ =	shalt  }
0x50: {  	_ =	shalt  }
0x51: {  	_ =	shalt  }
0x52: {  	_ =	shalt  }
0x53: {  	_ =	shalt  }
0x54: {  	_ =	shalt  }
0x55: {  	_ =	shalt  }
0x56: {  	_ =	shalt  }
0x57: {  	_ =	shalt  }
0x58: {  	_ =	shalt  }
0x59: {  	_ =	shalt  }
0x5a: {  	_ =	shalt  }
0x5b: {  	_ =	shalt  }
0x5c: {  	_ =	shalt  }
0x5d: {  	_ =	shalt  }
0x5e: {  	_ =	shalt  }
0x5f: {  	_ =	shalt  }
0x60: {  	_ =	shalt  }
0x61: {  	_ =	shalt  }
0x62: {  	_ =	shalt  }
0x63: {  	_ =	shalt  }
0x64: {  	_ =	shalt  }
0x65: {  	_ =	shalt  }
0x66: {  	_ =	shalt  }
0x67: {  	_ =	shalt  }
0x68: {  	_ =	shalt  }
0x69: {  	_ =	shalt  }
0x6a: {  	_ =	shalt  }
0x6b: {  	_ =	shalt  }
0x6c: {  	_ =	shalt  }
0x6d: {  	_ =	shalt  }
0x6e: {  	_ =	shalt  }
0x6f: {  	_ =	shalt  }
0x70: {  	_ =	shalt  }
0x71: {  	_ =	shalt  }
0x72: {  	_ =	shalt  }
0x73: {  	_ =	shalt  }
0x74: {  	_ =	shalt  }
0x75: {  	_ =	shalt  }
0x76: {  	_ =	shalt  }
0x77: {  	_ =	shalt  }
0x78: {  	_ =	shalt  }
0x79: {  	_ =	shalt  }
0x7a: {  	_ =	shalt  }
0x7b: {  	_ =	shalt  }
0x7c: {  	_ =	shalt  }
0x7d: {  	_ =	shalt  }
0x7e: {  	_ =	shalt  }
0x7f: {  	_ =	shalt  }
0x80: {  	_ =	shalt  }
0x81: {  	_ =	shalt  }
0x82: {  	_ =	shalt  }
0x83: {  	_ =	shalt  }
0x84: {  	_ =	shalt  }
0x85: {  	_ =	shalt  }
0x86: {  	_ =	shalt  }
0x87: {  	_ =	shalt  }
.Lfunc_end0:
.L_simem_size_0:
called_computation.4_lowered:
.L_overlay_start_0:
0x88: {  	s2 =	sld [smem:$0x3FD9]  }
0x89: {  	s3 =	sld [smem:$0x3FFE];
	_ =	sdelay $0x1  }
0x8a: {  	s1 =	srdreg.scid  }
0x8b: {  	s0 =	sand.u32 $0x1, s1  }
0x8c: {  	s16 =	sshll.u32 s0, $0xA;
	s2 =	sadd.s32 s3, s2  }
0x8d: {  	s2 =	sadd.s32 s2, s16  }
0x8e: {  	[smem:$0x3F96] =	sst s2  }
0x8f: {  	_ = 	snop  }
0x90: {  	(tm) =	ssettm $0x1  }
0x91: {  	s17 =	sld [smem:$0x3FFB];
	_ =	sdelay $0x3  }
0x92: {  	_ =	strace s17  }
0x93: {  	s2 =	sld [smem:$0x3FFC];
	_ =	sdelay $0x3  }
0x94: {  	_ =	strace s2  }
0x95: {  	s2 =	sld [smem:$0x3FFD];
	_ =	sdelay $0x3  }
0x96: {  	_ =	strace s2  }
0x97: {  	_ =	strace $0x8FFFFFFF  }
0x98: {  	s18 =	sld [smem:$0x3FDB];
	_ =	sdelay $0x1  }
0x99: {  	s19 =	simm.s32 $_scs_section_size  }
0x9a: {  	s4 =	simm.s32 $_size__tile_overlayer_lowered;
	s5 =	simm.s32 $_tile_overlayer_lowered  }
0x9b: {  	s22 =	simm.s32 $0x1BFF;
	s21 =	sshll.u32 s5, $0x1;
	s2 =	sadd.s32 s19, s18  }
0x9c: {  	s6 =	simm.s32 $0x0;
	s20 =	sshll.u32 s4, $0x1;
	s4 =	sadd.s32 s21, s2  }
0x9d: {  	[timem:s6], [sflag:s22] =	dma.local [hbm:s4], s20  }
0x9e: {  	_ =	swait.ge [sflag:s22], s20  }
0x9f: {  	s3 =	ssub.s32 $0x0, s20;
	[sflag:s22] =	ssyncset.done $0x0  }
0xa0: {  	[sflag:s22] =	ssyncadd.s32 s3;
	_ =	sdelay $0x1  }
0xa1: {  	s23 =	simm.s32 $0x1B8B  }
0xa2: {  	_ =	swait.ge [sflag:s23], $0x1  }
0xa3: {  	[sflag:s23] =	ssyncset.done $0x0  }
0xa4: {  	s25 =	simm.s32 $0x1B8E;
	s24 =	sld [smem:$0x3FFE];
	[sflag:s23] =	ssyncadd.s32 $0xFFFFFFFF  }
0xa5: {  	s26 =	simm.s32 $execute0_lowered;
	[smem:$0x3FD2] =	sst s25  }
0xa6: {  	s4 =	sshll.u32 s26, $0x1;
	_ =	strace $0x8000004F;
	[dreg:$0x1] =	wrdreg $0xFFFFFFFF  }
0xa7: {  	s28 =	simm.s32 $_size_execute0_lowered;
	s2 =	sadd.s32 s2, s4;
	[dreg:$0x0] =	wrdreg $0x0  }
0xa8: {  	s4 =	sshll.u32 s28, $0x1;
	[dreg:$0x2] =	wrdreg s2  }
0xa9: {  	[dreg:$0x3] =	wrdreg s4  }
0xaa: {  	[dreg:$0x4] =	wrdreg $0xC0  }
0xab: {  	_ =	task [dreg:s6], $0x5FFFF  }
0xac: {  	[dreg:$0x1] =	wrdreg $0xFFFFFFFF  }
0xad: {  	[dreg:$0x0] =	wrdreg $0x60  }
0xae: {  	[dreg:$0x2] =	wrdreg s24  }
0xaf: {  	[dreg:$0x3] =	wrdreg $0x1C000  }
0xb0: {  	[dreg:$0x4] =	wrdreg $0x9  }
0xb1: {  	_ =	task.clear_ibuf [dreg:s6], $0x5FFFF;
	_ =	strace $0x9000004F  }
0xb2: {  	s29 =	simm.s32 $0x9;
	_ =	strace $0x80000051  }
0xb3: {  	_ =	swait.ge [sflag:s29], $0x1  }
0xb4: {  	[sflag:s29] =	ssyncadd.s32 $0xFFFFFFFF  }
0xb5: {  	_ =	strace $0x90000051  }
0xb6: {  	_ =	sfence  }
0xb7: {  	s30 =	sld [smem:$0x0];
	_ =	sdelay $0x2  }
0xb8: {  	s31 =	sshll.u32 s1, $0xD;
	s1 =	sshrl.u32 s1, $0x2  }
0xb9: {  	s3 =	sand.u32 $0x4000, s31;
	s1 =	sadd.s32 s1, s30  }
0xba: {  	s0 =	sor.u32 s3, s0;
	s1 =	sshll.u32 s1, $0x11  }
0xbb: {  	s0 =	sor.u32 s1, s0  }
0xbc: {  	s0 =	sadd.s32 $0x8F2B, s0  }
0xbd: {  	[sflag:s0] =	ssyncadd.remote.s32 $0x1  }
0xbe: {  	_ =	sfence.sel $0xFFFF  }
0xbf: {  	[dreg:$0x0] =	wrdreg $0xFFFFFFFF;
	(pc) =	sbr.abs _section_cstart, $3  }
0xc0: {  	[dreg:$0x1] =	wrdreg $0xFFFFFFFF  }
0xc1: {  	_ =	task.clear_ibuf [dreg:s6], $0x2FFFF;
	_ =	strace $0x9FFFFFFF  }
0xc2: {  	(tm) =	ssettm $0x7FFFFFFF  }
0xc3: {  	_ =	shalt  }
tec
execute0_lowered:
.L_overlay_start_1:
0x0: {  	(tag) =	ssettag $0x1  }
0x1: {  	s4 =	rddreg [dreg:$0x0]  }
0x2: {  	s1 =	rddreg [dreg:$0x1]  }
0x3: {  	s7 =	stileid.u32;
	s2 =	srdreg.scid  }
0x4: {  	s0 =	rddreg [dreg:$0x2];
	s12 =	simm.s32 $0x0;
	s5 =	sand.u32 $0x1, s2  }
0x5: {  	s3 =	sshll.u32 s7, $0x1;
	s2 =	simm.s32 $0x0;
	s6 =	smul.u32 $0x5000, s7  }
0x6: {  	p0 =	sne.s32 s7, $0x0;
	s3 =	sor.u32 s5, s3;
	s30 =	smul.u32 $0x5000, s5  }
0x7: {  	[smem:$0x7FF] =	sst s2;
	s10 =	ssub.s32 $0x2, s5;
	s11 =	smul.u32 $0x2800, s5  }
0x8: {  	s3 =	smul.u32 $0x1400, s3;
	_ =	strace $0x80000050;
	s31 =	sshrl.u32 s10, $0x1  }
0x9: {  	s8 =	sadd.s32 s6, s4;
	s6 =	sadd.s32 s30, s4;
	s10 =	ssub.s32 s10, s31  }
0xa: {  	s8 =	sadd.s32 s11, s8;
	s11 =	simm.s32 $0x80;
	s3 =	sshrl.u32 s3, $0x3  }
0xb: {  	s5 =	sadd.s32 $0x93E00, s6;
	s6 =	smax.u32 s10, $0x1;
	s7 =	sadd.s32 $0x3EE00, s8  }
0xc: {  	s8 =	sshrl.u32 @!p0 s1, $0x3;
	s10 =	simm.s32 $0x1400;
	s9 =	sadd.s32 s3, s4  }
0xd: {  	s3 =	sadd.s32 $0x34E00, s4;
	s4 =	sadd.s32 $0x8EE00, s9;
	s9 =	simm.s32 $0x1  }
.LBB2_1:
0xe: {  	s13 =	simm.s32 @!p0 $0x1C01  }
0xf: {  	[spmem:s8], [sflag:s13] =	dma.local @!p0 [hbm:s3], $0x5000  }
0x10: {  	s13 =	simm.s32 @!p0 $0x1  }
0x11: {  	_ =	swait.ge @!p0 [sflag:s13], $0x5000  }
0x12: {  	[sflag:s13] =	ssyncset.done @!p0 $0x0  }
0x13: {  	[sflag:s13] =	ssyncadd.s32 @!p0 $0xFFFFB000  }
0x14: {  	[bflag:$0x0] =	sbarrier.arrive $0xFFFF  }
0x15: {  	[tilespmem:s2], [sflag:$0x1] =	stream.linear.gather [hbm4b:s4+s2], $0x1400, $0x38;
	[tilespmem:$0x4400] =	vst v63  }
0x16: {  	_ =	swait.ge [sflag:s9], $0x1400  }
0x17: {  	[sflag:s9] =	ssyncset.done $0x0  }
0x18: {  	s31 =	sadd.s32 $0x0, s7;
	[sflag:s9] =	ssyncadd.s32 $0xFFFFEC00  }
0x19: {  	[tilespmem:s10], [sflag:$0x1] =	stream.linear.gather [hbm4b:s31+s2], $0x800, $0x38;
	[tilespmem:$0x4400] =	vst v63  }
0x1a: {  	_ =	swait.ge [sflag:s9], $0x800  }
0x1b: {  	[sflag:s9] =	ssyncset.done $0x0  }
0x1c: {  	[sflag:s9] =	ssyncadd.s32 $0xFFFFF800  }
0x1d: {  	[spmem:s1] =	stream.indirect.scatter.add.f32 [tilespmem:s10], [sflag:$0x1], $0x10, s2, s11, $0xb8;
	[tilespmem:$0x4400] =	vst v63  }
0x1e: {  	s14 =	simm.s32 $0x100;
	_ =	swait.ge [sflag:s9], $0x800  }
0x1f: {  	s15 =	simm.s32 $0x200;
	s13 =	simm.s32 $0x80;
	[sflag:s9] =	ssyncset.done $0x0  }
.LBB2_2:
0x20: {  	s16 =	sadd.s32 s14, s7  }
0x21: {  	[sflag:s9] =	ssyncadd.s32 $0xFFFFF800;
	s14 =	smov.u32 s15;
	s17 =	sadd.s32 $0x100, s15  }
0x22: {  	[tilespmem:s10], [sflag:$0x1] =	stream.linear.gather [hbm4b:s16+s2], $0x800, $0x38;
	[tilespmem:$0x4400] =	vst v63  }
0x23: {  	p1 =	sne.s32 s15, $0x2700;
	_ =	swait.ge [sflag:s9], $0x800  }
.Ltmp0:
0x24: {  	[sflag:s9] =	ssyncset.done $0x0;
	(pc) =	sbr.rel @p1 .LBB2_2-.Ltmp0, $4  }
0x25: {  	[sflag:s9] =	ssyncadd.s32 $0xFFFFF800  }
0x26: {  	[spmem:s1] =	stream.indirect.scatter.add.f32 [tilespmem:s10], [sflag:$0x1], $0x10, s13, s11, $0xb8;
	[tilespmem:$0x4400] =	vst v63  }
0x27: {  	_ =	swait.ge [sflag:s9], $0x800  }
0x28: {  	s15 =	smov.u32 s17;
	s13 =	sadd.s32 $0x80, s13;
	[sflag:s9] =	ssyncset.done $0x0  }
0x29: {  	s14 =	sadd.s32 s14, s7;
	[sflag:s9] =	ssyncadd.s32 $0xFFFFF800  }
0x2a: {  	[tilespmem:s10], [sflag:$0x1] =	stream.linear.gather [hbm4b:s14+s2], $0x800, $0x38;
	[tilespmem:$0x4400] =	vst v63  }
0x2b: {  	_ =	swait.ge [sflag:s9], $0x800  }
0x2c: {  	[sflag:s9] =	ssyncset.done $0x0  }
0x2d: {  	[sflag:s9] =	ssyncadd.s32 $0xFFFFF800  }
0x2e: {  	[spmem:s1] =	stream.indirect.scatter.add.f32 [tilespmem:s10], [sflag:$0x1], $0x10, s13, s11, $0xb8;
	[tilespmem:$0x4400] =	vst v63  }
0x2f: {  	_ =	swait.ge [sflag:s9], $0x800  }
0x30: {  	[sflag:s9] =	ssyncset.done $0x0  }
0x31: {  	s12 =	sadd.s32 $0x1, s12;
	[sflag:s9] =	ssyncadd.s32 $0xFFFFF800  }
0x32: {  	p1 =	sne.s32 s12, s6;
	s13 =	simm.s32 @!p0 $0x1C01;
	[bflag:$0x0] =	sbarrier.arrive $0xFFFF  }
0x33: {  	[hbm:s5], [sflag:s13] =	dma.local @!p0 [spmem:s8], $0x5000  }
.Ltmp1:
0x34: {  	_ = 	snop;
	(pc) =	sbr.rel @p1 .LBB2_1-.Ltmp1, $4  }
0x35: {  	s13 =	simm.s32 @!p0 $0x1  }
0x36: {  	_ =	swait.ge @!p0 [sflag:s13], $0x5000  }
0x37: {  	[sflag:s13] =	ssyncset.done @!p0 $0x0  }
0x38: {  	[sflag:s13] =	ssyncadd.s32 @!p0 $0xFFFFB000  }
0x39: {  	_ =	sfence.sel $0x180000  }
0x3a: {  	[bflag:$0x0] =	sbarrier.arrive $0xFFFF  }
0x3b: {  	_ =	strace $0x90000050  }
0x3c: {  	s0 =	sadd.s32 @!p0 $0x100000, s0;
	[bflag:$0x2] =	sbarrier.arrive $0xFFFF  }
0x3d: {  	[sflag:s0] =	ssyncadd.tile.s32 @!p0 $0x1;
	_ =	shalt  }
.Lfunc_end2:
_tile_overlayer_lowered:
.L_overlay_start_2:
0x3e: {  	(tag) =	ssettag $0x2  }
0x3f: {  	s0 =	rddreg [dreg:$0x0];
	s2 =	stileid.u32  }
0x40: {  	s1 =	rddreg [dreg:$0x1];
	p0 =	sne.s32 s2, $0x0  }
0x41: {  	s3 =	rddreg [dreg:$0x2];
	[bflag:$0x3] =	sbarrier.arrive $0xFFFF;
	s2 =	simm.s32 @!p0 $0x1C01  }
0x42: {  	[timem:s3], [sflag:s2] =	dma.local @!p0 [hbm:s0], s1  }
0x43: {  	s0 =	simm.s32 @!p0 $0x1  }
0x44: {  	_ =	swait.ge @!p0 [sflag:s0], s1  }
0x45: {  	s1 =	ssub.s32 @!p0 $0x0, s1;
	[sflag:s0] =	ssyncset.done @!p0 $0x0  }
0x46: {  	[sflag:s0] =	ssyncadd.s32 @!p0 s1  }
0x47: {  	[bflag:$0x3] =	sbarrier.arrive $0xFFFF  }
0x48: {  	_ =	shalt  }

// kernel: kernel.37.cloned.1.call-start
scs
__scs_entry_jumppad:
0x0: {  	(pc) =	sbr.rel $0x88, $3  }
0x1: {  	(tag) =	ssettag $0x0;
	lr =	simm.s32 $0x1  }
0x2: {  	[smem:$0x3F6F] =	sst lr;
	_ =	strace $0xD0000000  }
0x3: {  	_ = 	snop  }
0x4: {  	_ = 	snop  }
0x5: {  	_ = 	snop  }
0x6: {  	_ = 	snop  }
0x7: {  	_ = 	snop  }
__scs_overlays_trampoline_lowered:
0x8: {  	[smem:$0x3F7E] =	sst s0  }
0x9: {  	[smem:$0x3F7F] =	sst s1  }
0xa: {  	[smem:$0x3F80] =	sst s2  }
0xb: {  	[smem:$0x3F81] =	sst s3  }
0xc: {  	[smem:$0x3F82] =	sst s4  }
0xd: {  	[smem:$0x3F83] =	sst s5  }
0xe: {  	[smem:$0x3F84] =	sst s6  }
0xf: {  	[smem:$0x3F85] =	sst s7  }
0x10: {  	[smem:$0x3F86] =	sst s8  }
0x11: {  	[smem:$0x3F87] =	sst s9;
	s0 =	simm.s32 @!p0 $0x0  }
0x12: {  	s1 =	sld [smem:$0x3F6D];
	s0 =	simm.s32 @p0 $0x1  }
0x13: {  	[smem:$0x3F88] =	sst s0;
	s0 =	simm.s32 @!p1 $0x0  }
0x14: {  	s2 =	sld [smem:$0x3F6C];
	s0 =	simm.s32 @p1 $0x1  }
0x15: {  	[smem:$0x3F89] =	sst s0;
	s0 =	simm.s32 @!p2 $0x0  }
0x16: {  	s3 =	sld [smem:$0x3FDB];
	s0 =	simm.s32 @p2 $0x1  }
0x17: {  	s4 =	simm.s32 $0x1BF5;
	[smem:$0x3F8B] =	sst s0  }
0x18: {  	s0 =	sld [smem:$0x3F6E];
	_ =	swait.ge [sflag:s4], $0x0  }
0x19: {  	s7 =	sld [smem:$0x3F6F]  }
0x1a: {  	s8 =	sadd.s32 $0xFFFFE003, lr  }
0x1b: {  	s9 =	sadd.s32 $0xFFFFFEF7, lr;
	s5 =	simm.s32 $0xFFFFFFFF;
	p2 =	slt.u32 s8, $0xFFFFF086  }
0x1c: {  	p1 =	slt.u32 s9, $0xF7A;
	s5 =	simm.s32 @!p2 $0x0  }
0x1d: {  	s5 =	simm.s32 @p1 $0x1;
	p0 =	seq.s32 s7, s2  }
0x1e: {  	s7 =	smul.u32 @!p0 $0xF7A, s2;
	p2 =	seq.s32 @!p0 s5, $0x0  }
0x1f: {  	s9 =	smul.u32 $0xF7A, s1;
	s8 =	simm.s32 @!p0 $0x1BF5;
	p2 =	por !p2, p0  }
0x20: {  	[sflag:s8] =	ssyncset.s32 @!p0 $0xFFFFF086;
	s6 =	sadd.s32 @!p0 s3, s7;
	s7 =	simm.s32 @!p0 $0x108  }
0x21: {  	s3 =	sadd.s32 s3, s9;
	s6 =	sadd.s32 @!p0 $0x88, s6;
	s7 =	simm.s32 @p2 $0x1082  }
0x22: {  	[simem:s7], [sflag:s8] =	dma.local @!p0 [hbm:s6], $0xF7A  }
0x23: {  	s9 =	sor.u32 $0xD0000000, s2;
	s6 =	simm.s32 $0x108;
	_ =	swait.ge @!p0 [sflag:s8], $0x0  }
0x24: {  	s3 =	sadd.s32 $0x88, s3;
	s6 =	simm.s32 @!p1 $0x1082;
	[sflag:s4] =	ssyncset.s32 $0xFFFFF086  }
0x25: {  	[simem:s6], [sflag:s4] =	dma.local [hbm:s3], $0xF7A  }
0x26: {  	[smem:$0x3F6F] =	sst s1;
	(tag) =	ssettag s2;
	_ =	strace s9  }
0x27: {  	s1 =	sld [smem:$0x3F7F]  }
0x28: {  	s2 =	sld [smem:$0x3F80]  }
0x29: {  	s4 =	sld [smem:$0x3F82]  }
0x2a: {  	p0 =	seq.s32 s5, $0x0;
	s5 =	sld [smem:$0x3F83]  }
0x2b: {  	s6 =	sld [smem:$0x3F84]  }
0x2c: {  	s7 =	sld [smem:$0x3F85]  }
0x2d: {  	s3 =	simm.s32 $0x108;
	s8 =	sld [smem:$0x3F86]  }
0x2e: {  	s3 =	simm.s32 @!p0 $0x1082;
	s9 =	sld [smem:$0x3F87]  }
0x2f: {  	lr =	sadd.s32 s0, s3;
	s0 =	sld [smem:$0x3F7E]  }
0x30: {  	s3 =	sld [smem:$0x3F81]  }
0x31: {  	[smem:$0x3F8A] =	sst s10  }
0x32: {  	s10 =	sld [smem:$0x3F88];
	_ =	sdelay $0x3  }
0x33: {  	p0 =	seq.s32 s10, $0x1;
	s10 =	sld [smem:$0x3F8A];
	_ =	sdelay $0x3  }
0x34: {  	[smem:$0x3F8A] =	sst s10  }
0x35: {  	s10 =	sld [smem:$0x3F89];
	_ =	sdelay $0x3  }
0x36: {  	p1 =	seq.s32 s10, $0x1;
	s10 =	sld [smem:$0x3F8A];
	_ =	sdelay $0x3  }
0x37: {  	[smem:$0x3F8A] =	sst s10  }
0x38: {  	s10 =	sld [smem:$0x3F8B]  }
0x39: {  	_ = 	snop;
	(pc) =	sbr.ind lr, $3  }
0x3a: {  	_ = 	snop  }
0x3b: {  	_ = 	snop  }
0x3c: {  	p2 =	seq.s32 s10, $0x1;
	s10 =	sld [smem:$0x3F8A]  }
0x3d: {  	_ =	shalt  }
0x3e: {  	_ =	shalt  }
0x3f: {  	_ =	shalt  }
0x40: {  	_ =	shalt  }
0x41: {  	_ =	shalt  }
0x42: {  	_ =	shalt  }
0x43: {  	_ =	shalt  }
0x44: {  	_ =	shalt  }
0x45: {  	_ =	shalt  }
0x46: {  	_ =	shalt  }
0x47: {  	_ =	shalt  }
0x48: {  	_ =	shalt  }
0x49: {  	_ =	shalt  }
0x4a: {  	_ =	shalt  }
0x4b: {  	_ =	shalt  }
0x4c: {  	_ =	shalt  }
0x4d: {  	_ =	shalt  }
0x4e: {  	_ =	shalt  }
0x4f: {  	_ =	shalt  }
0x50: {  	_ =	shalt  }
0x51: {  	_ =	shalt  }
0x52: {  	_ =	shalt  }
0x53: {  	_ =	shalt  }
0x54: {  	_ =	shalt  }
0x55: {  	_ =	shalt  }
0x56: {  	_ =	shalt  }
0x57: {  	_ =	shalt  }
0x58: {  	_ =	shalt  }
0x59: {  	_ =	shalt  }
0x5a: {  	_ =	shalt  }
0x5b: {  	_ =	shalt  }
0x5c: {  	_ =	shalt  }
0x5d: {  	_ =	shalt  }
0x5e: {  	_ =	shalt  }
0x5f: {  	_ =	shalt  }
0x60: {  	_ =	shalt  }
0x61: {  	_ =	shalt  }
0x62: {  	_ =	shalt  }
0x63: {  	_ =	shalt  }
0x64: {  	_ =	shalt  }
0x65: {  	_ =	shalt  }
0x66: {  	_ =	shalt  }
0x67: {  	_ =	shalt  }
0x68: {  	_ =	shalt  }
0x69: {  	_ =	shalt  }
0x6a: {  	_ =	shalt  }
0x6b: {  	_ =	shalt  }
0x6c: {  	_ =	shalt  }
0x6d: {  	_ =	shalt  }
0x6e: {  	_ =	shalt  }
0x6f: {  	_ =	shalt  }
0x70: {  	_ =	shalt  }
0x71: {  	_ =	shalt  }
0x72: {  	_ =	shalt  }
0x73: {  	_ =	shalt  }
0x74: {  	_ =	shalt  }
0x75: {  	_ =	shalt  }
0x76: {  	_ =	shalt  }
0x77: {  	_ =	shalt  }
0x78: {  	_ =	shalt  }
0x79: {  	_ =	shalt  }
0x7a: {  	_ =	shalt  }
0x7b: {  	_ =	shalt  }
0x7c: {  	_ =	shalt  }
0x7d: {  	_ =	shalt  }
0x7e: {  	_ =	shalt  }
0x7f: {  	_ =	shalt  }
0x80: {  	_ =	shalt  }
0x81: {  	_ =	shalt  }
0x82: {  	_ =	shalt  }
0x83: {  	_ =	shalt  }
0x84: {  	_ =	shalt  }
0x85: {  	_ =	shalt  }
0x86: {  	_ =	shalt  }
0x87: {  	_ =	shalt  }
.Lfunc_end0:
.L_simem_size_0:
called_computation.5_lowered:
.L_overlay_start_0:
0x88: {  	s2 =	sld [smem:$0x3FD9]  }
0x89: {  	s3 =	sld [smem:$0x3FFE];
	_ =	sdelay $0x1  }
0x8a: {  	s1 =	srdreg.scid  }
0x8b: {  	s0 =	sand.u32 $0x1, s1  }
0x8c: {  	s16 =	sshll.u32 s0, $0xA;
	s2 =	sadd.s32 s3, s2  }
0x8d: {  	s2 =	sadd.s32 s2, s16  }
0x8e: {  	[smem:$0x3F96] =	sst s2  }
0x8f: {  	_ = 	snop  }
0x90: {  	(tm) =	ssettm $0x1  }
0x91: {  	s17 =	sld [smem:$0x3FFB];
	_ =	sdelay $0x3  }
0x92: {  	_ =	strace s17  }
0x93: {  	s2 =	sld [smem:$0x3FFC];
	_ =	sdelay $0x3  }
0x94: {  	_ =	strace s2  }
0x95: {  	s2 =	sld [smem:$0x3FFD];
	_ =	sdelay $0x3  }
0x96: {  	_ =	strace s2  }
0x97: {  	_ =	strace $0x8FFFFFFF  }
0x98: {  	s18 =	sld [smem:$0x3FDB];
	_ =	sdelay $0x1  }
0x99: {  	s19 =	simm.s32 $_scs_section_size  }
0x9a: {  	s4 =	simm.s32 $_size__tile_overlayer_lowered;
	s5 =	simm.s32 $_tile_overlayer_lowered  }
0x9b: {  	s22 =	simm.s32 $0x1BFF;
	s21 =	sshll.u32 s5, $0x1;
	s2 =	sadd.s32 s19, s18  }
0x9c: {  	s6 =	simm.s32 $0x0;
	s20 =	sshll.u32 s4, $0x1;
	s4 =	sadd.s32 s21, s2  }
0x9d: {  	[timem:s6], [sflag:s22] =	dma.local [hbm:s4], s20  }
0x9e: {  	_ =	swait.ge [sflag:s22], s20  }
0x9f: {  	s3 =	ssub.s32 $0x0, s20;
	[sflag:s22] =	ssyncset.done $0x0  }
0xa0: {  	[sflag:s22] =	ssyncadd.s32 s3;
	_ =	sdelay $0x1  }
0xa1: {  	s23 =	simm.s32 $0x1B8B  }
0xa2: {  	_ =	swait.ge [sflag:s23], $0x1  }
0xa3: {  	[sflag:s23] =	ssyncset.done $0x0  }
0xa4: {  	s25 =	simm.s32 $0x1B8E;
	s24 =	sld [smem:$0x3FFE];
	[sflag:s23] =	ssyncadd.s32 $0xFFFFFFFF  }
0xa5: {  	s26 =	simm.s32 $execute0_lowered;
	[smem:$0x3FD2] =	sst s25  }
0xa6: {  	s4 =	sshll.u32 s26, $0x1;
	_ =	strace $0x80000052;
	[dreg:$0x1] =	wrdreg $0xFFFFFFFF  }
0xa7: {  	s28 =	simm.s32 $_size_execute0_lowered;
	s2 =	sadd.s32 s2, s4;
	[dreg:$0x0] =	wrdreg $0x0  }
0xa8: {  	s4 =	sshll.u32 s28, $0x1;
	[dreg:$0x2] =	wrdreg s2  }
0xa9: {  	[dreg:$0x3] =	wrdreg s4  }
0xaa: {  	[dreg:$0x4] =	wrdreg $0xC0  }
0xab: {  	_ =	task [dreg:s6], $0x5FFFF  }
0xac: {  	[dreg:$0x1] =	wrdreg $0xFFFFFFFF  }
0xad: {  	[dreg:$0x0] =	wrdreg $0x60  }
0xae: {  	[dreg:$0x2] =	wrdreg s24  }
0xaf: {  	[dreg:$0x3] =	wrdreg $0xA  }
0xb0: {  	_ =	task.clear_ibuf [dreg:s6], $0x4FFFF;
	_ =	strace $0x90000052  }
0xb1: {  	s29 =	simm.s32 $0xA;
	_ =	strace $0x80000054  }
0xb2: {  	_ =	swait.ge [sflag:s29], $0x1  }
0xb3: {  	[sflag:s29] =	ssyncadd.s32 $0xFFFFFFFF  }
0xb4: {  	_ =	strace $0x90000054  }
0xb5: {  	_ =	sfence  }
0xb6: {  	s30 =	sld [smem:$0x0];
	_ =	sdelay $0x2  }
0xb7: {  	s31 =	sshll.u32 s1, $0xD;
	s1 =	sshrl.u32 s1, $0x2  }
0xb8: {  	s3 =	sand.u32 $0x4000, s31;
	s1 =	sadd.s32 s1, s30  }
0xb9: {  	s0 =	sor.u32 s3, s0;
	s1 =	sshll.u32 s1, $0x11  }
0xba: {  	s0 =	sor.u32 s1, s0  }
0xbb: {  	s0 =	sadd.s32 $0x8F2B, s0  }
0xbc: {  	[sflag:s0] =	ssyncadd.remote.s32 $0x1  }
0xbd: {  	_ =	sfence.sel $0xFFFF  }
0xbe: {  	[dreg:$0x0] =	wrdreg $0xFFFFFFFF;
	(pc) =	sbr.abs _section_cstart, $3  }
0xbf: {  	[dreg:$0x1] =	wrdreg $0xFFFFFFFF  }
0xc0: {  	_ =	task.clear_ibuf [dreg:s6], $0x2FFFF;
	_ =	strace $0x9FFFFFFF  }
0xc1: {  	(tm) =	ssettm $0x7FFFFFFF  }
tec
execute0_lowered:
.L_overlay_start_1:
0x0: {  	(tag) =	ssettag $0x1  }
0x1: {  	s4 =	rddreg [dreg:$0x0]  }
0x2: {  	s0 =	rddreg [dreg:$0x1]  }
0x3: {  	s3 =	srdreg.scid;
	s1 =	stileid.u32;
	s2 =	simm.s32 $0x0  }
0x4: {  	s11 =	simm.s32 $0x0;
	s5 =	sand.u32 $0x1, s3;
	s28 =	sshll.u32 s1, $0x1  }
0x5: {  	[smem:$0x7FF] =	sst s2;
	s7 =	smul.u32 $0x5000, s1;
	s3 =	sor.u32 s5, s28  }
0x6: {  	_ =	strace $0x80000053;
	s8 =	ssub.s32 $0x2, s5;
	s10 =	smul.u32 $0x2800, s5  }
0x7: {  	s6 =	smul.u32 $0x1400, s3;
	s3 =	sadd.s32 $0x3EE00, s4;
	s9 =	sshrl.u32 s8, $0x1  }
0x8: {  	s30 =	sadd.s32 s7, s4;
	s7 =	simm.s32 $0x2;
	s31 =	ssub.s32 s8, s9  }
0x9: {  	s8 =	simm.s32 $0x80;
	s9 =	simm.s32 $0x1400;
	s6 =	sshrl.u32 s6, $0x3  }
0xa: {  	s5 =	smax.u32 s31, $0x1;
	s29 =	sadd.s32 s6, s4;
	s6 =	sadd.s32 s10, s30  }
0xb: {  	s10 =	simm.s32 $0x1;
	s4 =	sadd.s32 $0x39E00, s29;
	s6 =	sadd.s32 $0x93E00, s6  }
.LBB2_1:
0xc: {  	[tilespmem:s2], [sflag:$0x2] =	stream.linear.gather [hbm4b:s4+s2], $0x1400, $0x38;
	[tilespmem:$0x1C00] =	vst v63  }
0xd: {  	_ =	swait.ge [sflag:s7], $0x1400  }
0xe: {  	[sflag:s7] =	ssyncset.done $0x0  }
0xf: {  	[sflag:s7] =	ssyncadd.s32 $0xFFFFEC00  }
0x10: {  	[tilespmem:s9], [sflag:$0x1] =	stream.indirect.gather [hbm4b:s3+s8], $0x10, s2, s8, $0xb8;
	[tilespmem:$0x1C00] =	vst v63  }
0x11: {  	_ =	swait.ge [sflag:s10], $0x800  }
0x12: {  	[sflag:s10] =	ssyncset.done $0x0  }
0x13: {  	s12 =	sadd.s32 $0x0, s6;
	[sflag:s10] =	ssyncadd.s32 $0xFFFFF800  }
0x14: {  	[hbm4b:s12+s2] =	stream.linear.scatter [tilespmem:s9], [sflag:$0x2], $0x800, $0x38;
	[tilespmem:$0x1C00] =	vst v63  }
0x15: {  	_ =	swait.ge [sflag:s7], $0x800  }
0x16: {  	s13 =	simm.s32 $0x0;
	s12 =	simm.s32 $0x100;
	[sflag:s7] =	ssyncset.done $0x0  }
.LBB2_2:
0x17: {  	p0 =	sne.s32 s12, $0x2700;
	[sflag:s7] =	ssyncadd.s32 $0xFFFFF800;
	s13 =	sadd.s32 $0x80, s13  }
0x18: {  	[tilespmem:s9], [sflag:$0x1] =	stream.indirect.gather [hbm4b:s3+s8], $0x10, s13, s8, $0xb8;
	[tilespmem:$0x1C00] =	vst v63  }
0x19: {  	s14 =	smov.u32 s12;
	s12 =	sadd.s32 $0x100, s12;
	_ =	swait.ge [sflag:s10], $0x800  }
.Ltmp0:
0x1a: {  	[sflag:s10] =	ssyncset.done $0x0;
	(pc) =	sbr.rel @p0 .LBB2_2-.Ltmp0, $4  }
0x1b: {  	s14 =	sadd.s32 s14, s6;
	[sflag:s10] =	ssyncadd.s32 $0xFFFFF800  }
0x1c: {  	[hbm4b:s14+s2] =	stream.linear.scatter [tilespmem:s9], [sflag:$0x2], $0x800, $0x38;
	[tilespmem:$0x1C00] =	vst v63  }
0x1d: {  	_ =	swait.ge [sflag:s7], $0x800  }
0x1e: {  	[sflag:s7] =	ssyncset.done $0x0  }
0x1f: {  	s11 =	sadd.s32 $0x1, s11  }
0x20: {  	p0 =	sne.s32 s11, s5  }
.Ltmp1:
0x21: {  	_ = 	snop;
	(pc) =	sbr.rel @p0 .LBB2_1-.Ltmp1, $2  }
0x22: {  	_ =	sdelay $0x2  }
0x23: {  	[sflag:s7] =	ssyncadd.s32 $0xFFFFF800  }
0x24: {  	_ =	sfence.sel $0x180000  }
0x25: {  	[bflag:$0x0] =	sbarrier.arrive $0xFFFF  }
0x26: {  	p0 =	sne.s32 s1, $0x0;
	_ =	strace $0x90000053  }
0x27: {  	s0 =	sadd.s32 @!p0 $0x100000, s0;
	[bflag:$0x2] =	sbarrier.arrive $0xFFFF  }
0x28: {  	[sflag:s0] =	ssyncadd.tile.s32 @!p0 $0x1;
	_ =	shalt  }
.Lfunc_end2:
_tile_overlayer_lowered:
.L_overlay_start_2:
0x29: {  	(tag) =	ssettag $0x2  }
0x2a: {  	s0 =	rddreg [dreg:$0x0];
	s2 =	stileid.u32  }
0x2b: {  	s1 =	rddreg [dreg:$0x1];
	p0 =	sne.s32 s2, $0x0  }
0x2c: {  	s3 =	rddreg [dreg:$0x2];
	[bflag:$0x3] =	sbarrier.arrive $0xFFFF;
	s2 =	simm.s32 @!p0 $0x1C02  }
0x2d: {  	[timem:s3], [sflag:s2] =	dma.local @!p0 [hbm:s0], s1  }
0x2e: {  	s0 =	simm.s32 @!p0 $0x2  }
0x2f: {  	_ =	swait.ge @!p0 [sflag:s0], s1  }
0x30: {  	s1 =	ssub.s32 @!p0 $0x0, s1;
	[sflag:s0] =	ssyncset.done @!p0 $0x0  }
0x31: {  	[sflag:s0] =	ssyncadd.s32 @!p0 s1  }
0x32: {  	[bflag:$0x3] =	sbarrier.arrive $0xFFFF  }
0x33: {  	_ =	shalt  }

// kernel: kernel.40.cloned.1.call-start
scs
__scs_entry_jumppad:
0x0: {  	(pc) =	sbr.rel $0x88, $3  }
0x1: {  	(tag) =	ssettag $0x0;
	lr =	simm.s32 $0x1  }
0x2: {  	[smem:$0x3F6F] =	sst lr;
	_ =	strace $0xD0000000  }
0x3: {  	_ = 	snop  }
0x4: {  	_ = 	snop  }
0x5: {  	_ = 	snop  }
0x6: {  	_ = 	snop  }
0x7: {  	_ = 	snop  }
__scs_overlays_trampoline_lowered:
0x8: {  	[smem:$0x3F7E] =	sst s0  }
0x9: {  	[smem:$0x3F7F] =	sst s1  }
0xa: {  	[smem:$0x3F80] =	sst s2  }
0xb: {  	[smem:$0x3F81] =	sst s3  }
0xc: {  	[smem:$0x3F82] =	sst s4  }
0xd: {  	[smem:$0x3F83] =	sst s5  }
0xe: {  	[smem:$0x3F84] =	sst s6  }
0xf: {  	[smem:$0x3F85] =	sst s7  }
0x10: {  	[smem:$0x3F86] =	sst s8  }
0x11: {  	[smem:$0x3F87] =	sst s9;
	s0 =	simm.s32 @!p0 $0x0  }
0x12: {  	s1 =	sld [smem:$0x3F6D];
	s0 =	simm.s32 @p0 $0x1  }
0x13: {  	[smem:$0x3F88] =	sst s0;
	s0 =	simm.s32 @!p1 $0x0  }
0x14: {  	s2 =	sld [smem:$0x3F6C];
	s0 =	simm.s32 @p1 $0x1  }
0x15: {  	[smem:$0x3F89] =	sst s0;
	s0 =	simm.s32 @!p2 $0x0  }
0x16: {  	s3 =	sld [smem:$0x3FDB];
	s0 =	simm.s32 @p2 $0x1  }
0x17: {  	s4 =	simm.s32 $0x1BF5;
	[smem:$0x3F8B] =	sst s0  }
0x18: {  	s0 =	sld [smem:$0x3F6E];
	_ =	swait.ge [sflag:s4], $0x0  }
0x19: {  	s7 =	sld [smem:$0x3F6F]  }
0x1a: {  	s8 =	sadd.s32 $0xFFFFE003, lr  }
0x1b: {  	s9 =	sadd.s32 $0xFFFFFEF7, lr;
	s5 =	simm.s32 $0xFFFFFFFF;
	p2 =	slt.u32 s8, $0xFFFFF086  }
0x1c: {  	p1 =	slt.u32 s9, $0xF7A;
	s5 =	simm.s32 @!p2 $0x0  }
0x1d: {  	s5 =	simm.s32 @p1 $0x1;
	p0 =	seq.s32 s7, s2  }
0x1e: {  	s7 =	smul.u32 @!p0 $0xF7A, s2;
	p2 =	seq.s32 @!p0 s5, $0x0  }
0x1f: {  	s9 =	smul.u32 $0xF7A, s1;
	s8 =	simm.s32 @!p0 $0x1BF5;
	p2 =	por !p2, p0  }
0x20: {  	[sflag:s8] =	ssyncset.s32 @!p0 $0xFFFFF086;
	s6 =	sadd.s32 @!p0 s3, s7;
	s7 =	simm.s32 @!p0 $0x108  }
0x21: {  	s3 =	sadd.s32 s3, s9;
	s6 =	sadd.s32 @!p0 $0x88, s6;
	s7 =	simm.s32 @p2 $0x1082  }
0x22: {  	[simem:s7], [sflag:s8] =	dma.local @!p0 [hbm:s6], $0xF7A  }
0x23: {  	s9 =	sor.u32 $0xD0000000, s2;
	s6 =	simm.s32 $0x108;
	_ =	swait.ge @!p0 [sflag:s8], $0x0  }
0x24: {  	s3 =	sadd.s32 $0x88, s3;
	s6 =	simm.s32 @!p1 $0x1082;
	[sflag:s4] =	ssyncset.s32 $0xFFFFF086  }
0x25: {  	[simem:s6], [sflag:s4] =	dma.local [hbm:s3], $0xF7A  }
0x26: {  	[smem:$0x3F6F] =	sst s1;
	(tag) =	ssettag s2;
	_ =	strace s9  }
0x27: {  	s1 =	sld [smem:$0x3F7F]  }
0x28: {  	s2 =	sld [smem:$0x3F80]  }
0x29: {  	s4 =	sld [smem:$0x3F82]  }
0x2a: {  	p0 =	seq.s32 s5, $0x0;
	s5 =	sld [smem:$0x3F83]  }
0x2b: {  	s6 =	sld [smem:$0x3F84]  }
0x2c: {  	s7 =	sld [smem:$0x3F85]  }
0x2d: {  	s3 =	simm.s32 $0x108;
	s8 =	sld [smem:$0x3F86]  }
0x2e: {  	s3 =	simm.s32 @!p0 $0x1082;
	s9 =	sld [smem:$0x3F87]  }
0x2f: {  	lr =	sadd.s32 s0, s3;
	s0 =	sld [smem:$0x3F7E]  }
0x30: {  	s3 =	sld [smem:$0x3F81]  }
0x31: {  	[smem:$0x3F8A] =	sst s10  }
0x32: {  	s10 =	sld [smem:$0x3F88];
	_ =	sdelay $0x3  }
0x33: {  	p0 =	seq.s32 s10, $0x1;
	s10 =	sld [smem:$0x3F8A];
	_ =	sdelay $0x3  }
0x34: {  	[smem:$0x3F8A] =	sst s10  }
0x35: {  	s10 =	sld [smem:$0x3F89];
	_ =	sdelay $0x3  }
0x36: {  	p1 =	seq.s32 s10, $0x1;
	s10 =	sld [smem:$0x3F8A];
	_ =	sdelay $0x3  }
0x37: {  	[smem:$0x3F8A] =	sst s10  }
0x38: {  	s10 =	sld [smem:$0x3F8B]  }
0x39: {  	_ = 	snop;
	(pc) =	sbr.ind lr, $3  }
0x3a: {  	_ = 	snop  }
0x3b: {  	_ = 	snop  }
0x3c: {  	p2 =	seq.s32 s10, $0x1;
	s10 =	sld [smem:$0x3F8A]  }
0x3d: {  	_ =	shalt  }
0x3e: {  	_ =	shalt  }
0x3f: {  	_ =	shalt  }
0x40: {  	_ =	shalt  }
0x41: {  	_ =	shalt  }
0x42: {  	_ =	shalt  }
0x43: {  	_ =	shalt  }
0x44: {  	_ =	shalt  }
0x45: {  	_ =	shalt  }
0x46: {  	_ =	shalt  }
0x47: {  	_ =	shalt  }
0x48: {  	_ =	shalt  }
0x49: {  	_ =	shalt  }
0x4a: {  	_ =	shalt  }
0x4b: {  	_ =	shalt  }
0x4c: {  	_ =	shalt  }
0x4d: {  	_ =	shalt  }
0x4e: {  	_ =	shalt  }
0x4f: {  	_ =	shalt  }
0x50: {  	_ =	shalt  }
0x51: {  	_ =	shalt  }
0x52: {  	_ =	shalt  }
0x53: {  	_ =	shalt  }
0x54: {  	_ =	shalt  }
0x55: {  	_ =	shalt  }
0x56: {  	_ =	shalt  }
0x57: {  	_ =	shalt  }
0x58: {  	_ =	shalt  }
0x59: {  	_ =	shalt  }
0x5a: {  	_ =	shalt  }
0x5b: {  	_ =	shalt  }
0x5c: {  	_ =	shalt  }
0x5d: {  	_ =	shalt  }
0x5e: {  	_ =	shalt  }
0x5f: {  	_ =	shalt  }
0x60: {  	_ =	shalt  }
0x61: {  	_ =	shalt  }
0x62: {  	_ =	shalt  }
0x63: {  	_ =	shalt  }
0x64: {  	_ =	shalt  }
0x65: {  	_ =	shalt  }
0x66: {  	_ =	shalt  }
0x67: {  	_ =	shalt  }
0x68: {  	_ =	shalt  }
0x69: {  	_ =	shalt  }
0x6a: {  	_ =	shalt  }
0x6b: {  	_ =	shalt  }
0x6c: {  	_ =	shalt  }
0x6d: {  	_ =	shalt  }
0x6e: {  	_ =	shalt  }
0x6f: {  	_ =	shalt  }
0x70: {  	_ =	shalt  }
0x71: {  	_ =	shalt  }
0x72: {  	_ =	shalt  }
0x73: {  	_ =	shalt  }
0x74: {  	_ =	shalt  }
0x75: {  	_ =	shalt  }
0x76: {  	_ =	shalt  }
0x77: {  	_ =	shalt  }
0x78: {  	_ =	shalt  }
0x79: {  	_ =	shalt  }
0x7a: {  	_ =	shalt  }
0x7b: {  	_ =	shalt  }
0x7c: {  	_ =	shalt  }
0x7d: {  	_ =	shalt  }
0x7e: {  	_ =	shalt  }
0x7f: {  	_ =	shalt  }
0x80: {  	_ =	shalt  }
0x81: {  	_ =	shalt  }
0x82: {  	_ =	shalt  }
0x83: {  	_ =	shalt  }
0x84: {  	_ =	shalt  }
0x85: {  	_ =	shalt  }
0x86: {  	_ =	shalt  }
0x87: {  	_ =	shalt  }
.Lfunc_end0:
.L_simem_size_0:
called_computation.6_lowered:
.L_overlay_start_0:
0x88: {  	s2 =	sld [smem:$0x3FD9]  }
0x89: {  	s3 =	sld [smem:$0x3FFE];
	_ =	sdelay $0x1  }
0x8a: {  	s1 =	srdreg.scid  }
0x8b: {  	s0 =	sand.u32 $0x1, s1  }
0x8c: {  	s17 =	sshll.u32 s0, $0xA;
	s2 =	sadd.s32 s3, s2  }
0x8d: {  	s2 =	sadd.s32 s2, s17  }
0x8e: {  	[smem:$0x3F96] =	sst s2  }
0x8f: {  	_ = 	snop  }
0x90: {  	(tm) =	ssettm $0x1  }
0x91: {  	s18 =	sld [smem:$0x3FFB];
	_ =	sdelay $0x3  }
0x92: {  	_ =	strace s18  }
0x93: {  	s2 =	sld [smem:$0x3FFC];
	_ =	sdelay $0x3  }
0x94: {  	_ =	strace s2  }
0x95: {  	s2 =	sld [smem:$0x3FFD];
	_ =	sdelay $0x3  }
0x96: {  	_ =	strace s2  }
0x97: {  	_ =	strace $0x8FFFFFFF  }
0x98: {  	s19 =	sld [smem:$0x3FDB];
	_ =	sdelay $0x1  }
0x99: {  	s20 =	simm.s32 $_scs_section_size  }
0x9a: {  	s4 =	simm.s32 $_size__tile_overlayer_lowered;
	s5 =	simm.s32 $_tile_overlayer_lowered  }
0x9b: {  	s6 =	simm.s32 $0x1BFF;
	s21 =	sshll.u32 s5, $0x1;
	s3 =	sadd.s32 s20, s19  }
0x9c: {  	s22 =	simm.s32 $0x0;
	s4 =	sshll.u32 s4, $0x1;
	s5 =	sadd.s32 s21, s3  }
0x9d: {  	[timem:s22], [sflag:s6] =	dma.local [hbm:s5], s4  }
0x9e: {  	_ =	swait.ge [sflag:s6], s4  }
0x9f: {  	s4 =	ssub.s32 $0x0, s4;
	[sflag:s6] =	ssyncset.done $0x0  }
0xa0: {  	[sflag:s6] =	ssyncadd.s32 s4;
	_ =	sdelay $0x1  }
0xa1: {  	s23 =	simm.s32 $0x1B8B  }
0xa2: {  	_ =	swait.ge [sflag:s23], $0x1  }
0xa3: {  	[sflag:s23] =	ssyncset.done $0x0  }
0xa4: {  	[sflag:s23] =	ssyncadd.s32 $0xFFFFFFFF  }
0xa5: {  	s4 =	sld [smem:$0x0]  }
0xa6: {  	s5 =	sand.u32 $0xFFFFFFFE, s1  }
0xa7: {  	p0 =	sne.s32 s1, s5  }
0xa8: {  	s5 =	sshll.u32 @p0 s5, $0xE  }
0xa9: {  	s5 =	sadd.s32 @p0 $0x11B8D, s5;
	s6 =	sshll.u32 @p0 s4, $0x11  }
0xaa: {  	s5 =	sor.u32 @p0 s6, s5  }
0xab: {  	[sflag:s5] =	ssyncadd.remote.s32 @p0 $0x1;
	_ =	sdelay $0x1  }
0xac: {  	s5 =	simm.s32 @p0 $0x1B8D  }
0xad: {  	_ =	swait.eq @p0 [sflag:s5], $0x1  }
0xae: {  	[sflag:s5] =	ssyncadd.s32 @p0 $0xFFFFFFFF  }
0xaf: {  	s6 =	sshll.u32 @!p0 s1, $0xE  }
0xb0: {  	s6 =	sor.u32 @!p0 $0x4000, s6;
	s5 =	simm.s32 @!p0 $0x1B8D  }
0xb1: {  	s4 =	sshll.u32 @!p0 s4, $0x11;
	s6 =	sadd.s32 @!p0 $0x11B8D, s6;
	_ =	swait.eq @!p0 [sflag:s5], $0x1  }
0xb2: {  	s4 =	sor.u32 @!p0 s4, s6;
	[sflag:s5] =	ssyncadd.s32 @!p0 $0xFFFFFFFF  }
0xb3: {  	s25 =	simm.s32 $0x1B8E;
	s24 =	sld [smem:$0x3FFE];
	[sflag:s4] =	ssyncadd.remote.s32 @!p0 $0x1  }
0xb4: {  	s26 =	simm.s32 $execute0_lowered;
	[smem:$0x3FD2] =	sst s25  }
0xb5: {  	s5 =	sshll.u32 s26, $0x1;
	_ =	strace $0x80000058;
	[dreg:$0x1] =	wrdreg $0xFFFFFFFF  }
0xb6: {  	s28 =	simm.s32 $_size_execute0_lowered;
	s3 =	sadd.s32 s3, s5;
	[dreg:$0x0] =	wrdreg $0x0  }
0xb7: {  	s5 =	sshll.u32 s28, $0x1;
	[dreg:$0x2] =	wrdreg s3  }
0xb8: {  	[dreg:$0x3] =	wrdreg s5  }
0xb9: {  	[dreg:$0x4] =	wrdreg $0xC0  }
0xba: {  	_ =	task [dreg:s22], $0x5FFFF  }
0xbb: {  	[dreg:$0x1] =	wrdreg $0xFFFFFFFF  }
0xbc: {  	[dreg:$0x0] =	wrdreg $0x60  }
0xbd: {  	[dreg:$0x2] =	wrdreg s24  }
0xbe: {  	[dreg:$0x3] =	wrdreg $0x1C000  }
0xbf: {  	[dreg:$0x4] =	wrdreg $0xA  }
0xc0: {  	_ =	task.clear_ibuf [dreg:s22], $0x5FFFF;
	_ =	strace $0x90000058  }
0xc1: {  	s29 =	simm.s32 $0xA;
	_ =	strace $0x8000005A  }
0xc2: {  	_ =	swait.ge [sflag:s29], $0x1  }
0xc3: {  	[sflag:s29] =	ssyncadd.s32 $0xFFFFFFFF  }
0xc4: {  	_ =	strace $0x9000005A  }
0xc5: {  	_ =	sfence  }
0xc6: {  	s30 =	sld [smem:$0x0];
	_ =	sdelay $0x2  }
0xc7: {  	s31 =	sshll.u32 s1, $0xD;
	s1 =	sshrl.u32 s1, $0x2  }
0xc8: {  	s4 =	sand.u32 $0x4000, s31;
	s1 =	sadd.s32 s1, s30  }
0xc9: {  	s0 =	sor.u32 s4, s0;
	s1 =	sshll.u32 s1, $0x11  }
0xca: {  	s0 =	sor.u32 s1, s0  }
0xcb: {  	s0 =	sadd.s32 $0x8F2B, s0  }
0xcc: {  	[sflag:s0] =	ssyncadd.remote.s32 $0x1  }
0xcd: {  	_ =	sfence.sel $0xFFFF  }
0xce: {  	[dreg:$0x0] =	wrdreg $0xFFFFFFFF;
	(pc) =	sbr.abs _section_cstart, $3  }
0xcf: {  	[dreg:$0x1] =	wrdreg $0xFFFFFFFF  }
0xd0: {  	_ =	task.clear_ibuf [dreg:s22], $0x2FFFF;
	_ =	strace $0x9FFFFFFF  }
0xd1: {  	(tm) =	ssettm $0x7FFFFFFF  }
tec
execute0_lowered:
.L_overlay_start_1:
0x0: {  	(tag) =	ssettag $0x1  }
0x1: {  	s4 =	rddreg [dreg:$0x0]  }
0x2: {  	s1 =	rddreg [dreg:$0x1]  }
0x3: {  	s7 =	stileid.u32;
	s2 =	srdreg.scid  }
0x4: {  	s0 =	rddreg [dreg:$0x2];
	s12 =	simm.s32 $0x0;
	s5 =	sand.u32 $0x1, s2  }
0x5: {  	s3 =	sshll.u32 s7, $0x1;
	s2 =	simm.s32 $0x0;
	s6 =	smul.u32 $0x5000, s7  }
0x6: {  	p0 =	sne.s32 s7, $0x0;
	s3 =	sor.u32 s5, s3;
	s30 =	smul.u32 $0x5000, s5  }
0x7: {  	[smem:$0x7FF] =	sst s2;
	s10 =	ssub.s32 $0x2, s5;
	s11 =	smul.u32 $0x2800, s5  }
0x8: {  	s3 =	smul.u32 $0x1400, s3;
	_ =	strace $0x80000059;
	s31 =	sshrl.u32 s10, $0x1  }
0x9: {  	s8 =	sadd.s32 s6, s4;
	s6 =	sadd.s32 s30, s4;
	s10 =	ssub.s32 s10, s31  }
0xa: {  	s8 =	sadd.s32 s11, s8;
	s11 =	simm.s32 $0x80;
	s3 =	sshrl.u32 s3, $0x3  }
0xb: {  	s5 =	sadd.s32 $0x4DE00, s6;
	s6 =	smax.u32 s10, $0x1;
	s7 =	sadd.s32 $0x93E00, s8  }
0xc: {  	s8 =	sshrl.u32 @!p0 s1, $0x3;
	s10 =	simm.s32 $0x1400;
	s9 =	sadd.s32 s3, s4  }
0xd: {  	s3 =	sadd.s32 $0x34E00, s4;
	s4 =	sadd.s32 $0x8EE00, s9;
	s9 =	simm.s32 $0x1  }
.LBB2_1:
0xe: {  	s13 =	simm.s32 @!p0 $0x1C01  }
0xf: {  	[spmem:s8], [sflag:s13] =	dma.local @!p0 [hbm:s3], $0x5000  }
0x10: {  	s13 =	simm.s32 @!p0 $0x1  }
0x11: {  	_ =	swait.ge @!p0 [sflag:s13], $0x5000  }
0x12: {  	[sflag:s13] =	ssyncset.done @!p0 $0x0  }
0x13: {  	[sflag:s13] =	ssyncadd.s32 @!p0 $0xFFFFB000  }
0x14: {  	[bflag:$0x0] =	sbarrier.arrive $0xFFFF  }
0x15: {  	[tilespmem:s2], [sflag:$0x1] =	stream.linear.gather [hbm4b:s4+s2], $0x1400, $0x38;
	[tilespmem:$0x4400] =	vst v63  }
0x16: {  	_ =	swait.ge [sflag:s9], $0x1400  }
0x17: {  	[sflag:s9] =	ssyncset.done $0x0  }
0x18: {  	s31 =	sadd.s32 $0x0, s7;
	[sflag:s9] =	ssyncadd.s32 $0xFFFFEC00  }
0x19: {  	[tilespmem:s10], [sflag:$0x1] =	stream.linear.gather [hbm4b:s31+s2], $0x800, $0x38;
	[tilespmem:$0x4400] =	vst v63  }
0x1a: {  	_ =	swait.ge [sflag:s9], $0x800  }
0x1b: {  	[sflag:s9] =	ssyncset.done $0x0  }
0x1c: {  	[sflag:s9] =	ssyncadd.s32 $0xFFFFF800  }
0x1d: {  	[spmem:s1] =	stream.indirect.scatter.add.f32 [tilespmem:s10], [sflag:$0x1], $0x10, s2, s11, $0xb8;
	[tilespmem:$0x4400] =	vst v63  }
0x1e: {  	s14 =	simm.s32 $0x100;
	_ =	swait.ge [sflag:s9], $0x800  }
0x1f: {  	s15 =	simm.s32 $0x200;
	s13 =	simm.s32 $0x80;
	[sflag:s9] =	ssyncset.done $0x0  }
.LBB2_2:
0x20: {  	s16 =	sadd.s32 s14, s7  }
0x21: {  	[sflag:s9] =	ssyncadd.s32 $0xFFFFF800;
	s14 =	smov.u32 s15;
	s17 =	sadd.s32 $0x100, s15  }
0x22: {  	[tilespmem:s10], [sflag:$0x1] =	stream.linear.gather [hbm4b:s16+s2], $0x800, $0x38;
	[tilespmem:$0x4400] =	vst v63  }
0x23: {  	p1 =	sne.s32 s15, $0x2700;
	_ =	swait.ge [sflag:s9], $0x800  }
.Ltmp0:
0x24: {  	[sflag:s9] =	ssyncset.done $0x0;
	(pc) =	sbr.rel @p1 .LBB2_2-.Ltmp0, $4  }
0x25: {  	[sflag:s9] =	ssyncadd.s32 $0xFFFFF800  }
0x26: {  	[spmem:s1] =	stream.indirect.scatter.add.f32 [tilespmem:s10], [sflag:$0x1], $0x10, s13, s11, $0xb8;
	[tilespmem:$0x4400] =	vst v63  }
0x27: {  	_ =	swait.ge [sflag:s9], $0x800  }
0x28: {  	s15 =	smov.u32 s17;
	s13 =	sadd.s32 $0x80, s13;
	[sflag:s9] =	ssyncset.done $0x0  }
0x29: {  	s14 =	sadd.s32 s14, s7;
	[sflag:s9] =	ssyncadd.s32 $0xFFFFF800  }
0x2a: {  	[tilespmem:s10], [sflag:$0x1] =	stream.linear.gather [hbm4b:s14+s2], $0x800, $0x38;
	[tilespmem:$0x4400] =	vst v63  }
0x2b: {  	_ =	swait.ge [sflag:s9], $0x800  }
0x2c: {  	[sflag:s9] =	ssyncset.done $0x0  }
0x2d: {  	[sflag:s9] =	ssyncadd.s32 $0xFFFFF800  }
0x2e: {  	[spmem:s1] =	stream.indirect.scatter.add.f32 [tilespmem:s10], [sflag:$0x1], $0x10, s13, s11, $0xb8;
	[tilespmem:$0x4400] =	vst v63  }
0x2f: {  	_ =	swait.ge [sflag:s9], $0x800  }
0x30: {  	[sflag:s9] =	ssyncset.done $0x0  }
0x31: {  	s12 =	sadd.s32 $0x1, s12;
	[sflag:s9] =	ssyncadd.s32 $0xFFFFF800  }
0x32: {  	p1 =	sne.s32 s12, s6;
	s13 =	simm.s32 @!p0 $0x1C01;
	[bflag:$0x0] =	sbarrier.arrive $0xFFFF  }
0x33: {  	[hbm:s5], [sflag:s13] =	dma.local @!p0 [spmem:s8], $0x5000  }
.Ltmp1:
0x34: {  	_ = 	snop;
	(pc) =	sbr.rel @p1 .LBB2_1-.Ltmp1, $4  }
0x35: {  	s13 =	simm.s32 @!p0 $0x1  }
0x36: {  	_ =	swait.ge @!p0 [sflag:s13], $0x5000  }
0x37: {  	[sflag:s13] =	ssyncset.done @!p0 $0x0  }
0x38: {  	[sflag:s13] =	ssyncadd.s32 @!p0 $0xFFFFB000  }
0x39: {  	_ =	sfence.sel $0x180000  }
0x3a: {  	[bflag:$0x0] =	sbarrier.arrive $0xFFFF  }
0x3b: {  	_ =	strace $0x90000059  }
0x3c: {  	s0 =	sadd.s32 @!p0 $0x100000, s0;
	[bflag:$0x2] =	sbarrier.arrive $0xFFFF  }
0x3d: {  	[sflag:s0] =	ssyncadd.tile.s32 @!p0 $0x1;
	_ =	shalt  }
.Lfunc_end2:
_tile_overlayer_lowered:
.L_overlay_start_2:
0x3e: {  	(tag) =	ssettag $0x2  }
0x3f: {  	s0 =	rddreg [dreg:$0x0];
	s2 =	stileid.u32  }
0x40: {  	s1 =	rddreg [dreg:$0x1];
	p0 =	sne.s32 s2, $0x0  }
0x41: {  	s3 =	rddreg [dreg:$0x2];
	[bflag:$0x3] =	sbarrier.arrive $0xFFFF;
	s2 =	simm.s32 @!p0 $0x1C01  }
0x42: {  	[timem:s3], [sflag:s2] =	dma.local @!p0 [hbm:s0], s1  }
0x43: {  	s0 =	simm.s32 @!p0 $0x1  }
0x44: {  	_ =	swait.ge @!p0 [sflag:s0], s1  }
0x45: {  	s1 =	ssub.s32 @!p0 $0x0, s1;
	[sflag:s0] =	ssyncset.done @!p0 $0x0  }
0x46: {  	[sflag:s0] =	ssyncadd.s32 @!p0 s1  }
0x47: {  	[bflag:$0x3] =	sbarrier.arrive $0xFFFF  }
0x48: {  	_ =	shalt  }

// kernel: kernel.43.cloned.1.call-start
scs
__scs_entry_jumppad:
0x0: {  	(pc) =	sbr.rel $0x88, $3  }
0x1: {  	(tag) =	ssettag $0x0;
	lr =	simm.s32 $0x1  }
0x2: {  	[smem:$0x3F6F] =	sst lr;
	_ =	strace $0xD0000000  }
0x3: {  	_ = 	snop  }
0x4: {  	_ = 	snop  }
0x5: {  	_ = 	snop  }
0x6: {  	_ = 	snop  }
0x7: {  	_ = 	snop  }
__scs_overlays_trampoline_lowered:
0x8: {  	[smem:$0x3F7E] =	sst s0  }
0x9: {  	[smem:$0x3F7F] =	sst s1  }
0xa: {  	[smem:$0x3F80] =	sst s2  }
0xb: {  	[smem:$0x3F81] =	sst s3  }
0xc: {  	[smem:$0x3F82] =	sst s4  }
0xd: {  	[smem:$0x3F83] =	sst s5  }
0xe: {  	[smem:$0x3F84] =	sst s6  }
0xf: {  	[smem:$0x3F85] =	sst s7  }
0x10: {  	[smem:$0x3F86] =	sst s8  }
0x11: {  	[smem:$0x3F87] =	sst s9;
	s0 =	simm.s32 @!p0 $0x0  }
0x12: {  	s1 =	sld [smem:$0x3F6D];
	s0 =	simm.s32 @p0 $0x1  }
0x13: {  	[smem:$0x3F88] =	sst s0;
	s0 =	simm.s32 @!p1 $0x0  }
0x14: {  	s2 =	sld [smem:$0x3F6C];
	s0 =	simm.s32 @p1 $0x1  }
0x15: {  	[smem:$0x3F89] =	sst s0;
	s0 =	simm.s32 @!p2 $0x0  }
0x16: {  	s3 =	sld [smem:$0x3FDB];
	s0 =	simm.s32 @p2 $0x1  }
0x17: {  	s4 =	simm.s32 $0x1BF5;
	[smem:$0x3F8B] =	sst s0  }
0x18: {  	s0 =	sld [smem:$0x3F6E];
	_ =	swait.ge [sflag:s4], $0x0  }
0x19: {  	s7 =	sld [smem:$0x3F6F]  }
0x1a: {  	s8 =	sadd.s32 $0xFFFFE003, lr  }
0x1b: {  	s9 =	sadd.s32 $0xFFFFFEF7, lr;
	s5 =	simm.s32 $0xFFFFFFFF;
	p2 =	slt.u32 s8, $0xFFFFF086  }
0x1c: {  	p1 =	slt.u32 s9, $0xF7A;
	s5 =	simm.s32 @!p2 $0x0  }
0x1d: {  	s5 =	simm.s32 @p1 $0x1;
	p0 =	seq.s32 s7, s2  }
0x1e: {  	s7 =	smul.u32 @!p0 $0xF7A, s2;
	p2 =	seq.s32 @!p0 s5, $0x0  }
0x1f: {  	s9 =	smul.u32 $0xF7A, s1;
	s8 =	simm.s32 @!p0 $0x1BF5;
	p2 =	por !p2, p0  }
0x20: {  	[sflag:s8] =	ssyncset.s32 @!p0 $0xFFFFF086;
	s6 =	sadd.s32 @!p0 s3, s7;
	s7 =	simm.s32 @!p0 $0x108  }
0x21: {  	s3 =	sadd.s32 s3, s9;
	s6 =	sadd.s32 @!p0 $0x88, s6;
	s7 =	simm.s32 @p2 $0x1082  }
0x22: {  	[simem:s7], [sflag:s8] =	dma.local @!p0 [hbm:s6], $0xF7A  }
0x23: {  	s9 =	sor.u32 $0xD0000000, s2;
	s6 =	simm.s32 $0x108;
	_ =	swait.ge @!p0 [sflag:s8], $0x0  }
0x24: {  	s3 =	sadd.s32 $0x88, s3;
	s6 =	simm.s32 @!p1 $0x1082;
	[sflag:s4] =	ssyncset.s32 $0xFFFFF086  }
0x25: {  	[simem:s6], [sflag:s4] =	dma.local [hbm:s3], $0xF7A  }
0x26: {  	[smem:$0x3F6F] =	sst s1;
	(tag) =	ssettag s2;
	_ =	strace s9  }
0x27: {  	s1 =	sld [smem:$0x3F7F]  }
0x28: {  	s2 =	sld [smem:$0x3F80]  }
0x29: {  	s4 =	sld [smem:$0x3F82]  }
0x2a: {  	p0 =	seq.s32 s5, $0x0;
	s5 =	sld [smem:$0x3F83]  }
0x2b: {  	s6 =	sld [smem:$0x3F84]  }
0x2c: {  	s7 =	sld [smem:$0x3F85]  }
0x2d: {  	s3 =	simm.s32 $0x108;
	s8 =	sld [smem:$0x3F86]  }
0x2e: {  	s3 =	simm.s32 @!p0 $0x1082;
	s9 =	sld [smem:$0x3F87]  }
0x2f: {  	lr =	sadd.s32 s0, s3;
	s0 =	sld [smem:$0x3F7E]  }
0x30: {  	s3 =	sld [smem:$0x3F81]  }
0x31: {  	[smem:$0x3F8A] =	sst s10  }
0x32: {  	s10 =	sld [smem:$0x3F88];
	_ =	sdelay $0x3  }
0x33: {  	p0 =	seq.s32 s10, $0x1;
	s10 =	sld [smem:$0x3F8A];
	_ =	sdelay $0x3  }
0x34: {  	[smem:$0x3F8A] =	sst s10  }
0x35: {  	s10 =	sld [smem:$0x3F89];
	_ =	sdelay $0x3  }
0x36: {  	p1 =	seq.s32 s10, $0x1;
	s10 =	sld [smem:$0x3F8A];
	_ =	sdelay $0x3  }
0x37: {  	[smem:$0x3F8A] =	sst s10  }
0x38: {  	s10 =	sld [smem:$0x3F8B]  }
0x39: {  	_ = 	snop;
	(pc) =	sbr.ind lr, $3  }
0x3a: {  	_ = 	snop  }
0x3b: {  	_ = 	snop  }
0x3c: {  	p2 =	seq.s32 s10, $0x1;
	s10 =	sld [smem:$0x3F8A]  }
0x3d: {  	_ =	shalt  }
0x3e: {  	_ =	shalt  }
0x3f: {  	_ =	shalt  }
0x40: {  	_ =	shalt  }
0x41: {  	_ =	shalt  }
0x42: {  	_ =	shalt  }
0x43: {  	_ =	shalt  }
0x44: {  	_ =	shalt  }
0x45: {  	_ =	shalt  }
0x46: {  	_ =	shalt  }
0x47: {  	_ =	shalt  }
0x48: {  	_ =	shalt  }
0x49: {  	_ =	shalt  }
0x4a: {  	_ =	shalt  }
0x4b: {  	_ =	shalt  }
0x4c: {  	_ =	shalt  }
0x4d: {  	_ =	shalt  }
0x4e: {  	_ =	shalt  }
0x4f: {  	_ =	shalt  }
0x50: {  	_ =	shalt  }
0x51: {  	_ =	shalt  }
0x52: {  	_ =	shalt  }
0x53: {  	_ =	shalt  }
0x54: {  	_ =	shalt  }
0x55: {  	_ =	shalt  }
0x56: {  	_ =	shalt  }
0x57: {  	_ =	shalt  }
0x58: {  	_ =	shalt  }
0x59: {  	_ =	shalt  }
0x5a: {  	_ =	shalt  }
0x5b: {  	_ =	shalt  }
0x5c: {  	_ =	shalt  }
0x5d: {  	_ =	shalt  }
0x5e: {  	_ =	shalt  }
0x5f: {  	_ =	shalt  }
0x60: {  	_ =	shalt  }
0x61: {  	_ =	shalt  }
0x62: {  	_ =	shalt  }
0x63: {  	_ =	shalt  }
0x64: {  	_ =	shalt  }
0x65: {  	_ =	shalt  }
0x66: {  	_ =	shalt  }
0x67: {  	_ =	shalt  }
0x68: {  	_ =	shalt  }
0x69: {  	_ =	shalt  }
0x6a: {  	_ =	shalt  }
0x6b: {  	_ =	shalt  }
0x6c: {  	_ =	shalt  }
0x6d: {  	_ =	shalt  }
0x6e: {  	_ =	shalt  }
0x6f: {  	_ =	shalt  }
0x70: {  	_ =	shalt  }
0x71: {  	_ =	shalt  }
0x72: {  	_ =	shalt  }
0x73: {  	_ =	shalt  }
0x74: {  	_ =	shalt  }
0x75: {  	_ =	shalt  }
0x76: {  	_ =	shalt  }
0x77: {  	_ =	shalt  }
0x78: {  	_ =	shalt  }
0x79: {  	_ =	shalt  }
0x7a: {  	_ =	shalt  }
0x7b: {  	_ =	shalt  }
0x7c: {  	_ =	shalt  }
0x7d: {  	_ =	shalt  }
0x7e: {  	_ =	shalt  }
0x7f: {  	_ =	shalt  }
0x80: {  	_ =	shalt  }
0x81: {  	_ =	shalt  }
0x82: {  	_ =	shalt  }
0x83: {  	_ =	shalt  }
0x84: {  	_ =	shalt  }
0x85: {  	_ =	shalt  }
0x86: {  	_ =	shalt  }
0x87: {  	_ =	shalt  }
.Lfunc_end0:
.L_simem_size_0:
called_computation.7_lowered:
.L_overlay_start_0:
0x88: {  	s2 =	sld [smem:$0x3FD9]  }
0x89: {  	s3 =	sld [smem:$0x3FFE];
	_ =	sdelay $0x1  }
0x8a: {  	s1 =	srdreg.scid  }
0x8b: {  	s0 =	sand.u32 $0x1, s1  }
0x8c: {  	s16 =	sshll.u32 s0, $0xA;
	s2 =	sadd.s32 s3, s2  }
0x8d: {  	s2 =	sadd.s32 s2, s16  }
0x8e: {  	[smem:$0x3F96] =	sst s2  }
0x8f: {  	_ = 	snop  }
0x90: {  	(tm) =	ssettm $0x1  }
0x91: {  	s17 =	sld [smem:$0x3FFB];
	_ =	sdelay $0x3  }
0x92: {  	_ =	strace s17  }
0x93: {  	s2 =	sld [smem:$0x3FFC];
	_ =	sdelay $0x3  }
0x94: {  	_ =	strace s2  }
0x95: {  	s2 =	sld [smem:$0x3FFD];
	_ =	sdelay $0x3  }
0x96: {  	_ =	strace s2  }
0x97: {  	_ =	strace $0x8FFFFFFF  }
0x98: {  	s18 =	sld [smem:$0x3FDB];
	_ =	sdelay $0x1  }
0x99: {  	s19 =	simm.s32 $_scs_section_size  }
0x9a: {  	s4 =	simm.s32 $_size__tile_overlayer_lowered;
	s5 =	simm.s32 $_tile_overlayer_lowered  }
0x9b: {  	s22 =	simm.s32 $0x1BFF;
	s21 =	sshll.u32 s5, $0x1;
	s2 =	sadd.s32 s19, s18  }
0x9c: {  	s6 =	simm.s32 $0x0;
	s20 =	sshll.u32 s4, $0x1;
	s4 =	sadd.s32 s21, s2  }
0x9d: {  	[timem:s6], [sflag:s22] =	dma.local [hbm:s4], s20  }
0x9e: {  	_ =	swait.ge [sflag:s22], s20  }
0x9f: {  	s3 =	ssub.s32 $0x0, s20;
	[sflag:s22] =	ssyncset.done $0x0  }
0xa0: {  	[sflag:s22] =	ssyncadd.s32 s3;
	_ =	sdelay $0x1  }
0xa1: {  	s23 =	simm.s32 $0x1B8B  }
0xa2: {  	_ =	swait.ge [sflag:s23], $0x1  }
0xa3: {  	[sflag:s23] =	ssyncset.done $0x0  }
0xa4: {  	s25 =	simm.s32 $0x1B8E;
	s24 =	sld [smem:$0x3FFE];
	[sflag:s23] =	ssyncadd.s32 $0xFFFFFFFF  }
0xa5: {  	s26 =	simm.s32 $execute0_lowered;
	[smem:$0x3FD2] =	sst s25  }
0xa6: {  	s4 =	sshll.u32 s26, $0x1;
	_ =	strace $0x8000005B;
	[dreg:$0x1] =	wrdreg $0xFFFFFFFF  }
0xa7: {  	s28 =	simm.s32 $_size_execute0_lowered;
	s2 =	sadd.s32 s2, s4;
	[dreg:$0x0] =	wrdreg $0x0  }
0xa8: {  	s4 =	sshll.u32 s28, $0x1;
	[dreg:$0x2] =	wrdreg s2  }
0xa9: {  	[dreg:$0x3] =	wrdreg s4  }
0xaa: {  	[dreg:$0x4] =	wrdreg $0xC0  }
0xab: {  	_ =	task [dreg:s6], $0x5FFFF  }
0xac: {  	[dreg:$0x1] =	wrdreg $0xFFFFFFFF  }
0xad: {  	[dreg:$0x0] =	wrdreg $0x60  }
0xae: {  	[dreg:$0x2] =	wrdreg s24  }
0xaf: {  	[dreg:$0x3] =	wrdreg $0x68000  }
0xb0: {  	[dreg:$0x4] =	wrdreg $0x9  }
0xb1: {  	_ =	task.clear_ibuf [dreg:s6], $0x5FFFF;
	_ =	strace $0x9000005B  }
0xb2: {  	s29 =	simm.s32 $0x9;
	_ =	strace $0x8000005D  }
0xb3: {  	_ =	swait.ge [sflag:s29], $0x1  }
0xb4: {  	[sflag:s29] =	ssyncadd.s32 $0xFFFFFFFF  }
0xb5: {  	_ =	strace $0x9000005D  }
0xb6: {  	_ =	sfence  }
0xb7: {  	s30 =	sld [smem:$0x0];
	_ =	sdelay $0x2  }
0xb8: {  	s31 =	sshll.u32 s1, $0xD;
	s1 =	sshrl.u32 s1, $0x2  }
0xb9: {  	s3 =	sand.u32 $0x4000, s31;
	s1 =	sadd.s32 s1, s30  }
0xba: {  	s0 =	sor.u32 s3, s0;
	s1 =	sshll.u32 s1, $0x11  }
0xbb: {  	s0 =	sor.u32 s1, s0  }
0xbc: {  	s0 =	sadd.s32 $0x8F2B, s0  }
0xbd: {  	[sflag:s0] =	ssyncadd.remote.s32 $0x1  }
0xbe: {  	_ =	sfence.sel $0xFFFF  }
0xbf: {  	[dreg:$0x0] =	wrdreg $0xFFFFFFFF;
	(pc) =	sbr.abs _section_cstart, $3  }
0xc0: {  	[dreg:$0x1] =	wrdreg $0xFFFFFFFF  }
0xc1: {  	_ =	task.clear_ibuf [dreg:s6], $0x2FFFF;
	_ =	strace $0x9FFFFFFF  }
0xc2: {  	(tm) =	ssettm $0x7FFFFFFF  }
0xc3: {  	_ =	shalt  }
tec
execute0_lowered:
.L_overlay_start_1:
0x0: {  	(tag) =	ssettag $0x1  }
0x1: {  	s5 =	rddreg [dreg:$0x0];
	s0 =	srdreg.scid  }
0x2: {  	s7 =	stileid.u32;
	s1 =	rddreg [dreg:$0x1];
	s2 =	simm.s32 $0x0  }
0x3: {  	s12 =	simm.s32 $0x80;
	s13 =	simm.s32 $0x2800;
	s14 =	simm.s32 $0x1  }
0x4: {  	s15 =	simm.s32 $0x0;
	s3 =	sand.u32 $0x1, s0;
	s0 =	rddreg [dreg:$0x2]  }
0x5: {  	s4 =	sshll.u32 s7, $0x1;
	[smem:$0x7FF] =	sst s2;
	p0 =	sne.s32 s7, $0x0  }
0x6: {  	s4 =	sor.u32 s3, s4;
	s6 =	smul.u32 $0x28000, s3;
	s8 =	ssub.s32 $0x2, s3  }
0x7: {  	_ =	strace $0x8000005C;
	s4 =	smul.u32 $0x280, s4;
	s10 =	sshrl.u32 s8, $0x1  }
0x8: {  	s3 =	sadd.s32 $0xCE00, s5;
	s11 =	sadd.s32 s6, s5;
	s8 =	ssub.s32 s8, s10  }
0x9: {  	s10 =	simm.s32 $0x2;
	s9 =	sadd.s32 s4, s5;
	s4 =	sadd.s32 $0x93E00, s5  }
0xa: {  	s7 =	sadd.s32 $0xBBE00, s11;
	s8 =	smax.u32 s8, $0x1;
	s11 =	simm.s32 $0x1400  }
0xb: {  	s5 =	sadd.s32 $0x39E00, s9;
	s6 =	sadd.s32 $0x8EE00, s9;
	s9 =	sshrl.u32 @!p0 s1, $0x3  }
.LBB2_1:
0xc: {  	s16 =	simm.s32 @!p0 $0x1C02  }
0xd: {  	[spmem:s9], [sflag:s16] =	dma.local @!p0 [hbm:s4], $0x28000  }
0xe: {  	s16 =	simm.s32 @!p0 $0x2  }
0xf: {  	_ =	swait.ge @!p0 [sflag:s16], $0x28000  }
0x10: {  	[sflag:s16] =	ssyncset.done @!p0 $0x0  }
0x11: {  	[sflag:s16] =	ssyncadd.s32 @!p0 $0xFFFD8000  }
0x12: {  	[bflag:$0x0] =	sbarrier.arrive $0xFFFF  }
0x13: {  	[tilespmem:s2], [sflag:$0x2] =	stream.linear.gather [hbm4b:s5+s2], $0x1400, $0x38;
	[tilespmem:$0x1A800] =	vst v63  }
0x14: {  	_ =	swait.ge [sflag:s10], $0x1400  }
0x15: {  	[sflag:s10] =	ssyncset.done $0x0  }
0x16: {  	[sflag:s10] =	ssyncadd.s32 $0xFFFFEC00  }
0x17: {  	[tilespmem:s11], [sflag:$0x2] =	stream.linear.gather [hbm4b:s6+s2], $0x1400, $0x38;
	[tilespmem:$0x1A800] =	vst v63  }
0x18: {  	_ =	swait.ge [sflag:s10], $0x1400  }
0x19: {  	[sflag:s10] =	ssyncset.done $0x0  }
0x1a: {  	s30 =	simm.s32 $0x0;
	[sflag:s10] =	ssyncadd.s32 $0xFFFFEC00  }
0x1b: {  	[tilespmem:s13], [sflag:$0x1] =	stream.indirect.gather [hbm4b:s3+s12], $0x80, s30, s12, $0xb8;
	[tilespmem:$0x1A800] =	vst v63  }
0x1c: {  	_ =	swait.ge [sflag:s14], $0x4000  }
0x1d: {  	[sflag:s14] =	ssyncset.done $0x0  }
0x1e: {  	s31 =	simm.s32 $0x1400;
	[sflag:s14] =	ssyncadd.s32 $0xFFFFC000  }
0x1f: {  	[spmem:s1] =	stream.indirect.scatter.add.f32 [tilespmem:s13], [sflag:$0x2], $0x80, s31, s12, $0xb8;
	[tilespmem:$0x1A800] =	vst v63  }
0x20: {  	_ =	swait.ge [sflag:s10], $0x4000  }
0x21: {  	s17 =	simm.s32 $0x400;
	s16 =	simm.s32 $0x200;
	[sflag:s10] =	ssyncset.done $0x0  }
.LBB2_2:
0x22: {  	s18 =	sshra.s32 s16, $0x2  }
0x23: {  	[sflag:s10] =	ssyncadd.s32 $0xFFFFC000;
	s16 =	smov.u32 s17;
	s19 =	sadd.s32 $0x200, s17  }
0x24: {  	[tilespmem:s13], [sflag:$0x1] =	stream.indirect.gather [hbm4b:s3+s12], $0x80, s18, s12, $0xb8;
	[tilespmem:$0x1A800] =	vst v63  }
0x25: {  	p1 =	sne.s32 s17, $0x4E00;
	_ =	swait.ge [sflag:s14], $0x4000  }
.Ltmp0:
0x26: {  	[sflag:s14] =	ssyncset.done $0x0;
	(pc) =	sbr.rel @p1 .LBB2_2-.Ltmp0, $4  }
0x27: {  	s17 =	sadd.s32 $0x1400, s18;
	[sflag:s14] =	ssyncadd.s32 $0xFFFFC000  }
0x28: {  	[spmem:s1] =	stream.indirect.scatter.add.f32 [tilespmem:s13], [sflag:$0x2], $0x80, s17, s12, $0xb8;
	[tilespmem:$0x1A800] =	vst v63  }
0x29: {  	_ =	swait.ge [sflag:s10], $0x4000  }
0x2a: {  	s17 =	smov.u32 s19;
	[sflag:s10] =	ssyncset.done $0x0  }
0x2b: {  	s16 =	sshra.s32 s16, $0x2;
	[sflag:s10] =	ssyncadd.s32 $0xFFFFC000  }
0x2c: {  	[tilespmem:s13], [sflag:$0x1] =	stream.indirect.gather [hbm4b:s3+s12], $0x80, s16, s12, $0xb8;
	[tilespmem:$0x1A800] =	vst v63  }
0x2d: {  	_ =	swait.ge [sflag:s14], $0x4000  }
0x2e: {  	[sflag:s14] =	ssyncset.done $0x0  }
0x2f: {  	s16 =	sadd.s32 $0x1400, s16;
	[sflag:s14] =	ssyncadd.s32 $0xFFFFC000  }
0x30: {  	[spmem:s1] =	stream.indirect.scatter.add.f32 [tilespmem:s13], [sflag:$0x2], $0x80, s16, s12, $0xb8;
	[tilespmem:$0x1A800] =	vst v63  }
0x31: {  	_ =	swait.ge [sflag:s10], $0x4000  }
0x32: {  	[sflag:s10] =	ssyncset.done $0x0  }
0x33: {  	s15 =	sadd.s32 $0x1, s15;
	[sflag:s10] =	ssyncadd.s32 $0xFFFFC000  }
0x34: {  	p1 =	sne.s32 s15, s8;
	s16 =	simm.s32 @!p0 $0x1C02;
	[bflag:$0x0] =	sbarrier.arrive $0xFFFF  }
0x35: {  	[hbm:s7], [sflag:s16] =	dma.local @!p0 [spmem:s9], $0x28000  }
.Ltmp1:
0x36: {  	_ = 	snop;
	(pc) =	sbr.rel @p1 .LBB2_1-.Ltmp1, $4  }
0x37: {  	s16 =	simm.s32 @!p0 $0x2  }
0x38: {  	_ =	swait.ge @!p0 [sflag:s16], $0x28000  }
0x39: {  	[sflag:s16] =	ssyncset.done @!p0 $0x0  }
0x3a: {  	[sflag:s16] =	ssyncadd.s32 @!p0 $0xFFFD8000  }
0x3b: {  	_ =	sfence.sel $0x180000  }
0x3c: {  	[bflag:$0x0] =	sbarrier.arrive $0xFFFF  }
0x3d: {  	_ =	strace $0x9000005C  }
0x3e: {  	s0 =	sadd.s32 @!p0 $0x100000, s0;
	[bflag:$0x2] =	sbarrier.arrive $0xFFFF  }
0x3f: {  	[sflag:s0] =	ssyncadd.tile.s32 @!p0 $0x1;
	_ =	shalt  }
.Lfunc_end2:
_tile_overlayer_lowered:
.L_overlay_start_2:
0x40: {  	(tag) =	ssettag $0x2  }
0x41: {  	s0 =	rddreg [dreg:$0x0];
	s2 =	stileid.u32  }
0x42: {  	s1 =	rddreg [dreg:$0x1];
	p0 =	sne.s32 s2, $0x0  }
0x43: {  	s3 =	rddreg [dreg:$0x2];
	[bflag:$0x3] =	sbarrier.arrive $0xFFFF;
	s2 =	simm.s32 @!p0 $0x1C02  }
0x44: {  	[timem:s3], [sflag:s2] =	dma.local @!p0 [hbm:s0], s1  }
0x45: {  	s0 =	simm.s32 @!p0 $0x2  }
0x46: {  	_ =	swait.ge @!p0 [sflag:s0], s1  }
0x47: {  	s1 =	ssub.s32 @!p0 $0x0, s1;
	[sflag:s0] =	ssyncset.done @!p0 $0x0  }
0x48: {  	[sflag:s0] =	ssyncadd.s32 @!p0 s1  }
0x49: {  	[bflag:$0x3] =	sbarrier.arrive $0xFFFF  }
0x4a: {  	_ =	shalt  }

// kernel: kernel.46.cloned.1.call-start
scs
__scs_entry_jumppad:
0x0: {  	(pc) =	sbr.rel $0x88, $3  }
0x1: {  	(tag) =	ssettag $0x0;
	lr =	simm.s32 $0x1  }
0x2: {  	[smem:$0x3F6F] =	sst lr;
	_ =	strace $0xD0000000  }
0x3: {  	_ = 	snop  }
0x4: {  	_ = 	snop  }
0x5: {  	_ = 	snop  }
0x6: {  	_ = 	snop  }
0x7: {  	_ = 	snop  }
__scs_overlays_trampoline_lowered:
0x8: {  	[smem:$0x3F7E] =	sst s0  }
0x9: {  	[smem:$0x3F7F] =	sst s1  }
0xa: {  	[smem:$0x3F80] =	sst s2  }
0xb: {  	[smem:$0x3F81] =	sst s3  }
0xc: {  	[smem:$0x3F82] =	sst s4  }
0xd: {  	[smem:$0x3F83] =	sst s5  }
0xe: {  	[smem:$0x3F84] =	sst s6  }
0xf: {  	[smem:$0x3F85] =	sst s7  }
0x10: {  	[smem:$0x3F86] =	sst s8  }
0x11: {  	[smem:$0x3F87] =	sst s9;
	s0 =	simm.s32 @!p0 $0x0  }
0x12: {  	s1 =	sld [smem:$0x3F6D];
	s0 =	simm.s32 @p0 $0x1  }
0x13: {  	[smem:$0x3F88] =	sst s0;
	s0 =	simm.s32 @!p1 $0x0  }
0x14: {  	s2 =	sld [smem:$0x3F6C];
	s0 =	simm.s32 @p1 $0x1  }
0x15: {  	[smem:$0x3F89] =	sst s0;
	s0 =	simm.s32 @!p2 $0x0  }
0x16: {  	s3 =	sld [smem:$0x3FDB];
	s0 =	simm.s32 @p2 $0x1  }
0x17: {  	s4 =	simm.s32 $0x1BF5;
	[smem:$0x3F8B] =	sst s0  }
0x18: {  	s0 =	sld [smem:$0x3F6E];
	_ =	swait.ge [sflag:s4], $0x0  }
0x19: {  	s7 =	sld [smem:$0x3F6F]  }
0x1a: {  	s8 =	sadd.s32 $0xFFFFE003, lr  }
0x1b: {  	s9 =	sadd.s32 $0xFFFFFEF7, lr;
	s5 =	simm.s32 $0xFFFFFFFF;
	p2 =	slt.u32 s8, $0xFFFFF086  }
0x1c: {  	p1 =	slt.u32 s9, $0xF7A;
	s5 =	simm.s32 @!p2 $0x0  }
0x1d: {  	s5 =	simm.s32 @p1 $0x1;
	p0 =	seq.s32 s7, s2  }
0x1e: {  	s7 =	smul.u32 @!p0 $0xF7A, s2;
	p2 =	seq.s32 @!p0 s5, $0x0  }
0x1f: {  	s9 =	smul.u32 $0xF7A, s1;
	s8 =	simm.s32 @!p0 $0x1BF5;
	p2 =	por !p2, p0  }
0x20: {  	[sflag:s8] =	ssyncset.s32 @!p0 $0xFFFFF086;
	s6 =	sadd.s32 @!p0 s3, s7;
	s7 =	simm.s32 @!p0 $0x108  }
0x21: {  	s3 =	sadd.s32 s3, s9;
	s6 =	sadd.s32 @!p0 $0x88, s6;
	s7 =	simm.s32 @p2 $0x1082  }
0x22: {  	[simem:s7], [sflag:s8] =	dma.local @!p0 [hbm:s6], $0xF7A  }
0x23: {  	s9 =	sor.u32 $0xD0000000, s2;
	s6 =	simm.s32 $0x108;
	_ =	swait.ge @!p0 [sflag:s8], $0x0  }
0x24: {  	s3 =	sadd.s32 $0x88, s3;
	s6 =	simm.s32 @!p1 $0x1082;
	[sflag:s4] =	ssyncset.s32 $0xFFFFF086  }
0x25: {  	[simem:s6], [sflag:s4] =	dma.local [hbm:s3], $0xF7A  }
0x26: {  	[smem:$0x3F6F] =	sst s1;
	(tag) =	ssettag s2;
	_ =	strace s9  }
0x27: {  	s1 =	sld [smem:$0x3F7F]  }
0x28: {  	s2 =	sld [smem:$0x3F80]  }
0x29: {  	s4 =	sld [smem:$0x3F82]  }
0x2a: {  	p0 =	seq.s32 s5, $0x0;
	s5 =	sld [smem:$0x3F83]  }
0x2b: {  	s6 =	sld [smem:$0x3F84]  }
0x2c: {  	s7 =	sld [smem:$0x3F85]  }
0x2d: {  	s3 =	simm.s32 $0x108;
	s8 =	sld [smem:$0x3F86]  }
0x2e: {  	s3 =	simm.s32 @!p0 $0x1082;
	s9 =	sld [smem:$0x3F87]  }
0x2f: {  	lr =	sadd.s32 s0, s3;
	s0 =	sld [smem:$0x3F7E]  }
0x30: {  	s3 =	sld [smem:$0x3F81]  }
0x31: {  	[smem:$0x3F8A] =	sst s10  }
0x32: {  	s10 =	sld [smem:$0x3F88];
	_ =	sdelay $0x3  }
0x33: {  	p0 =	seq.s32 s10, $0x1;
	s10 =	sld [smem:$0x3F8A];
	_ =	sdelay $0x3  }
0x34: {  	[smem:$0x3F8A] =	sst s10  }
0x35: {  	s10 =	sld [smem:$0x3F89];
	_ =	sdelay $0x3  }
0x36: {  	p1 =	seq.s32 s10, $0x1;
	s10 =	sld [smem:$0x3F8A];
	_ =	sdelay $0x3  }
0x37: {  	[smem:$0x3F8A] =	sst s10  }
0x38: {  	s10 =	sld [smem:$0x3F8B]  }
0x39: {  	_ = 	snop;
	(pc) =	sbr.ind lr, $3  }
0x3a: {  	_ = 	snop  }
0x3b: {  	_ = 	snop  }
0x3c: {  	p2 =	seq.s32 s10, $0x1;
	s10 =	sld [smem:$0x3F8A]  }
0x3d: {  	_ =	shalt  }
0x3e: {  	_ =	shalt  }
0x3f: {  	_ =	shalt  }
0x40: {  	_ =	shalt  }
0x41: {  	_ =	shalt  }
0x42: {  	_ =	shalt  }
0x43: {  	_ =	shalt  }
0x44: {  	_ =	shalt  }
0x45: {  	_ =	shalt  }
0x46: {  	_ =	shalt  }
0x47: {  	_ =	shalt  }
0x48: {  	_ =	shalt  }
0x49: {  	_ =	shalt  }
0x4a: {  	_ =	shalt  }
0x4b: {  	_ =	shalt  }
0x4c: {  	_ =	shalt  }
0x4d: {  	_ =	shalt  }
0x4e: {  	_ =	shalt  }
0x4f: {  	_ =	shalt  }
0x50: {  	_ =	shalt  }
0x51: {  	_ =	shalt  }
0x52: {  	_ =	shalt  }
0x53: {  	_ =	shalt  }
0x54: {  	_ =	shalt  }
0x55: {  	_ =	shalt  }
0x56: {  	_ =	shalt  }
0x57: {  	_ =	shalt  }
0x58: {  	_ =	shalt  }
0x59: {  	_ =	shalt  }
0x5a: {  	_ =	shalt  }
0x5b: {  	_ =	shalt  }
0x5c: {  	_ =	shalt  }
0x5d: {  	_ =	shalt  }
0x5e: {  	_ =	shalt  }
0x5f: {  	_ =	shalt  }
0x60: {  	_ =	shalt  }
0x61: {  	_ =	shalt  }
0x62: {  	_ =	shalt  }
0x63: {  	_ =	shalt  }
0x64: {  	_ =	shalt  }
0x65: {  	_ =	shalt  }
0x66: {  	_ =	shalt  }
0x67: {  	_ =	shalt  }
0x68: {  	_ =	shalt  }
0x69: {  	_ =	shalt  }
0x6a: {  	_ =	shalt  }
0x6b: {  	_ =	shalt  }
0x6c: {  	_ =	shalt  }
0x6d: {  	_ =	shalt  }
0x6e: {  	_ =	shalt  }
0x6f: {  	_ =	shalt  }
0x70: {  	_ =	shalt  }
0x71: {  	_ =	shalt  }
0x72: {  	_ =	shalt  }
0x73: {  	_ =	shalt  }
0x74: {  	_ =	shalt  }
0x75: {  	_ =	shalt  }
0x76: {  	_ =	shalt  }
0x77: {  	_ =	shalt  }
0x78: {  	_ =	shalt  }
0x79: {  	_ =	shalt  }
0x7a: {  	_ =	shalt  }
0x7b: {  	_ =	shalt  }
0x7c: {  	_ =	shalt  }
0x7d: {  	_ =	shalt  }
0x7e: {  	_ =	shalt  }
0x7f: {  	_ =	shalt  }
0x80: {  	_ =	shalt  }
0x81: {  	_ =	shalt  }
0x82: {  	_ =	shalt  }
0x83: {  	_ =	shalt  }
0x84: {  	_ =	shalt  }
0x85: {  	_ =	shalt  }
0x86: {  	_ =	shalt  }
0x87: {  	_ =	shalt  }
.Lfunc_end0:
.L_simem_size_0:
called_computation.8_lowered:
.L_overlay_start_0:
0x88: {  	s2 =	sld [smem:$0x3FD9]  }
0x89: {  	s3 =	sld [smem:$0x3FFE];
	_ =	sdelay $0x1  }
0x8a: {  	s1 =	srdreg.scid  }
0x8b: {  	s0 =	sand.u32 $0x1, s1  }
0x8c: {  	s17 =	sshll.u32 s0, $0xA;
	s2 =	sadd.s32 s3, s2  }
0x8d: {  	s2 =	sadd.s32 s2, s17  }
0x8e: {  	[smem:$0x3F96] =	sst s2  }
0x8f: {  	_ = 	snop  }
0x90: {  	(tm) =	ssettm $0x1  }
0x91: {  	s18 =	sld [smem:$0x3FFB];
	_ =	sdelay $0x3  }
0x92: {  	_ =	strace s18  }
0x93: {  	s2 =	sld [smem:$0x3FFC];
	_ =	sdelay $0x3  }
0x94: {  	_ =	strace s2  }
0x95: {  	s2 =	sld [smem:$0x3FFD];
	_ =	sdelay $0x3  }
0x96: {  	_ =	strace s2  }
0x97: {  	_ =	strace $0x8FFFFFFF  }
0x98: {  	s19 =	sld [smem:$0x3FDB];
	_ =	sdelay $0x1  }
0x99: {  	s20 =	simm.s32 $_scs_section_size  }
0x9a: {  	s4 =	simm.s32 $_size__tile_overlayer_lowered;
	s5 =	simm.s32 $_tile_overlayer_lowered  }
0x9b: {  	s6 =	simm.s32 $0x1BFF;
	s21 =	sshll.u32 s5, $0x1;
	s3 =	sadd.s32 s20, s19  }
0x9c: {  	s22 =	simm.s32 $0x0;
	s4 =	sshll.u32 s4, $0x1;
	s5 =	sadd.s32 s21, s3  }
0x9d: {  	[timem:s22], [sflag:s6] =	dma.local [hbm:s5], s4  }
0x9e: {  	_ =	swait.ge [sflag:s6], s4  }
0x9f: {  	s4 =	ssub.s32 $0x0, s4;
	[sflag:s6] =	ssyncset.done $0x0  }
0xa0: {  	[sflag:s6] =	ssyncadd.s32 s4;
	_ =	sdelay $0x1  }
0xa1: {  	s23 =	simm.s32 $0x1B8B  }
0xa2: {  	_ =	swait.ge [sflag:s23], $0x1  }
0xa3: {  	[sflag:s23] =	ssyncset.done $0x0  }
0xa4: {  	[sflag:s23] =	ssyncadd.s32 $0xFFFFFFFF  }
0xa5: {  	s4 =	sld [smem:$0x0]  }
0xa6: {  	s5 =	sand.u32 $0xFFFFFFFE, s1  }
0xa7: {  	p0 =	sne.s32 s1, s5  }
0xa8: {  	s5 =	sshll.u32 @p0 s5, $0xE  }
0xa9: {  	s5 =	sadd.s32 @p0 $0x11B8D, s5;
	s6 =	sshll.u32 @p0 s4, $0x11  }
0xaa: {  	s5 =	sor.u32 @p0 s6, s5  }
0xab: {  	[sflag:s5] =	ssyncadd.remote.s32 @p0 $0x1;
	_ =	sdelay $0x1  }
0xac: {  	s5 =	simm.s32 @p0 $0x1B8D  }
0xad: {  	_ =	swait.eq @p0 [sflag:s5], $0x1  }
0xae: {  	[sflag:s5] =	ssyncadd.s32 @p0 $0xFFFFFFFF  }
0xaf: {  	s6 =	sshll.u32 @!p0 s1, $0xE  }
0xb0: {  	s6 =	sor.u32 @!p0 $0x4000, s6;
	s5 =	simm.s32 @!p0 $0x1B8D  }
0xb1: {  	s4 =	sshll.u32 @!p0 s4, $0x11;
	s6 =	sadd.s32 @!p0 $0x11B8D, s6;
	_ =	swait.eq @!p0 [sflag:s5], $0x1  }
0xb2: {  	s4 =	sor.u32 @!p0 s4, s6;
	[sflag:s5] =	ssyncadd.s32 @!p0 $0xFFFFFFFF  }
0xb3: {  	s25 =	simm.s32 $0x1B8E;
	s24 =	sld [smem:$0x3FFE];
	[sflag:s4] =	ssyncadd.remote.s32 @!p0 $0x1  }
0xb4: {  	s26 =	simm.s32 $execute0_lowered;
	[smem:$0x3FD2] =	sst s25  }
0xb5: {  	s5 =	sshll.u32 s26, $0x1;
	_ =	strace $0x8000005E;
	[dreg:$0x1] =	wrdreg $0xFFFFFFFF  }
0xb6: {  	s28 =	simm.s32 $_size_execute0_lowered;
	s3 =	sadd.s32 s3, s5;
	[dreg:$0x0] =	wrdreg $0x0  }
0xb7: {  	s5 =	sshll.u32 s28, $0x1;
	[dreg:$0x2] =	wrdreg s3  }
0xb8: {  	[dreg:$0x3] =	wrdreg s5  }
0xb9: {  	[dreg:$0x4] =	wrdreg $0xC0  }
0xba: {  	_ =	task [dreg:s22], $0x5FFFF  }
0xbb: {  	[dreg:$0x1] =	wrdreg $0xFFFFFFFF  }
0xbc: {  	[dreg:$0x0] =	wrdreg $0x60  }
0xbd: {  	[dreg:$0x2] =	wrdreg s24  }
0xbe: {  	[dreg:$0x3] =	wrdreg $0x68000  }
0xbf: {  	[dreg:$0x4] =	wrdreg $0xA  }
0xc0: {  	_ =	task.clear_ibuf [dreg:s22], $0x5FFFF;
	_ =	strace $0x9000005E  }
0xc1: {  	s29 =	simm.s32 $0xA;
	_ =	strace $0x80000060  }
0xc2: {  	_ =	swait.ge [sflag:s29], $0x1  }
0xc3: {  	[sflag:s29] =	ssyncadd.s32 $0xFFFFFFFF  }
0xc4: {  	_ =	strace $0x90000060  }
0xc5: {  	_ =	sfence  }
0xc6: {  	s30 =	sld [smem:$0x0];
	_ =	sdelay $0x2  }
0xc7: {  	s31 =	sshll.u32 s1, $0xD;
	s1 =	sshrl.u32 s1, $0x2  }
0xc8: {  	s4 =	sand.u32 $0x4000, s31;
	s1 =	sadd.s32 s1, s30  }
0xc9: {  	s0 =	sor.u32 s4, s0;
	s1 =	sshll.u32 s1, $0x11  }
0xca: {  	s0 =	sor.u32 s1, s0  }
0xcb: {  	s0 =	sadd.s32 $0x8F2B, s0  }
0xcc: {  	[sflag:s0] =	ssyncadd.remote.s32 $0x1  }
0xcd: {  	_ =	sfence.sel $0xFFFF  }
0xce: {  	[dreg:$0x0] =	wrdreg $0xFFFFFFFF;
	(pc) =	sbr.abs _section_cstart, $3  }
0xcf: {  	[dreg:$0x1] =	wrdreg $0xFFFFFFFF  }
0xd0: {  	_ =	task.clear_ibuf [dreg:s22], $0x2FFFF;
	_ =	strace $0x9FFFFFFF  }
0xd1: {  	(tm) =	ssettm $0x7FFFFFFF  }
tec
execute0_lowered:
.L_overlay_start_1:
0x0: {  	(tag) =	ssettag $0x1  }
0x1: {  	s5 =	rddreg [dreg:$0x0];
	s0 =	srdreg.scid  }
0x2: {  	s7 =	stileid.u32;
	s1 =	rddreg [dreg:$0x1];
	s2 =	simm.s32 $0x0  }
0x3: {  	s12 =	simm.s32 $0x80;
	s13 =	simm.s32 $0x2800;
	s14 =	simm.s32 $0x1  }
0x4: {  	s15 =	simm.s32 $0x0;
	s3 =	sand.u32 $0x1, s0;
	s0 =	rddreg [dreg:$0x2]  }
0x5: {  	s4 =	sshll.u32 s7, $0x1;
	[smem:$0x7FF] =	sst s2;
	p0 =	sne.s32 s7, $0x0  }
0x6: {  	s4 =	sor.u32 s3, s4;
	s6 =	smul.u32 $0x28000, s3;
	s8 =	ssub.s32 $0x2, s3  }
0x7: {  	_ =	strace $0x8000005F;
	s4 =	smul.u32 $0x280, s4;
	s10 =	sshrl.u32 s8, $0x1  }
0x8: {  	s3 =	sadd.s32 $0x3EE00, s5;
	s11 =	sadd.s32 s6, s5;
	s8 =	ssub.s32 s8, s10  }
0x9: {  	s10 =	simm.s32 $0x2;
	s9 =	sadd.s32 s4, s5;
	s4 =	sadd.s32 $0x93E00, s5  }
0xa: {  	s7 =	sadd.s32 $0x10BE00, s11;
	s8 =	smax.u32 s8, $0x1;
	s11 =	simm.s32 $0x1400  }
0xb: {  	s5 =	sadd.s32 $0x39E00, s9;
	s6 =	sadd.s32 $0x8EE00, s9;
	s9 =	sshrl.u32 @!p0 s1, $0x3  }
.LBB2_1:
0xc: {  	s16 =	simm.s32 @!p0 $0x1C02  }
0xd: {  	[spmem:s9], [sflag:s16] =	dma.local @!p0 [hbm:s4], $0x28000  }
0xe: {  	s16 =	simm.s32 @!p0 $0x2  }
0xf: {  	_ =	swait.ge @!p0 [sflag:s16], $0x28000  }
0x10: {  	[sflag:s16] =	ssyncset.done @!p0 $0x0  }
0x11: {  	[sflag:s16] =	ssyncadd.s32 @!p0 $0xFFFD8000  }
0x12: {  	[bflag:$0x0] =	sbarrier.arrive $0xFFFF  }
0x13: {  	[tilespmem:s2], [sflag:$0x2] =	stream.linear.gather [hbm4b:s5+s2], $0x1400, $0x38;
	[tilespmem:$0x1A800] =	vst v63  }
0x14: {  	_ =	swait.ge [sflag:s10], $0x1400  }
0x15: {  	[sflag:s10] =	ssyncset.done $0x0  }
0x16: {  	[sflag:s10] =	ssyncadd.s32 $0xFFFFEC00  }
0x17: {  	[tilespmem:s11], [sflag:$0x2] =	stream.linear.gather [hbm4b:s6+s2], $0x1400, $0x38;
	[tilespmem:$0x1A800] =	vst v63  }
0x18: {  	_ =	swait.ge [sflag:s10], $0x1400  }
0x19: {  	[sflag:s10] =	ssyncset.done $0x0  }
0x1a: {  	s30 =	simm.s32 $0x0;
	[sflag:s10] =	ssyncadd.s32 $0xFFFFEC00  }
0x1b: {  	[tilespmem:s13], [sflag:$0x1] =	stream.indirect.gather [hbm4b:s3+s12], $0x80, s30, s12, $0xb8;
	[tilespmem:$0x1A800] =	vst v63  }
0x1c: {  	_ =	swait.ge [sflag:s14], $0x4000  }
0x1d: {  	[sflag:s14] =	ssyncset.done $0x0  }
0x1e: {  	s31 =	simm.s32 $0x1400;
	[sflag:s14] =	ssyncadd.s32 $0xFFFFC000  }
0x1f: {  	[spmem:s1] =	stream.indirect.scatter.add.f32 [tilespmem:s13], [sflag:$0x2], $0x80, s31, s12, $0xb8;
	[tilespmem:$0x1A800] =	vst v63  }
0x20: {  	_ =	swait.ge [sflag:s10], $0x4000  }
0x21: {  	s17 =	simm.s32 $0x400;
	s16 =	simm.s32 $0x200;
	[sflag:s10] =	ssyncset.done $0x0  }
.LBB2_2:
0x22: {  	s18 =	sshra.s32 s16, $0x2  }
0x23: {  	[sflag:s10] =	ssyncadd.s32 $0xFFFFC000;
	s16 =	smov.u32 s17;
	s19 =	sadd.s32 $0x200, s17  }
0x24: {  	[tilespmem:s13], [sflag:$0x1] =	stream.indirect.gather [hbm4b:s3+s12], $0x80, s18, s12, $0xb8;
	[tilespmem:$0x1A800] =	vst v63  }
0x25: {  	p1 =	sne.s32 s17, $0x4E00;
	_ =	swait.ge [sflag:s14], $0x4000  }
.Ltmp0:
0x26: {  	[sflag:s14] =	ssyncset.done $0x0;
	(pc) =	sbr.rel @p1 .LBB2_2-.Ltmp0, $4  }
0x27: {  	s17 =	sadd.s32 $0x1400, s18;
	[sflag:s14] =	ssyncadd.s32 $0xFFFFC000  }
0x28: {  	[spmem:s1] =	stream.indirect.scatter.add.f32 [tilespmem:s13], [sflag:$0x2], $0x80, s17, s12, $0xb8;
	[tilespmem:$0x1A800] =	vst v63  }
0x29: {  	_ =	swait.ge [sflag:s10], $0x4000  }
0x2a: {  	s17 =	smov.u32 s19;
	[sflag:s10] =	ssyncset.done $0x0  }
0x2b: {  	s16 =	sshra.s32 s16, $0x2;
	[sflag:s10] =	ssyncadd.s32 $0xFFFFC000  }
0x2c: {  	[tilespmem:s13], [sflag:$0x1] =	stream.indirect.gather [hbm4b:s3+s12], $0x80, s16, s12, $0xb8;
	[tilespmem:$0x1A800] =	vst v63  }
0x2d: {  	_ =	swait.ge [sflag:s14], $0x4000  }
0x2e: {  	[sflag:s14] =	ssyncset.done $0x0  }
0x2f: {  	s16 =	sadd.s32 $0x1400, s16;
	[sflag:s14] =	ssyncadd.s32 $0xFFFFC000  }
0x30: {  	[spmem:s1] =	stream.indirect.scatter.add.f32 [tilespmem:s13], [sflag:$0x2], $0x80, s16, s12, $0xb8;
	[tilespmem:$0x1A800] =	vst v63  }
0x31: {  	_ =	swait.ge [sflag:s10], $0x4000  }
0x32: {  	[sflag:s10] =	ssyncset.done $0x0  }
0x33: {  	s15 =	sadd.s32 $0x1, s15;
	[sflag:s10] =	ssyncadd.s32 $0xFFFFC000  }
0x34: {  	p1 =	sne.s32 s15, s8;
	s16 =	simm.s32 @!p0 $0x1C02;
	[bflag:$0x0] =	sbarrier.arrive $0xFFFF  }
0x35: {  	[hbm:s7], [sflag:s16] =	dma.local @!p0 [spmem:s9], $0x28000  }
.Ltmp1:
0x36: {  	_ = 	snop;
	(pc) =	sbr.rel @p1 .LBB2_1-.Ltmp1, $4  }
0x37: {  	s16 =	simm.s32 @!p0 $0x2  }
0x38: {  	_ =	swait.ge @!p0 [sflag:s16], $0x28000  }
0x39: {  	[sflag:s16] =	ssyncset.done @!p0 $0x0  }
0x3a: {  	[sflag:s16] =	ssyncadd.s32 @!p0 $0xFFFD8000  }
0x3b: {  	_ =	sfence.sel $0x180000  }
0x3c: {  	[bflag:$0x0] =	sbarrier.arrive $0xFFFF  }
0x3d: {  	_ =	strace $0x9000005F  }
0x3e: {  	s0 =	sadd.s32 @!p0 $0x100000, s0;
	[bflag:$0x2] =	sbarrier.arrive $0xFFFF  }
0x3f: {  	[sflag:s0] =	ssyncadd.tile.s32 @!p0 $0x1;
	_ =	shalt  }
.Lfunc_end2:
_tile_overlayer_lowered:
.L_overlay_start_2:
0x40: {  	(tag) =	ssettag $0x2  }
0x41: {  	s0 =	rddreg [dreg:$0x0];
	s2 =	stileid.u32  }
0x42: {  	s1 =	rddreg [dreg:$0x1];
	p0 =	sne.s32 s2, $0x0  }
0x43: {  	s3 =	rddreg [dreg:$0x2];
	[bflag:$0x3] =	sbarrier.arrive $0xFFFF;
	s2 =	simm.s32 @!p0 $0x1C02  }
0x44: {  	[timem:s3], [sflag:s2] =	dma.local @!p0 [hbm:s0], s1  }
0x45: {  	s0 =	simm.s32 @!p0 $0x2  }
0x46: {  	_ =	swait.ge @!p0 [sflag:s0], s1  }
0x47: {  	s1 =	ssub.s32 @!p0 $0x0, s1;
	[sflag:s0] =	ssyncset.done @!p0 $0x0  }
0x48: {  	[sflag:s0] =	ssyncadd.s32 @!p0 s1  }
0x49: {  	[bflag:$0x3] =	sbarrier.arrive $0xFFFF  }
0x4a: {  	_ =	shalt  }

</sc_bundles>
